<compile_context>
chip_gen: v7x
topology: tpu7x:2x2x1
jax: 0.10.2.dev20260603
libtpu: 0.0.44.dev20260713+nightly
codegen_flags: <defaults>
</compile_context>

<pallas_src>
import jax
import jax.numpy as jnp
from jax import lax
from jax.experimental import pallas as pl
from jax.experimental.pallas import tpu as pltpu
from jax.experimental.pallas import tpu_sc as plsc

NC = 2
NS = 16
NW = NC * NS
L = 16

BATCH = 4096
SEQ = 200
D = 64
CHUNK = 128
NBB = BATCH // CHUNK
NPAIR = SEQ * NBB
PER_W = NPAIR // NW
NBUF = 4
C8 = D // 8


def _embd_body(wte_hbm, idx_hbm, out_hbm, idx_v,
               g0, g1, g2, g3, s0, s1, s2, s3,
               gs0, gs1, gs2, gs3, ss0, ss1, ss2, ss3):
    gbuf = [g0, g1, g2, g3]
    sbuf = [s0, s1, s2, s3]
    gsem = [gs0, gs1, gs2, gs3]
    ssem = [ss0, ss1, ss2, ss3]

    wid = lax.axis_index("s") * NC + lax.axis_index("c")
    base = wid * PER_W
    pltpu.sync_copy(idx_hbm.at[wid], idx_v)

    iota = lax.iota(jnp.int32, L)
    c8vecs = [(iota + 16 * g) // 8 for g in range(D // L)]
    c1vecs = [(iota + 16 * g) % 8 for g in range(D // L)]

    def fire_gather(j, b):
        pltpu.async_copy(wte_hbm.at[idx_v.at[j]], gbuf[b], gsem[b])

    def wait_gather(b):
        pltpu.make_async_copy(wte_hbm.at[pl.ds(0, CHUNK)], gbuf[b], gsem[b]).wait()

    def fire_store(j, b):
        p = base + j
        s = p // NBB
        bb = p % NBB
        pltpu.async_copy(
            sbuf[b].at[:, :, pl.ds(0, CHUNK)], out_hbm.at[s, :, bb], ssem[b])

    def wait_store(b):
        pltpu.make_async_copy(
            sbuf[b].at[:, :, pl.ds(0, CHUNK)], out_hbm.at[0, :, 0], ssem[b]).wait()

    def transform(b):
        gb, sb = gbuf[b], sbuf[b]

        @plsc.parallel_loop(0, CHUNK, unroll=2)
        def _row(b1):
            bvec = jnp.zeros((L,), jnp.int32) + b1
            for g in range(D // L):
                v = gb[b1, pl.ds(16 * g, L)] + 1.0
                plsc.store_scatter(sb, [c8vecs[g], c1vecs[g], bvec], v)

    for b in range(NBUF):
        fire_gather(b, b)

    for b in range(NBUF):
        wait_gather(b)
        transform(b)
        fire_gather(b + NBUF, b)
        fire_store(b, b)

    @pl.loop(NBUF, PER_W - NBUF, step=NBUF)
    def _outer(j0):
        for b in range(NBUF):
            j = j0 + b
            wait_gather(b)
            wait_store(b)
            transform(b)
            fire_gather(j + NBUF, b)
            fire_store(j, b)

    for b in range(NBUF):
        j = PER_W - NBUF + b
        wait_gather(b)
        wait_store(b)
        transform(b)
        fire_store(j, b)

    for b in range(NBUF):
        wait_store(b)


@jax.jit
def kernel(idx, wte):
    idxf = jnp.transpose(idx).reshape(NPAIR, CHUNK).astype(jnp.int32)
    idx3 = idxf.reshape(NW, PER_W, CHUNK)
    mesh = plsc.VectorSubcoreMesh(
        core_axis_name="c", subcore_axis_name="s",
        num_cores=NC, num_subcores=NS)
    out5 = pl.kernel(
        _embd_body,
        out_type=jax.ShapeDtypeStruct((SEQ, C8, NBB, 8, CHUNK), jnp.float32),
        mesh=mesh,
        compiler_params=pltpu.CompilerParams(
            use_tc_tiling_on_sc=False, needs_layout_passes=False),
        scratch_types=(
            [pltpu.VMEM((PER_W, CHUNK), jnp.int32)]
            + [pltpu.VMEM((CHUNK, D), jnp.float32) for _ in range(NBUF)]
            + [pltpu.VMEM((C8, 8, CHUNK + 1), jnp.float32) for _ in range(NBUF)]
            + [pltpu.SemaphoreType.DMA for _ in range(2 * NBUF)]
        ),
    )(wte, idx3)
    return jnp.transpose(out5, (2, 4, 0, 1, 3)).reshape(BATCH, SEQ, D)

# --- scband reference (transcript-rebuilt; emitter-appended) ---
"""Pipeline reference for scband-embd-15144054686372 (READ-ONLY COPY).

The authoritative reference and input builder live on the scoring server;
editing this copy changes nothing except your own understanding.
"""

import jax, jax.numpy as jnp
import numpy as np

VOCAB = 1000000
N_EMBD = 64
BATCH = 4096
SEQ = 200

def setup_inputs(seed: int = 0) -> dict:
    key = jax.random.key(seed)
    k_idx, k_wte = jax.random.split(key)
    idx = jax.random.randint(k_idx, (BATCH, SEQ), 0, VOCAB, dtype=jnp.int64 if jax.config.jax_enable_x64 else jnp.int32)
    wte = jax.random.normal(k_wte, (VOCAB, N_EMBD), dtype=jnp.float32)
    return {"idx": idx, "wte": wte}

def reference(idx, wte):
    # tok_emb = self.wte(idx)
    tok_emb = jnp.take(wte, idx, axis=0)  # [B, S, D]
    # pos_emb = torch.ones((1, seq, n_embd))
    pos_emb = jnp.ones((1, SEQ, N_EMBD), dtype=jnp.float32)
    tok_emb = tok_emb + pos_emb
    return tok_emb

if __name__ == "__main__":
    import jax
    _d = setup_inputs()
    print(jax.jit(kernel)(*tuple(_d.values())))

</pallas_src>

<mosaic_0001>
#map = affine_map<(d0, d1) -> (0, 0)>
#map1 = affine_map<(d0, d1) -> (0, 0, 0)>
#map2 = affine_map<(d0, d1) -> (0, 0, 0, 0, 0)>
module attributes {stable_mosaic.version = 14 : i64} {
  func.func @_embd_body(%arg0: i32, %arg1: i32, %arg2: memref<1000000x64xf32, #tpu.memory_space<hbm>>, %arg3: memref<32x200x128xi32, #tpu.memory_space<hbm>>, %arg4: memref<200x8x32x8x128xf32, #tpu.memory_space<hbm>>, %arg5: memref<200x128xi32, #tpu.memory_space<vmem>>, %arg6: memref<128x64xf32, #tpu.memory_space<vmem>>, %arg7: memref<128x64xf32, #tpu.memory_space<vmem>>, %arg8: memref<128x64xf32, #tpu.memory_space<vmem>>, %arg9: memref<128x64xf32, #tpu.memory_space<vmem>>, %arg10: memref<8x8x129xf32, #tpu.memory_space<vmem>>, %arg11: memref<8x8x129xf32, #tpu.memory_space<vmem>>, %arg12: memref<8x8x129xf32, #tpu.memory_space<vmem>>, %arg13: memref<8x8x129xf32, #tpu.memory_space<vmem>>, %arg14: memref<!tpu.dma_semaphore, #tpu.memory_space<semaphore_mem>>, %arg15: memref<!tpu.dma_semaphore, #tpu.memory_space<semaphore_mem>>, %arg16: memref<!tpu.dma_semaphore, #tpu.memory_space<semaphore_mem>>, %arg17: memref<!tpu.dma_semaphore, #tpu.memory_space<semaphore_mem>>, %arg18: memref<!tpu.dma_semaphore, #tpu.memory_space<semaphore_mem>>, %arg19: memref<!tpu.dma_semaphore, #tpu.memory_space<semaphore_mem>>, %arg20: memref<!tpu.dma_semaphore, #tpu.memory_space<semaphore_mem>>, %arg21: memref<!tpu.dma_semaphore, #tpu.memory_space<semaphore_mem>>) attributes {dimension_semantics = [#tpu.dimension_semantics<core_parallel>, #tpu.dimension_semantics<subcore_parallel>], iteration_bounds = array<i64: 2, 16>, scalar_prefetch = 0 : i64, scratch_operands = 17 : i64, tpu.core_type = #tpu.core_type<sc_vector_subcore>, window_params = [{transform_indices = #map}, {transform_indices = #map1}, {transform_indices = #map2}]} {
    %mul3A = arith.constant 2 : i32
    %mul3A_0 = arith.muli %arg1, %mul3A : i32
    %add3A = arith.addi %mul3A_0, %arg0 : i32
    %mul3A_1 = arith.constant 200 : i32
    %mul3A_2 = arith.muli %add3A, %mul3A_1 : i32
    "tpu.region"() ({
      %run_scoped3A = tpu.sem_alloc : memref<!tpu.dma_semaphore, #tpu.memory_space<semaphore_mem>>
      %dma_start3A_998 = arith.constant 0 : i32
      %dma_start3A_999 = arith.constant 0 : i32
      %dma_start3A_1000 = tpu.memref_slice %arg3[%add3A, %dma_start3A_998, %dma_start3A_999] : memref<32x200x128xi32, #tpu.memory_space<hbm>> -> memref<1x200x128xi32, #tpu.memory_space<hbm>>
      %dma_start3A_1001 = tpu.memref_squeeze %dma_start3A_1000 : memref<1x200x128xi32, #tpu.memory_space<hbm>> -> memref<200x128xi32, #tpu.memory_space<hbm>>
      %dma_start3A_1002 = arith.constant 0 : i32
      %dma_start3A_1003 = arith.constant 0 : i32
      %dma_start3A_1004 = tpu.memref_slice %arg3[%add3A, %dma_start3A_1002, %dma_start3A_1003] : memref<32x200x128xi32, #tpu.memory_space<hbm>> -> memref<1x200x128xi32, #tpu.memory_space<hbm>>
      %dma_start3A_1005 = tpu.memref_squeeze %dma_start3A_1004 : memref<1x200x128xi32, #tpu.memory_space<hbm>> -> memref<200x128xi32, #tpu.memory_space<hbm>>
      tpu.enqueue_dma source(%dma_start3A_1005 : memref<200x128xi32, #tpu.memory_space<hbm>>) target(%arg5 : memref<200x128xi32, #tpu.memory_space<vmem>>) target_semaphore(%run_scoped3A : memref<!tpu.dma_semaphore, #tpu.memory_space<semaphore_mem>>)
      %dma_wait3A_1006 = arith.constant 0 : i32
      %dma_wait3A_1007 = arith.constant 0 : i32
      %dma_wait3A_1008 = tpu.memref_slice %arg3[%add3A, %dma_wait3A_1006, %dma_wait3A_1007] : memref<32x200x128xi32, #tpu.memory_space<hbm>> -> memref<1x200x128xi32, #tpu.memory_space<hbm>>
      %dma_wait3A_1009 = tpu.memref_squeeze %dma_wait3A_1008 : memref<1x200x128xi32, #tpu.memory_space<hbm>> -> memref<200x128xi32, #tpu.memory_space<hbm>>
      %dma_wait3A_1010 = arith.constant 0 : i32
      %dma_wait3A_1011 = arith.constant 0 : i32
      %dma_wait3A_1012 = tpu.memref_slice %arg3[%add3A, %dma_wait3A_1010, %dma_wait3A_1011] : memref<32x200x128xi32, #tpu.memory_space<hbm>> -> memref<1x200x128xi32, #tpu.memory_space<hbm>>
      %dma_wait3A_1013 = tpu.memref_squeeze %dma_wait3A_1012 : memref<1x200x128xi32, #tpu.memory_space<hbm>> -> memref<200x128xi32, #tpu.memory_space<hbm>>
      tpu.wait_dma2 semaphore(%run_scoped3A : memref<!tpu.dma_semaphore, #tpu.memory_space<semaphore_mem>>) src(%dma_wait3A_1013 : memref<200x128xi32, #tpu.memory_space<hbm>>) dst(%arg5 : memref<200x128xi32, #tpu.memory_space<vmem>>)
      tpu.yield
    }) : () -> ()
    %iota3A = tpu.iota {dimensions = array<i32: 0>} : vector<16xi32>
    %add3A_3 = arith.constant 0 : i32
    %add3A_4 = vector.broadcast %add3A_3 : i32 to vector<16xi32>
    %add3A_5 = arith.addi %iota3A, %add3A_4 : vector<16xi32>
    %jit3A = arith.constant 8 : i32
    %div3A = vector.broadcast %jit3A : i32 to vector<16xi32>
    %div3A_6 = arith.divsi %add3A_5, %div3A : vector<16xi32>
    %sign3A = arith.constant 0 : i32
    %sign3A_7 = vector.broadcast %sign3A : i32 to vector<16xi32>
    %sign3A_8 = arith.cmpi sgt, %add3A_5, %sign3A_7 : vector<16xi32>
    %sign3A_9 = arith.extui %sign3A_8 : vector<16xi1> to vector<16xi32>
    %sign3A_10 = arith.constant 0 : i32
    %sign3A_11 = vector.broadcast %sign3A_10 : i32 to vector<16xi32>
    %sign3A_12 = arith.cmpi slt, %add3A_5, %sign3A_11 : vector<16xi32>
    %sign3A_13 = arith.extui %sign3A_12 : vector<16xi1> to vector<16xi32>
    %sign3A_14 = arith.subi %sign3A_9, %sign3A_13 : vector<16xi32>
    %sign3A_15 = arith.constant 0 : i32
    %sign3A_16 = arith.cmpi sgt, %jit3A, %sign3A_15 : i32
    %sign3A_17 = arith.extui %sign3A_16 : i1 to i32
    %sign3A_18 = arith.constant 0 : i32
    %sign3A_19 = arith.cmpi slt, %jit3A, %sign3A_18 : i32
    %sign3A_20 = arith.extui %sign3A_19 : i1 to i32
    %sign3A_21 = arith.subi %sign3A_17, %sign3A_20 : i32
    %ne3A = vector.broadcast %sign3A_21 : i32 to vector<16xi32>
    %ne3A_22 = arith.cmpi ne, %sign3A_14, %ne3A : vector<16xi32>
    %rem3A = vector.broadcast %jit3A : i32 to vector<16xi32>
    %rem3A_23 = arith.remsi %add3A_5, %rem3A : vector<16xi32>
    %ne3A_24 = arith.constant 0 : i32
    %ne3A_25 = vector.broadcast %ne3A_24 : i32 to vector<16xi32>
    %ne3A_26 = arith.cmpi ne, %rem3A_23, %ne3A_25 : vector<16xi32>
    %and3A = arith.andi %ne3A_22, %ne3A_26 : vector<16xi1>
    %sub3A = arith.constant 1 : i32
    %sub3A_27 = vector.broadcast %sub3A : i32 to vector<16xi32>
    %sub3A_28 = arith.subi %div3A_6, %sub3A_27 : vector<16xi32>
    %select_n3A = arith.select %and3A, %sub3A_28, %div3A_6 : vector<16xi1>, vector<16xi32>
    %add3A_29 = arith.constant 16 : i32
    %add3A_30 = vector.broadcast %add3A_29 : i32 to vector<16xi32>
    %add3A_31 = arith.addi %iota3A, %add3A_30 : vector<16xi32>
    %jit3A_32 = arith.constant 8 : i32
    %div3A_33 = vector.broadcast %jit3A_32 : i32 to vector<16xi32>
    %div3A_34 = arith.divsi %add3A_31, %div3A_33 : vector<16xi32>
    %sign3A_35 = arith.constant 0 : i32
    %sign3A_36 = vector.broadcast %sign3A_35 : i32 to vector<16xi32>
    %sign3A_37 = arith.cmpi sgt, %add3A_31, %sign3A_36 : vector<16xi32>
    %sign3A_38 = arith.extui %sign3A_37 : vector<16xi1> to vector<16xi32>
    %sign3A_39 = arith.constant 0 : i32
    %sign3A_40 = vector.broadcast %sign3A_39 : i32 to vector<16xi32>
    %sign3A_41 = arith.cmpi slt, %add3A_31, %sign3A_40 : vector<16xi32>
    %sign3A_42 = arith.extui %sign3A_41 : vector<16xi1> to vector<16xi32>
    %sign3A_43 = arith.subi %sign3A_38, %sign3A_42 : vector<16xi32>
    %sign3A_44 = arith.constant 0 : i32
    %sign3A_45 = arith.cmpi sgt, %jit3A_32, %sign3A_44 : i32
    %sign3A_46 = arith.extui %sign3A_45 : i1 to i32
    %sign3A_47 = arith.constant 0 : i32
    %sign3A_48 = arith.cmpi slt, %jit3A_32, %sign3A_47 : i32
    %sign3A_49 = arith.extui %sign3A_48 : i1 to i32
    %sign3A_50 = arith.subi %sign3A_46, %sign3A_49 : i32
    %ne3A_51 = vector.broadcast %sign3A_50 : i32 to vector<16xi32>
    %ne3A_52 = arith.cmpi ne, %sign3A_43, %ne3A_51 : vector<16xi32>
    %rem3A_53 = vector.broadcast %jit3A_32 : i32 to vector<16xi32>
    %rem3A_54 = arith.remsi %add3A_31, %rem3A_53 : vector<16xi32>
    %ne3A_55 = arith.constant 0 : i32
    %ne3A_56 = vector.broadcast %ne3A_55 : i32 to vector<16xi32>
    %ne3A_57 = arith.cmpi ne, %rem3A_54, %ne3A_56 : vector<16xi32>
    %and3A_58 = arith.andi %ne3A_52, %ne3A_57 : vector<16xi1>
    %sub3A_59 = arith.constant 1 : i32
    %sub3A_60 = vector.broadcast %sub3A_59 : i32 to vector<16xi32>
    %sub3A_61 = arith.subi %div3A_34, %sub3A_60 : vector<16xi32>
    %select_n3A_62 = arith.select %and3A_58, %sub3A_61, %div3A_34 : vector<16xi1>, vector<16xi32>
    %add3A_63 = arith.constant 32 : i32
    %add3A_64 = vector.broadcast %add3A_63 : i32 to vector<16xi32>
    %add3A_65 = arith.addi %iota3A, %add3A_64 : vector<16xi32>
    %jit3A_66 = arith.constant 8 : i32
    %div3A_67 = vector.broadcast %jit3A_66 : i32 to vector<16xi32>
    %div3A_68 = arith.divsi %add3A_65, %div3A_67 : vector<16xi32>
    %sign3A_69 = arith.constant 0 : i32
    %sign3A_70 = vector.broadcast %sign3A_69 : i32 to vector<16xi32>
    %sign3A_71 = arith.cmpi sgt, %add3A_65, %sign3A_70 : vector<16xi32>
    %sign3A_72 = arith.extui %sign3A_71 : vector<16xi1> to vector<16xi32>
    %sign3A_73 = arith.constant 0 : i32
    %sign3A_74 = vector.broadcast %sign3A_73 : i32 to vector<16xi32>
    %sign3A_75 = arith.cmpi slt, %add3A_65, %sign3A_74 : vector<16xi32>
    %sign3A_76 = arith.extui %sign3A_75 : vector<16xi1> to vector<16xi32>
    %sign3A_77 = arith.subi %sign3A_72, %sign3A_76 : vector<16xi32>
    %sign3A_78 = arith.constant 0 : i32
    %sign3A_79 = arith.cmpi sgt, %jit3A_66, %sign3A_78 : i32
    %sign3A_80 = arith.extui %sign3A_79 : i1 to i32
    %sign3A_81 = arith.constant 0 : i32
    %sign3A_82 = arith.cmpi slt, %jit3A_66, %sign3A_81 : i32
    %sign3A_83 = arith.extui %sign3A_82 : i1 to i32
    %sign3A_84 = arith.subi %sign3A_80, %sign3A_83 : i32
    %ne3A_85 = vector.broadcast %sign3A_84 : i32 to vector<16xi32>
    %ne3A_86 = arith.cmpi ne, %sign3A_77, %ne3A_85 : vector<16xi32>
    %rem3A_87 = vector.broadcast %jit3A_66 : i32 to vector<16xi32>
    %rem3A_88 = arith.remsi %add3A_65, %rem3A_87 : vector<16xi32>
    %ne3A_89 = arith.constant 0 : i32
    %ne3A_90 = vector.broadcast %ne3A_89 : i32 to vector<16xi32>
    %ne3A_91 = arith.cmpi ne, %rem3A_88, %ne3A_90 : vector<16xi32>
    %and3A_92 = arith.andi %ne3A_86, %ne3A_91 : vector<16xi1>
    %sub3A_93 = arith.constant 1 : i32
    %sub3A_94 = vector.broadcast %sub3A_93 : i32 to vector<16xi32>
    %sub3A_95 = arith.subi %div3A_68, %sub3A_94 : vector<16xi32>
    %select_n3A_96 = arith.select %and3A_92, %sub3A_95, %div3A_68 : vector<16xi1>, vector<16xi32>
    %add3A_97 = arith.constant 48 : i32
    %add3A_98 = vector.broadcast %add3A_97 : i32 to vector<16xi32>
    %add3A_99 = arith.addi %iota3A, %add3A_98 : vector<16xi32>
    %jit3A_100 = arith.constant 8 : i32
    %div3A_101 = vector.broadcast %jit3A_100 : i32 to vector<16xi32>
    %div3A_102 = arith.divsi %add3A_99, %div3A_101 : vector<16xi32>
    %sign3A_103 = arith.constant 0 : i32
    %sign3A_104 = vector.broadcast %sign3A_103 : i32 to vector<16xi32>
    %sign3A_105 = arith.cmpi sgt, %add3A_99, %sign3A_104 : vector<16xi32>
    %sign3A_106 = arith.extui %sign3A_105 : vector<16xi1> to vector<16xi32>
    %sign3A_107 = arith.constant 0 : i32
    %sign3A_108 = vector.broadcast %sign3A_107 : i32 to vector<16xi32>
    %sign3A_109 = arith.cmpi slt, %add3A_99, %sign3A_108 : vector<16xi32>
    %sign3A_110 = arith.extui %sign3A_109 : vector<16xi1> to vector<16xi32>
    %sign3A_111 = arith.subi %sign3A_106, %sign3A_110 : vector<16xi32>
    %sign3A_112 = arith.constant 0 : i32
    %sign3A_113 = arith.cmpi sgt, %jit3A_100, %sign3A_112 : i32
    %sign3A_114 = arith.extui %sign3A_113 : i1 to i32
    %sign3A_115 = arith.constant 0 : i32
    %sign3A_116 = arith.cmpi slt, %jit3A_100, %sign3A_115 : i32
    %sign3A_117 = arith.extui %sign3A_116 : i1 to i32
    %sign3A_118 = arith.subi %sign3A_114, %sign3A_117 : i32
    %ne3A_119 = vector.broadcast %sign3A_118 : i32 to vector<16xi32>
    %ne3A_120 = arith.cmpi ne, %sign3A_111, %ne3A_119 : vector<16xi32>
    %rem3A_121 = vector.broadcast %jit3A_100 : i32 to vector<16xi32>
    %rem3A_122 = arith.remsi %add3A_99, %rem3A_121 : vector<16xi32>
    %ne3A_123 = arith.constant 0 : i32
    %ne3A_124 = vector.broadcast %ne3A_123 : i32 to vector<16xi32>
    %ne3A_125 = arith.cmpi ne, %rem3A_122, %ne3A_124 : vector<16xi32>
    %and3A_126 = arith.andi %ne3A_120, %ne3A_125 : vector<16xi1>
    %sub3A_127 = arith.constant 1 : i32
    %sub3A_128 = vector.broadcast %sub3A_127 : i32 to vector<16xi32>
    %sub3A_129 = arith.subi %div3A_102, %sub3A_128 : vector<16xi32>
    %select_n3A_130 = arith.select %and3A_126, %sub3A_129, %div3A_102 : vector<16xi1>, vector<16xi32>
    %add3A_131 = arith.constant 0 : i32
    %add3A_132 = vector.broadcast %add3A_131 : i32 to vector<16xi32>
    %add3A_133 = arith.addi %iota3A, %add3A_132 : vector<16xi32>
    %jit3A_134 = arith.constant 8 : i32
    %eq3A = arith.constant 0 : i32
    %eq3A_135 = arith.cmpi eq, %jit3A_134, %eq3A : i32
    %jit3A_136 = arith.constant 1 : i32
    %select_n3A_137 = arith.select %eq3A_135, %jit3A_136, %jit3A_134 : i32
    %rem3A_138 = vector.broadcast %select_n3A_137 : i32 to vector<16xi32>
    %rem3A_139 = arith.remsi %add3A_133, %rem3A_138 : vector<16xi32>
    %ne3A_140 = arith.constant 0 : i32
    %ne3A_141 = vector.broadcast %ne3A_140 : i32 to vector<16xi32>
    %ne3A_142 = arith.cmpi ne, %rem3A_139, %ne3A_141 : vector<16xi32>
    %lt3A = arith.constant 0 : i32
    %lt3A_143 = vector.broadcast %lt3A : i32 to vector<16xi32>
    %lt3A_144 = arith.cmpi slt, %rem3A_139, %lt3A_143 : vector<16xi32>
    %lt3A_145 = arith.constant 0 : i32
    %lt3A_146 = arith.cmpi slt, %select_n3A_137, %lt3A_145 : i32
    %ne3A_147 = vector.broadcast %lt3A_146 : i1 to vector<16xi1>
    %ne3A_148 = vector.broadcast %ne3A_147 : vector<16xi1> to vector<16xi1>
    %ne3A_149 = arith.xori %lt3A_144, %ne3A_148 : vector<16xi1>
    %and3A_150 = arith.andi %ne3A_149, %ne3A_142 : vector<16xi1>
    %add3A_151 = vector.broadcast %select_n3A_137 : i32 to vector<16xi32>
    %add3A_152 = arith.addi %rem3A_139, %add3A_151 : vector<16xi32>
    %select_n3A_153 = arith.select %and3A_150, %add3A_152, %rem3A_139 : vector<16xi1>, vector<16xi32>
    %add3A_154 = arith.constant 16 : i32
    %add3A_155 = vector.broadcast %add3A_154 : i32 to vector<16xi32>
    %add3A_156 = arith.addi %iota3A, %add3A_155 : vector<16xi32>
    %jit3A_157 = arith.constant 8 : i32
    %eq3A_158 = arith.constant 0 : i32
    %eq3A_159 = arith.cmpi eq, %jit3A_157, %eq3A_158 : i32
    %jit3A_160 = arith.constant 1 : i32
    %select_n3A_161 = arith.select %eq3A_159, %jit3A_160, %jit3A_157 : i32
    %rem3A_162 = vector.broadcast %select_n3A_161 : i32 to vector<16xi32>
    %rem3A_163 = arith.remsi %add3A_156, %rem3A_162 : vector<16xi32>
    %ne3A_164 = arith.constant 0 : i32
    %ne3A_165 = vector.broadcast %ne3A_164 : i32 to vector<16xi32>
    %ne3A_166 = arith.cmpi ne, %rem3A_163, %ne3A_165 : vector<16xi32>
    %lt3A_167 = arith.constant 0 : i32
    %lt3A_168 = vector.broadcast %lt3A_167 : i32 to vector<16xi32>
    %lt3A_169 = arith.cmpi slt, %rem3A_163, %lt3A_168 : vector<16xi32>
    %lt3A_170 = arith.constant 0 : i32
    %lt3A_171 = arith.cmpi slt, %select_n3A_161, %lt3A_170 : i32
    %ne3A_172 = vector.broadcast %lt3A_171 : i1 to vector<16xi1>
    %ne3A_173 = vector.broadcast %ne3A_172 : vector<16xi1> to vector<16xi1>
    %ne3A_174 = arith.xori %lt3A_169, %ne3A_173 : vector<16xi1>
    %and3A_175 = arith.andi %ne3A_174, %ne3A_166 : vector<16xi1>
    %add3A_176 = vector.broadcast %select_n3A_161 : i32 to vector<16xi32>
    %add3A_177 = arith.addi %rem3A_163, %add3A_176 : vector<16xi32>
    %select_n3A_178 = arith.select %and3A_175, %add3A_177, %rem3A_163 : vector<16xi1>, vector<16xi32>
    %add3A_179 = arith.constant 32 : i32
    %add3A_180 = vector.broadcast %add3A_179 : i32 to vector<16xi32>
    %add3A_181 = arith.addi %iota3A, %add3A_180 : vector<16xi32>
    %jit3A_182 = arith.constant 8 : i32
    %eq3A_183 = arith.constant 0 : i32
    %eq3A_184 = arith.cmpi eq, %jit3A_182, %eq3A_183 : i32
    %jit3A_185 = arith.constant 1 : i32
    %select_n3A_186 = arith.select %eq3A_184, %jit3A_185, %jit3A_182 : i32
    %rem3A_187 = vector.broadcast %select_n3A_186 : i32 to vector<16xi32>
    %rem3A_188 = arith.remsi %add3A_181, %rem3A_187 : vector<16xi32>
    %ne3A_189 = arith.constant 0 : i32
    %ne3A_190 = vector.broadcast %ne3A_189 : i32 to vector<16xi32>
    %ne3A_191 = arith.cmpi ne, %rem3A_188, %ne3A_190 : vector<16xi32>
    %lt3A_192 = arith.constant 0 : i32
    %lt3A_193 = vector.broadcast %lt3A_192 : i32 to vector<16xi32>
    %lt3A_194 = arith.cmpi slt, %rem3A_188, %lt3A_193 : vector<16xi32>
    %lt3A_195 = arith.constant 0 : i32
    %lt3A_196 = arith.cmpi slt, %select_n3A_186, %lt3A_195 : i32
    %ne3A_197 = vector.broadcast %lt3A_196 : i1 to vector<16xi1>
    %ne3A_198 = vector.broadcast %ne3A_197 : vector<16xi1> to vector<16xi1>
    %ne3A_199 = arith.xori %lt3A_194, %ne3A_198 : vector<16xi1>
    %and3A_200 = arith.andi %ne3A_199, %ne3A_191 : vector<16xi1>
    %add3A_201 = vector.broadcast %select_n3A_186 : i32 to vector<16xi32>
    %add3A_202 = arith.addi %rem3A_188, %add3A_201 : vector<16xi32>
    %select_n3A_203 = arith.select %and3A_200, %add3A_202, %rem3A_188 : vector<16xi1>, vector<16xi32>
    %add3A_204 = arith.constant 48 : i32
    %add3A_205 = vector.broadcast %add3A_204 : i32 to vector<16xi32>
    %add3A_206 = arith.addi %iota3A, %add3A_205 : vector<16xi32>
    %jit3A_207 = arith.constant 8 : i32
    %eq3A_208 = arith.constant 0 : i32
    %eq3A_209 = arith.cmpi eq, %jit3A_207, %eq3A_208 : i32
    %jit3A_210 = arith.constant 1 : i32
    %select_n3A_211 = arith.select %eq3A_209, %jit3A_210, %jit3A_207 : i32
    %rem3A_212 = vector.broadcast %select_n3A_211 : i32 to vector<16xi32>
    %rem3A_213 = arith.remsi %add3A_206, %rem3A_212 : vector<16xi32>
    %ne3A_214 = arith.constant 0 : i32
    %ne3A_215 = vector.broadcast %ne3A_214 : i32 to vector<16xi32>
    %ne3A_216 = arith.cmpi ne, %rem3A_213, %ne3A_215 : vector<16xi32>
    %lt3A_217 = arith.constant 0 : i32
    %lt3A_218 = vector.broadcast %lt3A_217 : i32 to vector<16xi32>
    %lt3A_219 = arith.cmpi slt, %rem3A_213, %lt3A_218 : vector<16xi32>
    %lt3A_220 = arith.constant 0 : i32
    %lt3A_221 = arith.cmpi slt, %select_n3A_211, %lt3A_220 : i32
    %ne3A_222 = vector.broadcast %lt3A_221 : i1 to vector<16xi1>
    %ne3A_223 = vector.broadcast %ne3A_222 : vector<16xi1> to vector<16xi1>
    %ne3A_224 = arith.xori %lt3A_219, %ne3A_223 : vector<16xi1>
    %and3A_225 = arith.andi %ne3A_224, %ne3A_216 : vector<16xi1>
    %add3A_226 = vector.broadcast %select_n3A_211 : i32 to vector<16xi32>
    %add3A_227 = arith.addi %rem3A_213, %add3A_226 : vector<16xi32>
    %select_n3A_228 = arith.select %and3A_225, %add3A_227, %rem3A_213 : vector<16xi1>, vector<16xi32>
    %dma_start3A = arith.constant 0 : i32
    %dma_start3A_229 = arith.constant 0 : i32
    %dma_start3A_230 = tpu.memref_slice %arg5[%dma_start3A, %dma_start3A_229] : memref<200x128xi32, #tpu.memory_space<vmem>> -> memref<1x128xi32, #tpu.memory_space<vmem>>
    %dma_start3A_231 = tpu.memref_squeeze %dma_start3A_230 : memref<1x128xi32, #tpu.memory_space<vmem>> -> memref<128xi32, #tpu.memory_space<vmem>>
    %dma_start3A_232 = arith.constant 0 : i32
    %dma_start3A_233 = arith.constant 0 : i32
    %dma_start3A_234 = tpu.memref_slice %arg2[%dma_start3A_232, %dma_start3A_233] : memref<1000000x64xf32, #tpu.memory_space<hbm>> -> memref<1000000x64xf32, #tpu.memory_space<hbm>>
    tpu.enqueue_indirect_dma source(%dma_start3A_234 : memref<1000000x64xf32, #tpu.memory_space<hbm>>) target(%arg6 : memref<128x64xf32, #tpu.memory_space<vmem>>) offsets(%dma_start3A_231 : memref<128xi32, #tpu.memory_space<vmem>>) semaphore(%arg14 : memref<!tpu.dma_semaphore, #tpu.memory_space<semaphore_mem>>)
    %dma_start3A_235 = arith.constant 1 : i32
    %dma_start3A_236 = arith.constant 0 : i32
    %dma_start3A_237 = tpu.memref_slice %arg5[%dma_start3A_235, %dma_start3A_236] : memref<200x128xi32, #tpu.memory_space<vmem>> -> memref<1x128xi32, #tpu.memory_space<vmem>>
    %dma_start3A_238 = tpu.memref_squeeze %dma_start3A_237 : memref<1x128xi32, #tpu.memory_space<vmem>> -> memref<128xi32, #tpu.memory_space<vmem>>
    %dma_start3A_239 = arith.constant 0 : i32
    %dma_start3A_240 = arith.constant 0 : i32
    %dma_start3A_241 = tpu.memref_slice %arg2[%dma_start3A_239, %dma_start3A_240] : memref<1000000x64xf32, #tpu.memory_space<hbm>> -> memref<1000000x64xf32, #tpu.memory_space<hbm>>
    tpu.enqueue_indirect_dma source(%dma_start3A_241 : memref<1000000x64xf32, #tpu.memory_space<hbm>>) target(%arg7 : memref<128x64xf32, #tpu.memory_space<vmem>>) offsets(%dma_start3A_238 : memref<128xi32, #tpu.memory_space<vmem>>) semaphore(%arg15 : memref<!tpu.dma_semaphore, #tpu.memory_space<semaphore_mem>>)
    %dma_start3A_242 = arith.constant 2 : i32
    %dma_start3A_243 = arith.constant 0 : i32
    %dma_start3A_244 = tpu.memref_slice %arg5[%dma_start3A_242, %dma_start3A_243] : memref<200x128xi32, #tpu.memory_space<vmem>> -> memref<1x128xi32, #tpu.memory_space<vmem>>
    %dma_start3A_245 = tpu.memref_squeeze %dma_start3A_244 : memref<1x128xi32, #tpu.memory_space<vmem>> -> memref<128xi32, #tpu.memory_space<vmem>>
    %dma_start3A_246 = arith.constant 0 : i32
    %dma_start3A_247 = arith.constant 0 : i32
    %dma_start3A_248 = tpu.memref_slice %arg2[%dma_start3A_246, %dma_start3A_247] : memref<1000000x64xf32, #tpu.memory_space<hbm>> -> memref<1000000x64xf32, #tpu.memory_space<hbm>>
    tpu.enqueue_indirect_dma source(%dma_start3A_248 : memref<1000000x64xf32, #tpu.memory_space<hbm>>) target(%arg8 : memref<128x64xf32, #tpu.memory_space<vmem>>) offsets(%dma_start3A_245 : memref<128xi32, #tpu.memory_space<vmem>>) semaphore(%arg16 : memref<!tpu.dma_semaphore, #tpu.memory_space<semaphore_mem>>)
    %dma_start3A_249 = arith.constant 3 : i32
    %dma_start3A_250 = arith.constant 0 : i32
    %dma_start3A_251 = tpu.memref_slice %arg5[%dma_start3A_249, %dma_start3A_250] : memref<200x128xi32, #tpu.memory_space<vmem>> -> memref<1x128xi32, #tpu.memory_space<vmem>>
    %dma_start3A_252 = tpu.memref_squeeze %dma_start3A_251 : memref<1x128xi32, #tpu.memory_space<vmem>> -> memref<128xi32, #tpu.memory_space<vmem>>
    %dma_start3A_253 = arith.constant 0 : i32
    %dma_start3A_254 = arith.constant 0 : i32
    %dma_start3A_255 = tpu.memref_slice %arg2[%dma_start3A_253, %dma_start3A_254] : memref<1000000x64xf32, #tpu.memory_space<hbm>> -> memref<1000000x64xf32, #tpu.memory_space<hbm>>
    tpu.enqueue_indirect_dma source(%dma_start3A_255 : memref<1000000x64xf32, #tpu.memory_space<hbm>>) target(%arg9 : memref<128x64xf32, #tpu.memory_space<vmem>>) offsets(%dma_start3A_252 : memref<128xi32, #tpu.memory_space<vmem>>) semaphore(%arg17 : memref<!tpu.dma_semaphore, #tpu.memory_space<semaphore_mem>>)
    %dma_wait3A = arith.constant 0 : i32
    %dma_wait3A_256 = arith.constant 0 : i32
    %dma_wait3A_257 = tpu.memref_slice %arg2[%dma_wait3A, %dma_wait3A_256] : memref<1000000x64xf32, #tpu.memory_space<hbm>> -> memref<128x64xf32, #tpu.memory_space<hbm>>
    %dma_wait3A_258 = arith.constant 0 : i32
    %dma_wait3A_259 = arith.constant 0 : i32
    %dma_wait3A_260 = tpu.memref_slice %arg2[%dma_wait3A_258, %dma_wait3A_259] : memref<1000000x64xf32, #tpu.memory_space<hbm>> -> memref<128x64xf32, #tpu.memory_space<hbm>>
    tpu.wait_dma2 semaphore(%arg14 : memref<!tpu.dma_semaphore, #tpu.memory_space<semaphore_mem>>) src(%dma_wait3A_260 : memref<128x64xf32, #tpu.memory_space<hbm>>) dst(%arg6 : memref<128x64xf32, #tpu.memory_space<vmem>>)
    %parallel_loop3A = arith.constant 0 : i32
    %parallel_loop3A_261 = arith.constant 128 : i32
    %parallel_loop3A_262 = arith.constant 1 : i32
    scf.for %parallel_loop3A_998 = %parallel_loop3A to %parallel_loop3A_261 step %parallel_loop3A_262  : i32 {
      %parallel_loop3A_999 = arith.constant 0 : i32
      %parallel_loop3A_1000 = vector.broadcast %parallel_loop3A_999 : i32 to vector<16xi32>
      %parallel_loop3A_1001 = vector.broadcast %parallel_loop3A_998 : i32 to vector<16xi32>
      %parallel_loop3A_1002 = arith.addi %parallel_loop3A_1000, %parallel_loop3A_1001 : vector<16xi32>
      %parallel_loop3A_1003 = arith.index_cast %parallel_loop3A_998 : i32 to index
      %parallel_loop3A_1004 = arith.constant 0 : index
      %parallel_loop3A_1005 = tpu.vector_load %arg6[%parallel_loop3A_1003, %parallel_loop3A_1004] {strides = array<i32>} : memref<128x64xf32, #tpu.memory_space<vmem>>, vector<16xf32>,
      %parallel_loop3A_1006 = arith.constant 1.000000e+00 : f32
      %parallel_loop3A_1007 = vector.broadcast %parallel_loop3A_1006 : f32 to vector<16xf32>
      %parallel_loop3A_1008 = arith.addf %parallel_loop3A_1005, %parallel_loop3A_1007 : vector<16xf32>
      tpu.vector_store_idx %arg10[%select_n3A, %select_n3A_153, %parallel_loop3A_1002], %parallel_loop3A_1008 : memref<8x8x129xf32, #tpu.memory_space<vmem>>[vector<16xi32>, vector<16xi32>, vector<16xi32>], vector<16xf32>,
      %parallel_loop3A_1009 = arith.index_cast %parallel_loop3A_998 : i32 to index
      %parallel_loop3A_1010 = arith.constant 16 : index
      %parallel_loop3A_1011 = tpu.vector_load %arg6[%parallel_loop3A_1009, %parallel_loop3A_1010] {strides = array<i32>} : memref<128x64xf32, #tpu.memory_space<vmem>>, vector<16xf32>,
      %parallel_loop3A_1012 = arith.constant 1.000000e+00 : f32
      %parallel_loop3A_1013 = vector.broadcast %parallel_loop3A_1012 : f32 to vector<16xf32>
      %parallel_loop3A_1014 = arith.addf %parallel_loop3A_1011, %parallel_loop3A_1013 : vector<16xf32>
      tpu.vector_store_idx %arg10[%select_n3A_62, %select_n3A_178, %parallel_loop3A_1002], %parallel_loop3A_1014 : memref<8x8x129xf32, #tpu.memory_space<vmem>>[vector<16xi32>, vector<16xi32>, vector<16xi32>], vector<16xf32>,
      %parallel_loop3A_1015 = arith.index_cast %parallel_loop3A_998 : i32 to index
      %parallel_loop3A_1016 = arith.constant 32 : index
      %parallel_loop3A_1017 = tpu.vector_load %arg6[%parallel_loop3A_1015, %parallel_loop3A_1016] {strides = array<i32>} : memref<128x64xf32, #tpu.memory_space<vmem>>, vector<16xf32>,
      %parallel_loop3A_1018 = arith.constant 1.000000e+00 : f32
      %parallel_loop3A_1019 = vector.broadcast %parallel_loop3A_1018 : f32 to vector<16xf32>
      %parallel_loop3A_1020 = arith.addf %parallel_loop3A_1017, %parallel_loop3A_1019 : vector<16xf32>
      tpu.vector_store_idx %arg10[%select_n3A_96, %select_n3A_203, %parallel_loop3A_1002], %parallel_loop3A_1020 : memref<8x8x129xf32, #tpu.memory_space<vmem>>[vector<16xi32>, vector<16xi32>, vector<16xi32>], vector<16xf32>,
      %parallel_loop3A_1021 = arith.index_cast %parallel_loop3A_998 : i32 to index
      %parallel_loop3A_1022 = arith.constant 48 : index
      %parallel_loop3A_1023 = tpu.vector_load %arg6[%parallel_loop3A_1021, %parallel_loop3A_1022] {strides = array<i32>} : memref<128x64xf32, #tpu.memory_space<vmem>>, vector<16xf32>,
      %parallel_loop3A_1024 = arith.constant 1.000000e+00 : f32
      %parallel_loop3A_1025 = vector.broadcast %parallel_loop3A_1024 : f32 to vector<16xf32>
      %parallel_loop3A_1026 = arith.addf %parallel_loop3A_1023, %parallel_loop3A_1025 : vector<16xf32>
      tpu.vector_store_idx %arg10[%select_n3A_130, %select_n3A_228, %parallel_loop3A_1002], %parallel_loop3A_1026 : memref<8x8x129xf32, #tpu.memory_space<vmem>>[vector<16xi32>, vector<16xi32>, vector<16xi32>], vector<16xf32>,
    } {sc.loop_unroll_factor = 2 : i64, sc.parallel_access}
    %dma_start3A_263 = arith.constant 4 : i32
    %dma_start3A_264 = arith.constant 0 : i32
    %dma_start3A_265 = tpu.memref_slice %arg5[%dma_start3A_263, %dma_start3A_264] : memref<200x128xi32, #tpu.memory_space<vmem>> -> memref<1x128xi32, #tpu.memory_space<vmem>>
    %dma_start3A_266 = tpu.memref_squeeze %dma_start3A_265 : memref<1x128xi32, #tpu.memory_space<vmem>> -> memref<128xi32, #tpu.memory_space<vmem>>
    %dma_start3A_267 = arith.constant 0 : i32
    %dma_start3A_268 = arith.constant 0 : i32
    %dma_start3A_269 = tpu.memref_slice %arg2[%dma_start3A_267, %dma_start3A_268] : memref<1000000x64xf32, #tpu.memory_space<hbm>> -> memref<1000000x64xf32, #tpu.memory_space<hbm>>
    tpu.enqueue_indirect_dma source(%dma_start3A_269 : memref<1000000x64xf32, #tpu.memory_space<hbm>>) target(%arg6 : memref<128x64xf32, #tpu.memory_space<vmem>>) offsets(%dma_start3A_266 : memref<128xi32, #tpu.memory_space<vmem>>) semaphore(%arg14 : memref<!tpu.dma_semaphore, #tpu.memory_space<semaphore_mem>>)
    %add3A_270 = arith.constant 0 : i32
    %add3A_271 = arith.addi %mul3A_2, %add3A_270 : i32
    %jit3A_272 = arith.constant 32 : i32
    %div3A_273 = arith.divsi %add3A_271, %jit3A_272 : i32
    %sign3A_274 = arith.constant 0 : i32
    %sign3A_275 = arith.cmpi sgt, %add3A_271, %sign3A_274 : i32
    %sign3A_276 = arith.extui %sign3A_275 : i1 to i32
    %sign3A_277 = arith.constant 0 : i32
    %sign3A_278 = arith.cmpi slt, %add3A_271, %sign3A_277 : i32
    %sign3A_279 = arith.extui %sign3A_278 : i1 to i32
    %sign3A_280 = arith.subi %sign3A_276, %sign3A_279 : i32
    %sign3A_281 = arith.constant 0 : i32
    %sign3A_282 = arith.cmpi sgt, %jit3A_272, %sign3A_281 : i32
    %sign3A_283 = arith.extui %sign3A_282 : i1 to i32
    %sign3A_284 = arith.constant 0 : i32
    %sign3A_285 = arith.cmpi slt, %jit3A_272, %sign3A_284 : i32
    %sign3A_286 = arith.extui %sign3A_285 : i1 to i32
    %sign3A_287 = arith.subi %sign3A_283, %sign3A_286 : i32
    %ne3A_288 = arith.cmpi ne, %sign3A_280, %sign3A_287 : i32
    %rem3A_289 = arith.remsi %add3A_271, %jit3A_272 : i32
    %ne3A_290 = arith.constant 0 : i32
    %ne3A_291 = arith.cmpi ne, %rem3A_289, %ne3A_290 : i32
    %and3A_292 = arith.andi %ne3A_288, %ne3A_291 : i1
    %sub3A_293 = arith.constant 1 : i32
    %sub3A_294 = arith.subi %div3A_273, %sub3A_293 : i32
    %select_n3A_295 = arith.select %and3A_292, %sub3A_294, %div3A_273 : i32
    %jit3A_296 = arith.constant 32 : i32
    %eq3A_297 = arith.constant 0 : i32
    %eq3A_298 = arith.cmpi eq, %jit3A_296, %eq3A_297 : i32
    %jit3A_299 = arith.constant 1 : i32
    %select_n3A_300 = arith.select %eq3A_298, %jit3A_299, %jit3A_296 : i32
    %rem3A_301 = arith.remsi %add3A_271, %select_n3A_300 : i32
    %ne3A_302 = arith.constant 0 : i32
    %ne3A_303 = arith.cmpi ne, %rem3A_301, %ne3A_302 : i32
    %lt3A_304 = arith.constant 0 : i32
    %lt3A_305 = arith.cmpi slt, %rem3A_301, %lt3A_304 : i32
    %lt3A_306 = arith.constant 0 : i32
    %lt3A_307 = arith.cmpi slt, %select_n3A_300, %lt3A_306 : i32
    %ne3A_308 = arith.xori %lt3A_305, %lt3A_307 : i1
    %and3A_309 = arith.andi %ne3A_308, %ne3A_303 : i1
    %add3A_310 = arith.addi %rem3A_301, %select_n3A_300 : i32
    %select_n3A_311 = arith.select %and3A_309, %add3A_310, %rem3A_301 : i32
    %dma_start3A_312 = arith.constant 0 : i32
    %dma_start3A_313 = arith.constant 0 : i32
    %dma_start3A_314 = arith.constant 0 : i32
    %dma_start3A_315 = tpu.memref_slice %arg10[%dma_start3A_312, %dma_start3A_313, %dma_start3A_314] : memref<8x8x129xf32, #tpu.memory_space<vmem>> -> memref<8x8x128xf32, #tpu.memory_space<vmem>>
    %dma_start3A_316 = arith.constant 0 : i32
    %dma_start3A_317 = arith.constant 0 : i32
    %dma_start3A_318 = arith.constant 0 : i32
    %dma_start3A_319 = tpu.memref_slice %arg4[%select_n3A_295, %dma_start3A_316, %select_n3A_311, %dma_start3A_317, %dma_start3A_318] : memref<200x8x32x8x128xf32, #tpu.memory_space<hbm>> -> memref<1x8x1x8x128xf32, #tpu.memory_space<hbm>>
    %dma_start3A_320 = tpu.memref_squeeze %dma_start3A_319 : memref<1x8x1x8x128xf32, #tpu.memory_space<hbm>> -> memref<8x8x128xf32, #tpu.memory_space<hbm>>
    %dma_start3A_321 = arith.constant 0 : i32
    %dma_start3A_322 = arith.constant 0 : i32
    %dma_start3A_323 = arith.constant 0 : i32
    %dma_start3A_324 = tpu.memref_slice %arg4[%select_n3A_295, %dma_start3A_321, %select_n3A_311, %dma_start3A_322, %dma_start3A_323] : memref<200x8x32x8x128xf32, #tpu.memory_space<hbm>> -> memref<1x8x1x8x128xf32, #tpu.memory_space<hbm>>
    %dma_start3A_325 = tpu.memref_squeeze %dma_start3A_324 : memref<1x8x1x8x128xf32, #tpu.memory_space<hbm>> -> memref<8x8x128xf32, #tpu.memory_space<hbm>>
    %dma_start3A_326 = arith.constant 0 : i32
    %dma_start3A_327 = arith.constant 0 : i32
    %dma_start3A_328 = arith.constant 0 : i32
    %dma_start3A_329 = tpu.memref_slice %arg10[%dma_start3A_326, %dma_start3A_327, %dma_start3A_328] : memref<8x8x129xf32, #tpu.memory_space<vmem>> -> memref<8x8x128xf32, #tpu.memory_space<vmem>>
    tpu.enqueue_dma source(%dma_start3A_329 : memref<8x8x128xf32, #tpu.memory_space<vmem>>) target(%dma_start3A_325 : memref<8x8x128xf32, #tpu.memory_space<hbm>>) target_semaphore(%arg18 : memref<!tpu.dma_semaphore, #tpu.memory_space<semaphore_mem>>)
    %dma_wait3A_330 = arith.constant 0 : i32
    %dma_wait3A_331 = arith.constant 0 : i32
    %dma_wait3A_332 = tpu.memref_slice %arg2[%dma_wait3A_330, %dma_wait3A_331] : memref<1000000x64xf32, #tpu.memory_space<hbm>> -> memref<128x64xf32, #tpu.memory_space<hbm>>
    %dma_wait3A_333 = arith.constant 0 : i32
    %dma_wait3A_334 = arith.constant 0 : i32
    %dma_wait3A_335 = tpu.memref_slice %arg2[%dma_wait3A_333, %dma_wait3A_334] : memref<1000000x64xf32, #tpu.memory_space<hbm>> -> memref<128x64xf32, #tpu.memory_space<hbm>>
    tpu.wait_dma2 semaphore(%arg15 : memref<!tpu.dma_semaphore, #tpu.memory_space<semaphore_mem>>) src(%dma_wait3A_335 : memref<128x64xf32, #tpu.memory_space<hbm>>) dst(%arg7 : memref<128x64xf32, #tpu.memory_space<vmem>>)
    %parallel_loop3A_336 = arith.constant 0 : i32
    %parallel_loop3A_337 = arith.constant 128 : i32
    %parallel_loop3A_338 = arith.constant 1 : i32
    scf.for %parallel_loop3A_998 = %parallel_loop3A_336 to %parallel_loop3A_337 step %parallel_loop3A_338  : i32 {
      %parallel_loop3A_999 = arith.constant 0 : i32
      %parallel_loop3A_1000 = vector.broadcast %parallel_loop3A_999 : i32 to vector<16xi32>
      %parallel_loop3A_1001 = vector.broadcast %parallel_loop3A_998 : i32 to vector<16xi32>
      %parallel_loop3A_1002 = arith.addi %parallel_loop3A_1000, %parallel_loop3A_1001 : vector<16xi32>
      %parallel_loop3A_1003 = arith.index_cast %parallel_loop3A_998 : i32 to index
      %parallel_loop3A_1004 = arith.constant 0 : index
      %parallel_loop3A_1005 = tpu.vector_load %arg7[%parallel_loop3A_1003, %parallel_loop3A_1004] {strides = array<i32>} : memref<128x64xf32, #tpu.memory_space<vmem>>, vector<16xf32>,
      %parallel_loop3A_1006 = arith.constant 1.000000e+00 : f32
      %parallel_loop3A_1007 = vector.broadcast %parallel_loop3A_1006 : f32 to vector<16xf32>
      %parallel_loop3A_1008 = arith.addf %parallel_loop3A_1005, %parallel_loop3A_1007 : vector<16xf32>
      tpu.vector_store_idx %arg11[%select_n3A, %select_n3A_153, %parallel_loop3A_1002], %parallel_loop3A_1008 : memref<8x8x129xf32, #tpu.memory_space<vmem>>[vector<16xi32>, vector<16xi32>, vector<16xi32>], vector<16xf32>,
      %parallel_loop3A_1009 = arith.index_cast %parallel_loop3A_998 : i32 to index
      %parallel_loop3A_1010 = arith.constant 16 : index
      %parallel_loop3A_1011 = tpu.vector_load %arg7[%parallel_loop3A_1009, %parallel_loop3A_1010] {strides = array<i32>} : memref<128x64xf32, #tpu.memory_space<vmem>>, vector<16xf32>,
      %parallel_loop3A_1012 = arith.constant 1.000000e+00 : f32
      %parallel_loop3A_1013 = vector.broadcast %parallel_loop3A_1012 : f32 to vector<16xf32>
      %parallel_loop3A_1014 = arith.addf %parallel_loop3A_1011, %parallel_loop3A_1013 : vector<16xf32>
      tpu.vector_store_idx %arg11[%select_n3A_62, %select_n3A_178, %parallel_loop3A_1002], %parallel_loop3A_1014 : memref<8x8x129xf32, #tpu.memory_space<vmem>>[vector<16xi32>, vector<16xi32>, vector<16xi32>], vector<16xf32>,
      %parallel_loop3A_1015 = arith.index_cast %parallel_loop3A_998 : i32 to index
      %parallel_loop3A_1016 = arith.constant 32 : index
      %parallel_loop3A_1017 = tpu.vector_load %arg7[%parallel_loop3A_1015, %parallel_loop3A_1016] {strides = array<i32>} : memref<128x64xf32, #tpu.memory_space<vmem>>, vector<16xf32>,
      %parallel_loop3A_1018 = arith.constant 1.000000e+00 : f32
      %parallel_loop3A_1019 = vector.broadcast %parallel_loop3A_1018 : f32 to vector<16xf32>
      %parallel_loop3A_1020 = arith.addf %parallel_loop3A_1017, %parallel_loop3A_1019 : vector<16xf32>
      tpu.vector_store_idx %arg11[%select_n3A_96, %select_n3A_203, %parallel_loop3A_1002], %parallel_loop3A_1020 : memref<8x8x129xf32, #tpu.memory_space<vmem>>[vector<16xi32>, vector<16xi32>, vector<16xi32>], vector<16xf32>,
      %parallel_loop3A_1021 = arith.index_cast %parallel_loop3A_998 : i32 to index
      %parallel_loop3A_1022 = arith.constant 48 : index
      %parallel_loop3A_1023 = tpu.vector_load %arg7[%parallel_loop3A_1021, %parallel_loop3A_1022] {strides = array<i32>} : memref<128x64xf32, #tpu.memory_space<vmem>>, vector<16xf32>,
      %parallel_loop3A_1024 = arith.constant 1.000000e+00 : f32
      %parallel_loop3A_1025 = vector.broadcast %parallel_loop3A_1024 : f32 to vector<16xf32>
      %parallel_loop3A_1026 = arith.addf %parallel_loop3A_1023, %parallel_loop3A_1025 : vector<16xf32>
      tpu.vector_store_idx %arg11[%select_n3A_130, %select_n3A_228, %parallel_loop3A_1002], %parallel_loop3A_1026 : memref<8x8x129xf32, #tpu.memory_space<vmem>>[vector<16xi32>, vector<16xi32>, vector<16xi32>], vector<16xf32>,
    } {sc.loop_unroll_factor = 2 : i64, sc.parallel_access}
    %dma_start3A_339 = arith.constant 5 : i32
    %dma_start3A_340 = arith.constant 0 : i32
    %dma_start3A_341 = tpu.memref_slice %arg5[%dma_start3A_339, %dma_start3A_340] : memref<200x128xi32, #tpu.memory_space<vmem>> -> memref<1x128xi32, #tpu.memory_space<vmem>>
    %dma_start3A_342 = tpu.memref_squeeze %dma_start3A_341 : memref<1x128xi32, #tpu.memory_space<vmem>> -> memref<128xi32, #tpu.memory_space<vmem>>
    %dma_start3A_343 = arith.constant 0 : i32
    %dma_start3A_344 = arith.constant 0 : i32
    %dma_start3A_345 = tpu.memref_slice %arg2[%dma_start3A_343, %dma_start3A_344] : memref<1000000x64xf32, #tpu.memory_space<hbm>> -> memref<1000000x64xf32, #tpu.memory_space<hbm>>
    tpu.enqueue_indirect_dma source(%dma_start3A_345 : memref<1000000x64xf32, #tpu.memory_space<hbm>>) target(%arg7 : memref<128x64xf32, #tpu.memory_space<vmem>>) offsets(%dma_start3A_342 : memref<128xi32, #tpu.memory_space<vmem>>) semaphore(%arg15 : memref<!tpu.dma_semaphore, #tpu.memory_space<semaphore_mem>>)
    %add3A_346 = arith.constant 1 : i32
    %add3A_347 = arith.addi %mul3A_2, %add3A_346 : i32
    %jit3A_348 = arith.constant 32 : i32
    %div3A_349 = arith.divsi %add3A_347, %jit3A_348 : i32
    %sign3A_350 = arith.constant 0 : i32
    %sign3A_351 = arith.cmpi sgt, %add3A_347, %sign3A_350 : i32
    %sign3A_352 = arith.extui %sign3A_351 : i1 to i32
    %sign3A_353 = arith.constant 0 : i32
    %sign3A_354 = arith.cmpi slt, %add3A_347, %sign3A_353 : i32
    %sign3A_355 = arith.extui %sign3A_354 : i1 to i32
    %sign3A_356 = arith.subi %sign3A_352, %sign3A_355 : i32
    %sign3A_357 = arith.constant 0 : i32
    %sign3A_358 = arith.cmpi sgt, %jit3A_348, %sign3A_357 : i32
    %sign3A_359 = arith.extui %sign3A_358 : i1 to i32
    %sign3A_360 = arith.constant 0 : i32
    %sign3A_361 = arith.cmpi slt, %jit3A_348, %sign3A_360 : i32
    %sign3A_362 = arith.extui %sign3A_361 : i1 to i32
    %sign3A_363 = arith.subi %sign3A_359, %sign3A_362 : i32
    %ne3A_364 = arith.cmpi ne, %sign3A_356, %sign3A_363 : i32
    %rem3A_365 = arith.remsi %add3A_347, %jit3A_348 : i32
    %ne3A_366 = arith.constant 0 : i32
    %ne3A_367 = arith.cmpi ne, %rem3A_365, %ne3A_366 : i32
    %and3A_368 = arith.andi %ne3A_364, %ne3A_367 : i1
    %sub3A_369 = arith.constant 1 : i32
    %sub3A_370 = arith.subi %div3A_349, %sub3A_369 : i32
    %select_n3A_371 = arith.select %and3A_368, %sub3A_370, %div3A_349 : i32
    %jit3A_372 = arith.constant 32 : i32
    %eq3A_373 = arith.constant 0 : i32
    %eq3A_374 = arith.cmpi eq, %jit3A_372, %eq3A_373 : i32
    %jit3A_375 = arith.constant 1 : i32
    %select_n3A_376 = arith.select %eq3A_374, %jit3A_375, %jit3A_372 : i32
    %rem3A_377 = arith.remsi %add3A_347, %select_n3A_376 : i32
    %ne3A_378 = arith.constant 0 : i32
    %ne3A_379 = arith.cmpi ne, %rem3A_377, %ne3A_378 : i32
    %lt3A_380 = arith.constant 0 : i32
    %lt3A_381 = arith.cmpi slt, %rem3A_377, %lt3A_380 : i32
    %lt3A_382 = arith.constant 0 : i32
    %lt3A_383 = arith.cmpi slt, %select_n3A_376, %lt3A_382 : i32
    %ne3A_384 = arith.xori %lt3A_381, %lt3A_383 : i1
    %and3A_385 = arith.andi %ne3A_384, %ne3A_379 : i1
    %add3A_386 = arith.addi %rem3A_377, %select_n3A_376 : i32
    %select_n3A_387 = arith.select %and3A_385, %add3A_386, %rem3A_377 : i32
    %dma_start3A_388 = arith.constant 0 : i32
    %dma_start3A_389 = arith.constant 0 : i32
    %dma_start3A_390 = arith.constant 0 : i32
    %dma_start3A_391 = tpu.memref_slice %arg11[%dma_start3A_388, %dma_start3A_389, %dma_start3A_390] : memref<8x8x129xf32, #tpu.memory_space<vmem>> -> memref<8x8x128xf32, #tpu.memory_space<vmem>>
    %dma_start3A_392 = arith.constant 0 : i32
    %dma_start3A_393 = arith.constant 0 : i32
    %dma_start3A_394 = arith.constant 0 : i32
    %dma_start3A_395 = tpu.memref_slice %arg4[%select_n3A_371, %dma_start3A_392, %select_n3A_387, %dma_start3A_393, %dma_start3A_394] : memref<200x8x32x8x128xf32, #tpu.memory_space<hbm>> -> memref<1x8x1x8x128xf32, #tpu.memory_space<hbm>>
    %dma_start3A_396 = tpu.memref_squeeze %dma_start3A_395 : memref<1x8x1x8x128xf32, #tpu.memory_space<hbm>> -> memref<8x8x128xf32, #tpu.memory_space<hbm>>
    %dma_start3A_397 = arith.constant 0 : i32
    %dma_start3A_398 = arith.constant 0 : i32
    %dma_start3A_399 = arith.constant 0 : i32
    %dma_start3A_400 = tpu.memref_slice %arg4[%select_n3A_371, %dma_start3A_397, %select_n3A_387, %dma_start3A_398, %dma_start3A_399] : memref<200x8x32x8x128xf32, #tpu.memory_space<hbm>> -> memref<1x8x1x8x128xf32, #tpu.memory_space<hbm>>
    %dma_start3A_401 = tpu.memref_squeeze %dma_start3A_400 : memref<1x8x1x8x128xf32, #tpu.memory_space<hbm>> -> memref<8x8x128xf32, #tpu.memory_space<hbm>>
    %dma_start3A_402 = arith.constant 0 : i32
    %dma_start3A_403 = arith.constant 0 : i32
    %dma_start3A_404 = arith.constant 0 : i32
    %dma_start3A_405 = tpu.memref_slice %arg11[%dma_start3A_402, %dma_start3A_403, %dma_start3A_404] : memref<8x8x129xf32, #tpu.memory_space<vmem>> -> memref<8x8x128xf32, #tpu.memory_space<vmem>>
    tpu.enqueue_dma source(%dma_start3A_405 : memref<8x8x128xf32, #tpu.memory_space<vmem>>) target(%dma_start3A_401 : memref<8x8x128xf32, #tpu.memory_space<hbm>>) target_semaphore(%arg19 : memref<!tpu.dma_semaphore, #tpu.memory_space<semaphore_mem>>)
    %dma_wait3A_406 = arith.constant 0 : i32
    %dma_wait3A_407 = arith.constant 0 : i32
    %dma_wait3A_408 = tpu.memref_slice %arg2[%dma_wait3A_406, %dma_wait3A_407] : memref<1000000x64xf32, #tpu.memory_space<hbm>> -> memref<128x64xf32, #tpu.memory_space<hbm>>
    %dma_wait3A_409 = arith.constant 0 : i32
    %dma_wait3A_410 = arith.constant 0 : i32
    %dma_wait3A_411 = tpu.memref_slice %arg2[%dma_wait3A_409, %dma_wait3A_410] : memref<1000000x64xf32, #tpu.memory_space<hbm>> -> memref<128x64xf32, #tpu.memory_space<hbm>>
    tpu.wait_dma2 semaphore(%arg16 : memref<!tpu.dma_semaphore, #tpu.memory_space<semaphore_mem>>) src(%dma_wait3A_411 : memref<128x64xf32, #tpu.memory_space<hbm>>) dst(%arg8 : memref<128x64xf32, #tpu.memory_space<vmem>>)
    %parallel_loop3A_412 = arith.constant 0 : i32
    %parallel_loop3A_413 = arith.constant 128 : i32
    %parallel_loop3A_414 = arith.constant 1 : i32
    scf.for %parallel_loop3A_998 = %parallel_loop3A_412 to %parallel_loop3A_413 step %parallel_loop3A_414  : i32 {
      %parallel_loop3A_999 = arith.constant 0 : i32
      %parallel_loop3A_1000 = vector.broadcast %parallel_loop3A_999 : i32 to vector<16xi32>
      %parallel_loop3A_1001 = vector.broadcast %parallel_loop3A_998 : i32 to vector<16xi32>
      %parallel_loop3A_1002 = arith.addi %parallel_loop3A_1000, %parallel_loop3A_1001 : vector<16xi32>
      %parallel_loop3A_1003 = arith.index_cast %parallel_loop3A_998 : i32 to index
      %parallel_loop3A_1004 = arith.constant 0 : index
      %parallel_loop3A_1005 = tpu.vector_load %arg8[%parallel_loop3A_1003, %parallel_loop3A_1004] {strides = array<i32>} : memref<128x64xf32, #tpu.memory_space<vmem>>, vector<16xf32>,
      %parallel_loop3A_1006 = arith.constant 1.000000e+00 : f32
      %parallel_loop3A_1007 = vector.broadcast %parallel_loop3A_1006 : f32 to vector<16xf32>
      %parallel_loop3A_1008 = arith.addf %parallel_loop3A_1005, %parallel_loop3A_1007 : vector<16xf32>
      tpu.vector_store_idx %arg12[%select_n3A, %select_n3A_153, %parallel_loop3A_1002], %parallel_loop3A_1008 : memref<8x8x129xf32, #tpu.memory_space<vmem>>[vector<16xi32>, vector<16xi32>, vector<16xi32>], vector<16xf32>,
      %parallel_loop3A_1009 = arith.index_cast %parallel_loop3A_998 : i32 to index
      %parallel_loop3A_1010 = arith.constant 16 : index
      %parallel_loop3A_1011 = tpu.vector_load %arg8[%parallel_loop3A_1009, %parallel_loop3A_1010] {strides = array<i32>} : memref<128x64xf32, #tpu.memory_space<vmem>>, vector<16xf32>,
      %parallel_loop3A_1012 = arith.constant 1.000000e+00 : f32
      %parallel_loop3A_1013 = vector.broadcast %parallel_loop3A_1012 : f32 to vector<16xf32>
      %parallel_loop3A_1014 = arith.addf %parallel_loop3A_1011, %parallel_loop3A_1013 : vector<16xf32>
      tpu.vector_store_idx %arg12[%select_n3A_62, %select_n3A_178, %parallel_loop3A_1002], %parallel_loop3A_1014 : memref<8x8x129xf32, #tpu.memory_space<vmem>>[vector<16xi32>, vector<16xi32>, vector<16xi32>], vector<16xf32>,
      %parallel_loop3A_1015 = arith.index_cast %parallel_loop3A_998 : i32 to index
      %parallel_loop3A_1016 = arith.constant 32 : index
      %parallel_loop3A_1017 = tpu.vector_load %arg8[%parallel_loop3A_1015, %parallel_loop3A_1016] {strides = array<i32>} : memref<128x64xf32, #tpu.memory_space<vmem>>, vector<16xf32>,
      %parallel_loop3A_1018 = arith.constant 1.000000e+00 : f32
      %parallel_loop3A_1019 = vector.broadcast %parallel_loop3A_1018 : f32 to vector<16xf32>
      %parallel_loop3A_1020 = arith.addf %parallel_loop3A_1017, %parallel_loop3A_1019 : vector<16xf32>
      tpu.vector_store_idx %arg12[%select_n3A_96, %select_n3A_203, %parallel_loop3A_1002], %parallel_loop3A_1020 : memref<8x8x129xf32, #tpu.memory_space<vmem>>[vector<16xi32>, vector<16xi32>, vector<16xi32>], vector<16xf32>,
      %parallel_loop3A_1021 = arith.index_cast %parallel_loop3A_998 : i32 to index
      %parallel_loop3A_1022 = arith.constant 48 : index
      %parallel_loop3A_1023 = tpu.vector_load %arg8[%parallel_loop3A_1021, %parallel_loop3A_1022] {strides = array<i32>} : memref<128x64xf32, #tpu.memory_space<vmem>>, vector<16xf32>,
      %parallel_loop3A_1024 = arith.constant 1.000000e+00 : f32
      %parallel_loop3A_1025 = vector.broadcast %parallel_loop3A_1024 : f32 to vector<16xf32>
      %parallel_loop3A_1026 = arith.addf %parallel_loop3A_1023, %parallel_loop3A_1025 : vector<16xf32>
      tpu.vector_store_idx %arg12[%select_n3A_130, %select_n3A_228, %parallel_loop3A_1002], %parallel_loop3A_1026 : memref<8x8x129xf32, #tpu.memory_space<vmem>>[vector<16xi32>, vector<16xi32>, vector<16xi32>], vector<16xf32>,
    } {sc.loop_unroll_factor = 2 : i64, sc.parallel_access}
    %dma_start3A_415 = arith.constant 6 : i32
    %dma_start3A_416 = arith.constant 0 : i32
    %dma_start3A_417 = tpu.memref_slice %arg5[%dma_start3A_415, %dma_start3A_416] : memref<200x128xi32, #tpu.memory_space<vmem>> -> memref<1x128xi32, #tpu.memory_space<vmem>>
    %dma_start3A_418 = tpu.memref_squeeze %dma_start3A_417 : memref<1x128xi32, #tpu.memory_space<vmem>> -> memref<128xi32, #tpu.memory_space<vmem>>
    %dma_start3A_419 = arith.constant 0 : i32
    %dma_start3A_420 = arith.constant 0 : i32
    %dma_start3A_421 = tpu.memref_slice %arg2[%dma_start3A_419, %dma_start3A_420] : memref<1000000x64xf32, #tpu.memory_space<hbm>> -> memref<1000000x64xf32, #tpu.memory_space<hbm>>
    tpu.enqueue_indirect_dma source(%dma_start3A_421 : memref<1000000x64xf32, #tpu.memory_space<hbm>>) target(%arg8 : memref<128x64xf32, #tpu.memory_space<vmem>>) offsets(%dma_start3A_418 : memref<128xi32, #tpu.memory_space<vmem>>) semaphore(%arg16 : memref<!tpu.dma_semaphore, #tpu.memory_space<semaphore_mem>>)
    %add3A_422 = arith.constant 2 : i32
    %add3A_423 = arith.addi %mul3A_2, %add3A_422 : i32
    %jit3A_424 = arith.constant 32 : i32
    %div3A_425 = arith.divsi %add3A_423, %jit3A_424 : i32
    %sign3A_426 = arith.constant 0 : i32
    %sign3A_427 = arith.cmpi sgt, %add3A_423, %sign3A_426 : i32
    %sign3A_428 = arith.extui %sign3A_427 : i1 to i32
    %sign3A_429 = arith.constant 0 : i32
    %sign3A_430 = arith.cmpi slt, %add3A_423, %sign3A_429 : i32
    %sign3A_431 = arith.extui %sign3A_430 : i1 to i32
    %sign3A_432 = arith.subi %sign3A_428, %sign3A_431 : i32
    %sign3A_433 = arith.constant 0 : i32
    %sign3A_434 = arith.cmpi sgt, %jit3A_424, %sign3A_433 : i32
    %sign3A_435 = arith.extui %sign3A_434 : i1 to i32
    %sign3A_436 = arith.constant 0 : i32
    %sign3A_437 = arith.cmpi slt, %jit3A_424, %sign3A_436 : i32
    %sign3A_438 = arith.extui %sign3A_437 : i1 to i32
    %sign3A_439 = arith.subi %sign3A_435, %sign3A_438 : i32
    %ne3A_440 = arith.cmpi ne, %sign3A_432, %sign3A_439 : i32
    %rem3A_441 = arith.remsi %add3A_423, %jit3A_424 : i32
    %ne3A_442 = arith.constant 0 : i32
    %ne3A_443 = arith.cmpi ne, %rem3A_441, %ne3A_442 : i32
    %and3A_444 = arith.andi %ne3A_440, %ne3A_443 : i1
    %sub3A_445 = arith.constant 1 : i32
    %sub3A_446 = arith.subi %div3A_425, %sub3A_445 : i32
    %select_n3A_447 = arith.select %and3A_444, %sub3A_446, %div3A_425 : i32
    %jit3A_448 = arith.constant 32 : i32
    %eq3A_449 = arith.constant 0 : i32
    %eq3A_450 = arith.cmpi eq, %jit3A_448, %eq3A_449 : i32
    %jit3A_451 = arith.constant 1 : i32
    %select_n3A_452 = arith.select %eq3A_450, %jit3A_451, %jit3A_448 : i32
    %rem3A_453 = arith.remsi %add3A_423, %select_n3A_452 : i32
    %ne3A_454 = arith.constant 0 : i32
    %ne3A_455 = arith.cmpi ne, %rem3A_453, %ne3A_454 : i32
    %lt3A_456 = arith.constant 0 : i32
    %lt3A_457 = arith.cmpi slt, %rem3A_453, %lt3A_456 : i32
    %lt3A_458 = arith.constant 0 : i32
    %lt3A_459 = arith.cmpi slt, %select_n3A_452, %lt3A_458 : i32
    %ne3A_460 = arith.xori %lt3A_457, %lt3A_459 : i1
    %and3A_461 = arith.andi %ne3A_460, %ne3A_455 : i1
    %add3A_462 = arith.addi %rem3A_453, %select_n3A_452 : i32
    %select_n3A_463 = arith.select %and3A_461, %add3A_462, %rem3A_453 : i32
    %dma_start3A_464 = arith.constant 0 : i32
    %dma_start3A_465 = arith.constant 0 : i32
    %dma_start3A_466 = arith.constant 0 : i32
    %dma_start3A_467 = tpu.memref_slice %arg12[%dma_start3A_464, %dma_start3A_465, %dma_start3A_466] : memref<8x8x129xf32, #tpu.memory_space<vmem>> -> memref<8x8x128xf32, #tpu.memory_space<vmem>>
    %dma_start3A_468 = arith.constant 0 : i32
    %dma_start3A_469 = arith.constant 0 : i32
    %dma_start3A_470 = arith.constant 0 : i32
    %dma_start3A_471 = tpu.memref_slice %arg4[%select_n3A_447, %dma_start3A_468, %select_n3A_463, %dma_start3A_469, %dma_start3A_470] : memref<200x8x32x8x128xf32, #tpu.memory_space<hbm>> -> memref<1x8x1x8x128xf32, #tpu.memory_space<hbm>>
    %dma_start3A_472 = tpu.memref_squeeze %dma_start3A_471 : memref<1x8x1x8x128xf32, #tpu.memory_space<hbm>> -> memref<8x8x128xf32, #tpu.memory_space<hbm>>
    %dma_start3A_473 = arith.constant 0 : i32
    %dma_start3A_474 = arith.constant 0 : i32
    %dma_start3A_475 = arith.constant 0 : i32
    %dma_start3A_476 = tpu.memref_slice %arg4[%select_n3A_447, %dma_start3A_473, %select_n3A_463, %dma_start3A_474, %dma_start3A_475] : memref<200x8x32x8x128xf32, #tpu.memory_space<hbm>> -> memref<1x8x1x8x128xf32, #tpu.memory_space<hbm>>
    %dma_start3A_477 = tpu.memref_squeeze %dma_start3A_476 : memref<1x8x1x8x128xf32, #tpu.memory_space<hbm>> -> memref<8x8x128xf32, #tpu.memory_space<hbm>>
    %dma_start3A_478 = arith.constant 0 : i32
    %dma_start3A_479 = arith.constant 0 : i32
    %dma_start3A_480 = arith.constant 0 : i32
    %dma_start3A_481 = tpu.memref_slice %arg12[%dma_start3A_478, %dma_start3A_479, %dma_start3A_480] : memref<8x8x129xf32, #tpu.memory_space<vmem>> -> memref<8x8x128xf32, #tpu.memory_space<vmem>>
    tpu.enqueue_dma source(%dma_start3A_481 : memref<8x8x128xf32, #tpu.memory_space<vmem>>) target(%dma_start3A_477 : memref<8x8x128xf32, #tpu.memory_space<hbm>>) target_semaphore(%arg20 : memref<!tpu.dma_semaphore, #tpu.memory_space<semaphore_mem>>)
    %dma_wait3A_482 = arith.constant 0 : i32
    %dma_wait3A_483 = arith.constant 0 : i32
    %dma_wait3A_484 = tpu.memref_slice %arg2[%dma_wait3A_482, %dma_wait3A_483] : memref<1000000x64xf32, #tpu.memory_space<hbm>> -> memref<128x64xf32, #tpu.memory_space<hbm>>
    %dma_wait3A_485 = arith.constant 0 : i32
    %dma_wait3A_486 = arith.constant 0 : i32
    %dma_wait3A_487 = tpu.memref_slice %arg2[%dma_wait3A_485, %dma_wait3A_486] : memref<1000000x64xf32, #tpu.memory_space<hbm>> -> memref<128x64xf32, #tpu.memory_space<hbm>>
    tpu.wait_dma2 semaphore(%arg17 : memref<!tpu.dma_semaphore, #tpu.memory_space<semaphore_mem>>) src(%dma_wait3A_487 : memref<128x64xf32, #tpu.memory_space<hbm>>) dst(%arg9 : memref<128x64xf32, #tpu.memory_space<vmem>>)
    %parallel_loop3A_488 = arith.constant 0 : i32
    %parallel_loop3A_489 = arith.constant 128 : i32
    %parallel_loop3A_490 = arith.constant 1 : i32
    scf.for %parallel_loop3A_998 = %parallel_loop3A_488 to %parallel_loop3A_489 step %parallel_loop3A_490  : i32 {
      %parallel_loop3A_999 = arith.constant 0 : i32
      %parallel_loop3A_1000 = vector.broadcast %parallel_loop3A_999 : i32 to vector<16xi32>
      %parallel_loop3A_1001 = vector.broadcast %parallel_loop3A_998 : i32 to vector<16xi32>
      %parallel_loop3A_1002 = arith.addi %parallel_loop3A_1000, %parallel_loop3A_1001 : vector<16xi32>
      %parallel_loop3A_1003 = arith.index_cast %parallel_loop3A_998 : i32 to index
      %parallel_loop3A_1004 = arith.constant 0 : index
      %parallel_loop3A_1005 = tpu.vector_load %arg9[%parallel_loop3A_1003, %parallel_loop3A_1004] {strides = array<i32>} : memref<128x64xf32, #tpu.memory_space<vmem>>, vector<16xf32>,
      %parallel_loop3A_1006 = arith.constant 1.000000e+00 : f32
      %parallel_loop3A_1007 = vector.broadcast %parallel_loop3A_1006 : f32 to vector<16xf32>
      %parallel_loop3A_1008 = arith.addf %parallel_loop3A_1005, %parallel_loop3A_1007 : vector<16xf32>
      tpu.vector_store_idx %arg13[%select_n3A, %select_n3A_153, %parallel_loop3A_1002], %parallel_loop3A_1008 : memref<8x8x129xf32, #tpu.memory_space<vmem>>[vector<16xi32>, vector<16xi32>, vector<16xi32>], vector<16xf32>,
      %parallel_loop3A_1009 = arith.index_cast %parallel_loop3A_998 : i32 to index
      %parallel_loop3A_1010 = arith.constant 16 : index
      %parallel_loop3A_1011 = tpu.vector_load %arg9[%parallel_loop3A_1009, %parallel_loop3A_1010] {strides = array<i32>} : memref<128x64xf32, #tpu.memory_space<vmem>>, vector<16xf32>,
      %parallel_loop3A_1012 = arith.constant 1.000000e+00 : f32
      %parallel_loop3A_1013 = vector.broadcast %parallel_loop3A_1012 : f32 to vector<16xf32>
      %parallel_loop3A_1014 = arith.addf %parallel_loop3A_1011, %parallel_loop3A_1013 : vector<16xf32>
      tpu.vector_store_idx %arg13[%select_n3A_62, %select_n3A_178, %parallel_loop3A_1002], %parallel_loop3A_1014 : memref<8x8x129xf32, #tpu.memory_space<vmem>>[vector<16xi32>, vector<16xi32>, vector<16xi32>], vector<16xf32>,
      %parallel_loop3A_1015 = arith.index_cast %parallel_loop3A_998 : i32 to index
      %parallel_loop3A_1016 = arith.constant 32 : index
      %parallel_loop3A_1017 = tpu.vector_load %arg9[%parallel_loop3A_1015, %parallel_loop3A_1016] {strides = array<i32>} : memref<128x64xf32, #tpu.memory_space<vmem>>, vector<16xf32>,
      %parallel_loop3A_1018 = arith.constant 1.000000e+00 : f32
      %parallel_loop3A_1019 = vector.broadcast %parallel_loop3A_1018 : f32 to vector<16xf32>
      %parallel_loop3A_1020 = arith.addf %parallel_loop3A_1017, %parallel_loop3A_1019 : vector<16xf32>
      tpu.vector_store_idx %arg13[%select_n3A_96, %select_n3A_203, %parallel_loop3A_1002], %parallel_loop3A_1020 : memref<8x8x129xf32, #tpu.memory_space<vmem>>[vector<16xi32>, vector<16xi32>, vector<16xi32>], vector<16xf32>,
      %parallel_loop3A_1021 = arith.index_cast %parallel_loop3A_998 : i32 to index
      %parallel_loop3A_1022 = arith.constant 48 : index
      %parallel_loop3A_1023 = tpu.vector_load %arg9[%parallel_loop3A_1021, %parallel_loop3A_1022] {strides = array<i32>} : memref<128x64xf32, #tpu.memory_space<vmem>>, vector<16xf32>,
      %parallel_loop3A_1024 = arith.constant 1.000000e+00 : f32
      %parallel_loop3A_1025 = vector.broadcast %parallel_loop3A_1024 : f32 to vector<16xf32>
      %parallel_loop3A_1026 = arith.addf %parallel_loop3A_1023, %parallel_loop3A_1025 : vector<16xf32>
      tpu.vector_store_idx %arg13[%select_n3A_130, %select_n3A_228, %parallel_loop3A_1002], %parallel_loop3A_1026 : memref<8x8x129xf32, #tpu.memory_space<vmem>>[vector<16xi32>, vector<16xi32>, vector<16xi32>], vector<16xf32>,
    } {sc.loop_unroll_factor = 2 : i64, sc.parallel_access}
    %dma_start3A_491 = arith.constant 7 : i32
    %dma_start3A_492 = arith.constant 0 : i32
    %dma_start3A_493 = tpu.memref_slice %arg5[%dma_start3A_491, %dma_start3A_492] : memref<200x128xi32, #tpu.memory_space<vmem>> -> memref<1x128xi32, #tpu.memory_space<vmem>>
    %dma_start3A_494 = tpu.memref_squeeze %dma_start3A_493 : memref<1x128xi32, #tpu.memory_space<vmem>> -> memref<128xi32, #tpu.memory_space<vmem>>
    %dma_start3A_495 = arith.constant 0 : i32
    %dma_start3A_496 = arith.constant 0 : i32
    %dma_start3A_497 = tpu.memref_slice %arg2[%dma_start3A_495, %dma_start3A_496] : memref<1000000x64xf32, #tpu.memory_space<hbm>> -> memref<1000000x64xf32, #tpu.memory_space<hbm>>
    tpu.enqueue_indirect_dma source(%dma_start3A_497 : memref<1000000x64xf32, #tpu.memory_space<hbm>>) target(%arg9 : memref<128x64xf32, #tpu.memory_space<vmem>>) offsets(%dma_start3A_494 : memref<128xi32, #tpu.memory_space<vmem>>) semaphore(%arg17 : memref<!tpu.dma_semaphore, #tpu.memory_space<semaphore_mem>>)
    %add3A_498 = arith.constant 3 : i32
    %add3A_499 = arith.addi %mul3A_2, %add3A_498 : i32
    %jit3A_500 = arith.constant 32 : i32
    %div3A_501 = arith.divsi %add3A_499, %jit3A_500 : i32
    %sign3A_502 = arith.constant 0 : i32
    %sign3A_503 = arith.cmpi sgt, %add3A_499, %sign3A_502 : i32
    %sign3A_504 = arith.extui %sign3A_503 : i1 to i32
    %sign3A_505 = arith.constant 0 : i32
    %sign3A_506 = arith.cmpi slt, %add3A_499, %sign3A_505 : i32
    %sign3A_507 = arith.extui %sign3A_506 : i1 to i32
    %sign3A_508 = arith.subi %sign3A_504, %sign3A_507 : i32
    %sign3A_509 = arith.constant 0 : i32
    %sign3A_510 = arith.cmpi sgt, %jit3A_500, %sign3A_509 : i32
    %sign3A_511 = arith.extui %sign3A_510 : i1 to i32
    %sign3A_512 = arith.constant 0 : i32
    %sign3A_513 = arith.cmpi slt, %jit3A_500, %sign3A_512 : i32
    %sign3A_514 = arith.extui %sign3A_513 : i1 to i32
    %sign3A_515 = arith.subi %sign3A_511, %sign3A_514 : i32
    %ne3A_516 = arith.cmpi ne, %sign3A_508, %sign3A_515 : i32
    %rem3A_517 = arith.remsi %add3A_499, %jit3A_500 : i32
    %ne3A_518 = arith.constant 0 : i32
    %ne3A_519 = arith.cmpi ne, %rem3A_517, %ne3A_518 : i32
    %and3A_520 = arith.andi %ne3A_516, %ne3A_519 : i1
    %sub3A_521 = arith.constant 1 : i32
    %sub3A_522 = arith.subi %div3A_501, %sub3A_521 : i32
    %select_n3A_523 = arith.select %and3A_520, %sub3A_522, %div3A_501 : i32
    %jit3A_524 = arith.constant 32 : i32
    %eq3A_525 = arith.constant 0 : i32
    %eq3A_526 = arith.cmpi eq, %jit3A_524, %eq3A_525 : i32
    %jit3A_527 = arith.constant 1 : i32
    %select_n3A_528 = arith.select %eq3A_526, %jit3A_527, %jit3A_524 : i32
    %rem3A_529 = arith.remsi %add3A_499, %select_n3A_528 : i32
    %ne3A_530 = arith.constant 0 : i32
    %ne3A_531 = arith.cmpi ne, %rem3A_529, %ne3A_530 : i32
    %lt3A_532 = arith.constant 0 : i32
    %lt3A_533 = arith.cmpi slt, %rem3A_529, %lt3A_532 : i32
    %lt3A_534 = arith.constant 0 : i32
    %lt3A_535 = arith.cmpi slt, %select_n3A_528, %lt3A_534 : i32
    %ne3A_536 = arith.xori %lt3A_533, %lt3A_535 : i1
    %and3A_537 = arith.andi %ne3A_536, %ne3A_531 : i1
    %add3A_538 = arith.addi %rem3A_529, %select_n3A_528 : i32
    %select_n3A_539 = arith.select %and3A_537, %add3A_538, %rem3A_529 : i32
    %dma_start3A_540 = arith.constant 0 : i32
    %dma_start3A_541 = arith.constant 0 : i32
    %dma_start3A_542 = arith.constant 0 : i32
    %dma_start3A_543 = tpu.memref_slice %arg13[%dma_start3A_540, %dma_start3A_541, %dma_start3A_542] : memref<8x8x129xf32, #tpu.memory_space<vmem>> -> memref<8x8x128xf32, #tpu.memory_space<vmem>>
    %dma_start3A_544 = arith.constant 0 : i32
    %dma_start3A_545 = arith.constant 0 : i32
    %dma_start3A_546 = arith.constant 0 : i32
    %dma_start3A_547 = tpu.memref_slice %arg4[%select_n3A_523, %dma_start3A_544, %select_n3A_539, %dma_start3A_545, %dma_start3A_546] : memref<200x8x32x8x128xf32, #tpu.memory_space<hbm>> -> memref<1x8x1x8x128xf32, #tpu.memory_space<hbm>>
    %dma_start3A_548 = tpu.memref_squeeze %dma_start3A_547 : memref<1x8x1x8x128xf32, #tpu.memory_space<hbm>> -> memref<8x8x128xf32, #tpu.memory_space<hbm>>
    %dma_start3A_549 = arith.constant 0 : i32
    %dma_start3A_550 = arith.constant 0 : i32
    %dma_start3A_551 = arith.constant 0 : i32
    %dma_start3A_552 = tpu.memref_slice %arg4[%select_n3A_523, %dma_start3A_549, %select_n3A_539, %dma_start3A_550, %dma_start3A_551] : memref<200x8x32x8x128xf32, #tpu.memory_space<hbm>> -> memref<1x8x1x8x128xf32, #tpu.memory_space<hbm>>
    %dma_start3A_553 = tpu.memref_squeeze %dma_start3A_552 : memref<1x8x1x8x128xf32, #tpu.memory_space<hbm>> -> memref<8x8x128xf32, #tpu.memory_space<hbm>>
    %dma_start3A_554 = arith.constant 0 : i32
    %dma_start3A_555 = arith.constant 0 : i32
    %dma_start3A_556 = arith.constant 0 : i32
    %dma_start3A_557 = tpu.memref_slice %arg13[%dma_start3A_554, %dma_start3A_555, %dma_start3A_556] : memref<8x8x129xf32, #tpu.memory_space<vmem>> -> memref<8x8x128xf32, #tpu.memory_space<vmem>>
    tpu.enqueue_dma source(%dma_start3A_557 : memref<8x8x128xf32, #tpu.memory_space<vmem>>) target(%dma_start3A_553 : memref<8x8x128xf32, #tpu.memory_space<hbm>>) target_semaphore(%arg21 : memref<!tpu.dma_semaphore, #tpu.memory_space<semaphore_mem>>)
    %scan3A = arith.constant 0 : i32
    %scan3A_558 = arith.constant 48 : i32
    %scan3A_559 = arith.addi %scan3A, %scan3A_558 : i32
    %scan3A_560 = arith.constant 1 : i32
    scf.for %scan3A_998 = %scan3A to %scan3A_559 step %scan3A_560  : i32 {
      %mul3A_999 = arith.constant 4 : i32
      %mul3A_1000 = arith.muli %scan3A_998, %mul3A_999 : i32
      %add3A_1001 = arith.constant 4 : i32
      %add3A_1002 = arith.addi %add3A_1001, %mul3A_1000 : i32
      %add3A_1003 = arith.constant 0 : i32
      %add3A_1004 = arith.addi %add3A_1002, %add3A_1003 : i32
      %dma_wait3A_1005 = arith.constant 0 : i32
      %dma_wait3A_1006 = arith.constant 0 : i32
      %dma_wait3A_1007 = tpu.memref_slice %arg2[%dma_wait3A_1005, %dma_wait3A_1006] : memref<1000000x64xf32, #tpu.memory_space<hbm>> -> memref<128x64xf32, #tpu.memory_space<hbm>>
      %dma_wait3A_1008 = arith.constant 0 : i32
      %dma_wait3A_1009 = arith.constant 0 : i32
      %dma_wait3A_1010 = tpu.memref_slice %arg2[%dma_wait3A_1008, %dma_wait3A_1009] : memref<1000000x64xf32, #tpu.memory_space<hbm>> -> memref<128x64xf32, #tpu.memory_space<hbm>>
      tpu.wait_dma2 semaphore(%arg14 : memref<!tpu.dma_semaphore, #tpu.memory_space<semaphore_mem>>) src(%dma_wait3A_1010 : memref<128x64xf32, #tpu.memory_space<hbm>>) dst(%arg6 : memref<128x64xf32, #tpu.memory_space<vmem>>)
      %dma_wait3A_1011 = arith.constant 0 : i32
      %dma_wait3A_1012 = arith.constant 0 : i32
      %dma_wait3A_1013 = arith.constant 0 : i32
      %dma_wait3A_1014 = arith.constant 0 : i32
      %dma_wait3A_1015 = arith.constant 0 : i32
      %dma_wait3A_1016 = tpu.memref_slice %arg10[%dma_wait3A_1013, %dma_wait3A_1014, %dma_wait3A_1015] : memref<8x8x129xf32, #tpu.memory_space<vmem>> -> memref<8x8x128xf32, #tpu.memory_space<vmem>>
      %dma_wait3A_1017 = arith.constant 0 : i32
      %dma_wait3A_1018 = arith.constant 0 : i32
      %dma_wait3A_1019 = arith.constant 0 : i32
      %dma_wait3A_1020 = tpu.memref_slice %arg4[%dma_wait3A_1011, %dma_wait3A_1017, %dma_wait3A_1012, %dma_wait3A_1018, %dma_wait3A_1019] : memref<200x8x32x8x128xf32, #tpu.memory_space<hbm>> -> memref<1x8x1x8x128xf32, #tpu.memory_space<hbm>>
      %dma_wait3A_1021 = tpu.memref_squeeze %dma_wait3A_1020 : memref<1x8x1x8x128xf32, #tpu.memory_space<hbm>> -> memref<8x8x128xf32, #tpu.memory_space<hbm>>
      %dma_wait3A_1022 = arith.constant 0 : i32
      %dma_wait3A_1023 = arith.constant 0 : i32
      %dma_wait3A_1024 = arith.constant 0 : i32
      %dma_wait3A_1025 = tpu.memref_slice %arg4[%dma_wait3A_1011, %dma_wait3A_1022, %dma_wait3A_1012, %dma_wait3A_1023, %dma_wait3A_1024] : memref<200x8x32x8x128xf32, #tpu.memory_space<hbm>> -> memref<1x8x1x8x128xf32, #tpu.memory_space<hbm>>
      %dma_wait3A_1026 = tpu.memref_squeeze %dma_wait3A_1025 : memref<1x8x1x8x128xf32, #tpu.memory_space<hbm>> -> memref<8x8x128xf32, #tpu.memory_space<hbm>>
      %dma_wait3A_1027 = arith.constant 0 : i32
      %dma_wait3A_1028 = arith.constant 0 : i32
      %dma_wait3A_1029 = arith.constant 0 : i32
      %dma_wait3A_1030 = tpu.memref_slice %arg10[%dma_wait3A_1027, %dma_wait3A_1028, %dma_wait3A_1029] : memref<8x8x129xf32, #tpu.memory_space<vmem>> -> memref<8x8x128xf32, #tpu.memory_space<vmem>>
      tpu.wait_dma2 semaphore(%arg18 : memref<!tpu.dma_semaphore, #tpu.memory_space<semaphore_mem>>) src(%dma_wait3A_1030 : memref<8x8x128xf32, #tpu.memory_space<vmem>>) dst(%dma_wait3A_1026 : memref<8x8x128xf32, #tpu.memory_space<hbm>>)
      %parallel_loop3A_1031 = arith.constant 0 : i32
      %parallel_loop3A_1032 = arith.constant 128 : i32
      %parallel_loop3A_1033 = arith.constant 1 : i32
      scf.for %parallel_loop3A_1395 = %parallel_loop3A_1031 to %parallel_loop3A_1032 step %parallel_loop3A_1033  : i32 {
        %parallel_loop3A_1396 = arith.constant 0 : i32
        %parallel_loop3A_1397 = vector.broadcast %parallel_loop3A_1396 : i32 to vector<16xi32>
        %parallel_loop3A_1398 = vector.broadcast %parallel_loop3A_1395 : i32 to vector<16xi32>
        %parallel_loop3A_1399 = arith.addi %parallel_loop3A_1397, %parallel_loop3A_1398 : vector<16xi32>
        %parallel_loop3A_1400 = arith.index_cast %parallel_loop3A_1395 : i32 to index
        %parallel_loop3A_1401 = arith.constant 0 : index
        %parallel_loop3A_1402 = tpu.vector_load %arg6[%parallel_loop3A_1400, %parallel_loop3A_1401] {strides = array<i32>} : memref<128x64xf32, #tpu.memory_space<vmem>>, vector<16xf32>,
        %parallel_loop3A_1403 = arith.constant 1.000000e+00 : f32
        %parallel_loop3A_1404 = vector.broadcast %parallel_loop3A_1403 : f32 to vector<16xf32>
        %parallel_loop3A_1405 = arith.addf %parallel_loop3A_1402, %parallel_loop3A_1404 : vector<16xf32>
        tpu.vector_store_idx %arg10[%select_n3A, %select_n3A_153, %parallel_loop3A_1399], %parallel_loop3A_1405 : memref<8x8x129xf32, #tpu.memory_space<vmem>>[vector<16xi32>, vector<16xi32>, vector<16xi32>], vector<16xf32>,
        %parallel_loop3A_1406 = arith.index_cast %parallel_loop3A_1395 : i32 to index
        %parallel_loop3A_1407 = arith.constant 16 : index
        %parallel_loop3A_1408 = tpu.vector_load %arg6[%parallel_loop3A_1406, %parallel_loop3A_1407] {strides = array<i32>} : memref<128x64xf32, #tpu.memory_space<vmem>>, vector<16xf32>,
        %parallel_loop3A_1409 = arith.constant 1.000000e+00 : f32
        %parallel_loop3A_1410 = vector.broadcast %parallel_loop3A_1409 : f32 to vector<16xf32>
        %parallel_loop3A_1411 = arith.addf %parallel_loop3A_1408, %parallel_loop3A_1410 : vector<16xf32>
        tpu.vector_store_idx %arg10[%select_n3A_62, %select_n3A_178, %parallel_loop3A_1399], %parallel_loop3A_1411 : memref<8x8x129xf32, #tpu.memory_space<vmem>>[vector<16xi32>, vector<16xi32>, vector<16xi32>], vector<16xf32>,
        %parallel_loop3A_1412 = arith.index_cast %parallel_loop3A_1395 : i32 to index
        %parallel_loop3A_1413 = arith.constant 32 : index
        %parallel_loop3A_1414 = tpu.vector_load %arg6[%parallel_loop3A_1412, %parallel_loop3A_1413] {strides = array<i32>} : memref<128x64xf32, #tpu.memory_space<vmem>>, vector<16xf32>,
        %parallel_loop3A_1415 = arith.constant 1.000000e+00 : f32
        %parallel_loop3A_1416 = vector.broadcast %parallel_loop3A_1415 : f32 to vector<16xf32>
        %parallel_loop3A_1417 = arith.addf %parallel_loop3A_1414, %parallel_loop3A_1416 : vector<16xf32>
        tpu.vector_store_idx %arg10[%select_n3A_96, %select_n3A_203, %parallel_loop3A_1399], %parallel_loop3A_1417 : memref<8x8x129xf32, #tpu.memory_space<vmem>>[vector<16xi32>, vector<16xi32>, vector<16xi32>], vector<16xf32>,
        %parallel_loop3A_1418 = arith.index_cast %parallel_loop3A_1395 : i32 to index
        %parallel_loop3A_1419 = arith.constant 48 : index
        %parallel_loop3A_1420 = tpu.vector_load %arg6[%parallel_loop3A_1418, %parallel_loop3A_1419] {strides = array<i32>} : memref<128x64xf32, #tpu.memory_space<vmem>>, vector<16xf32>,
        %parallel_loop3A_1421 = arith.constant 1.000000e+00 : f32
        %parallel_loop3A_1422 = vector.broadcast %parallel_loop3A_1421 : f32 to vector<16xf32>
        %parallel_loop3A_1423 = arith.addf %parallel_loop3A_1420, %parallel_loop3A_1422 : vector<16xf32>
        tpu.vector_store_idx %arg10[%select_n3A_130, %select_n3A_228, %parallel_loop3A_1399], %parallel_loop3A_1423 : memref<8x8x129xf32, #tpu.memory_space<vmem>>[vector<16xi32>, vector<16xi32>, vector<16xi32>], vector<16xf32>,
      } {sc.loop_unroll_factor = 2 : i64, sc.parallel_access}
      %add3A_1034 = arith.constant 4 : i32
      %add3A_1035 = arith.addi %add3A_1004, %add3A_1034 : i32
      %dma_start3A_1036 = arith.constant 0 : i32
      %dma_start3A_1037 = tpu.memref_slice %arg5[%add3A_1035, %dma_start3A_1036] : memref<200x128xi32, #tpu.memory_space<vmem>> -> memref<1x128xi32, #tpu.memory_space<vmem>>
      %dma_start3A_1038 = tpu.memref_squeeze %dma_start3A_1037 : memref<1x128xi32, #tpu.memory_space<vmem>> -> memref<128xi32, #tpu.memory_space<vmem>>
      %dma_start3A_1039 = arith.constant 0 : i32
      %dma_start3A_1040 = arith.constant 0 : i32
      %dma_start3A_1041 = tpu.memref_slice %arg2[%dma_start3A_1039, %dma_start3A_1040] : memref<1000000x64xf32, #tpu.memory_space<hbm>> -> memref<1000000x64xf32, #tpu.memory_space<hbm>>
      tpu.enqueue_indirect_dma source(%dma_start3A_1041 : memref<1000000x64xf32, #tpu.memory_space<hbm>>) target(%arg6 : memref<128x64xf32, #tpu.memory_space<vmem>>) offsets(%dma_start3A_1038 : memref<128xi32, #tpu.memory_space<vmem>>) semaphore(%arg14 : memref<!tpu.dma_semaphore, #tpu.memory_space<semaphore_mem>>)
      %add3A_1042 = arith.addi %mul3A_2, %add3A_1004 : i32
      %jit3A_1043 = arith.constant 32 : i32
      %div3A_1044 = arith.divsi %add3A_1042, %jit3A_1043 : i32
      %sign3A_1045 = arith.constant 0 : i32
      %sign3A_1046 = arith.cmpi sgt, %add3A_1042, %sign3A_1045 : i32
      %sign3A_1047 = arith.extui %sign3A_1046 : i1 to i32
      %sign3A_1048 = arith.constant 0 : i32
      %sign3A_1049 = arith.cmpi slt, %add3A_1042, %sign3A_1048 : i32
      %sign3A_1050 = arith.extui %sign3A_1049 : i1 to i32
      %sign3A_1051 = arith.subi %sign3A_1047, %sign3A_1050 : i32
      %sign3A_1052 = arith.constant 0 : i32
      %sign3A_1053 = arith.cmpi sgt, %jit3A_1043, %sign3A_1052 : i32
      %sign3A_1054 = arith.extui %sign3A_1053 : i1 to i32
      %sign3A_1055 = arith.constant 0 : i32
      %sign3A_1056 = arith.cmpi slt, %jit3A_1043, %sign3A_1055 : i32
      %sign3A_1057 = arith.extui %sign3A_1056 : i1 to i32
      %sign3A_1058 = arith.subi %sign3A_1054, %sign3A_1057 : i32
      %ne3A_1059 = arith.cmpi ne, %sign3A_1051, %sign3A_1058 : i32
      %rem3A_1060 = arith.remsi %add3A_1042, %jit3A_1043 : i32
      %ne3A_1061 = arith.constant 0 : i32
      %ne3A_1062 = arith.cmpi ne, %rem3A_1060, %ne3A_1061 : i32
      %and3A_1063 = arith.andi %ne3A_1059, %ne3A_1062 : i1
      %sub3A_1064 = arith.constant 1 : i32
      %sub3A_1065 = arith.subi %div3A_1044, %sub3A_1064 : i32
      %select_n3A_1066 = arith.select %and3A_1063, %sub3A_1065, %div3A_1044 : i32
      %jit3A_1067 = arith.constant 32 : i32
      %eq3A_1068 = arith.constant 0 : i32
      %eq3A_1069 = arith.cmpi eq, %jit3A_1067, %eq3A_1068 : i32
      %jit3A_1070 = arith.constant 1 : i32
      %select_n3A_1071 = arith.select %eq3A_1069, %jit3A_1070, %jit3A_1067 : i32
      %rem3A_1072 = arith.remsi %add3A_1042, %select_n3A_1071 : i32
      %ne3A_1073 = arith.constant 0 : i32
      %ne3A_1074 = arith.cmpi ne, %rem3A_1072, %ne3A_1073 : i32
      %lt3A_1075 = arith.constant 0 : i32
      %lt3A_1076 = arith.cmpi slt, %rem3A_1072, %lt3A_1075 : i32
      %lt3A_1077 = arith.constant 0 : i32
      %lt3A_1078 = arith.cmpi slt, %select_n3A_1071, %lt3A_1077 : i32
      %ne3A_1079 = arith.xori %lt3A_1076, %lt3A_1078 : i1
      %and3A_1080 = arith.andi %ne3A_1079, %ne3A_1074 : i1
      %add3A_1081 = arith.addi %rem3A_1072, %select_n3A_1071 : i32
      %select_n3A_1082 = arith.select %and3A_1080, %add3A_1081, %rem3A_1072 : i32
      %dma_start3A_1083 = arith.constant 0 : i32
      %dma_start3A_1084 = arith.constant 0 : i32
      %dma_start3A_1085 = arith.constant 0 : i32
      %dma_start3A_1086 = tpu.memref_slice %arg10[%dma_start3A_1083, %dma_start3A_1084, %dma_start3A_1085] : memref<8x8x129xf32, #tpu.memory_space<vmem>> -> memref<8x8x128xf32, #tpu.memory_space<vmem>>
      %dma_start3A_1087 = arith.constant 0 : i32
      %dma_start3A_1088 = arith.constant 0 : i32
      %dma_start3A_1089 = arith.constant 0 : i32
      %dma_start3A_1090 = tpu.memref_slice %arg4[%select_n3A_1066, %dma_start3A_1087, %select_n3A_1082, %dma_start3A_1088, %dma_start3A_1089] : memref<200x8x32x8x128xf32, #tpu.memory_space<hbm>> -> memref<1x8x1x8x128xf32, #tpu.memory_space<hbm>>
      %dma_start3A_1091 = tpu.memref_squeeze %dma_start3A_1090 : memref<1x8x1x8x128xf32, #tpu.memory_space<hbm>> -> memref<8x8x128xf32, #tpu.memory_space<hbm>>
      %dma_start3A_1092 = arith.constant 0 : i32
      %dma_start3A_1093 = arith.constant 0 : i32
      %dma_start3A_1094 = arith.constant 0 : i32
      %dma_start3A_1095 = tpu.memref_slice %arg4[%select_n3A_1066, %dma_start3A_1092, %select_n3A_1082, %dma_start3A_1093, %dma_start3A_1094] : memref<200x8x32x8x128xf32, #tpu.memory_space<hbm>> -> memref<1x8x1x8x128xf32, #tpu.memory_space<hbm>>
      %dma_start3A_1096 = tpu.memref_squeeze %dma_start3A_1095 : memref<1x8x1x8x128xf32, #tpu.memory_space<hbm>> -> memref<8x8x128xf32, #tpu.memory_space<hbm>>
      %dma_start3A_1097 = arith.constant 0 : i32
      %dma_start3A_1098 = arith.constant 0 : i32
      %dma_start3A_1099 = arith.constant 0 : i32
      %dma_start3A_1100 = tpu.memref_slice %arg10[%dma_start3A_1097, %dma_start3A_1098, %dma_start3A_1099] : memref<8x8x129xf32, #tpu.memory_space<vmem>> -> memref<8x8x128xf32, #tpu.memory_space<vmem>>
      tpu.enqueue_dma source(%dma_start3A_1100 : memref<8x8x128xf32, #tpu.memory_space<vmem>>) target(%dma_start3A_1096 : memref<8x8x128xf32, #tpu.memory_space<hbm>>) target_semaphore(%arg18 : memref<!tpu.dma_semaphore, #tpu.memory_space<semaphore_mem>>)
      %add3A_1101 = arith.constant 1 : i32
      %add3A_1102 = arith.addi %add3A_1002, %add3A_1101 : i32
      %dma_wait3A_1103 = arith.constant 0 : i32
      %dma_wait3A_1104 = arith.constant 0 : i32
      %dma_wait3A_1105 = tpu.memref_slice %arg2[%dma_wait3A_1103, %dma_wait3A_1104] : memref<1000000x64xf32, #tpu.memory_space<hbm>> -> memref<128x64xf32, #tpu.memory_space<hbm>>
      %dma_wait3A_1106 = arith.constant 0 : i32
      %dma_wait3A_1107 = arith.constant 0 : i32
      %dma_wait3A_1108 = tpu.memref_slice %arg2[%dma_wait3A_1106, %dma_wait3A_1107] : memref<1000000x64xf32, #tpu.memory_space<hbm>> -> memref<128x64xf32, #tpu.memory_space<hbm>>
      tpu.wait_dma2 semaphore(%arg15 : memref<!tpu.dma_semaphore, #tpu.memory_space<semaphore_mem>>) src(%dma_wait3A_1108 : memref<128x64xf32, #tpu.memory_space<hbm>>) dst(%arg7 : memref<128x64xf32, #tpu.memory_space<vmem>>)
      %dma_wait3A_1109 = arith.constant 0 : i32
      %dma_wait3A_1110 = arith.constant 0 : i32
      %dma_wait3A_1111 = arith.constant 0 : i32
      %dma_wait3A_1112 = arith.constant 0 : i32
      %dma_wait3A_1113 = arith.constant 0 : i32
      %dma_wait3A_1114 = tpu.memref_slice %arg11[%dma_wait3A_1111, %dma_wait3A_1112, %dma_wait3A_1113] : memref<8x8x129xf32, #tpu.memory_space<vmem>> -> memref<8x8x128xf32, #tpu.memory_space<vmem>>
      %dma_wait3A_1115 = arith.constant 0 : i32
      %dma_wait3A_1116 = arith.constant 0 : i32
      %dma_wait3A_1117 = arith.constant 0 : i32
      %dma_wait3A_1118 = tpu.memref_slice %arg4[%dma_wait3A_1109, %dma_wait3A_1115, %dma_wait3A_1110, %dma_wait3A_1116, %dma_wait3A_1117] : memref<200x8x32x8x128xf32, #tpu.memory_space<hbm>> -> memref<1x8x1x8x128xf32, #tpu.memory_space<hbm>>
      %dma_wait3A_1119 = tpu.memref_squeeze %dma_wait3A_1118 : memref<1x8x1x8x128xf32, #tpu.memory_space<hbm>> -> memref<8x8x128xf32, #tpu.memory_space<hbm>>
      %dma_wait3A_1120 = arith.constant 0 : i32
      %dma_wait3A_1121 = arith.constant 0 : i32
      %dma_wait3A_1122 = arith.constant 0 : i32
      %dma_wait3A_1123 = tpu.memref_slice %arg4[%dma_wait3A_1109, %dma_wait3A_1120, %dma_wait3A_1110, %dma_wait3A_1121, %dma_wait3A_1122] : memref<200x8x32x8x128xf32, #tpu.memory_space<hbm>> -> memref<1x8x1x8x128xf32, #tpu.memory_space<hbm>>
      %dma_wait3A_1124 = tpu.memref_squeeze %dma_wait3A_1123 : memref<1x8x1x8x128xf32, #tpu.memory_space<hbm>> -> memref<8x8x128xf32, #tpu.memory_space<hbm>>
      %dma_wait3A_1125 = arith.constant 0 : i32
      %dma_wait3A_1126 = arith.constant 0 : i32
      %dma_wait3A_1127 = arith.constant 0 : i32
      %dma_wait3A_1128 = tpu.memref_slice %arg11[%dma_wait3A_1125, %dma_wait3A_1126, %dma_wait3A_1127] : memref<8x8x129xf32, #tpu.memory_space<vmem>> -> memref<8x8x128xf32, #tpu.memory_space<vmem>>
      tpu.wait_dma2 semaphore(%arg19 : memref<!tpu.dma_semaphore, #tpu.memory_space<semaphore_mem>>) src(%dma_wait3A_1128 : memref<8x8x128xf32, #tpu.memory_space<vmem>>) dst(%dma_wait3A_1124 : memref<8x8x128xf32, #tpu.memory_space<hbm>>)
      %parallel_loop3A_1129 = arith.constant 0 : i32
      %parallel_loop3A_1130 = arith.constant 128 : i32
      %parallel_loop3A_1131 = arith.constant 1 : i32
      scf.for %parallel_loop3A_1395 = %parallel_loop3A_1129 to %parallel_loop3A_1130 step %parallel_loop3A_1131  : i32 {
        %parallel_loop3A_1396 = arith.constant 0 : i32
        %parallel_loop3A_1397 = vector.broadcast %parallel_loop3A_1396 : i32 to vector<16xi32>
        %parallel_loop3A_1398 = vector.broadcast %parallel_loop3A_1395 : i32 to vector<16xi32>
        %parallel_loop3A_1399 = arith.addi %parallel_loop3A_1397, %parallel_loop3A_1398 : vector<16xi32>
        %parallel_loop3A_1400 = arith.index_cast %parallel_loop3A_1395 : i32 to index
        %parallel_loop3A_1401 = arith.constant 0 : index
        %parallel_loop3A_1402 = tpu.vector_load %arg7[%parallel_loop3A_1400, %parallel_loop3A_1401] {strides = array<i32>} : memref<128x64xf32, #tpu.memory_space<vmem>>, vector<16xf32>,
        %parallel_loop3A_1403 = arith.constant 1.000000e+00 : f32
        %parallel_loop3A_1404 = vector.broadcast %parallel_loop3A_1403 : f32 to vector<16xf32>
        %parallel_loop3A_1405 = arith.addf %parallel_loop3A_1402, %parallel_loop3A_1404 : vector<16xf32>
        tpu.vector_store_idx %arg11[%select_n3A, %select_n3A_153, %parallel_loop3A_1399], %parallel_loop3A_1405 : memref<8x8x129xf32, #tpu.memory_space<vmem>>[vector<16xi32>, vector<16xi32>, vector<16xi32>], vector<16xf32>,
        %parallel_loop3A_1406 = arith.index_cast %parallel_loop3A_1395 : i32 to index
        %parallel_loop3A_1407 = arith.constant 16 : index
        %parallel_loop3A_1408 = tpu.vector_load %arg7[%parallel_loop3A_1406, %parallel_loop3A_1407] {strides = array<i32>} : memref<128x64xf32, #tpu.memory_space<vmem>>, vector<16xf32>,
        %parallel_loop3A_1409 = arith.constant 1.000000e+00 : f32
        %parallel_loop3A_1410 = vector.broadcast %parallel_loop3A_1409 : f32 to vector<16xf32>
        %parallel_loop3A_1411 = arith.addf %parallel_loop3A_1408, %parallel_loop3A_1410 : vector<16xf32>
        tpu.vector_store_idx %arg11[%select_n3A_62, %select_n3A_178, %parallel_loop3A_1399], %parallel_loop3A_1411 : memref<8x8x129xf32, #tpu.memory_space<vmem>>[vector<16xi32>, vector<16xi32>, vector<16xi32>], vector<16xf32>,
        %parallel_loop3A_1412 = arith.index_cast %parallel_loop3A_1395 : i32 to index
        %parallel_loop3A_1413 = arith.constant 32 : index
        %parallel_loop3A_1414 = tpu.vector_load %arg7[%parallel_loop3A_1412, %parallel_loop3A_1413] {strides = array<i32>} : memref<128x64xf32, #tpu.memory_space<vmem>>, vector<16xf32>,
        %parallel_loop3A_1415 = arith.constant 1.000000e+00 : f32
        %parallel_loop3A_1416 = vector.broadcast %parallel_loop3A_1415 : f32 to vector<16xf32>
        %parallel_loop3A_1417 = arith.addf %parallel_loop3A_1414, %parallel_loop3A_1416 : vector<16xf32>
        tpu.vector_store_idx %arg11[%select_n3A_96, %select_n3A_203, %parallel_loop3A_1399], %parallel_loop3A_1417 : memref<8x8x129xf32, #tpu.memory_space<vmem>>[vector<16xi32>, vector<16xi32>, vector<16xi32>], vector<16xf32>,
        %parallel_loop3A_1418 = arith.index_cast %parallel_loop3A_1395 : i32 to index
        %parallel_loop3A_1419 = arith.constant 48 : index
        %parallel_loop3A_1420 = tpu.vector_load %arg7[%parallel_loop3A_1418, %parallel_loop3A_1419] {strides = array<i32>} : memref<128x64xf32, #tpu.memory_space<vmem>>, vector<16xf32>,
        %parallel_loop3A_1421 = arith.constant 1.000000e+00 : f32
        %parallel_loop3A_1422 = vector.broadcast %parallel_loop3A_1421 : f32 to vector<16xf32>
        %parallel_loop3A_1423 = arith.addf %parallel_loop3A_1420, %parallel_loop3A_1422 : vector<16xf32>
        tpu.vector_store_idx %arg11[%select_n3A_130, %select_n3A_228, %parallel_loop3A_1399], %parallel_loop3A_1423 : memref<8x8x129xf32, #tpu.memory_space<vmem>>[vector<16xi32>, vector<16xi32>, vector<16xi32>], vector<16xf32>,
      } {sc.loop_unroll_factor = 2 : i64, sc.parallel_access}
      %add3A_1132 = arith.constant 4 : i32
      %add3A_1133 = arith.addi %add3A_1102, %add3A_1132 : i32
      %dma_start3A_1134 = arith.constant 0 : i32
      %dma_start3A_1135 = tpu.memref_slice %arg5[%add3A_1133, %dma_start3A_1134] : memref<200x128xi32, #tpu.memory_space<vmem>> -> memref<1x128xi32, #tpu.memory_space<vmem>>
      %dma_start3A_1136 = tpu.memref_squeeze %dma_start3A_1135 : memref<1x128xi32, #tpu.memory_space<vmem>> -> memref<128xi32, #tpu.memory_space<vmem>>
      %dma_start3A_1137 = arith.constant 0 : i32
      %dma_start3A_1138 = arith.constant 0 : i32
      %dma_start3A_1139 = tpu.memref_slice %arg2[%dma_start3A_1137, %dma_start3A_1138] : memref<1000000x64xf32, #tpu.memory_space<hbm>> -> memref<1000000x64xf32, #tpu.memory_space<hbm>>
      tpu.enqueue_indirect_dma source(%dma_start3A_1139 : memref<1000000x64xf32, #tpu.memory_space<hbm>>) target(%arg7 : memref<128x64xf32, #tpu.memory_space<vmem>>) offsets(%dma_start3A_1136 : memref<128xi32, #tpu.memory_space<vmem>>) semaphore(%arg15 : memref<!tpu.dma_semaphore, #tpu.memory_space<semaphore_mem>>)
      %add3A_1140 = arith.addi %mul3A_2, %add3A_1102 : i32
      %jit3A_1141 = arith.constant 32 : i32
      %div3A_1142 = arith.divsi %add3A_1140, %jit3A_1141 : i32
      %sign3A_1143 = arith.constant 0 : i32
      %sign3A_1144 = arith.cmpi sgt, %add3A_1140, %sign3A_1143 : i32
      %sign3A_1145 = arith.extui %sign3A_1144 : i1 to i32
      %sign3A_1146 = arith.constant 0 : i32
      %sign3A_1147 = arith.cmpi slt, %add3A_1140, %sign3A_1146 : i32
      %sign3A_1148 = arith.extui %sign3A_1147 : i1 to i32
      %sign3A_1149 = arith.subi %sign3A_1145, %sign3A_1148 : i32
      %sign3A_1150 = arith.constant 0 : i32
      %sign3A_1151 = arith.cmpi sgt, %jit3A_1141, %sign3A_1150 : i32
      %sign3A_1152 = arith.extui %sign3A_1151 : i1 to i32
      %sign3A_1153 = arith.constant 0 : i32
      %sign3A_1154 = arith.cmpi slt, %jit3A_1141, %sign3A_1153 : i32
      %sign3A_1155 = arith.extui %sign3A_1154 : i1 to i32
      %sign3A_1156 = arith.subi %sign3A_1152, %sign3A_1155 : i32
      %ne3A_1157 = arith.cmpi ne, %sign3A_1149, %sign3A_1156 : i32
      %rem3A_1158 = arith.remsi %add3A_1140, %jit3A_1141 : i32
      %ne3A_1159 = arith.constant 0 : i32
      %ne3A_1160 = arith.cmpi ne, %rem3A_1158, %ne3A_1159 : i32
      %and3A_1161 = arith.andi %ne3A_1157, %ne3A_1160 : i1
      %sub3A_1162 = arith.constant 1 : i32
      %sub3A_1163 = arith.subi %div3A_1142, %sub3A_1162 : i32
      %select_n3A_1164 = arith.select %and3A_1161, %sub3A_1163, %div3A_1142 : i32
      %jit3A_1165 = arith.constant 32 : i32
      %eq3A_1166 = arith.constant 0 : i32
      %eq3A_1167 = arith.cmpi eq, %jit3A_1165, %eq3A_1166 : i32
      %jit3A_1168 = arith.constant 1 : i32
      %select_n3A_1169 = arith.select %eq3A_1167, %jit3A_1168, %jit3A_1165 : i32
      %rem3A_1170 = arith.remsi %add3A_1140, %select_n3A_1169 : i32
      %ne3A_1171 = arith.constant 0 : i32
      %ne3A_1172 = arith.cmpi ne, %rem3A_1170, %ne3A_1171 : i32
      %lt3A_1173 = arith.constant 0 : i32
      %lt3A_1174 = arith.cmpi slt, %rem3A_1170, %lt3A_1173 : i32
      %lt3A_1175 = arith.constant 0 : i32
      %lt3A_1176 = arith.cmpi slt, %select_n3A_1169, %lt3A_1175 : i32
      %ne3A_1177 = arith.xori %lt3A_1174, %lt3A_1176 : i1
      %and3A_1178 = arith.andi %ne3A_1177, %ne3A_1172 : i1
      %add3A_1179 = arith.addi %rem3A_1170, %select_n3A_1169 : i32
      %select_n3A_1180 = arith.select %and3A_1178, %add3A_1179, %rem3A_1170 : i32
      %dma_start3A_1181 = arith.constant 0 : i32
      %dma_start3A_1182 = arith.constant 0 : i32
      %dma_start3A_1183 = arith.constant 0 : i32
      %dma_start3A_1184 = tpu.memref_slice %arg11[%dma_start3A_1181, %dma_start3A_1182, %dma_start3A_1183] : memref<8x8x129xf32, #tpu.memory_space<vmem>> -> memref<8x8x128xf32, #tpu.memory_space<vmem>>
      %dma_start3A_1185 = arith.constant 0 : i32
      %dma_start3A_1186 = arith.constant 0 : i32
      %dma_start3A_1187 = arith.constant 0 : i32
      %dma_start3A_1188 = tpu.memref_slice %arg4[%select_n3A_1164, %dma_start3A_1185, %select_n3A_1180, %dma_start3A_1186, %dma_start3A_1187] : memref<200x8x32x8x128xf32, #tpu.memory_space<hbm>> -> memref<1x8x1x8x128xf32, #tpu.memory_space<hbm>>
      %dma_start3A_1189 = tpu.memref_squeeze %dma_start3A_1188 : memref<1x8x1x8x128xf32, #tpu.memory_space<hbm>> -> memref<8x8x128xf32, #tpu.memory_space<hbm>>
      %dma_start3A_1190 = arith.constant 0 : i32
      %dma_start3A_1191 = arith.constant 0 : i32
      %dma_start3A_1192 = arith.constant 0 : i32
      %dma_start3A_1193 = tpu.memref_slice %arg4[%select_n3A_1164, %dma_start3A_1190, %select_n3A_1180, %dma_start3A_1191, %dma_start3A_1192] : memref<200x8x32x8x128xf32, #tpu.memory_space<hbm>> -> memref<1x8x1x8x128xf32, #tpu.memory_space<hbm>>
      %dma_start3A_1194 = tpu.memref_squeeze %dma_start3A_1193 : memref<1x8x1x8x128xf32, #tpu.memory_space<hbm>> -> memref<8x8x128xf32, #tpu.memory_space<hbm>>
      %dma_start3A_1195 = arith.constant 0 : i32
      %dma_start3A_1196 = arith.constant 0 : i32
      %dma_start3A_1197 = arith.constant 0 : i32
      %dma_start3A_1198 = tpu.memref_slice %arg11[%dma_start3A_1195, %dma_start3A_1196, %dma_start3A_1197] : memref<8x8x129xf32, #tpu.memory_space<vmem>> -> memref<8x8x128xf32, #tpu.memory_space<vmem>>
      tpu.enqueue_dma source(%dma_start3A_1198 : memref<8x8x128xf32, #tpu.memory_space<vmem>>) target(%dma_start3A_1194 : memref<8x8x128xf32, #tpu.memory_space<hbm>>) target_semaphore(%arg19 : memref<!tpu.dma_semaphore, #tpu.memory_space<semaphore_mem>>)
      %add3A_1199 = arith.constant 2 : i32
      %add3A_1200 = arith.addi %add3A_1002, %add3A_1199 : i32
      %dma_wait3A_1201 = arith.constant 0 : i32
      %dma_wait3A_1202 = arith.constant 0 : i32
      %dma_wait3A_1203 = tpu.memref_slice %arg2[%dma_wait3A_1201, %dma_wait3A_1202] : memref<1000000x64xf32, #tpu.memory_space<hbm>> -> memref<128x64xf32, #tpu.memory_space<hbm>>
      %dma_wait3A_1204 = arith.constant 0 : i32
      %dma_wait3A_1205 = arith.constant 0 : i32
      %dma_wait3A_1206 = tpu.memref_slice %arg2[%dma_wait3A_1204, %dma_wait3A_1205] : memref<1000000x64xf32, #tpu.memory_space<hbm>> -> memref<128x64xf32, #tpu.memory_space<hbm>>
      tpu.wait_dma2 semaphore(%arg16 : memref<!tpu.dma_semaphore, #tpu.memory_space<semaphore_mem>>) src(%dma_wait3A_1206 : memref<128x64xf32, #tpu.memory_space<hbm>>) dst(%arg8 : memref<128x64xf32, #tpu.memory_space<vmem>>)
      %dma_wait3A_1207 = arith.constant 0 : i32
      %dma_wait3A_1208 = arith.constant 0 : i32
      %dma_wait3A_1209 = arith.constant 0 : i32
      %dma_wait3A_1210 = arith.constant 0 : i32
      %dma_wait3A_1211 = arith.constant 0 : i32
      %dma_wait3A_1212 = tpu.memref_slice %arg12[%dma_wait3A_1209, %dma_wait3A_1210, %dma_wait3A_1211] : memref<8x8x129xf32, #tpu.memory_space<vmem>> -> memref<8x8x128xf32, #tpu.memory_space<vmem>>
      %dma_wait3A_1213 = arith.constant 0 : i32
      %dma_wait3A_1214 = arith.constant 0 : i32
      %dma_wait3A_1215 = arith.constant 0 : i32
      %dma_wait3A_1216 = tpu.memref_slice %arg4[%dma_wait3A_1207, %dma_wait3A_1213, %dma_wait3A_1208, %dma_wait3A_1214, %dma_wait3A_1215] : memref<200x8x32x8x128xf32, #tpu.memory_space<hbm>> -> memref<1x8x1x8x128xf32, #tpu.memory_space<hbm>>
      %dma_wait3A_1217 = tpu.memref_squeeze %dma_wait3A_1216 : memref<1x8x1x8x128xf32, #tpu.memory_space<hbm>> -> memref<8x8x128xf32, #tpu.memory_space<hbm>>
      %dma_wait3A_1218 = arith.constant 0 : i32
      %dma_wait3A_1219 = arith.constant 0 : i32
      %dma_wait3A_1220 = arith.constant 0 : i32
      %dma_wait3A_1221 = tpu.memref_slice %arg4[%dma_wait3A_1207, %dma_wait3A_1218, %dma_wait3A_1208, %dma_wait3A_1219, %dma_wait3A_1220] : memref<200x8x32x8x128xf32, #tpu.memory_space<hbm>> -> memref<1x8x1x8x128xf32, #tpu.memory_space<hbm>>
      %dma_wait3A_1222 = tpu.memref_squeeze %dma_wait3A_1221 : memref<1x8x1x8x128xf32, #tpu.memory_space<hbm>> -> memref<8x8x128xf32, #tpu.memory_space<hbm>>
      %dma_wait3A_1223 = arith.constant 0 : i32
      %dma_wait3A_1224 = arith.constant 0 : i32
      %dma_wait3A_1225 = arith.constant 0 : i32
      %dma_wait3A_1226 = tpu.memref_slice %arg12[%dma_wait3A_1223, %dma_wait3A_1224, %dma_wait3A_1225] : memref<8x8x129xf32, #tpu.memory_space<vmem>> -> memref<8x8x128xf32, #tpu.memory_space<vmem>>
      tpu.wait_dma2 semaphore(%arg20 : memref<!tpu.dma_semaphore, #tpu.memory_space<semaphore_mem>>) src(%dma_wait3A_1226 : memref<8x8x128xf32, #tpu.memory_space<vmem>>) dst(%dma_wait3A_1222 : memref<8x8x128xf32, #tpu.memory_space<hbm>>)
      %parallel_loop3A_1227 = arith.constant 0 : i32
      %parallel_loop3A_1228 = arith.constant 128 : i32
      %parallel_loop3A_1229 = arith.constant 1 : i32
      scf.for %parallel_loop3A_1395 = %parallel_loop3A_1227 to %parallel_loop3A_1228 step %parallel_loop3A_1229  : i32 {
        %parallel_loop3A_1396 = arith.constant 0 : i32
        %parallel_loop3A_1397 = vector.broadcast %parallel_loop3A_1396 : i32 to vector<16xi32>
        %parallel_loop3A_1398 = vector.broadcast %parallel_loop3A_1395 : i32 to vector<16xi32>
        %parallel_loop3A_1399 = arith.addi %parallel_loop3A_1397, %parallel_loop3A_1398 : vector<16xi32>
        %parallel_loop3A_1400 = arith.index_cast %parallel_loop3A_1395 : i32 to index
        %parallel_loop3A_1401 = arith.constant 0 : index
        %parallel_loop3A_1402 = tpu.vector_load %arg8[%parallel_loop3A_1400, %parallel_loop3A_1401] {strides = array<i32>} : memref<128x64xf32, #tpu.memory_space<vmem>>, vector<16xf32>,
        %parallel_loop3A_1403 = arith.constant 1.000000e+00 : f32
        %parallel_loop3A_1404 = vector.broadcast %parallel_loop3A_1403 : f32 to vector<16xf32>
        %parallel_loop3A_1405 = arith.addf %parallel_loop3A_1402, %parallel_loop3A_1404 : vector<16xf32>
        tpu.vector_store_idx %arg12[%select_n3A, %select_n3A_153, %parallel_loop3A_1399], %parallel_loop3A_1405 : memref<8x8x129xf32, #tpu.memory_space<vmem>>[vector<16xi32>, vector<16xi32>, vector<16xi32>], vector<16xf32>,
        %parallel_loop3A_1406 = arith.index_cast %parallel_loop3A_1395 : i32 to index
        %parallel_loop3A_1407 = arith.constant 16 : index
        %parallel_loop3A_1408 = tpu.vector_load %arg8[%parallel_loop3A_1406, %parallel_loop3A_1407] {strides = array<i32>} : memref<128x64xf32, #tpu.memory_space<vmem>>, vector<16xf32>,
        %parallel_loop3A_1409 = arith.constant 1.000000e+00 : f32
        %parallel_loop3A_1410 = vector.broadcast %parallel_loop3A_1409 : f32 to vector<16xf32>
        %parallel_loop3A_1411 = arith.addf %parallel_loop3A_1408, %parallel_loop3A_1410 : vector<16xf32>
        tpu.vector_store_idx %arg12[%select_n3A_62, %select_n3A_178, %parallel_loop3A_1399], %parallel_loop3A_1411 : memref<8x8x129xf32, #tpu.memory_space<vmem>>[vector<16xi32>, vector<16xi32>, vector<16xi32>], vector<16xf32>,
        %parallel_loop3A_1412 = arith.index_cast %parallel_loop3A_1395 : i32 to index
        %parallel_loop3A_1413 = arith.constant 32 : index
        %parallel_loop3A_1414 = tpu.vector_load %arg8[%parallel_loop3A_1412, %parallel_loop3A_1413] {strides = array<i32>} : memref<128x64xf32, #tpu.memory_space<vmem>>, vector<16xf32>,
        %parallel_loop3A_1415 = arith.constant 1.000000e+00 : f32
        %parallel_loop3A_1416 = vector.broadcast %parallel_loop3A_1415 : f32 to vector<16xf32>
        %parallel_loop3A_1417 = arith.addf %parallel_loop3A_1414, %parallel_loop3A_1416 : vector<16xf32>
        tpu.vector_store_idx %arg12[%select_n3A_96, %select_n3A_203, %parallel_loop3A_1399], %parallel_loop3A_1417 : memref<8x8x129xf32, #tpu.memory_space<vmem>>[vector<16xi32>, vector<16xi32>, vector<16xi32>], vector<16xf32>,
        %parallel_loop3A_1418 = arith.index_cast %parallel_loop3A_1395 : i32 to index
        %parallel_loop3A_1419 = arith.constant 48 : index
        %parallel_loop3A_1420 = tpu.vector_load %arg8[%parallel_loop3A_1418, %parallel_loop3A_1419] {strides = array<i32>} : memref<128x64xf32, #tpu.memory_space<vmem>>, vector<16xf32>,
        %parallel_loop3A_1421 = arith.constant 1.000000e+00 : f32
        %parallel_loop3A_1422 = vector.broadcast %parallel_loop3A_1421 : f32 to vector<16xf32>
        %parallel_loop3A_1423 = arith.addf %parallel_loop3A_1420, %parallel_loop3A_1422 : vector<16xf32>
        tpu.vector_store_idx %arg12[%select_n3A_130, %select_n3A_228, %parallel_loop3A_1399], %parallel_loop3A_1423 : memref<8x8x129xf32, #tpu.memory_space<vmem>>[vector<16xi32>, vector<16xi32>, vector<16xi32>], vector<16xf32>,
      } {sc.loop_unroll_factor = 2 : i64, sc.parallel_access}
      %add3A_1230 = arith.constant 4 : i32
      %add3A_1231 = arith.addi %add3A_1200, %add3A_1230 : i32
      %dma_start3A_1232 = arith.constant 0 : i32
      %dma_start3A_1233 = tpu.memref_slice %arg5[%add3A_1231, %dma_start3A_1232] : memref<200x128xi32, #tpu.memory_space<vmem>> -> memref<1x128xi32, #tpu.memory_space<vmem>>
      %dma_start3A_1234 = tpu.memref_squeeze %dma_start3A_1233 : memref<1x128xi32, #tpu.memory_space<vmem>> -> memref<128xi32, #tpu.memory_space<vmem>>
      %dma_start3A_1235 = arith.constant 0 : i32
      %dma_start3A_1236 = arith.constant 0 : i32
      %dma_start3A_1237 = tpu.memref_slice %arg2[%dma_start3A_1235, %dma_start3A_1236] : memref<1000000x64xf32, #tpu.memory_space<hbm>> -> memref<1000000x64xf32, #tpu.memory_space<hbm>>
      tpu.enqueue_indirect_dma source(%dma_start3A_1237 : memref<1000000x64xf32, #tpu.memory_space<hbm>>) target(%arg8 : memref<128x64xf32, #tpu.memory_space<vmem>>) offsets(%dma_start3A_1234 : memref<128xi32, #tpu.memory_space<vmem>>) semaphore(%arg16 : memref<!tpu.dma_semaphore, #tpu.memory_space<semaphore_mem>>)
      %add3A_1238 = arith.addi %mul3A_2, %add3A_1200 : i32
      %jit3A_1239 = arith.constant 32 : i32
      %div3A_1240 = arith.divsi %add3A_1238, %jit3A_1239 : i32
      %sign3A_1241 = arith.constant 0 : i32
      %sign3A_1242 = arith.cmpi sgt, %add3A_1238, %sign3A_1241 : i32
      %sign3A_1243 = arith.extui %sign3A_1242 : i1 to i32
      %sign3A_1244 = arith.constant 0 : i32
      %sign3A_1245 = arith.cmpi slt, %add3A_1238, %sign3A_1244 : i32
      %sign3A_1246 = arith.extui %sign3A_1245 : i1 to i32
      %sign3A_1247 = arith.subi %sign3A_1243, %sign3A_1246 : i32
      %sign3A_1248 = arith.constant 0 : i32
      %sign3A_1249 = arith.cmpi sgt, %jit3A_1239, %sign3A_1248 : i32
      %sign3A_1250 = arith.extui %sign3A_1249 : i1 to i32
      %sign3A_1251 = arith.constant 0 : i32
      %sign3A_1252 = arith.cmpi slt, %jit3A_1239, %sign3A_1251 : i32
      %sign3A_1253 = arith.extui %sign3A_1252 : i1 to i32
      %sign3A_1254 = arith.subi %sign3A_1250, %sign3A_1253 : i32
      %ne3A_1255 = arith.cmpi ne, %sign3A_1247, %sign3A_1254 : i32
      %rem3A_1256 = arith.remsi %add3A_1238, %jit3A_1239 : i32
      %ne3A_1257 = arith.constant 0 : i32
      %ne3A_1258 = arith.cmpi ne, %rem3A_1256, %ne3A_1257 : i32
      %and3A_1259 = arith.andi %ne3A_1255, %ne3A_1258 : i1
      %sub3A_1260 = arith.constant 1 : i32
      %sub3A_1261 = arith.subi %div3A_1240, %sub3A_1260 : i32
      %select_n3A_1262 = arith.select %and3A_1259, %sub3A_1261, %div3A_1240 : i32
      %jit3A_1263 = arith.constant 32 : i32
      %eq3A_1264 = arith.constant 0 : i32
      %eq3A_1265 = arith.cmpi eq, %jit3A_1263, %eq3A_1264 : i32
      %jit3A_1266 = arith.constant 1 : i32
      %select_n3A_1267 = arith.select %eq3A_1265, %jit3A_1266, %jit3A_1263 : i32
      %rem3A_1268 = arith.remsi %add3A_1238, %select_n3A_1267 : i32
      %ne3A_1269 = arith.constant 0 : i32
      %ne3A_1270 = arith.cmpi ne, %rem3A_1268, %ne3A_1269 : i32
      %lt3A_1271 = arith.constant 0 : i32
      %lt3A_1272 = arith.cmpi slt, %rem3A_1268, %lt3A_1271 : i32
      %lt3A_1273 = arith.constant 0 : i32
      %lt3A_1274 = arith.cmpi slt, %select_n3A_1267, %lt3A_1273 : i32
      %ne3A_1275 = arith.xori %lt3A_1272, %lt3A_1274 : i1
      %and3A_1276 = arith.andi %ne3A_1275, %ne3A_1270 : i1
      %add3A_1277 = arith.addi %rem3A_1268, %select_n3A_1267 : i32
      %select_n3A_1278 = arith.select %and3A_1276, %add3A_1277, %rem3A_1268 : i32
      %dma_start3A_1279 = arith.constant 0 : i32
      %dma_start3A_1280 = arith.constant 0 : i32
      %dma_start3A_1281 = arith.constant 0 : i32
      %dma_start3A_1282 = tpu.memref_slice %arg12[%dma_start3A_1279, %dma_start3A_1280, %dma_start3A_1281] : memref<8x8x129xf32, #tpu.memory_space<vmem>> -> memref<8x8x128xf32, #tpu.memory_space<vmem>>
      %dma_start3A_1283 = arith.constant 0 : i32
      %dma_start3A_1284 = arith.constant 0 : i32
      %dma_start3A_1285 = arith.constant 0 : i32
      %dma_start3A_1286 = tpu.memref_slice %arg4[%select_n3A_1262, %dma_start3A_1283, %select_n3A_1278, %dma_start3A_1284, %dma_start3A_1285] : memref<200x8x32x8x128xf32, #tpu.memory_space<hbm>> -> memref<1x8x1x8x128xf32, #tpu.memory_space<hbm>>
      %dma_start3A_1287 = tpu.memref_squeeze %dma_start3A_1286 : memref<1x8x1x8x128xf32, #tpu.memory_space<hbm>> -> memref<8x8x128xf32, #tpu.memory_space<hbm>>
      %dma_start3A_1288 = arith.constant 0 : i32
      %dma_start3A_1289 = arith.constant 0 : i32
      %dma_start3A_1290 = arith.constant 0 : i32
      %dma_start3A_1291 = tpu.memref_slice %arg4[%select_n3A_1262, %dma_start3A_1288, %select_n3A_1278, %dma_start3A_1289, %dma_start3A_1290] : memref<200x8x32x8x128xf32, #tpu.memory_space<hbm>> -> memref<1x8x1x8x128xf32, #tpu.memory_space<hbm>>
      %dma_start3A_1292 = tpu.memref_squeeze %dma_start3A_1291 : memref<1x8x1x8x128xf32, #tpu.memory_space<hbm>> -> memref<8x8x128xf32, #tpu.memory_space<hbm>>
      %dma_start3A_1293 = arith.constant 0 : i32
      %dma_start3A_1294 = arith.constant 0 : i32
      %dma_start3A_1295 = arith.constant 0 : i32
      %dma_start3A_1296 = tpu.memref_slice %arg12[%dma_start3A_1293, %dma_start3A_1294, %dma_start3A_1295] : memref<8x8x129xf32, #tpu.memory_space<vmem>> -> memref<8x8x128xf32, #tpu.memory_space<vmem>>
      tpu.enqueue_dma source(%dma_start3A_1296 : memref<8x8x128xf32, #tpu.memory_space<vmem>>) target(%dma_start3A_1292 : memref<8x8x128xf32, #tpu.memory_space<hbm>>) target_semaphore(%arg20 : memref<!tpu.dma_semaphore, #tpu.memory_space<semaphore_mem>>)
      %add3A_1297 = arith.constant 3 : i32
      %add3A_1298 = arith.addi %add3A_1002, %add3A_1297 : i32
      %dma_wait3A_1299 = arith.constant 0 : i32
      %dma_wait3A_1300 = arith.constant 0 : i32
      %dma_wait3A_1301 = tpu.memref_slice %arg2[%dma_wait3A_1299, %dma_wait3A_1300] : memref<1000000x64xf32, #tpu.memory_space<hbm>> -> memref<128x64xf32, #tpu.memory_space<hbm>>
      %dma_wait3A_1302 = arith.constant 0 : i32
      %dma_wait3A_1303 = arith.constant 0 : i32
      %dma_wait3A_1304 = tpu.memref_slice %arg2[%dma_wait3A_1302, %dma_wait3A_1303] : memref<1000000x64xf32, #tpu.memory_space<hbm>> -> memref<128x64xf32, #tpu.memory_space<hbm>>
      tpu.wait_dma2 semaphore(%arg17 : memref<!tpu.dma_semaphore, #tpu.memory_space<semaphore_mem>>) src(%dma_wait3A_1304 : memref<128x64xf32, #tpu.memory_space<hbm>>) dst(%arg9 : memref<128x64xf32, #tpu.memory_space<vmem>>)
      %dma_wait3A_1305 = arith.constant 0 : i32
      %dma_wait3A_1306 = arith.constant 0 : i32
      %dma_wait3A_1307 = arith.constant 0 : i32
      %dma_wait3A_1308 = arith.constant 0 : i32
      %dma_wait3A_1309 = arith.constant 0 : i32
      %dma_wait3A_1310 = tpu.memref_slice %arg13[%dma_wait3A_1307, %dma_wait3A_1308, %dma_wait3A_1309] : memref<8x8x129xf32, #tpu.memory_space<vmem>> -> memref<8x8x128xf32, #tpu.memory_space<vmem>>
      %dma_wait3A_1311 = arith.constant 0 : i32
      %dma_wait3A_1312 = arith.constant 0 : i32
      %dma_wait3A_1313 = arith.constant 0 : i32
      %dma_wait3A_1314 = tpu.memref_slice %arg4[%dma_wait3A_1305, %dma_wait3A_1311, %dma_wait3A_1306, %dma_wait3A_1312, %dma_wait3A_1313] : memref<200x8x32x8x128xf32, #tpu.memory_space<hbm>> -> memref<1x8x1x8x128xf32, #tpu.memory_space<hbm>>
      %dma_wait3A_1315 = tpu.memref_squeeze %dma_wait3A_1314 : memref<1x8x1x8x128xf32, #tpu.memory_space<hbm>> -> memref<8x8x128xf32, #tpu.memory_space<hbm>>
      %dma_wait3A_1316 = arith.constant 0 : i32
      %dma_wait3A_1317 = arith.constant 0 : i32
      %dma_wait3A_1318 = arith.constant 0 : i32
      %dma_wait3A_1319 = tpu.memref_slice %arg4[%dma_wait3A_1305, %dma_wait3A_1316, %dma_wait3A_1306, %dma_wait3A_1317, %dma_wait3A_1318] : memref<200x8x32x8x128xf32, #tpu.memory_space<hbm>> -> memref<1x8x1x8x128xf32, #tpu.memory_space<hbm>>
      %dma_wait3A_1320 = tpu.memref_squeeze %dma_wait3A_1319 : memref<1x8x1x8x128xf32, #tpu.memory_space<hbm>> -> memref<8x8x128xf32, #tpu.memory_space<hbm>>
      %dma_wait3A_1321 = arith.constant 0 : i32
      %dma_wait3A_1322 = arith.constant 0 : i32
      %dma_wait3A_1323 = arith.constant 0 : i32
      %dma_wait3A_1324 = tpu.memref_slice %arg13[%dma_wait3A_1321, %dma_wait3A_1322, %dma_wait3A_1323] : memref<8x8x129xf32, #tpu.memory_space<vmem>> -> memref<8x8x128xf32, #tpu.memory_space<vmem>>
      tpu.wait_dma2 semaphore(%arg21 : memref<!tpu.dma_semaphore, #tpu.memory_space<semaphore_mem>>) src(%dma_wait3A_1324 : memref<8x8x128xf32, #tpu.memory_space<vmem>>) dst(%dma_wait3A_1320 : memref<8x8x128xf32, #tpu.memory_space<hbm>>)
      %parallel_loop3A_1325 = arith.constant 0 : i32
      %parallel_loop3A_1326 = arith.constant 128 : i32
      %parallel_loop3A_1327 = arith.constant 1 : i32
      scf.for %parallel_loop3A_1395 = %parallel_loop3A_1325 to %parallel_loop3A_1326 step %parallel_loop3A_1327  : i32 {
        %parallel_loop3A_1396 = arith.constant 0 : i32
        %parallel_loop3A_1397 = vector.broadcast %parallel_loop3A_1396 : i32 to vector<16xi32>
        %parallel_loop3A_1398 = vector.broadcast %parallel_loop3A_1395 : i32 to vector<16xi32>
        %parallel_loop3A_1399 = arith.addi %parallel_loop3A_1397, %parallel_loop3A_1398 : vector<16xi32>
        %parallel_loop3A_1400 = arith.index_cast %parallel_loop3A_1395 : i32 to index
        %parallel_loop3A_1401 = arith.constant 0 : index
        %parallel_loop3A_1402 = tpu.vector_load %arg9[%parallel_loop3A_1400, %parallel_loop3A_1401] {strides = array<i32>} : memref<128x64xf32, #tpu.memory_space<vmem>>, vector<16xf32>,
        %parallel_loop3A_1403 = arith.constant 1.000000e+00 : f32
        %parallel_loop3A_1404 = vector.broadcast %parallel_loop3A_1403 : f32 to vector<16xf32>
        %parallel_loop3A_1405 = arith.addf %parallel_loop3A_1402, %parallel_loop3A_1404 : vector<16xf32>
        tpu.vector_store_idx %arg13[%select_n3A, %select_n3A_153, %parallel_loop3A_1399], %parallel_loop3A_1405 : memref<8x8x129xf32, #tpu.memory_space<vmem>>[vector<16xi32>, vector<16xi32>, vector<16xi32>], vector<16xf32>,
        %parallel_loop3A_1406 = arith.index_cast %parallel_loop3A_1395 : i32 to index
        %parallel_loop3A_1407 = arith.constant 16 : index
        %parallel_loop3A_1408 = tpu.vector_load %arg9[%parallel_loop3A_1406, %parallel_loop3A_1407] {strides = array<i32>} : memref<128x64xf32, #tpu.memory_space<vmem>>, vector<16xf32>,
        %parallel_loop3A_1409 = arith.constant 1.000000e+00 : f32
        %parallel_loop3A_1410 = vector.broadcast %parallel_loop3A_1409 : f32 to vector<16xf32>
        %parallel_loop3A_1411 = arith.addf %parallel_loop3A_1408, %parallel_loop3A_1410 : vector<16xf32>
        tpu.vector_store_idx %arg13[%select_n3A_62, %select_n3A_178, %parallel_loop3A_1399], %parallel_loop3A_1411 : memref<8x8x129xf32, #tpu.memory_space<vmem>>[vector<16xi32>, vector<16xi32>, vector<16xi32>], vector<16xf32>,
        %parallel_loop3A_1412 = arith.index_cast %parallel_loop3A_1395 : i32 to index
        %parallel_loop3A_1413 = arith.constant 32 : index
        %parallel_loop3A_1414 = tpu.vector_load %arg9[%parallel_loop3A_1412, %parallel_loop3A_1413] {strides = array<i32>} : memref<128x64xf32, #tpu.memory_space<vmem>>, vector<16xf32>,
        %parallel_loop3A_1415 = arith.constant 1.000000e+00 : f32
        %parallel_loop3A_1416 = vector.broadcast %parallel_loop3A_1415 : f32 to vector<16xf32>
        %parallel_loop3A_1417 = arith.addf %parallel_loop3A_1414, %parallel_loop3A_1416 : vector<16xf32>
        tpu.vector_store_idx %arg13[%select_n3A_96, %select_n3A_203, %parallel_loop3A_1399], %parallel_loop3A_1417 : memref<8x8x129xf32, #tpu.memory_space<vmem>>[vector<16xi32>, vector<16xi32>, vector<16xi32>], vector<16xf32>,
        %parallel_loop3A_1418 = arith.index_cast %parallel_loop3A_1395 : i32 to index
        %parallel_loop3A_1419 = arith.constant 48 : index
        %parallel_loop3A_1420 = tpu.vector_load %arg9[%parallel_loop3A_1418, %parallel_loop3A_1419] {strides = array<i32>} : memref<128x64xf32, #tpu.memory_space<vmem>>, vector<16xf32>,
        %parallel_loop3A_1421 = arith.constant 1.000000e+00 : f32
        %parallel_loop3A_1422 = vector.broadcast %parallel_loop3A_1421 : f32 to vector<16xf32>
        %parallel_loop3A_1423 = arith.addf %parallel_loop3A_1420, %parallel_loop3A_1422 : vector<16xf32>
        tpu.vector_store_idx %arg13[%select_n3A_130, %select_n3A_228, %parallel_loop3A_1399], %parallel_loop3A_1423 : memref<8x8x129xf32, #tpu.memory_space<vmem>>[vector<16xi32>, vector<16xi32>, vector<16xi32>], vector<16xf32>,
      } {sc.loop_unroll_factor = 2 : i64, sc.parallel_access}
      %add3A_1328 = arith.constant 4 : i32
      %add3A_1329 = arith.addi %add3A_1298, %add3A_1328 : i32
      %dma_start3A_1330 = arith.constant 0 : i32
      %dma_start3A_1331 = tpu.memref_slice %arg5[%add3A_1329, %dma_start3A_1330] : memref<200x128xi32, #tpu.memory_space<vmem>> -> memref<1x128xi32, #tpu.memory_space<vmem>>
      %dma_start3A_1332 = tpu.memref_squeeze %dma_start3A_1331 : memref<1x128xi32, #tpu.memory_space<vmem>> -> memref<128xi32, #tpu.memory_space<vmem>>
      %dma_start3A_1333 = arith.constant 0 : i32
      %dma_start3A_1334 = arith.constant 0 : i32
      %dma_start3A_1335 = tpu.memref_slice %arg2[%dma_start3A_1333, %dma_start3A_1334] : memref<1000000x64xf32, #tpu.memory_space<hbm>> -> memref<1000000x64xf32, #tpu.memory_space<hbm>>
      tpu.enqueue_indirect_dma source(%dma_start3A_1335 : memref<1000000x64xf32, #tpu.memory_space<hbm>>) target(%arg9 : memref<128x64xf32, #tpu.memory_space<vmem>>) offsets(%dma_start3A_1332 : memref<128xi32, #tpu.memory_space<vmem>>) semaphore(%arg17 : memref<!tpu.dma_semaphore, #tpu.memory_space<semaphore_mem>>)
      %add3A_1336 = arith.addi %mul3A_2, %add3A_1298 : i32
      %jit3A_1337 = arith.constant 32 : i32
      %div3A_1338 = arith.divsi %add3A_1336, %jit3A_1337 : i32
      %sign3A_1339 = arith.constant 0 : i32
      %sign3A_1340 = arith.cmpi sgt, %add3A_1336, %sign3A_1339 : i32
      %sign3A_1341 = arith.extui %sign3A_1340 : i1 to i32
      %sign3A_1342 = arith.constant 0 : i32
      %sign3A_1343 = arith.cmpi slt, %add3A_1336, %sign3A_1342 : i32
      %sign3A_1344 = arith.extui %sign3A_1343 : i1 to i32
      %sign3A_1345 = arith.subi %sign3A_1341, %sign3A_1344 : i32
      %sign3A_1346 = arith.constant 0 : i32
      %sign3A_1347 = arith.cmpi sgt, %jit3A_1337, %sign3A_1346 : i32
      %sign3A_1348 = arith.extui %sign3A_1347 : i1 to i32
      %sign3A_1349 = arith.constant 0 : i32
      %sign3A_1350 = arith.cmpi slt, %jit3A_1337, %sign3A_1349 : i32
      %sign3A_1351 = arith.extui %sign3A_1350 : i1 to i32
      %sign3A_1352 = arith.subi %sign3A_1348, %sign3A_1351 : i32
      %ne3A_1353 = arith.cmpi ne, %sign3A_1345, %sign3A_1352 : i32
      %rem3A_1354 = arith.remsi %add3A_1336, %jit3A_1337 : i32
      %ne3A_1355 = arith.constant 0 : i32
      %ne3A_1356 = arith.cmpi ne, %rem3A_1354, %ne3A_1355 : i32
      %and3A_1357 = arith.andi %ne3A_1353, %ne3A_1356 : i1
      %sub3A_1358 = arith.constant 1 : i32
      %sub3A_1359 = arith.subi %div3A_1338, %sub3A_1358 : i32
      %select_n3A_1360 = arith.select %and3A_1357, %sub3A_1359, %div3A_1338 : i32
      %jit3A_1361 = arith.constant 32 : i32
      %eq3A_1362 = arith.constant 0 : i32
      %eq3A_1363 = arith.cmpi eq, %jit3A_1361, %eq3A_1362 : i32
      %jit3A_1364 = arith.constant 1 : i32
      %select_n3A_1365 = arith.select %eq3A_1363, %jit3A_1364, %jit3A_1361 : i32
      %rem3A_1366 = arith.remsi %add3A_1336, %select_n3A_1365 : i32
      %ne3A_1367 = arith.constant 0 : i32
      %ne3A_1368 = arith.cmpi ne, %rem3A_1366, %ne3A_1367 : i32
      %lt3A_1369 = arith.constant 0 : i32
      %lt3A_1370 = arith.cmpi slt, %rem3A_1366, %lt3A_1369 : i32
      %lt3A_1371 = arith.constant 0 : i32
      %lt3A_1372 = arith.cmpi slt, %select_n3A_1365, %lt3A_1371 : i32
      %ne3A_1373 = arith.xori %lt3A_1370, %lt3A_1372 : i1
      %and3A_1374 = arith.andi %ne3A_1373, %ne3A_1368 : i1
      %add3A_1375 = arith.addi %rem3A_1366, %select_n3A_1365 : i32
      %select_n3A_1376 = arith.select %and3A_1374, %add3A_1375, %rem3A_1366 : i32
      %dma_start3A_1377 = arith.constant 0 : i32
      %dma_start3A_1378 = arith.constant 0 : i32
      %dma_start3A_1379 = arith.constant 0 : i32
      %dma_start3A_1380 = tpu.memref_slice %arg13[%dma_start3A_1377, %dma_start3A_1378, %dma_start3A_1379] : memref<8x8x129xf32, #tpu.memory_space<vmem>> -> memref<8x8x128xf32, #tpu.memory_space<vmem>>
      %dma_start3A_1381 = arith.constant 0 : i32
      %dma_start3A_1382 = arith.constant 0 : i32
      %dma_start3A_1383 = arith.constant 0 : i32
      %dma_start3A_1384 = tpu.memref_slice %arg4[%select_n3A_1360, %dma_start3A_1381, %select_n3A_1376, %dma_start3A_1382, %dma_start3A_1383] : memref<200x8x32x8x128xf32, #tpu.memory_space<hbm>> -> memref<1x8x1x8x128xf32, #tpu.memory_space<hbm>>
      %dma_start3A_1385 = tpu.memref_squeeze %dma_start3A_1384 : memref<1x8x1x8x128xf32, #tpu.memory_space<hbm>> -> memref<8x8x128xf32, #tpu.memory_space<hbm>>
      %dma_start3A_1386 = arith.constant 0 : i32
      %dma_start3A_1387 = arith.constant 0 : i32
      %dma_start3A_1388 = arith.constant 0 : i32
      %dma_start3A_1389 = tpu.memref_slice %arg4[%select_n3A_1360, %dma_start3A_1386, %select_n3A_1376, %dma_start3A_1387, %dma_start3A_1388] : memref<200x8x32x8x128xf32, #tpu.memory_space<hbm>> -> memref<1x8x1x8x128xf32, #tpu.memory_space<hbm>>
      %dma_start3A_1390 = tpu.memref_squeeze %dma_start3A_1389 : memref<1x8x1x8x128xf32, #tpu.memory_space<hbm>> -> memref<8x8x128xf32, #tpu.memory_space<hbm>>
      %dma_start3A_1391 = arith.constant 0 : i32
      %dma_start3A_1392 = arith.constant 0 : i32
      %dma_start3A_1393 = arith.constant 0 : i32
      %dma_start3A_1394 = tpu.memref_slice %arg13[%dma_start3A_1391, %dma_start3A_1392, %dma_start3A_1393] : memref<8x8x129xf32, #tpu.memory_space<vmem>> -> memref<8x8x128xf32, #tpu.memory_space<vmem>>
      tpu.enqueue_dma source(%dma_start3A_1394 : memref<8x8x128xf32, #tpu.memory_space<vmem>>) target(%dma_start3A_1390 : memref<8x8x128xf32, #tpu.memory_space<hbm>>) target_semaphore(%arg21 : memref<!tpu.dma_semaphore, #tpu.memory_space<semaphore_mem>>)
    }
    %scan3A_561 = arith.constant 48 : i32
    %dma_wait3A_562 = arith.constant 0 : i32
    %dma_wait3A_563 = arith.constant 0 : i32
    %dma_wait3A_564 = tpu.memref_slice %arg2[%dma_wait3A_562, %dma_wait3A_563] : memref<1000000x64xf32, #tpu.memory_space<hbm>> -> memref<128x64xf32, #tpu.memory_space<hbm>>
    %dma_wait3A_565 = arith.constant 0 : i32
    %dma_wait3A_566 = arith.constant 0 : i32
    %dma_wait3A_567 = tpu.memref_slice %arg2[%dma_wait3A_565, %dma_wait3A_566] : memref<1000000x64xf32, #tpu.memory_space<hbm>> -> memref<128x64xf32, #tpu.memory_space<hbm>>
    tpu.wait_dma2 semaphore(%arg14 : memref<!tpu.dma_semaphore, #tpu.memory_space<semaphore_mem>>) src(%dma_wait3A_567 : memref<128x64xf32, #tpu.memory_space<hbm>>) dst(%arg6 : memref<128x64xf32, #tpu.memory_space<vmem>>)
    %dma_wait3A_568 = arith.constant 0 : i32
    %dma_wait3A_569 = arith.constant 0 : i32
    %dma_wait3A_570 = arith.constant 0 : i32
    %dma_wait3A_571 = arith.constant 0 : i32
    %dma_wait3A_572 = arith.constant 0 : i32
    %dma_wait3A_573 = tpu.memref_slice %arg10[%dma_wait3A_570, %dma_wait3A_571, %dma_wait3A_572] : memref<8x8x129xf32, #tpu.memory_space<vmem>> -> memref<8x8x128xf32, #tpu.memory_space<vmem>>
    %dma_wait3A_574 = arith.constant 0 : i32
    %dma_wait3A_575 = arith.constant 0 : i32
    %dma_wait3A_576 = arith.constant 0 : i32
    %dma_wait3A_577 = tpu.memref_slice %arg4[%dma_wait3A_568, %dma_wait3A_574, %dma_wait3A_569, %dma_wait3A_575, %dma_wait3A_576] : memref<200x8x32x8x128xf32, #tpu.memory_space<hbm>> -> memref<1x8x1x8x128xf32, #tpu.memory_space<hbm>>
    %dma_wait3A_578 = tpu.memref_squeeze %dma_wait3A_577 : memref<1x8x1x8x128xf32, #tpu.memory_space<hbm>> -> memref<8x8x128xf32, #tpu.memory_space<hbm>>
    %dma_wait3A_579 = arith.constant 0 : i32
    %dma_wait3A_580 = arith.constant 0 : i32
    %dma_wait3A_581 = arith.constant 0 : i32
    %dma_wait3A_582 = tpu.memref_slice %arg4[%dma_wait3A_568, %dma_wait3A_579, %dma_wait3A_569, %dma_wait3A_580, %dma_wait3A_581] : memref<200x8x32x8x128xf32, #tpu.memory_space<hbm>> -> memref<1x8x1x8x128xf32, #tpu.memory_space<hbm>>
    %dma_wait3A_583 = tpu.memref_squeeze %dma_wait3A_582 : memref<1x8x1x8x128xf32, #tpu.memory_space<hbm>> -> memref<8x8x128xf32, #tpu.memory_space<hbm>>
    %dma_wait3A_584 = arith.constant 0 : i32
    %dma_wait3A_585 = arith.constant 0 : i32
    %dma_wait3A_586 = arith.constant 0 : i32
    %dma_wait3A_587 = tpu.memref_slice %arg10[%dma_wait3A_584, %dma_wait3A_585, %dma_wait3A_586] : memref<8x8x129xf32, #tpu.memory_space<vmem>> -> memref<8x8x128xf32, #tpu.memory_space<vmem>>
    tpu.wait_dma2 semaphore(%arg18 : memref<!tpu.dma_semaphore, #tpu.memory_space<semaphore_mem>>) src(%dma_wait3A_587 : memref<8x8x128xf32, #tpu.memory_space<vmem>>) dst(%dma_wait3A_583 : memref<8x8x128xf32, #tpu.memory_space<hbm>>)
    %parallel_loop3A_588 = arith.constant 0 : i32
    %parallel_loop3A_589 = arith.constant 128 : i32
    %parallel_loop3A_590 = arith.constant 1 : i32
    scf.for %parallel_loop3A_998 = %parallel_loop3A_588 to %parallel_loop3A_589 step %parallel_loop3A_590  : i32 {
      %parallel_loop3A_999 = arith.constant 0 : i32
      %parallel_loop3A_1000 = vector.broadcast %parallel_loop3A_999 : i32 to vector<16xi32>
      %parallel_loop3A_1001 = vector.broadcast %parallel_loop3A_998 : i32 to vector<16xi32>
      %parallel_loop3A_1002 = arith.addi %parallel_loop3A_1000, %parallel_loop3A_1001 : vector<16xi32>
      %parallel_loop3A_1003 = arith.index_cast %parallel_loop3A_998 : i32 to index
      %parallel_loop3A_1004 = arith.constant 0 : index
      %parallel_loop3A_1005 = tpu.vector_load %arg6[%parallel_loop3A_1003, %parallel_loop3A_1004] {strides = array<i32>} : memref<128x64xf32, #tpu.memory_space<vmem>>, vector<16xf32>,
      %parallel_loop3A_1006 = arith.constant 1.000000e+00 : f32
      %parallel_loop3A_1007 = vector.broadcast %parallel_loop3A_1006 : f32 to vector<16xf32>
      %parallel_loop3A_1008 = arith.addf %parallel_loop3A_1005, %parallel_loop3A_1007 : vector<16xf32>
      tpu.vector_store_idx %arg10[%select_n3A, %select_n3A_153, %parallel_loop3A_1002], %parallel_loop3A_1008 : memref<8x8x129xf32, #tpu.memory_space<vmem>>[vector<16xi32>, vector<16xi32>, vector<16xi32>], vector<16xf32>,
      %parallel_loop3A_1009 = arith.index_cast %parallel_loop3A_998 : i32 to index
      %parallel_loop3A_1010 = arith.constant 16 : index
      %parallel_loop3A_1011 = tpu.vector_load %arg6[%parallel_loop3A_1009, %parallel_loop3A_1010] {strides = array<i32>} : memref<128x64xf32, #tpu.memory_space<vmem>>, vector<16xf32>,
      %parallel_loop3A_1012 = arith.constant 1.000000e+00 : f32
      %parallel_loop3A_1013 = vector.broadcast %parallel_loop3A_1012 : f32 to vector<16xf32>
      %parallel_loop3A_1014 = arith.addf %parallel_loop3A_1011, %parallel_loop3A_1013 : vector<16xf32>
      tpu.vector_store_idx %arg10[%select_n3A_62, %select_n3A_178, %parallel_loop3A_1002], %parallel_loop3A_1014 : memref<8x8x129xf32, #tpu.memory_space<vmem>>[vector<16xi32>, vector<16xi32>, vector<16xi32>], vector<16xf32>,
      %parallel_loop3A_1015 = arith.index_cast %parallel_loop3A_998 : i32 to index
      %parallel_loop3A_1016 = arith.constant 32 : index
      %parallel_loop3A_1017 = tpu.vector_load %arg6[%parallel_loop3A_1015, %parallel_loop3A_1016] {strides = array<i32>} : memref<128x64xf32, #tpu.memory_space<vmem>>, vector<16xf32>,
      %parallel_loop3A_1018 = arith.constant 1.000000e+00 : f32
      %parallel_loop3A_1019 = vector.broadcast %parallel_loop3A_1018 : f32 to vector<16xf32>
      %parallel_loop3A_1020 = arith.addf %parallel_loop3A_1017, %parallel_loop3A_1019 : vector<16xf32>
      tpu.vector_store_idx %arg10[%select_n3A_96, %select_n3A_203, %parallel_loop3A_1002], %parallel_loop3A_1020 : memref<8x8x129xf32, #tpu.memory_space<vmem>>[vector<16xi32>, vector<16xi32>, vector<16xi32>], vector<16xf32>,
      %parallel_loop3A_1021 = arith.index_cast %parallel_loop3A_998 : i32 to index
      %parallel_loop3A_1022 = arith.constant 48 : index
      %parallel_loop3A_1023 = tpu.vector_load %arg6[%parallel_loop3A_1021, %parallel_loop3A_1022] {strides = array<i32>} : memref<128x64xf32, #tpu.memory_space<vmem>>, vector<16xf32>,
      %parallel_loop3A_1024 = arith.constant 1.000000e+00 : f32
      %parallel_loop3A_1025 = vector.broadcast %parallel_loop3A_1024 : f32 to vector<16xf32>
      %parallel_loop3A_1026 = arith.addf %parallel_loop3A_1023, %parallel_loop3A_1025 : vector<16xf32>
      tpu.vector_store_idx %arg10[%select_n3A_130, %select_n3A_228, %parallel_loop3A_1002], %parallel_loop3A_1026 : memref<8x8x129xf32, #tpu.memory_space<vmem>>[vector<16xi32>, vector<16xi32>, vector<16xi32>], vector<16xf32>,
    } {sc.loop_unroll_factor = 2 : i64, sc.parallel_access}
    %add3A_591 = arith.constant 196 : i32
    %add3A_592 = arith.addi %mul3A_2, %add3A_591 : i32
    %jit3A_593 = arith.constant 32 : i32
    %div3A_594 = arith.divsi %add3A_592, %jit3A_593 : i32
    %sign3A_595 = arith.constant 0 : i32
    %sign3A_596 = arith.cmpi sgt, %add3A_592, %sign3A_595 : i32
    %sign3A_597 = arith.extui %sign3A_596 : i1 to i32
    %sign3A_598 = arith.constant 0 : i32
    %sign3A_599 = arith.cmpi slt, %add3A_592, %sign3A_598 : i32
    %sign3A_600 = arith.extui %sign3A_599 : i1 to i32
    %sign3A_601 = arith.subi %sign3A_597, %sign3A_600 : i32
    %sign3A_602 = arith.constant 0 : i32
    %sign3A_603 = arith.cmpi sgt, %jit3A_593, %sign3A_602 : i32
    %sign3A_604 = arith.extui %sign3A_603 : i1 to i32
    %sign3A_605 = arith.constant 0 : i32
    %sign3A_606 = arith.cmpi slt, %jit3A_593, %sign3A_605 : i32
    %sign3A_607 = arith.extui %sign3A_606 : i1 to i32
    %sign3A_608 = arith.subi %sign3A_604, %sign3A_607 : i32
    %ne3A_609 = arith.cmpi ne, %sign3A_601, %sign3A_608 : i32
    %rem3A_610 = arith.remsi %add3A_592, %jit3A_593 : i32
    %ne3A_611 = arith.constant 0 : i32
    %ne3A_612 = arith.cmpi ne, %rem3A_610, %ne3A_611 : i32
    %and3A_613 = arith.andi %ne3A_609, %ne3A_612 : i1
    %sub3A_614 = arith.constant 1 : i32
    %sub3A_615 = arith.subi %div3A_594, %sub3A_614 : i32
    %select_n3A_616 = arith.select %and3A_613, %sub3A_615, %div3A_594 : i32
    %jit3A_617 = arith.constant 32 : i32
    %eq3A_618 = arith.constant 0 : i32
    %eq3A_619 = arith.cmpi eq, %jit3A_617, %eq3A_618 : i32
    %jit3A_620 = arith.constant 1 : i32
    %select_n3A_621 = arith.select %eq3A_619, %jit3A_620, %jit3A_617 : i32
    %rem3A_622 = arith.remsi %add3A_592, %select_n3A_621 : i32
    %ne3A_623 = arith.constant 0 : i32
    %ne3A_624 = arith.cmpi ne, %rem3A_622, %ne3A_623 : i32
    %lt3A_625 = arith.constant 0 : i32
    %lt3A_626 = arith.cmpi slt, %rem3A_622, %lt3A_625 : i32
    %lt3A_627 = arith.constant 0 : i32
    %lt3A_628 = arith.cmpi slt, %select_n3A_621, %lt3A_627 : i32
    %ne3A_629 = arith.xori %lt3A_626, %lt3A_628 : i1
    %and3A_630 = arith.andi %ne3A_629, %ne3A_624 : i1
    %add3A_631 = arith.addi %rem3A_622, %select_n3A_621 : i32
    %select_n3A_632 = arith.select %and3A_630, %add3A_631, %rem3A_622 : i32
    %dma_start3A_633 = arith.constant 0 : i32
    %dma_start3A_634 = arith.constant 0 : i32
    %dma_start3A_635 = arith.constant 0 : i32
    %dma_start3A_636 = tpu.memref_slice %arg10[%dma_start3A_633, %dma_start3A_634, %dma_start3A_635] : memref<8x8x129xf32, #tpu.memory_space<vmem>> -> memref<8x8x128xf32, #tpu.memory_space<vmem>>
    %dma_start3A_637 = arith.constant 0 : i32
    %dma_start3A_638 = arith.constant 0 : i32
    %dma_start3A_639 = arith.constant 0 : i32
    %dma_start3A_640 = tpu.memref_slice %arg4[%select_n3A_616, %dma_start3A_637, %select_n3A_632, %dma_start3A_638, %dma_start3A_639] : memref<200x8x32x8x128xf32, #tpu.memory_space<hbm>> -> memref<1x8x1x8x128xf32, #tpu.memory_space<hbm>>
    %dma_start3A_641 = tpu.memref_squeeze %dma_start3A_640 : memref<1x8x1x8x128xf32, #tpu.memory_space<hbm>> -> memref<8x8x128xf32, #tpu.memory_space<hbm>>
    %dma_start3A_642 = arith.constant 0 : i32
    %dma_start3A_643 = arith.constant 0 : i32
    %dma_start3A_644 = arith.constant 0 : i32
    %dma_start3A_645 = tpu.memref_slice %arg4[%select_n3A_616, %dma_start3A_642, %select_n3A_632, %dma_start3A_643, %dma_start3A_644] : memref<200x8x32x8x128xf32, #tpu.memory_space<hbm>> -> memref<1x8x1x8x128xf32, #tpu.memory_space<hbm>>
    %dma_start3A_646 = tpu.memref_squeeze %dma_start3A_645 : memref<1x8x1x8x128xf32, #tpu.memory_space<hbm>> -> memref<8x8x128xf32, #tpu.memory_space<hbm>>
    %dma_start3A_647 = arith.constant 0 : i32
    %dma_start3A_648 = arith.constant 0 : i32
    %dma_start3A_649 = arith.constant 0 : i32
    %dma_start3A_650 = tpu.memref_slice %arg10[%dma_start3A_647, %dma_start3A_648, %dma_start3A_649] : memref<8x8x129xf32, #tpu.memory_space<vmem>> -> memref<8x8x128xf32, #tpu.memory_space<vmem>>
    tpu.enqueue_dma source(%dma_start3A_650 : memref<8x8x128xf32, #tpu.memory_space<vmem>>) target(%dma_start3A_646 : memref<8x8x128xf32, #tpu.memory_space<hbm>>) target_semaphore(%arg18 : memref<!tpu.dma_semaphore, #tpu.memory_space<semaphore_mem>>)
    %dma_wait3A_651 = arith.constant 0 : i32
    %dma_wait3A_652 = arith.constant 0 : i32
    %dma_wait3A_653 = tpu.memref_slice %arg2[%dma_wait3A_651, %dma_wait3A_652] : memref<1000000x64xf32, #tpu.memory_space<hbm>> -> memref<128x64xf32, #tpu.memory_space<hbm>>
    %dma_wait3A_654 = arith.constant 0 : i32
    %dma_wait3A_655 = arith.constant 0 : i32
    %dma_wait3A_656 = tpu.memref_slice %arg2[%dma_wait3A_654, %dma_wait3A_655] : memref<1000000x64xf32, #tpu.memory_space<hbm>> -> memref<128x64xf32, #tpu.memory_space<hbm>>
    tpu.wait_dma2 semaphore(%arg15 : memref<!tpu.dma_semaphore, #tpu.memory_space<semaphore_mem>>) src(%dma_wait3A_656 : memref<128x64xf32, #tpu.memory_space<hbm>>) dst(%arg7 : memref<128x64xf32, #tpu.memory_space<vmem>>)
    %dma_wait3A_657 = arith.constant 0 : i32
    %dma_wait3A_658 = arith.constant 0 : i32
    %dma_wait3A_659 = arith.constant 0 : i32
    %dma_wait3A_660 = arith.constant 0 : i32
    %dma_wait3A_661 = arith.constant 0 : i32
    %dma_wait3A_662 = tpu.memref_slice %arg11[%dma_wait3A_659, %dma_wait3A_660, %dma_wait3A_661] : memref<8x8x129xf32, #tpu.memory_space<vmem>> -> memref<8x8x128xf32, #tpu.memory_space<vmem>>
    %dma_wait3A_663 = arith.constant 0 : i32
    %dma_wait3A_664 = arith.constant 0 : i32
    %dma_wait3A_665 = arith.constant 0 : i32
    %dma_wait3A_666 = tpu.memref_slice %arg4[%dma_wait3A_657, %dma_wait3A_663, %dma_wait3A_658, %dma_wait3A_664, %dma_wait3A_665] : memref<200x8x32x8x128xf32, #tpu.memory_space<hbm>> -> memref<1x8x1x8x128xf32, #tpu.memory_space<hbm>>
    %dma_wait3A_667 = tpu.memref_squeeze %dma_wait3A_666 : memref<1x8x1x8x128xf32, #tpu.memory_space<hbm>> -> memref<8x8x128xf32, #tpu.memory_space<hbm>>
    %dma_wait3A_668 = arith.constant 0 : i32
    %dma_wait3A_669 = arith.constant 0 : i32
    %dma_wait3A_670 = arith.constant 0 : i32
    %dma_wait3A_671 = tpu.memref_slice %arg4[%dma_wait3A_657, %dma_wait3A_668, %dma_wait3A_658, %dma_wait3A_669, %dma_wait3A_670] : memref<200x8x32x8x128xf32, #tpu.memory_space<hbm>> -> memref<1x8x1x8x128xf32, #tpu.memory_space<hbm>>
    %dma_wait3A_672 = tpu.memref_squeeze %dma_wait3A_671 : memref<1x8x1x8x128xf32, #tpu.memory_space<hbm>> -> memref<8x8x128xf32, #tpu.memory_space<hbm>>
    %dma_wait3A_673 = arith.constant 0 : i32
    %dma_wait3A_674 = arith.constant 0 : i32
    %dma_wait3A_675 = arith.constant 0 : i32
    %dma_wait3A_676 = tpu.memref_slice %arg11[%dma_wait3A_673, %dma_wait3A_674, %dma_wait3A_675] : memref<8x8x129xf32, #tpu.memory_space<vmem>> -> memref<8x8x128xf32, #tpu.memory_space<vmem>>
    tpu.wait_dma2 semaphore(%arg19 : memref<!tpu.dma_semaphore, #tpu.memory_space<semaphore_mem>>) src(%dma_wait3A_676 : memref<8x8x128xf32, #tpu.memory_space<vmem>>) dst(%dma_wait3A_672 : memref<8x8x128xf32, #tpu.memory_space<hbm>>)
    %parallel_loop3A_677 = arith.constant 0 : i32
    %parallel_loop3A_678 = arith.constant 128 : i32
    %parallel_loop3A_679 = arith.constant 1 : i32
    scf.for %parallel_loop3A_998 = %parallel_loop3A_677 to %parallel_loop3A_678 step %parallel_loop3A_679  : i32 {
      %parallel_loop3A_999 = arith.constant 0 : i32
      %parallel_loop3A_1000 = vector.broadcast %parallel_loop3A_999 : i32 to vector<16xi32>
      %parallel_loop3A_1001 = vector.broadcast %parallel_loop3A_998 : i32 to vector<16xi32>
      %parallel_loop3A_1002 = arith.addi %parallel_loop3A_1000, %parallel_loop3A_1001 : vector<16xi32>
      %parallel_loop3A_1003 = arith.index_cast %parallel_loop3A_998 : i32 to index
      %parallel_loop3A_1004 = arith.constant 0 : index
      %parallel_loop3A_1005 = tpu.vector_load %arg7[%parallel_loop3A_1003, %parallel_loop3A_1004] {strides = array<i32>} : memref<128x64xf32, #tpu.memory_space<vmem>>, vector<16xf32>,
      %parallel_loop3A_1006 = arith.constant 1.000000e+00 : f32
      %parallel_loop3A_1007 = vector.broadcast %parallel_loop3A_1006 : f32 to vector<16xf32>
      %parallel_loop3A_1008 = arith.addf %parallel_loop3A_1005, %parallel_loop3A_1007 : vector<16xf32>
      tpu.vector_store_idx %arg11[%select_n3A, %select_n3A_153, %parallel_loop3A_1002], %parallel_loop3A_1008 : memref<8x8x129xf32, #tpu.memory_space<vmem>>[vector<16xi32>, vector<16xi32>, vector<16xi32>], vector<16xf32>,
      %parallel_loop3A_1009 = arith.index_cast %parallel_loop3A_998 : i32 to index
      %parallel_loop3A_1010 = arith.constant 16 : index
      %parallel_loop3A_1011 = tpu.vector_load %arg7[%parallel_loop3A_1009, %parallel_loop3A_1010] {strides = array<i32>} : memref<128x64xf32, #tpu.memory_space<vmem>>, vector<16xf32>,
      %parallel_loop3A_1012 = arith.constant 1.000000e+00 : f32
      %parallel_loop3A_1013 = vector.broadcast %parallel_loop3A_1012 : f32 to vector<16xf32>
      %parallel_loop3A_1014 = arith.addf %parallel_loop3A_1011, %parallel_loop3A_1013 : vector<16xf32>
      tpu.vector_store_idx %arg11[%select_n3A_62, %select_n3A_178, %parallel_loop3A_1002], %parallel_loop3A_1014 : memref<8x8x129xf32, #tpu.memory_space<vmem>>[vector<16xi32>, vector<16xi32>, vector<16xi32>], vector<16xf32>,
      %parallel_loop3A_1015 = arith.index_cast %parallel_loop3A_998 : i32 to index
      %parallel_loop3A_1016 = arith.constant 32 : index
      %parallel_loop3A_1017 = tpu.vector_load %arg7[%parallel_loop3A_1015, %parallel_loop3A_1016] {strides = array<i32>} : memref<128x64xf32, #tpu.memory_space<vmem>>, vector<16xf32>,
      %parallel_loop3A_1018 = arith.constant 1.000000e+00 : f32
      %parallel_loop3A_1019 = vector.broadcast %parallel_loop3A_1018 : f32 to vector<16xf32>
      %parallel_loop3A_1020 = arith.addf %parallel_loop3A_1017, %parallel_loop3A_1019 : vector<16xf32>
      tpu.vector_store_idx %arg11[%select_n3A_96, %select_n3A_203, %parallel_loop3A_1002], %parallel_loop3A_1020 : memref<8x8x129xf32, #tpu.memory_space<vmem>>[vector<16xi32>, vector<16xi32>, vector<16xi32>], vector<16xf32>,
      %parallel_loop3A_1021 = arith.index_cast %parallel_loop3A_998 : i32 to index
      %parallel_loop3A_1022 = arith.constant 48 : index
      %parallel_loop3A_1023 = tpu.vector_load %arg7[%parallel_loop3A_1021, %parallel_loop3A_1022] {strides = array<i32>} : memref<128x64xf32, #tpu.memory_space<vmem>>, vector<16xf32>,
      %parallel_loop3A_1024 = arith.constant 1.000000e+00 : f32
      %parallel_loop3A_1025 = vector.broadcast %parallel_loop3A_1024 : f32 to vector<16xf32>
      %parallel_loop3A_1026 = arith.addf %parallel_loop3A_1023, %parallel_loop3A_1025 : vector<16xf32>
      tpu.vector_store_idx %arg11[%select_n3A_130, %select_n3A_228, %parallel_loop3A_1002], %parallel_loop3A_1026 : memref<8x8x129xf32, #tpu.memory_space<vmem>>[vector<16xi32>, vector<16xi32>, vector<16xi32>], vector<16xf32>,
    } {sc.loop_unroll_factor = 2 : i64, sc.parallel_access}
    %add3A_680 = arith.constant 197 : i32
    %add3A_681 = arith.addi %mul3A_2, %add3A_680 : i32
    %jit3A_682 = arith.constant 32 : i32
    %div3A_683 = arith.divsi %add3A_681, %jit3A_682 : i32
    %sign3A_684 = arith.constant 0 : i32
    %sign3A_685 = arith.cmpi sgt, %add3A_681, %sign3A_684 : i32
    %sign3A_686 = arith.extui %sign3A_685 : i1 to i32
    %sign3A_687 = arith.constant 0 : i32
    %sign3A_688 = arith.cmpi slt, %add3A_681, %sign3A_687 : i32
    %sign3A_689 = arith.extui %sign3A_688 : i1 to i32
    %sign3A_690 = arith.subi %sign3A_686, %sign3A_689 : i32
    %sign3A_691 = arith.constant 0 : i32
    %sign3A_692 = arith.cmpi sgt, %jit3A_682, %sign3A_691 : i32
    %sign3A_693 = arith.extui %sign3A_692 : i1 to i32
    %sign3A_694 = arith.constant 0 : i32
    %sign3A_695 = arith.cmpi slt, %jit3A_682, %sign3A_694 : i32
    %sign3A_696 = arith.extui %sign3A_695 : i1 to i32
    %sign3A_697 = arith.subi %sign3A_693, %sign3A_696 : i32
    %ne3A_698 = arith.cmpi ne, %sign3A_690, %sign3A_697 : i32
    %rem3A_699 = arith.remsi %add3A_681, %jit3A_682 : i32
    %ne3A_700 = arith.constant 0 : i32
    %ne3A_701 = arith.cmpi ne, %rem3A_699, %ne3A_700 : i32
    %and3A_702 = arith.andi %ne3A_698, %ne3A_701 : i1
    %sub3A_703 = arith.constant 1 : i32
    %sub3A_704 = arith.subi %div3A_683, %sub3A_703 : i32
    %select_n3A_705 = arith.select %and3A_702, %sub3A_704, %div3A_683 : i32
    %jit3A_706 = arith.constant 32 : i32
    %eq3A_707 = arith.constant 0 : i32
    %eq3A_708 = arith.cmpi eq, %jit3A_706, %eq3A_707 : i32
    %jit3A_709 = arith.constant 1 : i32
    %select_n3A_710 = arith.select %eq3A_708, %jit3A_709, %jit3A_706 : i32
    %rem3A_711 = arith.remsi %add3A_681, %select_n3A_710 : i32
    %ne3A_712 = arith.constant 0 : i32
    %ne3A_713 = arith.cmpi ne, %rem3A_711, %ne3A_712 : i32
    %lt3A_714 = arith.constant 0 : i32
    %lt3A_715 = arith.cmpi slt, %rem3A_711, %lt3A_714 : i32
    %lt3A_716 = arith.constant 0 : i32
    %lt3A_717 = arith.cmpi slt, %select_n3A_710, %lt3A_716 : i32
    %ne3A_718 = arith.xori %lt3A_715, %lt3A_717 : i1
    %and3A_719 = arith.andi %ne3A_718, %ne3A_713 : i1
    %add3A_720 = arith.addi %rem3A_711, %select_n3A_710 : i32
    %select_n3A_721 = arith.select %and3A_719, %add3A_720, %rem3A_711 : i32
    %dma_start3A_722 = arith.constant 0 : i32
    %dma_start3A_723 = arith.constant 0 : i32
    %dma_start3A_724 = arith.constant 0 : i32
    %dma_start3A_725 = tpu.memref_slice %arg11[%dma_start3A_722, %dma_start3A_723, %dma_start3A_724] : memref<8x8x129xf32, #tpu.memory_space<vmem>> -> memref<8x8x128xf32, #tpu.memory_space<vmem>>
    %dma_start3A_726 = arith.constant 0 : i32
    %dma_start3A_727 = arith.constant 0 : i32
    %dma_start3A_728 = arith.constant 0 : i32
    %dma_start3A_729 = tpu.memref_slice %arg4[%select_n3A_705, %dma_start3A_726, %select_n3A_721, %dma_start3A_727, %dma_start3A_728] : memref<200x8x32x8x128xf32, #tpu.memory_space<hbm>> -> memref<1x8x1x8x128xf32, #tpu.memory_space<hbm>>
    %dma_start3A_730 = tpu.memref_squeeze %dma_start3A_729 : memref<1x8x1x8x128xf32, #tpu.memory_space<hbm>> -> memref<8x8x128xf32, #tpu.memory_space<hbm>>
    %dma_start3A_731 = arith.constant 0 : i32
    %dma_start3A_732 = arith.constant 0 : i32
    %dma_start3A_733 = arith.constant 0 : i32
    %dma_start3A_734 = tpu.memref_slice %arg4[%select_n3A_705, %dma_start3A_731, %select_n3A_721, %dma_start3A_732, %dma_start3A_733] : memref<200x8x32x8x128xf32, #tpu.memory_space<hbm>> -> memref<1x8x1x8x128xf32, #tpu.memory_space<hbm>>
    %dma_start3A_735 = tpu.memref_squeeze %dma_start3A_734 : memref<1x8x1x8x128xf32, #tpu.memory_space<hbm>> -> memref<8x8x128xf32, #tpu.memory_space<hbm>>
    %dma_start3A_736 = arith.constant 0 : i32
    %dma_start3A_737 = arith.constant 0 : i32
    %dma_start3A_738 = arith.constant 0 : i32
    %dma_start3A_739 = tpu.memref_slice %arg11[%dma_start3A_736, %dma_start3A_737, %dma_start3A_738] : memref<8x8x129xf32, #tpu.memory_space<vmem>> -> memref<8x8x128xf32, #tpu.memory_space<vmem>>
    tpu.enqueue_dma source(%dma_start3A_739 : memref<8x8x128xf32, #tpu.memory_space<vmem>>) target(%dma_start3A_735 : memref<8x8x128xf32, #tpu.memory_space<hbm>>) target_semaphore(%arg19 : memref<!tpu.dma_semaphore, #tpu.memory_space<semaphore_mem>>)
    %dma_wait3A_740 = arith.constant 0 : i32
    %dma_wait3A_741 = arith.constant 0 : i32
    %dma_wait3A_742 = tpu.memref_slice %arg2[%dma_wait3A_740, %dma_wait3A_741] : memref<1000000x64xf32, #tpu.memory_space<hbm>> -> memref<128x64xf32, #tpu.memory_space<hbm>>
    %dma_wait3A_743 = arith.constant 0 : i32
    %dma_wait3A_744 = arith.constant 0 : i32
    %dma_wait3A_745 = tpu.memref_slice %arg2[%dma_wait3A_743, %dma_wait3A_744] : memref<1000000x64xf32, #tpu.memory_space<hbm>> -> memref<128x64xf32, #tpu.memory_space<hbm>>
    tpu.wait_dma2 semaphore(%arg16 : memref<!tpu.dma_semaphore, #tpu.memory_space<semaphore_mem>>) src(%dma_wait3A_745 : memref<128x64xf32, #tpu.memory_space<hbm>>) dst(%arg8 : memref<128x64xf32, #tpu.memory_space<vmem>>)
    %dma_wait3A_746 = arith.constant 0 : i32
    %dma_wait3A_747 = arith.constant 0 : i32
    %dma_wait3A_748 = arith.constant 0 : i32
    %dma_wait3A_749 = arith.constant 0 : i32
    %dma_wait3A_750 = arith.constant 0 : i32
    %dma_wait3A_751 = tpu.memref_slice %arg12[%dma_wait3A_748, %dma_wait3A_749, %dma_wait3A_750] : memref<8x8x129xf32, #tpu.memory_space<vmem>> -> memref<8x8x128xf32, #tpu.memory_space<vmem>>
    %dma_wait3A_752 = arith.constant 0 : i32
    %dma_wait3A_753 = arith.constant 0 : i32
    %dma_wait3A_754 = arith.constant 0 : i32
    %dma_wait3A_755 = tpu.memref_slice %arg4[%dma_wait3A_746, %dma_wait3A_752, %dma_wait3A_747, %dma_wait3A_753, %dma_wait3A_754] : memref<200x8x32x8x128xf32, #tpu.memory_space<hbm>> -> memref<1x8x1x8x128xf32, #tpu.memory_space<hbm>>
    %dma_wait3A_756 = tpu.memref_squeeze %dma_wait3A_755 : memref<1x8x1x8x128xf32, #tpu.memory_space<hbm>> -> memref<8x8x128xf32, #tpu.memory_space<hbm>>
    %dma_wait3A_757 = arith.constant 0 : i32
    %dma_wait3A_758 = arith.constant 0 : i32
    %dma_wait3A_759 = arith.constant 0 : i32
    %dma_wait3A_760 = tpu.memref_slice %arg4[%dma_wait3A_746, %dma_wait3A_757, %dma_wait3A_747, %dma_wait3A_758, %dma_wait3A_759] : memref<200x8x32x8x128xf32, #tpu.memory_space<hbm>> -> memref<1x8x1x8x128xf32, #tpu.memory_space<hbm>>
    %dma_wait3A_761 = tpu.memref_squeeze %dma_wait3A_760 : memref<1x8x1x8x128xf32, #tpu.memory_space<hbm>> -> memref<8x8x128xf32, #tpu.memory_space<hbm>>
    %dma_wait3A_762 = arith.constant 0 : i32
    %dma_wait3A_763 = arith.constant 0 : i32
    %dma_wait3A_764 = arith.constant 0 : i32
    %dma_wait3A_765 = tpu.memref_slice %arg12[%dma_wait3A_762, %dma_wait3A_763, %dma_wait3A_764] : memref<8x8x129xf32, #tpu.memory_space<vmem>> -> memref<8x8x128xf32, #tpu.memory_space<vmem>>
    tpu.wait_dma2 semaphore(%arg20 : memref<!tpu.dma_semaphore, #tpu.memory_space<semaphore_mem>>) src(%dma_wait3A_765 : memref<8x8x128xf32, #tpu.memory_space<vmem>>) dst(%dma_wait3A_761 : memref<8x8x128xf32, #tpu.memory_space<hbm>>)
    %parallel_loop3A_766 = arith.constant 0 : i32
    %parallel_loop3A_767 = arith.constant 128 : i32
    %parallel_loop3A_768 = arith.constant 1 : i32
    scf.for %parallel_loop3A_998 = %parallel_loop3A_766 to %parallel_loop3A_767 step %parallel_loop3A_768  : i32 {
      %parallel_loop3A_999 = arith.constant 0 : i32
      %parallel_loop3A_1000 = vector.broadcast %parallel_loop3A_999 : i32 to vector<16xi32>
      %parallel_loop3A_1001 = vector.broadcast %parallel_loop3A_998 : i32 to vector<16xi32>
      %parallel_loop3A_1002 = arith.addi %parallel_loop3A_1000, %parallel_loop3A_1001 : vector<16xi32>
      %parallel_loop3A_1003 = arith.index_cast %parallel_loop3A_998 : i32 to index
      %parallel_loop3A_1004 = arith.constant 0 : index
      %parallel_loop3A_1005 = tpu.vector_load %arg8[%parallel_loop3A_1003, %parallel_loop3A_1004] {strides = array<i32>} : memref<128x64xf32, #tpu.memory_space<vmem>>, vector<16xf32>,
      %parallel_loop3A_1006 = arith.constant 1.000000e+00 : f32
      %parallel_loop3A_1007 = vector.broadcast %parallel_loop3A_1006 : f32 to vector<16xf32>
      %parallel_loop3A_1008 = arith.addf %parallel_loop3A_1005, %parallel_loop3A_1007 : vector<16xf32>
      tpu.vector_store_idx %arg12[%select_n3A, %select_n3A_153, %parallel_loop3A_1002], %parallel_loop3A_1008 : memref<8x8x129xf32, #tpu.memory_space<vmem>>[vector<16xi32>, vector<16xi32>, vector<16xi32>], vector<16xf32>,
      %parallel_loop3A_1009 = arith.index_cast %parallel_loop3A_998 : i32 to index
      %parallel_loop3A_1010 = arith.constant 16 : index
      %parallel_loop3A_1011 = tpu.vector_load %arg8[%parallel_loop3A_1009, %parallel_loop3A_1010] {strides = array<i32>} : memref<128x64xf32, #tpu.memory_space<vmem>>, vector<16xf32>,
      %parallel_loop3A_1012 = arith.constant 1.000000e+00 : f32
      %parallel_loop3A_1013 = vector.broadcast %parallel_loop3A_1012 : f32 to vector<16xf32>
      %parallel_loop3A_1014 = arith.addf %parallel_loop3A_1011, %parallel_loop3A_1013 : vector<16xf32>
      tpu.vector_store_idx %arg12[%select_n3A_62, %select_n3A_178, %parallel_loop3A_1002], %parallel_loop3A_1014 : memref<8x8x129xf32, #tpu.memory_space<vmem>>[vector<16xi32>, vector<16xi32>, vector<16xi32>], vector<16xf32>,
      %parallel_loop3A_1015 = arith.index_cast %parallel_loop3A_998 : i32 to index
      %parallel_loop3A_1016 = arith.constant 32 : index
      %parallel_loop3A_1017 = tpu.vector_load %arg8[%parallel_loop3A_1015, %parallel_loop3A_1016] {strides = array<i32>} : memref<128x64xf32, #tpu.memory_space<vmem>>, vector<16xf32>,
      %parallel_loop3A_1018 = arith.constant 1.000000e+00 : f32
      %parallel_loop3A_1019 = vector.broadcast %parallel_loop3A_1018 : f32 to vector<16xf32>
      %parallel_loop3A_1020 = arith.addf %parallel_loop3A_1017, %parallel_loop3A_1019 : vector<16xf32>
      tpu.vector_store_idx %arg12[%select_n3A_96, %select_n3A_203, %parallel_loop3A_1002], %parallel_loop3A_1020 : memref<8x8x129xf32, #tpu.memory_space<vmem>>[vector<16xi32>, vector<16xi32>, vector<16xi32>], vector<16xf32>,
      %parallel_loop3A_1021 = arith.index_cast %parallel_loop3A_998 : i32 to index
      %parallel_loop3A_1022 = arith.constant 48 : index
      %parallel_loop3A_1023 = tpu.vector_load %arg8[%parallel_loop3A_1021, %parallel_loop3A_1022] {strides = array<i32>} : memref<128x64xf32, #tpu.memory_space<vmem>>, vector<16xf32>,
      %parallel_loop3A_1024 = arith.constant 1.000000e+00 : f32
      %parallel_loop3A_1025 = vector.broadcast %parallel_loop3A_1024 : f32 to vector<16xf32>
      %parallel_loop3A_1026 = arith.addf %parallel_loop3A_1023, %parallel_loop3A_1025 : vector<16xf32>
      tpu.vector_store_idx %arg12[%select_n3A_130, %select_n3A_228, %parallel_loop3A_1002], %parallel_loop3A_1026 : memref<8x8x129xf32, #tpu.memory_space<vmem>>[vector<16xi32>, vector<16xi32>, vector<16xi32>], vector<16xf32>,
    } {sc.loop_unroll_factor = 2 : i64, sc.parallel_access}
    %add3A_769 = arith.constant 198 : i32
    %add3A_770 = arith.addi %mul3A_2, %add3A_769 : i32
    %jit3A_771 = arith.constant 32 : i32
    %div3A_772 = arith.divsi %add3A_770, %jit3A_771 : i32
    %sign3A_773 = arith.constant 0 : i32
    %sign3A_774 = arith.cmpi sgt, %add3A_770, %sign3A_773 : i32
    %sign3A_775 = arith.extui %sign3A_774 : i1 to i32
    %sign3A_776 = arith.constant 0 : i32
    %sign3A_777 = arith.cmpi slt, %add3A_770, %sign3A_776 : i32
    %sign3A_778 = arith.extui %sign3A_777 : i1 to i32
    %sign3A_779 = arith.subi %sign3A_775, %sign3A_778 : i32
    %sign3A_780 = arith.constant 0 : i32
    %sign3A_781 = arith.cmpi sgt, %jit3A_771, %sign3A_780 : i32
    %sign3A_782 = arith.extui %sign3A_781 : i1 to i32
    %sign3A_783 = arith.constant 0 : i32
    %sign3A_784 = arith.cmpi slt, %jit3A_771, %sign3A_783 : i32
    %sign3A_785 = arith.extui %sign3A_784 : i1 to i32
    %sign3A_786 = arith.subi %sign3A_782, %sign3A_785 : i32
    %ne3A_787 = arith.cmpi ne, %sign3A_779, %sign3A_786 : i32
    %rem3A_788 = arith.remsi %add3A_770, %jit3A_771 : i32
    %ne3A_789 = arith.constant 0 : i32
    %ne3A_790 = arith.cmpi ne, %rem3A_788, %ne3A_789 : i32
    %and3A_791 = arith.andi %ne3A_787, %ne3A_790 : i1
    %sub3A_792 = arith.constant 1 : i32
    %sub3A_793 = arith.subi %div3A_772, %sub3A_792 : i32
    %select_n3A_794 = arith.select %and3A_791, %sub3A_793, %div3A_772 : i32
    %jit3A_795 = arith.constant 32 : i32
    %eq3A_796 = arith.constant 0 : i32
    %eq3A_797 = arith.cmpi eq, %jit3A_795, %eq3A_796 : i32
    %jit3A_798 = arith.constant 1 : i32
    %select_n3A_799 = arith.select %eq3A_797, %jit3A_798, %jit3A_795 : i32
    %rem3A_800 = arith.remsi %add3A_770, %select_n3A_799 : i32
    %ne3A_801 = arith.constant 0 : i32
    %ne3A_802 = arith.cmpi ne, %rem3A_800, %ne3A_801 : i32
    %lt3A_803 = arith.constant 0 : i32
    %lt3A_804 = arith.cmpi slt, %rem3A_800, %lt3A_803 : i32
    %lt3A_805 = arith.constant 0 : i32
    %lt3A_806 = arith.cmpi slt, %select_n3A_799, %lt3A_805 : i32
    %ne3A_807 = arith.xori %lt3A_804, %lt3A_806 : i1
    %and3A_808 = arith.andi %ne3A_807, %ne3A_802 : i1
    %add3A_809 = arith.addi %rem3A_800, %select_n3A_799 : i32
    %select_n3A_810 = arith.select %and3A_808, %add3A_809, %rem3A_800 : i32
    %dma_start3A_811 = arith.constant 0 : i32
    %dma_start3A_812 = arith.constant 0 : i32
    %dma_start3A_813 = arith.constant 0 : i32
    %dma_start3A_814 = tpu.memref_slice %arg12[%dma_start3A_811, %dma_start3A_812, %dma_start3A_813] : memref<8x8x129xf32, #tpu.memory_space<vmem>> -> memref<8x8x128xf32, #tpu.memory_space<vmem>>
    %dma_start3A_815 = arith.constant 0 : i32
    %dma_start3A_816 = arith.constant 0 : i32
    %dma_start3A_817 = arith.constant 0 : i32
    %dma_start3A_818 = tpu.memref_slice %arg4[%select_n3A_794, %dma_start3A_815, %select_n3A_810, %dma_start3A_816, %dma_start3A_817] : memref<200x8x32x8x128xf32, #tpu.memory_space<hbm>> -> memref<1x8x1x8x128xf32, #tpu.memory_space<hbm>>
    %dma_start3A_819 = tpu.memref_squeeze %dma_start3A_818 : memref<1x8x1x8x128xf32, #tpu.memory_space<hbm>> -> memref<8x8x128xf32, #tpu.memory_space<hbm>>
    %dma_start3A_820 = arith.constant 0 : i32
    %dma_start3A_821 = arith.constant 0 : i32
    %dma_start3A_822 = arith.constant 0 : i32
    %dma_start3A_823 = tpu.memref_slice %arg4[%select_n3A_794, %dma_start3A_820, %select_n3A_810, %dma_start3A_821, %dma_start3A_822] : memref<200x8x32x8x128xf32, #tpu.memory_space<hbm>> -> memref<1x8x1x8x128xf32, #tpu.memory_space<hbm>>
    %dma_start3A_824 = tpu.memref_squeeze %dma_start3A_823 : memref<1x8x1x8x128xf32, #tpu.memory_space<hbm>> -> memref<8x8x128xf32, #tpu.memory_space<hbm>>
    %dma_start3A_825 = arith.constant 0 : i32
    %dma_start3A_826 = arith.constant 0 : i32
    %dma_start3A_827 = arith.constant 0 : i32
    %dma_start3A_828 = tpu.memref_slice %arg12[%dma_start3A_825, %dma_start3A_826, %dma_start3A_827] : memref<8x8x129xf32, #tpu.memory_space<vmem>> -> memref<8x8x128xf32, #tpu.memory_space<vmem>>
    tpu.enqueue_dma source(%dma_start3A_828 : memref<8x8x128xf32, #tpu.memory_space<vmem>>) target(%dma_start3A_824 : memref<8x8x128xf32, #tpu.memory_space<hbm>>) target_semaphore(%arg20 : memref<!tpu.dma_semaphore, #tpu.memory_space<semaphore_mem>>)
    %dma_wait3A_829 = arith.constant 0 : i32
    %dma_wait3A_830 = arith.constant 0 : i32
    %dma_wait3A_831 = tpu.memref_slice %arg2[%dma_wait3A_829, %dma_wait3A_830] : memref<1000000x64xf32, #tpu.memory_space<hbm>> -> memref<128x64xf32, #tpu.memory_space<hbm>>
    %dma_wait3A_832 = arith.constant 0 : i32
    %dma_wait3A_833 = arith.constant 0 : i32
    %dma_wait3A_834 = tpu.memref_slice %arg2[%dma_wait3A_832, %dma_wait3A_833] : memref<1000000x64xf32, #tpu.memory_space<hbm>> -> memref<128x64xf32, #tpu.memory_space<hbm>>
    tpu.wait_dma2 semaphore(%arg17 : memref<!tpu.dma_semaphore, #tpu.memory_space<semaphore_mem>>) src(%dma_wait3A_834 : memref<128x64xf32, #tpu.memory_space<hbm>>) dst(%arg9 : memref<128x64xf32, #tpu.memory_space<vmem>>)
    %dma_wait3A_835 = arith.constant 0 : i32
    %dma_wait3A_836 = arith.constant 0 : i32
    %dma_wait3A_837 = arith.constant 0 : i32
    %dma_wait3A_838 = arith.constant 0 : i32
    %dma_wait3A_839 = arith.constant 0 : i32
    %dma_wait3A_840 = tpu.memref_slice %arg13[%dma_wait3A_837, %dma_wait3A_838, %dma_wait3A_839] : memref<8x8x129xf32, #tpu.memory_space<vmem>> -> memref<8x8x128xf32, #tpu.memory_space<vmem>>
    %dma_wait3A_841 = arith.constant 0 : i32
    %dma_wait3A_842 = arith.constant 0 : i32
    %dma_wait3A_843 = arith.constant 0 : i32
    %dma_wait3A_844 = tpu.memref_slice %arg4[%dma_wait3A_835, %dma_wait3A_841, %dma_wait3A_836, %dma_wait3A_842, %dma_wait3A_843] : memref<200x8x32x8x128xf32, #tpu.memory_space<hbm>> -> memref<1x8x1x8x128xf32, #tpu.memory_space<hbm>>
    %dma_wait3A_845 = tpu.memref_squeeze %dma_wait3A_844 : memref<1x8x1x8x128xf32, #tpu.memory_space<hbm>> -> memref<8x8x128xf32, #tpu.memory_space<hbm>>
    %dma_wait3A_846 = arith.constant 0 : i32
    %dma_wait3A_847 = arith.constant 0 : i32
    %dma_wait3A_848 = arith.constant 0 : i32
    %dma_wait3A_849 = tpu.memref_slice %arg4[%dma_wait3A_835, %dma_wait3A_846, %dma_wait3A_836, %dma_wait3A_847, %dma_wait3A_848] : memref<200x8x32x8x128xf32, #tpu.memory_space<hbm>> -> memref<1x8x1x8x128xf32, #tpu.memory_space<hbm>>
    %dma_wait3A_850 = tpu.memref_squeeze %dma_wait3A_849 : memref<1x8x1x8x128xf32, #tpu.memory_space<hbm>> -> memref<8x8x128xf32, #tpu.memory_space<hbm>>
    %dma_wait3A_851 = arith.constant 0 : i32
    %dma_wait3A_852 = arith.constant 0 : i32
    %dma_wait3A_853 = arith.constant 0 : i32
    %dma_wait3A_854 = tpu.memref_slice %arg13[%dma_wait3A_851, %dma_wait3A_852, %dma_wait3A_853] : memref<8x8x129xf32, #tpu.memory_space<vmem>> -> memref<8x8x128xf32, #tpu.memory_space<vmem>>
    tpu.wait_dma2 semaphore(%arg21 : memref<!tpu.dma_semaphore, #tpu.memory_space<semaphore_mem>>) src(%dma_wait3A_854 : memref<8x8x128xf32, #tpu.memory_space<vmem>>) dst(%dma_wait3A_850 : memref<8x8x128xf32, #tpu.memory_space<hbm>>)
    %parallel_loop3A_855 = arith.constant 0 : i32
    %parallel_loop3A_856 = arith.constant 128 : i32
    %parallel_loop3A_857 = arith.constant 1 : i32
    scf.for %parallel_loop3A_998 = %parallel_loop3A_855 to %parallel_loop3A_856 step %parallel_loop3A_857  : i32 {
      %parallel_loop3A_999 = arith.constant 0 : i32
      %parallel_loop3A_1000 = vector.broadcast %parallel_loop3A_999 : i32 to vector<16xi32>
      %parallel_loop3A_1001 = vector.broadcast %parallel_loop3A_998 : i32 to vector<16xi32>
      %parallel_loop3A_1002 = arith.addi %parallel_loop3A_1000, %parallel_loop3A_1001 : vector<16xi32>
      %parallel_loop3A_1003 = arith.index_cast %parallel_loop3A_998 : i32 to index
      %parallel_loop3A_1004 = arith.constant 0 : index
      %parallel_loop3A_1005 = tpu.vector_load %arg9[%parallel_loop3A_1003, %parallel_loop3A_1004] {strides = array<i32>} : memref<128x64xf32, #tpu.memory_space<vmem>>, vector<16xf32>,
      %parallel_loop3A_1006 = arith.constant 1.000000e+00 : f32
      %parallel_loop3A_1007 = vector.broadcast %parallel_loop3A_1006 : f32 to vector<16xf32>
      %parallel_loop3A_1008 = arith.addf %parallel_loop3A_1005, %parallel_loop3A_1007 : vector<16xf32>
      tpu.vector_store_idx %arg13[%select_n3A, %select_n3A_153, %parallel_loop3A_1002], %parallel_loop3A_1008 : memref<8x8x129xf32, #tpu.memory_space<vmem>>[vector<16xi32>, vector<16xi32>, vector<16xi32>], vector<16xf32>,
      %parallel_loop3A_1009 = arith.index_cast %parallel_loop3A_998 : i32 to index
      %parallel_loop3A_1010 = arith.constant 16 : index
      %parallel_loop3A_1011 = tpu.vector_load %arg9[%parallel_loop3A_1009, %parallel_loop3A_1010] {strides = array<i32>} : memref<128x64xf32, #tpu.memory_space<vmem>>, vector<16xf32>,
      %parallel_loop3A_1012 = arith.constant 1.000000e+00 : f32
      %parallel_loop3A_1013 = vector.broadcast %parallel_loop3A_1012 : f32 to vector<16xf32>
      %parallel_loop3A_1014 = arith.addf %parallel_loop3A_1011, %parallel_loop3A_1013 : vector<16xf32>
      tpu.vector_store_idx %arg13[%select_n3A_62, %select_n3A_178, %parallel_loop3A_1002], %parallel_loop3A_1014 : memref<8x8x129xf32, #tpu.memory_space<vmem>>[vector<16xi32>, vector<16xi32>, vector<16xi32>], vector<16xf32>,
      %parallel_loop3A_1015 = arith.index_cast %parallel_loop3A_998 : i32 to index
      %parallel_loop3A_1016 = arith.constant 32 : index
      %parallel_loop3A_1017 = tpu.vector_load %arg9[%parallel_loop3A_1015, %parallel_loop3A_1016] {strides = array<i32>} : memref<128x64xf32, #tpu.memory_space<vmem>>, vector<16xf32>,
      %parallel_loop3A_1018 = arith.constant 1.000000e+00 : f32
      %parallel_loop3A_1019 = vector.broadcast %parallel_loop3A_1018 : f32 to vector<16xf32>
      %parallel_loop3A_1020 = arith.addf %parallel_loop3A_1017, %parallel_loop3A_1019 : vector<16xf32>
      tpu.vector_store_idx %arg13[%select_n3A_96, %select_n3A_203, %parallel_loop3A_1002], %parallel_loop3A_1020 : memref<8x8x129xf32, #tpu.memory_space<vmem>>[vector<16xi32>, vector<16xi32>, vector<16xi32>], vector<16xf32>,
      %parallel_loop3A_1021 = arith.index_cast %parallel_loop3A_998 : i32 to index
      %parallel_loop3A_1022 = arith.constant 48 : index
      %parallel_loop3A_1023 = tpu.vector_load %arg9[%parallel_loop3A_1021, %parallel_loop3A_1022] {strides = array<i32>} : memref<128x64xf32, #tpu.memory_space<vmem>>, vector<16xf32>,
      %parallel_loop3A_1024 = arith.constant 1.000000e+00 : f32
      %parallel_loop3A_1025 = vector.broadcast %parallel_loop3A_1024 : f32 to vector<16xf32>
      %parallel_loop3A_1026 = arith.addf %parallel_loop3A_1023, %parallel_loop3A_1025 : vector<16xf32>
      tpu.vector_store_idx %arg13[%select_n3A_130, %select_n3A_228, %parallel_loop3A_1002], %parallel_loop3A_1026 : memref<8x8x129xf32, #tpu.memory_space<vmem>>[vector<16xi32>, vector<16xi32>, vector<16xi32>], vector<16xf32>,
    } {sc.loop_unroll_factor = 2 : i64, sc.parallel_access}
    %add3A_858 = arith.constant 199 : i32
    %add3A_859 = arith.addi %mul3A_2, %add3A_858 : i32
    %jit3A_860 = arith.constant 32 : i32
    %div3A_861 = arith.divsi %add3A_859, %jit3A_860 : i32
    %sign3A_862 = arith.constant 0 : i32
    %sign3A_863 = arith.cmpi sgt, %add3A_859, %sign3A_862 : i32
    %sign3A_864 = arith.extui %sign3A_863 : i1 to i32
    %sign3A_865 = arith.constant 0 : i32
    %sign3A_866 = arith.cmpi slt, %add3A_859, %sign3A_865 : i32
    %sign3A_867 = arith.extui %sign3A_866 : i1 to i32
    %sign3A_868 = arith.subi %sign3A_864, %sign3A_867 : i32
    %sign3A_869 = arith.constant 0 : i32
    %sign3A_870 = arith.cmpi sgt, %jit3A_860, %sign3A_869 : i32
    %sign3A_871 = arith.extui %sign3A_870 : i1 to i32
    %sign3A_872 = arith.constant 0 : i32
    %sign3A_873 = arith.cmpi slt, %jit3A_860, %sign3A_872 : i32
    %sign3A_874 = arith.extui %sign3A_873 : i1 to i32
    %sign3A_875 = arith.subi %sign3A_871, %sign3A_874 : i32
    %ne3A_876 = arith.cmpi ne, %sign3A_868, %sign3A_875 : i32
    %rem3A_877 = arith.remsi %add3A_859, %jit3A_860 : i32
    %ne3A_878 = arith.constant 0 : i32
    %ne3A_879 = arith.cmpi ne, %rem3A_877, %ne3A_878 : i32
    %and3A_880 = arith.andi %ne3A_876, %ne3A_879 : i1
    %sub3A_881 = arith.constant 1 : i32
    %sub3A_882 = arith.subi %div3A_861, %sub3A_881 : i32
    %select_n3A_883 = arith.select %and3A_880, %sub3A_882, %div3A_861 : i32
    %jit3A_884 = arith.constant 32 : i32
    %eq3A_885 = arith.constant 0 : i32
    %eq3A_886 = arith.cmpi eq, %jit3A_884, %eq3A_885 : i32
    %jit3A_887 = arith.constant 1 : i32
    %select_n3A_888 = arith.select %eq3A_886, %jit3A_887, %jit3A_884 : i32
    %rem3A_889 = arith.remsi %add3A_859, %select_n3A_888 : i32
    %ne3A_890 = arith.constant 0 : i32
    %ne3A_891 = arith.cmpi ne, %rem3A_889, %ne3A_890 : i32
    %lt3A_892 = arith.constant 0 : i32
    %lt3A_893 = arith.cmpi slt, %rem3A_889, %lt3A_892 : i32
    %lt3A_894 = arith.constant 0 : i32
    %lt3A_895 = arith.cmpi slt, %select_n3A_888, %lt3A_894 : i32
    %ne3A_896 = arith.xori %lt3A_893, %lt3A_895 : i1
    %and3A_897 = arith.andi %ne3A_896, %ne3A_891 : i1
    %add3A_898 = arith.addi %rem3A_889, %select_n3A_888 : i32
    %select_n3A_899 = arith.select %and3A_897, %add3A_898, %rem3A_889 : i32
    %dma_start3A_900 = arith.constant 0 : i32
    %dma_start3A_901 = arith.constant 0 : i32
    %dma_start3A_902 = arith.constant 0 : i32
    %dma_start3A_903 = tpu.memref_slice %arg13[%dma_start3A_900, %dma_start3A_901, %dma_start3A_902] : memref<8x8x129xf32, #tpu.memory_space<vmem>> -> memref<8x8x128xf32, #tpu.memory_space<vmem>>
    %dma_start3A_904 = arith.constant 0 : i32
    %dma_start3A_905 = arith.constant 0 : i32
    %dma_start3A_906 = arith.constant 0 : i32
    %dma_start3A_907 = tpu.memref_slice %arg4[%select_n3A_883, %dma_start3A_904, %select_n3A_899, %dma_start3A_905, %dma_start3A_906] : memref<200x8x32x8x128xf32, #tpu.memory_space<hbm>> -> memref<1x8x1x8x128xf32, #tpu.memory_space<hbm>>
    %dma_start3A_908 = tpu.memref_squeeze %dma_start3A_907 : memref<1x8x1x8x128xf32, #tpu.memory_space<hbm>> -> memref<8x8x128xf32, #tpu.memory_space<hbm>>
    %dma_start3A_909 = arith.constant 0 : i32
    %dma_start3A_910 = arith.constant 0 : i32
    %dma_start3A_911 = arith.constant 0 : i32
    %dma_start3A_912 = tpu.memref_slice %arg4[%select_n3A_883, %dma_start3A_909, %select_n3A_899, %dma_start3A_910, %dma_start3A_911] : memref<200x8x32x8x128xf32, #tpu.memory_space<hbm>> -> memref<1x8x1x8x128xf32, #tpu.memory_space<hbm>>
    %dma_start3A_913 = tpu.memref_squeeze %dma_start3A_912 : memref<1x8x1x8x128xf32, #tpu.memory_space<hbm>> -> memref<8x8x128xf32, #tpu.memory_space<hbm>>
    %dma_start3A_914 = arith.constant 0 : i32
    %dma_start3A_915 = arith.constant 0 : i32
    %dma_start3A_916 = arith.constant 0 : i32
    %dma_start3A_917 = tpu.memref_slice %arg13[%dma_start3A_914, %dma_start3A_915, %dma_start3A_916] : memref<8x8x129xf32, #tpu.memory_space<vmem>> -> memref<8x8x128xf32, #tpu.memory_space<vmem>>
    tpu.enqueue_dma source(%dma_start3A_917 : memref<8x8x128xf32, #tpu.memory_space<vmem>>) target(%dma_start3A_913 : memref<8x8x128xf32, #tpu.memory_space<hbm>>) target_semaphore(%arg21 : memref<!tpu.dma_semaphore, #tpu.memory_space<semaphore_mem>>)
    %dma_wait3A_918 = arith.constant 0 : i32
    %dma_wait3A_919 = arith.constant 0 : i32
    %dma_wait3A_920 = arith.constant 0 : i32
    %dma_wait3A_921 = arith.constant 0 : i32
    %dma_wait3A_922 = arith.constant 0 : i32
    %dma_wait3A_923 = tpu.memref_slice %arg10[%dma_wait3A_920, %dma_wait3A_921, %dma_wait3A_922] : memref<8x8x129xf32, #tpu.memory_space<vmem>> -> memref<8x8x128xf32, #tpu.memory_space<vmem>>
    %dma_wait3A_924 = arith.constant 0 : i32
    %dma_wait3A_925 = arith.constant 0 : i32
    %dma_wait3A_926 = arith.constant 0 : i32
    %dma_wait3A_927 = tpu.memref_slice %arg4[%dma_wait3A_918, %dma_wait3A_924, %dma_wait3A_919, %dma_wait3A_925, %dma_wait3A_926] : memref<200x8x32x8x128xf32, #tpu.memory_space<hbm>> -> memref<1x8x1x8x128xf32, #tpu.memory_space<hbm>>
    %dma_wait3A_928 = tpu.memref_squeeze %dma_wait3A_927 : memref<1x8x1x8x128xf32, #tpu.memory_space<hbm>> -> memref<8x8x128xf32, #tpu.memory_space<hbm>>
    %dma_wait3A_929 = arith.constant 0 : i32
    %dma_wait3A_930 = arith.constant 0 : i32
    %dma_wait3A_931 = arith.constant 0 : i32
    %dma_wait3A_932 = tpu.memref_slice %arg4[%dma_wait3A_918, %dma_wait3A_929, %dma_wait3A_919, %dma_wait3A_930, %dma_wait3A_931] : memref<200x8x32x8x128xf32, #tpu.memory_space<hbm>> -> memref<1x8x1x8x128xf32, #tpu.memory_space<hbm>>
    %dma_wait3A_933 = tpu.memref_squeeze %dma_wait3A_932 : memref<1x8x1x8x128xf32, #tpu.memory_space<hbm>> -> memref<8x8x128xf32, #tpu.memory_space<hbm>>
    %dma_wait3A_934 = arith.constant 0 : i32
    %dma_wait3A_935 = arith.constant 0 : i32
    %dma_wait3A_936 = arith.constant 0 : i32
    %dma_wait3A_937 = tpu.memref_slice %arg10[%dma_wait3A_934, %dma_wait3A_935, %dma_wait3A_936] : memref<8x8x129xf32, #tpu.memory_space<vmem>> -> memref<8x8x128xf32, #tpu.memory_space<vmem>>
    tpu.wait_dma2 semaphore(%arg18 : memref<!tpu.dma_semaphore, #tpu.memory_space<semaphore_mem>>) src(%dma_wait3A_937 : memref<8x8x128xf32, #tpu.memory_space<vmem>>) dst(%dma_wait3A_933 : memref<8x8x128xf32, #tpu.memory_space<hbm>>)
    %dma_wait3A_938 = arith.constant 0 : i32
    %dma_wait3A_939 = arith.constant 0 : i32
    %dma_wait3A_940 = arith.constant 0 : i32
    %dma_wait3A_941 = arith.constant 0 : i32
    %dma_wait3A_942 = arith.constant 0 : i32
    %dma_wait3A_943 = tpu.memref_slice %arg11[%dma_wait3A_940, %dma_wait3A_941, %dma_wait3A_942] : memref<8x8x129xf32, #tpu.memory_space<vmem>> -> memref<8x8x128xf32, #tpu.memory_space<vmem>>
    %dma_wait3A_944 = arith.constant 0 : i32
    %dma_wait3A_945 = arith.constant 0 : i32
    %dma_wait3A_946 = arith.constant 0 : i32
    %dma_wait3A_947 = tpu.memref_slice %arg4[%dma_wait3A_938, %dma_wait3A_944, %dma_wait3A_939, %dma_wait3A_945, %dma_wait3A_946] : memref<200x8x32x8x128xf32, #tpu.memory_space<hbm>> -> memref<1x8x1x8x128xf32, #tpu.memory_space<hbm>>
    %dma_wait3A_948 = tpu.memref_squeeze %dma_wait3A_947 : memref<1x8x1x8x128xf32, #tpu.memory_space<hbm>> -> memref<8x8x128xf32, #tpu.memory_space<hbm>>
    %dma_wait3A_949 = arith.constant 0 : i32
    %dma_wait3A_950 = arith.constant 0 : i32
    %dma_wait3A_951 = arith.constant 0 : i32
    %dma_wait3A_952 = tpu.memref_slice %arg4[%dma_wait3A_938, %dma_wait3A_949, %dma_wait3A_939, %dma_wait3A_950, %dma_wait3A_951] : memref<200x8x32x8x128xf32, #tpu.memory_space<hbm>> -> memref<1x8x1x8x128xf32, #tpu.memory_space<hbm>>
    %dma_wait3A_953 = tpu.memref_squeeze %dma_wait3A_952 : memref<1x8x1x8x128xf32, #tpu.memory_space<hbm>> -> memref<8x8x128xf32, #tpu.memory_space<hbm>>
    %dma_wait3A_954 = arith.constant 0 : i32
    %dma_wait3A_955 = arith.constant 0 : i32
    %dma_wait3A_956 = arith.constant 0 : i32
    %dma_wait3A_957 = tpu.memref_slice %arg11[%dma_wait3A_954, %dma_wait3A_955, %dma_wait3A_956] : memref<8x8x129xf32, #tpu.memory_space<vmem>> -> memref<8x8x128xf32, #tpu.memory_space<vmem>>
    tpu.wait_dma2 semaphore(%arg19 : memref<!tpu.dma_semaphore, #tpu.memory_space<semaphore_mem>>) src(%dma_wait3A_957 : memref<8x8x128xf32, #tpu.memory_space<vmem>>) dst(%dma_wait3A_953 : memref<8x8x128xf32, #tpu.memory_space<hbm>>)
    %dma_wait3A_958 = arith.constant 0 : i32
    %dma_wait3A_959 = arith.constant 0 : i32
    %dma_wait3A_960 = arith.constant 0 : i32
    %dma_wait3A_961 = arith.constant 0 : i32
    %dma_wait3A_962 = arith.constant 0 : i32
    %dma_wait3A_963 = tpu.memref_slice %arg12[%dma_wait3A_960, %dma_wait3A_961, %dma_wait3A_962] : memref<8x8x129xf32, #tpu.memory_space<vmem>> -> memref<8x8x128xf32, #tpu.memory_space<vmem>>
    %dma_wait3A_964 = arith.constant 0 : i32
    %dma_wait3A_965 = arith.constant 0 : i32
    %dma_wait3A_966 = arith.constant 0 : i32
    %dma_wait3A_967 = tpu.memref_slice %arg4[%dma_wait3A_958, %dma_wait3A_964, %dma_wait3A_959, %dma_wait3A_965, %dma_wait3A_966] : memref<200x8x32x8x128xf32, #tpu.memory_space<hbm>> -> memref<1x8x1x8x128xf32, #tpu.memory_space<hbm>>
    %dma_wait3A_968 = tpu.memref_squeeze %dma_wait3A_967 : memref<1x8x1x8x128xf32, #tpu.memory_space<hbm>> -> memref<8x8x128xf32, #tpu.memory_space<hbm>>
    %dma_wait3A_969 = arith.constant 0 : i32
    %dma_wait3A_970 = arith.constant 0 : i32
    %dma_wait3A_971 = arith.constant 0 : i32
    %dma_wait3A_972 = tpu.memref_slice %arg4[%dma_wait3A_958, %dma_wait3A_969, %dma_wait3A_959, %dma_wait3A_970, %dma_wait3A_971] : memref<200x8x32x8x128xf32, #tpu.memory_space<hbm>> -> memref<1x8x1x8x128xf32, #tpu.memory_space<hbm>>
    %dma_wait3A_973 = tpu.memref_squeeze %dma_wait3A_972 : memref<1x8x1x8x128xf32, #tpu.memory_space<hbm>> -> memref<8x8x128xf32, #tpu.memory_space<hbm>>
    %dma_wait3A_974 = arith.constant 0 : i32
    %dma_wait3A_975 = arith.constant 0 : i32
    %dma_wait3A_976 = arith.constant 0 : i32
    %dma_wait3A_977 = tpu.memref_slice %arg12[%dma_wait3A_974, %dma_wait3A_975, %dma_wait3A_976] : memref<8x8x129xf32, #tpu.memory_space<vmem>> -> memref<8x8x128xf32, #tpu.memory_space<vmem>>
    tpu.wait_dma2 semaphore(%arg20 : memref<!tpu.dma_semaphore, #tpu.memory_space<semaphore_mem>>) src(%dma_wait3A_977 : memref<8x8x128xf32, #tpu.memory_space<vmem>>) dst(%dma_wait3A_973 : memref<8x8x128xf32, #tpu.memory_space<hbm>>)
    %dma_wait3A_978 = arith.constant 0 : i32
    %dma_wait3A_979 = arith.constant 0 : i32
    %dma_wait3A_980 = arith.constant 0 : i32
    %dma_wait3A_981 = arith.constant 0 : i32
    %dma_wait3A_982 = arith.constant 0 : i32
    %dma_wait3A_983 = tpu.memref_slice %arg13[%dma_wait3A_980, %dma_wait3A_981, %dma_wait3A_982] : memref<8x8x129xf32, #tpu.memory_space<vmem>> -> memref<8x8x128xf32, #tpu.memory_space<vmem>>
    %dma_wait3A_984 = arith.constant 0 : i32
    %dma_wait3A_985 = arith.constant 0 : i32
    %dma_wait3A_986 = arith.constant 0 : i32
    %dma_wait3A_987 = tpu.memref_slice %arg4[%dma_wait3A_978, %dma_wait3A_984, %dma_wait3A_979, %dma_wait3A_985, %dma_wait3A_986] : memref<200x8x32x8x128xf32, #tpu.memory_space<hbm>> -> memref<1x8x1x8x128xf32, #tpu.memory_space<hbm>>
    %dma_wait3A_988 = tpu.memref_squeeze %dma_wait3A_987 : memref<1x8x1x8x128xf32, #tpu.memory_space<hbm>> -> memref<8x8x128xf32, #tpu.memory_space<hbm>>
    %dma_wait3A_989 = arith.constant 0 : i32
    %dma_wait3A_990 = arith.constant 0 : i32
    %dma_wait3A_991 = arith.constant 0 : i32
    %dma_wait3A_992 = tpu.memref_slice %arg4[%dma_wait3A_978, %dma_wait3A_989, %dma_wait3A_979, %dma_wait3A_990, %dma_wait3A_991] : memref<200x8x32x8x128xf32, #tpu.memory_space<hbm>> -> memref<1x8x1x8x128xf32, #tpu.memory_space<hbm>>
    %dma_wait3A_993 = tpu.memref_squeeze %dma_wait3A_992 : memref<1x8x1x8x128xf32, #tpu.memory_space<hbm>> -> memref<8x8x128xf32, #tpu.memory_space<hbm>>
    %dma_wait3A_994 = arith.constant 0 : i32
    %dma_wait3A_995 = arith.constant 0 : i32
    %dma_wait3A_996 = arith.constant 0 : i32
    %dma_wait3A_997 = tpu.memref_slice %arg13[%dma_wait3A_994, %dma_wait3A_995, %dma_wait3A_996] : memref<8x8x129xf32, #tpu.memory_space<vmem>> -> memref<8x8x128xf32, #tpu.memory_space<vmem>>
    tpu.wait_dma2 semaphore(%arg21 : memref<!tpu.dma_semaphore, #tpu.memory_space<semaphore_mem>>) src(%dma_wait3A_997 : memref<8x8x128xf32, #tpu.memory_space<vmem>>) dst(%dma_wait3A_993 : memref<8x8x128xf32, #tpu.memory_space<hbm>>)
    return
  }
}

</mosaic_0001>

<sc_bundles>
// kernel: kernel.3.cloned.1.call-start
scs
__scs_entry_jumppad:
0x0: {  	(pc) =	sbr.rel $0x88, $3  }
0x1: {  	(tag) =	ssettag $0x0;
	lr =	simm.s32 $0x1  }
0x2: {  	[smem:$0x3F9F] =	sst lr;
	_ =	strace $0xD0000000  }
0x3: {  	_ = 	snop  }
0x4: {  	_ = 	snop  }
0x5: {  	_ = 	snop  }
0x6: {  	_ = 	snop  }
0x7: {  	_ = 	snop  }
__scs_overlays_trampoline_lowered:
0x8: {  	[smem:$0x3FAE] =	sst s0  }
0x9: {  	[smem:$0x3FAF] =	sst s1  }
0xa: {  	[smem:$0x3FB0] =	sst s2  }
0xb: {  	[smem:$0x3FB1] =	sst s3  }
0xc: {  	[smem:$0x3FB2] =	sst s4  }
0xd: {  	[smem:$0x3FB3] =	sst s5  }
0xe: {  	[smem:$0x3FB4] =	sst s6  }
0xf: {  	[smem:$0x3FB5] =	sst s7  }
0x10: {  	[smem:$0x3FB6] =	sst s8  }
0x11: {  	[smem:$0x3FB7] =	sst s9;
	s0 =	simm.s32 @!p0 $0x0  }
0x12: {  	s1 =	sld [smem:$0x3F9D];
	s0 =	simm.s32 @p0 $0x1  }
0x13: {  	[smem:$0x3FB8] =	sst s0;
	s0 =	simm.s32 @!p1 $0x0  }
0x14: {  	s2 =	sld [smem:$0x3F9C];
	s0 =	simm.s32 @p1 $0x1  }
0x15: {  	[smem:$0x3FB9] =	sst s0;
	s0 =	simm.s32 @!p2 $0x0  }
0x16: {  	s3 =	sld [smem:$0x3FDB];
	s0 =	simm.s32 @p2 $0x1  }
0x17: {  	s4 =	simm.s32 $0x1BF5;
	[smem:$0x3FBB] =	sst s0  }
0x18: {  	s0 =	sld [smem:$0x3F9E];
	_ =	swait.ge [sflag:s4], $0x0  }
0x19: {  	s7 =	sld [smem:$0x3F9F]  }
0x1a: {  	s8 =	sadd.s32 $0xFFFFE003, lr  }
0x1b: {  	s9 =	sadd.s32 $0xFFFFFEF7, lr;
	s5 =	simm.s32 $0xFFFFFFFF;
	p2 =	slt.u32 s8, $0xFFFFF086  }
0x1c: {  	p1 =	slt.u32 s9, $0xF7A;
	s5 =	simm.s32 @!p2 $0x0  }
0x1d: {  	s5 =	simm.s32 @p1 $0x1;
	p0 =	seq.s32 s7, s2  }
0x1e: {  	s7 =	smul.u32 @!p0 $0xF7A, s2;
	p2 =	seq.s32 @!p0 s5, $0x0  }
0x1f: {  	s9 =	smul.u32 $0xF7A, s1;
	s8 =	simm.s32 @!p0 $0x1BF5;
	p2 =	por !p2, p0  }
0x20: {  	[sflag:s8] =	ssyncset.s32 @!p0 $0xFFFFF086;
	s6 =	sadd.s32 @!p0 s3, s7;
	s7 =	simm.s32 @!p0 $0x108  }
0x21: {  	s3 =	sadd.s32 s3, s9;
	s6 =	sadd.s32 @!p0 $0x88, s6;
	s7 =	simm.s32 @p2 $0x1082  }
0x22: {  	[simem:s7], [sflag:s8] =	dma.local @!p0 [hbm:s6], $0xF7A  }
0x23: {  	s9 =	sor.u32 $0xD0000000, s2;
	s6 =	simm.s32 $0x108;
	_ =	swait.ge @!p0 [sflag:s8], $0x0  }
0x24: {  	s3 =	sadd.s32 $0x88, s3;
	s6 =	simm.s32 @!p1 $0x1082;
	[sflag:s4] =	ssyncset.s32 $0xFFFFF086  }
0x25: {  	[simem:s6], [sflag:s4] =	dma.local [hbm:s3], $0xF7A  }
0x26: {  	[smem:$0x3F9F] =	sst s1;
	(tag) =	ssettag s2;
	_ =	strace s9  }
0x27: {  	s1 =	sld [smem:$0x3FAF]  }
0x28: {  	s2 =	sld [smem:$0x3FB0]  }
0x29: {  	s4 =	sld [smem:$0x3FB2]  }
0x2a: {  	p0 =	seq.s32 s5, $0x0;
	s5 =	sld [smem:$0x3FB3]  }
0x2b: {  	s6 =	sld [smem:$0x3FB4]  }
0x2c: {  	s7 =	sld [smem:$0x3FB5]  }
0x2d: {  	s3 =	simm.s32 $0x108;
	s8 =	sld [smem:$0x3FB6]  }
0x2e: {  	s3 =	simm.s32 @!p0 $0x1082;
	s9 =	sld [smem:$0x3FB7]  }
0x2f: {  	lr =	sadd.s32 s0, s3;
	s0 =	sld [smem:$0x3FAE]  }
0x30: {  	s3 =	sld [smem:$0x3FB1]  }
0x31: {  	[smem:$0x3FBA] =	sst s10  }
0x32: {  	s10 =	sld [smem:$0x3FB8];
	_ =	sdelay $0x3  }
0x33: {  	p0 =	seq.s32 s10, $0x1;
	s10 =	sld [smem:$0x3FBA];
	_ =	sdelay $0x3  }
0x34: {  	[smem:$0x3FBA] =	sst s10  }
0x35: {  	s10 =	sld [smem:$0x3FB9];
	_ =	sdelay $0x3  }
0x36: {  	p1 =	seq.s32 s10, $0x1;
	s10 =	sld [smem:$0x3FBA];
	_ =	sdelay $0x3  }
0x37: {  	[smem:$0x3FBA] =	sst s10  }
0x38: {  	s10 =	sld [smem:$0x3FBB]  }
0x39: {  	_ = 	snop;
	(pc) =	sbr.ind lr, $3  }
0x3a: {  	_ = 	snop  }
0x3b: {  	_ = 	snop  }
0x3c: {  	p2 =	seq.s32 s10, $0x1;
	s10 =	sld [smem:$0x3FBA]  }
0x3d: {  	_ =	shalt  }
0x3e: {  	_ =	shalt  }
0x3f: {  	_ =	shalt  }
0x40: {  	_ =	shalt  }
0x41: {  	_ =	shalt  }
0x42: {  	_ =	shalt  }
0x43: {  	_ =	shalt  }
0x44: {  	_ =	shalt  }
0x45: {  	_ =	shalt  }
0x46: {  	_ =	shalt  }
0x47: {  	_ =	shalt  }
0x48: {  	_ =	shalt  }
0x49: {  	_ =	shalt  }
0x4a: {  	_ =	shalt  }
0x4b: {  	_ =	shalt  }
0x4c: {  	_ =	shalt  }
0x4d: {  	_ =	shalt  }
0x4e: {  	_ =	shalt  }
0x4f: {  	_ =	shalt  }
0x50: {  	_ =	shalt  }
0x51: {  	_ =	shalt  }
0x52: {  	_ =	shalt  }
0x53: {  	_ =	shalt  }
0x54: {  	_ =	shalt  }
0x55: {  	_ =	shalt  }
0x56: {  	_ =	shalt  }
0x57: {  	_ =	shalt  }
0x58: {  	_ =	shalt  }
0x59: {  	_ =	shalt  }
0x5a: {  	_ =	shalt  }
0x5b: {  	_ =	shalt  }
0x5c: {  	_ =	shalt  }
0x5d: {  	_ =	shalt  }
0x5e: {  	_ =	shalt  }
0x5f: {  	_ =	shalt  }
0x60: {  	_ =	shalt  }
0x61: {  	_ =	shalt  }
0x62: {  	_ =	shalt  }
0x63: {  	_ =	shalt  }
0x64: {  	_ =	shalt  }
0x65: {  	_ =	shalt  }
0x66: {  	_ =	shalt  }
0x67: {  	_ =	shalt  }
0x68: {  	_ =	shalt  }
0x69: {  	_ =	shalt  }
0x6a: {  	_ =	shalt  }
0x6b: {  	_ =	shalt  }
0x6c: {  	_ =	shalt  }
0x6d: {  	_ =	shalt  }
0x6e: {  	_ =	shalt  }
0x6f: {  	_ =	shalt  }
0x70: {  	_ =	shalt  }
0x71: {  	_ =	shalt  }
0x72: {  	_ =	shalt  }
0x73: {  	_ =	shalt  }
0x74: {  	_ =	shalt  }
0x75: {  	_ =	shalt  }
0x76: {  	_ =	shalt  }
0x77: {  	_ =	shalt  }
0x78: {  	_ =	shalt  }
0x79: {  	_ =	shalt  }
0x7a: {  	_ =	shalt  }
0x7b: {  	_ =	shalt  }
0x7c: {  	_ =	shalt  }
0x7d: {  	_ =	shalt  }
0x7e: {  	_ =	shalt  }
0x7f: {  	_ =	shalt  }
0x80: {  	_ =	shalt  }
0x81: {  	_ =	shalt  }
0x82: {  	_ =	shalt  }
0x83: {  	_ =	shalt  }
0x84: {  	_ =	shalt  }
0x85: {  	_ =	shalt  }
0x86: {  	_ =	shalt  }
0x87: {  	_ =	shalt  }
.Lfunc_end0:
.L_simem_size_0:
called_computation_lowered:
.L_overlay_start_0:
0x88: {  	s2 =	sld [smem:$0x3FD9]  }
0x89: {  	s3 =	sld [smem:$0x3FFE];
	_ =	sdelay $0x1  }
0x8a: {  	s1 =	srdreg.scid  }
0x8b: {  	s0 =	sand.u32 $0x1, s1  }
0x8c: {  	s17 =	sshll.u32 s0, $0xA;
	s2 =	sadd.s32 s3, s2  }
0x8d: {  	s2 =	sadd.s32 s2, s17  }
0x8e: {  	[smem:$0x3FC6] =	sst s2  }
0x8f: {  	_ = 	snop  }
0x90: {  	s2 =	sld [smem:$0x3FD0];
	(tm) =	ssettm $0x1  }
0x91: {  	s18 =	sld [smem:$0x3FFB];
	_ =	sdelay $0x3  }
0x92: {  	_ =	strace s18  }
0x93: {  	s3 =	sld [smem:$0x3FFC];
	_ =	sdelay $0x3  }
0x94: {  	_ =	strace s3  }
0x95: {  	s3 =	sld [smem:$0x3FFD];
	_ =	sdelay $0x3  }
0x96: {  	_ =	strace s3  }
0x97: {  	_ =	strace $0x8FFFFFFF  }
0x98: {  	s19 =	sld [smem:$0x3FDB];
	_ =	sdelay $0x1  }
0x99: {  	s4 =	simm.s32 $_scs_section_size  }
0x9a: {  	s5 =	simm.s32 $_size__tile_overlayer_lowered;
	s6 =	simm.s32 $_tile_overlayer_lowered  }
0x9b: {  	s22 =	simm.s32 $0x1BFF;
	s21 =	sshll.u32 s6, $0x1;
	s3 =	sadd.s32 s4, s19  }
0x9c: {  	s7 =	simm.s32 $0x0;
	s20 =	sshll.u32 s5, $0x1;
	s5 =	sadd.s32 s21, s3  }
0x9d: {  	[timem:s7], [sflag:s22] =	dma.local [hbm:s5], s20  }
0x9e: {  	_ =	swait.ge [sflag:s22], s20  }
0x9f: {  	s4 =	ssub.s32 $0x0, s20;
	[sflag:s22] =	ssyncset.done $0x0  }
0xa0: {  	[sflag:s22] =	ssyncadd.s32 s4;
	_ =	sdelay $0x1  }
0xa1: {  	s23 =	simm.s32 $0x1B8B  }
0xa2: {  	_ =	swait.ge [sflag:s23], $0x1  }
0xa3: {  	[sflag:s23] =	ssyncset.done $0x0  }
0xa4: {  	s25 =	simm.s32 $0x1B8E;
	s24 =	sld [smem:$0x3FFE];
	[sflag:s23] =	ssyncadd.s32 $0xFFFFFFFF  }
0xa5: {  	s26 =	simm.s32 $execute0_lowered;
	[smem:$0x3FD2] =	sst s25  }
0xa6: {  	s5 =	sshll.u32 s26, $0x1;
	_ =	strace $0x80000046;
	[dreg:$0x1] =	wrdreg $0xFFFFFFFF  }
0xa7: {  	s28 =	simm.s32 $_size_execute0_lowered;
	s3 =	sadd.s32 s3, s5;
	[dreg:$0x0] =	wrdreg $0x0  }
0xa8: {  	s5 =	sshll.u32 s28, $0x1;
	[dreg:$0x2] =	wrdreg s3  }
0xa9: {  	[dreg:$0x3] =	wrdreg s5  }
0xaa: {  	[dreg:$0x4] =	wrdreg $0xC0  }
0xab: {  	_ =	task [dreg:s7], $0x5FFFF  }
0xac: {  	[dreg:$0x1] =	wrdreg $0xFFFFFFFF  }
0xad: {  	[dreg:$0x0] =	wrdreg $0x60  }
0xae: {  	[dreg:$0x2] =	wrdreg s24  }
0xaf: {  	[dreg:$0x3] =	wrdreg s2  }
0xb0: {  	[dreg:$0x4] =	wrdreg $0x9  }
0xb1: {  	_ =	task.clear_ibuf [dreg:s7], $0x5FFFF;
	_ =	strace $0x90000046  }
0xb2: {  	s29 =	simm.s32 $0x9;
	_ =	strace $0x80000048  }
0xb3: {  	_ =	swait.ge [sflag:s29], $0x1  }
0xb4: {  	[sflag:s29] =	ssyncadd.s32 $0xFFFFFFFF  }
0xb5: {  	_ =	strace $0x90000048  }
0xb6: {  	_ =	sfence  }
0xb7: {  	s30 =	sld [smem:$0x0];
	_ =	sdelay $0x2  }
0xb8: {  	s31 =	sshll.u32 s1, $0xD;
	s1 =	sshrl.u32 s1, $0x2  }
0xb9: {  	s3 =	sand.u32 $0x4000, s31;
	s1 =	sadd.s32 s1, s30  }
0xba: {  	s0 =	sor.u32 s3, s0;
	s1 =	sshll.u32 s1, $0x11  }
0xbb: {  	s0 =	sor.u32 s1, s0  }
0xbc: {  	s0 =	sadd.s32 $0x8F2B, s0  }
0xbd: {  	[sflag:s0] =	ssyncadd.remote.s32 $0x1  }
0xbe: {  	_ =	sfence.sel $0xFFFF  }
0xbf: {  	[dreg:$0x0] =	wrdreg $0xFFFFFFFF;
	(pc) =	sbr.abs _section_cstart, $3  }
0xc0: {  	[dreg:$0x1] =	wrdreg $0xFFFFFFFF  }
0xc1: {  	_ =	task.clear_ibuf [dreg:s7], $0x2FFFF;
	_ =	strace $0x9FFFFFFF  }
0xc2: {  	(tm) =	ssettm $0x7FFFFFFF  }
0xc3: {  	_ =	shalt  }
tec
execute0_lowered:
.L_overlay_start_1:
0x0: {  	(tag) =	ssettag $0x1  }
0x1: {  	s0 =	srdreg.scid  }
0x2: {  	s2 =	stileid.u32;
	s1 =	rddreg [dreg:$0x0]  }
0x3: {  	s28 =	simm.s32 $0x1;
	s29 =	simm.s32 $0xE400;
	s31 =	simm.s32 $0x2  }
0x4: {  	s30 =	simm.s32 $0x14A00;
	s0 =	sand.u32 $0x1, s0;
	s3 =	sshll.u32 s2, $0x1  }
0x5: {  	s2 =	rddreg [dreg:$0x1];
	s5 =	sor.u32 s0, s3;
	s3 =	simm.s32 $0x0  }
0x6: {  	s0 =	ssub.s32 $0x2, s0;
	s4 =	smul.u32 $0x190000, s5;
	[smem:$0x7FF] =	sst s3  }
0x7: {  	s6 =	sshll.u32 s5, $0xD;
	s7 =	smul.u32 $0xC80, s5;
	s14 =	sshrl.u32 s0, $0x1  }
0x8: {  	s5 =	smul.u32 $0xC8, s5;
	_ =	strace $0x80000047;
	s0 =	ssub.s32 s0, s14  }
0x9: {  	s6 =	sor.u32 s6, s4;
	s4 =	sadd.s32 $0xF42A00, s1;
	s1 =	sadd.s32 s7, s1  }
0xa: {  	s10 =	sor.u32 $0x4, s5;
	s11 =	sor.u32 $0x5, s5;
	s12 =	sor.u32 $0x6, s5  }
0xb: {  	s18 =	sadd.s32 $0xC4, s5;
	s13 =	sor.u32 $0x7, s5;
	s20 =	sadd.s32 $0xC5, s5  }
0xc: {  	s22 =	sadd.s32 $0xC6, s5;
	s5 =	sadd.s32 $0xC7, s5;
	s0 =	smax.u32 s0, $0x1  }
0xd: {  	s6 =	sand.u32 $0x3FC6000, s6;
	s1 =	sadd.s32 $0x600, s1;
	s19 =	sshll.u32 s18, $0xA  }
0xe: {  	s8 =	sshll.u32 s20, $0x7;
	s7 =	sshll.u32 s20, $0xA;
	s23 =	sshll.u32 s22, $0xA  }
0xf: {  	s24 =	sshll.u32 s5, $0x7;
	s5 =	sshll.u32 s5, $0xA;
	[dreg:$0xc] =	wrdreg s0  }
0x10: {  	s20 =	simm.s32 $0x80;
	s0 =	simm.s32 $0x4;
	s6 =	sshrl.u32 s6, $0x3  }
0x11: {  	[dreg:$0x4] =	wrdreg s1;
	s1 =	sshll.u32 s18, $0x7;
	s8 =	sand.u32 $0xE80, s8  }
0x12: {  	s7 =	sand.u32 $0xFF8000, s7;
	s25 =	sand.u32 $0xFF8000, s5;
	s18 =	simm.s32 $0x6  }
0x13: {  	s6 =	sadd.s32 s2, s6;
	s1 =	sand.u32 $0xE00, s1;
	s8 =	sadd.s32 s2, s8  }
0x14: {  	s15 =	sadd.s32 $0x80, s6;
	s16 =	sadd.s32 $0x100, s6;
	[dreg:$0x3] =	wrdreg s6  }
0x15: {  	s17 =	sadd.s32 $0x180, s6;
	s6 =	sand.u32 $0xFF8000, s19;
	[dreg:$0x5] =	wrdreg s15  }
0x16: {  	s1 =	sadd.s32 s2, s1;
	s21 =	sadd.s32 s7, s8;
	[dreg:$0x6] =	wrdreg s16  }
0x17: {  	s7 =	sand.u32 $0xF80, s24;
	[dreg:$0x7] =	wrdreg s17;
	s1 =	sadd.s32 s6, s1  }
0x18: {  	s19 =	simm.s32 $0x7;
	[dreg:$0x8] =	wrdreg s1;
	s1 =	sshll.u32 s22, $0x7  }
0x19: {  	s8 =	simm.s32 $0x0;
	[dreg:$0x9] =	wrdreg s21;
	s1 =	sand.u32 $0xF00, s1  }
0x1a: {  	v0 =	vlaneseq.u32;
	s6 =	sand.u32 $0xFF8000, s23;
	s26 =	sadd.s32 s2, s7;
	s1 =	sadd.s32 s2, s1  }
0x1b: {  	v0 =	vmul.u32 $0x88, v0;
	s23 =	simm.s32 $0x3;
	s7 =	simm.s32 $0x8;
	s1 =	sadd.s32 s6, s1  }
0x1c: {  	s6 =	simm.s32 $0x5;
	[dreg:$0xa] =	wrdreg s1;
	s1 =	sadd.s32 s25, s26  }
0x1d: {  	v1 =	vadd.s32 $0x880, v0;
	v2 =	vadd.s32 $0x1100, v0;
	v3 =	vadd.s32 $0x1980, v0;
	s25 =	simm.s32 $0x12800;
	[dreg:$0xb] =	wrdreg s1;
	s1 =	simm.s32 $0x10600  }
.LBB2_1:
0x1e: {  	[dreg:$0xd] =	wrdreg s8  }
0x1f: {  	s5 =	rddreg [dreg:$0x4];
	s24 =	simm.s32 $0x9  }
0x20: {  	[tilespmem:s3], [sflag:$0x9] =	stream.linear.gather [hbm4b:s5+s3], $0x6400, $0x38;
	[tilespmem:$0x16C00] =	vst v63  }
0x21: {  	_ =	swait.ge [sflag:s24], $0x6400  }
0x22: {  	[sflag:s24] =	ssyncset.done $0x0  }
0x23: {  	s26 =	simm.s32 $0x6400;
	[sflag:s24] =	ssyncadd.s32 $0xFFFF9C00  }
0x24: {  	[tilespmem:s26], [sflag:$0x1] =	stream.indirect.gather [hbm4b:s4+s20], $0x40, s3, s20, $0xb8;
	[tilespmem:$0x16C00] =	vst v63  }
0x25: {  	s8 =	simm.s32 $0x8400  }
0x26: {  	[tilespmem:s8], [sflag:$0x2] =	stream.indirect.gather [hbm4b:s4+s20], $0x40, s20, s20, $0xb8;
	[tilespmem:$0x16C00] =	vst v63  }
0x27: {  	s9 =	simm.s32 $0x100;
	s14 =	simm.s32 $0xA400  }
0x28: {  	[tilespmem:s14], [sflag:$0x3] =	stream.indirect.gather [hbm4b:s4+s20], $0x40, s9, s20, $0xb8;
	[tilespmem:$0x16C00] =	vst v63  }
0x29: {  	s15 =	simm.s32 $0x180;
	s16 =	simm.s32 $0xC400  }
0x2a: {  	[tilespmem:s16], [sflag:$0x4] =	stream.indirect.gather [hbm4b:s4+s20], $0x40, s15, s20, $0xb8;
	[tilespmem:$0x16C00] =	vst v63  }
0x2b: {  	_ =	swait.ge [sflag:s28], $0x2000  }
0x2c: {  	[sflag:s28] =	ssyncset.done $0x0  }
0x2d: {  	s17 =	simm.s32 $0x1;
	s5 =	simm.s32 $0x6440;
	[sflag:s28] =	ssyncadd.s32 $0xFFFFE000  }
0x2e: {  	v4 =	vmov s17;
	v5 =	vld [tilespmem:s5+$0x0]  }
0x2f: {  	v9 =	vand.u32 $0x7F, v4  }
0x30: {  	v4 =	vadd.s32 v0, v9;
	_ =	sdelay $0x1  }
0x31: {  	v6 =	vmov s3;
	v7 =	vld [tilespmem:s5+$0xFFFFFFC0]  }
0x32: {  	v14 =	vand.u32 $0x7E, v6;
	v5 =	vadd.f32 $1.000000000e+00, v5  }
0x33: {  	v6 =	vadd.s32 v0, v14;
	s8 =	simm.s32 $0x64C0;
	s9 =	simm.s32 $0x3  }
0x34: {  	v8 =	vld [tilespmem:s8+$0x0];
	[tilespmem:v4+s29+$0x0] =	vst.idx.msk $0xffff, v5;
	v4 =	vmov s9  }
0x35: {  	v4 =	vand.u32 $0x7F, v4;
	v10 =	vld [tilespmem:s5+$0x10]  }
0x36: {  	v5 =	vadd.f32 $1.000000000e+00, v7;
	v7 =	vadd.s32 v0, v4  }
0x37: {  	s21 =	simm.s32 $0x2;
	v11 =	vadd.s32 v1, v9  }
0x38: {  	v12 =	vld [tilespmem:s8+$0xFFFFFFC0];
	[tilespmem:v6+s29+$0x0] =	vst.idx.msk $0xffff, v5;
	v5 =	vmov s21  }
0x39: {  	v6 =	vadd.f32 $1.000000000e+00, v8;
	v5 =	vand.u32 $0x7E, v5;
	v8 =	vld [tilespmem:s5+$0xFFFFFFD0]  }
0x3a: {  	s14 =	simm.s32 $0x5;
	s9 =	simm.s32 $0x6540;
	v13 =	vadd.s32 v0, v5;
	v10 =	vadd.f32 $1.000000000e+00, v10  }
0x3b: {  	v15 =	vld [tilespmem:s9+$0x0];
	[tilespmem:v7+s29+$0x0] =	vst.idx.msk $0xffff, v6;
	v7 =	vadd.s32 v1, v14;
	v6 =	vmov s14  }
0x3c: {  	[tilespmem:v11+s29+$0x0] =	vst.idx.msk $0xffff, v10;
	v6 =	vand.u32 $0x7F, v6;
	v10 =	vld [tilespmem:s8+$0x10]  }
0x3d: {  	v11 =	vadd.f32 $1.000000000e+00, v12;
	v12 =	vadd.s32 v0, v6;
	v16 =	vld [tilespmem:s5+$0x20]  }
0x3e: {  	s22 =	simm.s32 $0x4;
	v17 =	vadd.s32 v1, v4;
	v8 =	vadd.f32 $1.000000000e+00, v8  }
0x3f: {  	v18 =	vadd.s32 v2, v9;
	[tilespmem:v13+s29+$0x0] =	vst.idx.msk $0xffff, v11;
	v11 =	vmov s22;
	v13 =	vld [tilespmem:s9+$0xFFFFFFC0]  }
0x40: {  	[tilespmem:v7+s29+$0x0] =	vst.idx.msk $0xffff, v8;
	v7 =	vand.u32 $0x7E, v11;
	v8 =	vadd.f32 $1.000000000e+00, v15;
	v11 =	vld [tilespmem:s8+$0xFFFFFFD0]  }
0x41: {  	s15 =	simm.s32 $0x7;
	s14 =	simm.s32 $0x65C0;
	v15 =	vadd.s32 v0, v7;
	v10 =	vadd.f32 $1.000000000e+00, v10;
	v19 =	vld [tilespmem:s5+$0xFFFFFFE0]  }
0x42: {  	v20 =	vld [tilespmem:s14+$0x0];
	[tilespmem:v12+s29+$0x0] =	vst.idx.msk $0xffff, v8;
	v12 =	vadd.s32 v1, v5;
	v16 =	vadd.f32 $1.000000000e+00, v16;
	v8 =	vmov s15  }
0x43: {  	[tilespmem:v17+s29+$0x0] =	vst.idx.msk $0xffff, v10;
	v10 =	vadd.s32 v2, v14;
	v8 =	vand.u32 $0x7F, v8;
	v17 =	vld [tilespmem:s9+$0x10]  }
0x44: {  	v13 =	vadd.f32 $1.000000000e+00, v13;
	[tilespmem:v18+s29+$0x0] =	vst.idx.msk $0xffff, v16;
	v16 =	vadd.s32 v0, v8;
	v18 =	vld [tilespmem:s8+$0x20]  }
0x45: {  	s24 =	simm.s32 $0x6;
	v21 =	vadd.s32 v1, v6;
	v11 =	vadd.f32 $1.000000000e+00, v11;
	v22 =	vld [tilespmem:s5+$0x30]  }
0x46: {  	v23 =	vadd.s32 v2, v4;
	[tilespmem:v15+s29+$0x0] =	vst.idx.msk $0xffff, v13;
	v13 =	vadd.f32 $1.000000000e+00, v19;
	v15 =	vld [tilespmem:s14+$0xFFFFFFC0];
	v19 =	vmov s24  }
0x47: {  	v25 =	vadd.s32 v3, v9;
	[tilespmem:v12+s29+$0x0] =	vst.idx.msk $0xffff, v11;
	v12 =	vadd.f32 $1.000000000e+00, v20;
	v24 =	vld [tilespmem:s9+$0xFFFFFFD0];
	v9 =	vand.u32 $0x7E, v19  }
0x48: {  	[tilespmem:v10+s29+$0x0] =	vst.idx.msk $0xffff, v13;
	v10 =	vadd.f32 $1.000000000e+00, v17;
	v11 =	vld [tilespmem:s8+$0xFFFFFFE0];
	v17 =	vadd.s32 v0, v9  }
0x49: {  	s26 =	simm.s32 $0x9;
	s16 =	simm.s32 $0x6640;
	[tilespmem:v16+s29+$0x0] =	vst.idx.msk $0xffff, v12;
	v20 =	vadd.f32 $1.000000000e+00, v18;
	v12 =	vld [tilespmem:s5+$0xFFFFFFF0];
	v16 =	vadd.s32 v1, v7  }
0x4a: {  	v19 =	vld [tilespmem:s16+$0x0];
	v13 =	vadd.s32 v2, v5;
	v18 =	vmov s26;
	[tilespmem:v21+s29+$0x0] =	vst.idx.msk $0xffff, v10;
	v26 =	vadd.f32 $1.000000000e+00, v22  }
0x4b: {  	v14 =	vadd.s32 v3, v14;
	v10 =	vand.u32 $0x7F, v18;
	v18 =	vld [tilespmem:s14+$0x10];
	v22 =	vadd.f32 $1.000000000e+00, v15;
	[tilespmem:v23+s29+$0x0] =	vst.idx.msk $0xffff, v20  }
0x4c: {  	s17 =	simm.s32 $0x8;
	s15 =	simm.s32 $0x6640;
	s5 =	simm.s32 $0xA;
	v20 =	vadd.s32 v0, v10;
	v15 =	vld [tilespmem:s9+$0x20];
	v21 =	vadd.f32 $1.000000000e+00, v24;
	[tilespmem:v25+s29+$0x0] =	vst.idx.msk $0xffff, v26  }
.LBB2_2:
0x4d: {  	p0 =	slt.u32 s5, $0x7E;
	[tilespmem:v17+s29+$0x0] =	vst.idx.msk $0xffff, v22;
	v22 =	vadd.s32 v1, v8;
	v11 =	vadd.f32 $1.000000000e+00, v11;
	v23 =	vld [tilespmem:s8+$0x30]  }
0x4e: {  	v17 =	vmov s17;
	s17 =	smov.u32 s5;
	v24 =	vld [tilespmem:s16+$0xFFFFFFC0];
	[tilespmem:v16+s29+$0x0] =	vst.idx.msk $0xffff, v21;
	v21 =	vadd.s32 v2, v6;
	v12 =	vadd.f32 $1.000000000e+00, v12  }
0x4f: {  	v27 =	vadd.s32 v3, v4;
	v4 =	vmovc v6;
	v25 =	vand.u32 $0x7E, v17;
	v16 =	vadd.f32 $1.000000000e+00, v19;
	v26 =	vld [tilespmem:s14+$0xFFFFFFD0];
	[tilespmem:v13+s29+$0x0] =	vst.idx.msk $0xffff, v11  }
.Ltmp0:
0x50: {  	v6 =	vmovc v8;
	v8 =	vmov v10;
	v17 =	vadd.s32 v0, v25;
	v13 =	vadd.f32 $1.000000000e+00, v18;
	v11 =	vld [tilespmem:s9+$0xFFFFFFE0];
	[tilespmem:v14+s29+$0x0] =	vst.idx.msk $0xffff, v12;
	(pc) =	sbr.rel @p0 .LBB2_2-.Ltmp0, $4  }
0x51: {  	s21 =	sadd.s32 $0x1, s5;
	s16 =	sadd.s32 $0x80, s16;
	[tilespmem:v20+s29+$0x0] =	vst.idx.msk $0xffff, v16;
	v16 =	vadd.s32 v1, v9;
	v14 =	vadd.f32 $1.000000000e+00, v15;
	v12 =	vld [tilespmem:s8+$0xFFFFFFF0];
	s8 =	smov.u32 s9  }
0x52: {  	v10 =	vmov s21;
	s9 =	smov.u32 s14;
	s14 =	smov.u32 s15;
	s15 =	smov.u32 s16;
	v19 =	vld [tilespmem:s16+$0x0];
	[tilespmem:v22+s29+$0x0] =	vst.idx.msk $0xffff, v13;
	v13 =	vadd.s32 v2, v7;
	v23 =	vadd.f32 $1.000000000e+00, v23  }
0x53: {  	v10 =	vand.u32 $0x7F, v10;
	v22 =	vadd.f32 $1.000000000e+00, v24;
	v18 =	vld [tilespmem:s14+$0x10];
	[tilespmem:v21+s29+$0x0] =	vst.idx.msk $0xffff, v14;
	v14 =	vadd.s32 v3, v5;
	v5 =	vmovc v7  }
0x54: {  	s5 =	sadd.s32 $0x2, s5;
	v20 =	vadd.s32 v0, v10;
	v7 =	vmovc v9;
	v9 =	vmov v25;
	v21 =	vadd.f32 $1.000000000e+00, v26;
	v15 =	vld [tilespmem:s9+$0x20];
	[tilespmem:v27+s29+$0x0] =	vst.idx.msk $0xffff, v23  }
0x55: {  	v23 =	vmov s17;
	v24 =	vld [tilespmem:s16+$0xFFFFFFC0]  }
0x56: {  	v23 =	vand.u32 $0x7E, v23  }
0x57: {  	v25 =	vadd.s32 v0, v23;
	_ =	sdelay $0x1  }
0x58: {  	v19 =	vadd.f32 $1.000000000e+00, v19  }
0x59: {  	[tilespmem:v17+s29+$0x0] =	vst.idx.msk $0xffff, v22;
	v62 =	vadd.f32 $1.000000000e+00, v24  }
0x5a: {  	v22 =	vld [tilespmem:s14+$0xFFFFFFD0];
	[tilespmem:v20+s29+$0x0] =	vst.idx.msk $0xffff, v19  }
0x5b: {  	v63 =	vadd.s32 v1, v8;
	v20 =	vld [tilespmem:s15+$0x10];
	[tilespmem:v25+s29+$0x0] =	vst.idx.msk $0xffff, v62  }
0x5c: {  	v28 =	vadd.s32 v1, v9;
	v29 =	vld [tilespmem:s15+$0xFFFFFFD0]  }
0x5d: {  	v30 =	vadd.s32 v1, v10  }
0x5e: {  	v26 =	vadd.s32 v1, v23;
	v18 =	vadd.f32 $1.000000000e+00, v18  }
0x5f: {  	[tilespmem:v16+s29+$0x0] =	vst.idx.msk $0xffff, v21;
	v31 =	vadd.f32 $1.000000000e+00, v22  }
0x60: {  	v32 =	vld [tilespmem:s9+$0xFFFFFFE0];
	[tilespmem:v63+s29+$0x0] =	vst.idx.msk $0xffff, v18;
	v33 =	vadd.f32 $1.000000000e+00, v20  }
0x61: {  	v34 =	vadd.s32 v2, v6;
	v35 =	vld [tilespmem:s14+$0x20];
	[tilespmem:v28+s29+$0x0] =	vst.idx.msk $0xffff, v31;
	v36 =	vadd.f32 $1.000000000e+00, v29  }
0x62: {  	v11 =	vadd.f32 $1.000000000e+00, v11;
	v37 =	vadd.s32 v2, v7;
	v38 =	vld [tilespmem:s14+$0xFFFFFFE0];
	[tilespmem:v30+s29+$0x0] =	vst.idx.msk $0xffff, v33  }
0x63: {  	v39 =	vadd.s32 v2, v8;
	v12 =	vadd.f32 $1.000000000e+00, v12;
	v40 =	vld [tilespmem:s15+$0x20];
	[tilespmem:v26+s29+$0x0] =	vst.idx.msk $0xffff, v36  }
0x64: {  	v42 =	vadd.s32 v2, v9;
	[tilespmem:v13+s29+$0x0] =	vst.idx.msk $0xffff, v11;
	v41 =	vadd.f32 $1.000000000e+00, v15;
	v43 =	vld [tilespmem:s15+$0xFFFFFFE0]  }
0x65: {  	v44 =	vld [tilespmem:s8+$0x30];
	v46 =	vadd.s32 v2, v10;
	[tilespmem:v14+s29+$0x0] =	vst.idx.msk $0xffff, v12;
	v45 =	vadd.f32 $1.000000000e+00, v32  }
0x66: {  	v49 =	vadd.s32 v2, v23;
	v47 =	vld [tilespmem:s8+$0xFFFFFFF0];
	[tilespmem:v34+s29+$0x0] =	vst.idx.msk $0xffff, v41;
	v48 =	vadd.f32 $1.000000000e+00, v35  }
0x67: {  	v4 =	vadd.s32 v3, v4;
	[tilespmem:v37+s29+$0x0] =	vst.idx.msk $0xffff, v45;
	v20 =	vld [tilespmem:s9+$0x30];
	v50 =	vadd.f32 $1.000000000e+00, v38  }
0x68: {  	v5 =	vadd.s32 v3, v5;
	v51 =	vld [tilespmem:s9+$0xFFFFFFF0];
	[tilespmem:v39+s29+$0x0] =	vst.idx.msk $0xffff, v48;
	v52 =	vadd.f32 $1.000000000e+00, v40  }
0x69: {  	v53 =	vadd.s32 v3, v6;
	v54 =	vld [tilespmem:s14+$0x30];
	[tilespmem:v42+s29+$0x0] =	vst.idx.msk $0xffff, v50;
	v55 =	vadd.f32 $1.000000000e+00, v43  }
0x6a: {  	v57 =	vadd.s32 v3, v7;
	v56 =	vadd.f32 $1.000000000e+00, v44;
	v58 =	vld [tilespmem:s14+$0xFFFFFFF0];
	[tilespmem:v46+s29+$0x0] =	vst.idx.msk $0xffff, v52  }
0x6b: {  	v60 =	vadd.s32 v3, v8;
	v59 =	vadd.f32 $1.000000000e+00, v47;
	v14 =	vld [tilespmem:s15+$0x30];
	[tilespmem:v49+s29+$0x0] =	vst.idx.msk $0xffff, v55  }
0x6c: {  	v61 =	vadd.s32 v3, v9;
	[tilespmem:v4+s29+$0x0] =	vst.idx.msk $0xffff, v56;
	v4 =	vadd.f32 $1.000000000e+00, v20;
	v12 =	vld [tilespmem:s15+$0xFFFFFFF0]  }
0x6d: {  	v62 =	vadd.s32 v3, v10;
	[tilespmem:v5+s29+$0x0] =	vst.idx.msk $0xffff, v59;
	v5 =	vadd.f32 $1.000000000e+00, v51  }
0x6e: {  	v63 =	vadd.s32 v3, v23;
	[tilespmem:v53+s29+$0x0] =	vst.idx.msk $0xffff, v4;
	v4 =	vadd.f32 $1.000000000e+00, v54  }
0x6f: {  	[tilespmem:v57+s29+$0x0] =	vst.idx.msk $0xffff, v5;
	v5 =	vadd.f32 $1.000000000e+00, v58  }
0x70: {  	[tilespmem:v60+s29+$0x0] =	vst.idx.msk $0xffff, v4;
	v4 =	vadd.f32 $1.000000000e+00, v14  }
0x71: {  	[tilespmem:v61+s29+$0x0] =	vst.idx.msk $0xffff, v5;
	v5 =	vadd.f32 $1.000000000e+00, v12  }
0x72: {  	[tilespmem:v62+s29+$0x0] =	vst.idx.msk $0xffff, v4  }
0x73: {  	s5 =	simm.s32 $0x6400;
	s16 =	simm.s32 $0x200;
	[tilespmem:v63+s29+$0x0] =	vst.idx.msk $0xffff, v5  }
0x74: {  	[tilespmem:s5], [sflag:$0x1] =	stream.indirect.gather [hbm4b:s4+s20], $0x40, s16, s20, $0xb8;
	[tilespmem:$0x16C00] =	vst v63  }
0x75: {  	s17 =	simm.s32 $0xE400;
	s16 =	rddreg [dreg:$0x3]  }
0x76: {  	[hbm4b:s16+s3] =	stream.linear.scatter [tilespmem:s17], [sflag:$0x5], $0x80, $0x38;
	[tilespmem:$0x16C00] =	vst v63  }
0x77: {  	s21 =	simm.s32 $0xE488;
	s22 =	sadd.s32 $0x10, s16  }
0x78: {  	[hbm4b:s22+s3] =	stream.linear.scatter [tilespmem:s21], [sflag:$0x5], $0x80, $0x38;
	[tilespmem:$0x16C00] =	vst v63  }
0x79: {  	s24 =	simm.s32 $0xE510;
	s9 =	simm.s32 $0xE598;
	s26 =	sadd.s32 $0x20, s16  }
0x7a: {  	[hbm4b:s26+s3] =	stream.linear.scatter [tilespmem:s24], [sflag:$0x5], $0x80, $0x38;
	[tilespmem:$0x16C00] =	vst v63  }
0x7b: {  	s15 =	simm.s32 $0xE620;
	s5 =	simm.s32 $0x440;
	s14 =	sadd.s32 $0x30, s16  }
0x7c: {  	[hbm4b:s14+s3] =	stream.linear.scatter [tilespmem:s9], [sflag:$0x5], $0x80, $0x38;
	[tilespmem:$0x16C00] =	vst v63  }
0x7d: {  	s8 =	sadd.s32 $0x1000, s16;
	s17 =	sadd.s32 $0x40, s16;
	s21 =	simm.s32 $0xE6A8  }
0x7e: {  	[hbm4b:s17+s3] =	stream.linear.scatter [tilespmem:s15], [sflag:$0x5], $0x80, $0x38;
	[tilespmem:$0x16C00] =	vst v63  }
0x7f: {  	s22 =	sadd.s32 $0x50, s16;
	s24 =	simm.s32 $0xE730;
	s26 =	sadd.s32 $0x60, s16  }
0x80: {  	[hbm4b:s22+s3] =	stream.linear.scatter [tilespmem:s21], [sflag:$0x5], $0x80, $0x38;
	[tilespmem:$0x16C00] =	vst v63  }
0x81: {  	s9 =	simm.s32 $0x2200;
	s14 =	simm.s32 $0xE7B8;
	s15 =	sadd.s32 $0x70, s16  }
0x82: {  	[hbm4b:s26+s3] =	stream.linear.scatter [tilespmem:s24], [sflag:$0x5], $0x80, $0x38;
	[tilespmem:$0x16C00] =	vst v63  }
.LBB2_4:
0x83: {  	[hbm4b:s15+s3] =	stream.linear.scatter [tilespmem:s14], [sflag:$0x5], $0x80, $0x38;
	[tilespmem:$0x16C00] =	vst v63  }
0x84: {  	s14 =	smov.u32 s5;
	s5 =	smov.u32 s9  }
0x85: {  	s16 =	sadd.s32 $0x1100, s9;
	s5 =	sshra.s32 s5, $0x2;
	s15 =	sadd.s32 $0xE400, s14  }
0x86: {  	[hbm4b:s8+s3] =	stream.linear.scatter [tilespmem:s15], [sflag:$0x5], $0x80, $0x38;
	[tilespmem:$0x16C00] =	vst v63  }
0x87: {  	p0 =	sne.s32 s9, $0x7700;
	s9 =	sadd.s32 $0xE488, s14;
	s15 =	sadd.s32 $0x10, s8  }
0x88: {  	[hbm4b:s15+s3] =	stream.linear.scatter [tilespmem:s9], [sflag:$0x5], $0x80, $0x38;
	[tilespmem:$0x16C00] =	vst v63  }
0x89: {  	s9 =	sadd.s32 $0xE510, s14;
	s15 =	sadd.s32 $0x20, s8  }
0x8a: {  	[hbm4b:s15+s3] =	stream.linear.scatter [tilespmem:s9], [sflag:$0x5], $0x80, $0x38;
	[tilespmem:$0x16C00] =	vst v63  }
0x8b: {  	s9 =	sadd.s32 $0xE598, s14;
	s15 =	sadd.s32 $0x30, s8  }
0x8c: {  	[hbm4b:s15+s3] =	stream.linear.scatter [tilespmem:s9], [sflag:$0x5], $0x80, $0x38;
	[tilespmem:$0x16C00] =	vst v63  }
0x8d: {  	s9 =	sadd.s32 $0xE620, s14;
	s15 =	sadd.s32 $0x40, s8  }
0x8e: {  	[hbm4b:s15+s3] =	stream.linear.scatter [tilespmem:s9], [sflag:$0x5], $0x80, $0x38;
	[tilespmem:$0x16C00] =	vst v63  }
.Ltmp1:
0x8f: {  	s9 =	sadd.s32 $0xE6A8, s14;
	s15 =	sadd.s32 $0x50, s8;
	(pc) =	sbr.rel @p0 .LBB2_4-.Ltmp1, $4  }
0x90: {  	[hbm4b:s15+s3] =	stream.linear.scatter [tilespmem:s9], [sflag:$0x5], $0x80, $0x38;
	[tilespmem:$0x16C00] =	vst v63  }
0x91: {  	s9 =	sadd.s32 $0xE730, s14;
	s15 =	sadd.s32 $0x60, s8;
	s14 =	sadd.s32 $0xE7B8, s14  }
0x92: {  	[hbm4b:s15+s3] =	stream.linear.scatter [tilespmem:s9], [sflag:$0x5], $0x80, $0x38;
	[tilespmem:$0x16C00] =	vst v63  }
0x93: {  	s15 =	sadd.s32 $0x70, s8;
	s8 =	sadd.s32 $0x1000, s8;
	s9 =	smov.u32 s16  }
0x94: {  	[hbm4b:s15+s3] =	stream.linear.scatter [tilespmem:s14], [sflag:$0x5], $0x80, $0x38;
	[tilespmem:$0x16C00] =	vst v63  }
0x95: {  	s9 =	sadd.s32 $0xE400, s5  }
0x96: {  	[hbm4b:s8+s3] =	stream.linear.scatter [tilespmem:s9], [sflag:$0x5], $0x80, $0x38;
	[tilespmem:$0x16C00] =	vst v63  }
0x97: {  	s16 =	sadd.s32 $0xE488, s5;
	s17 =	sadd.s32 $0x10, s8  }
0x98: {  	[hbm4b:s17+s3] =	stream.linear.scatter [tilespmem:s16], [sflag:$0x5], $0x80, $0x38;
	[tilespmem:$0x16C00] =	vst v63  }
0x99: {  	s21 =	sadd.s32 $0xE510, s5;
	s22 =	sadd.s32 $0x20, s8  }
0x9a: {  	[hbm4b:s22+s3] =	stream.linear.scatter [tilespmem:s21], [sflag:$0x5], $0x80, $0x38;
	[tilespmem:$0x16C00] =	vst v63  }
0x9b: {  	s24 =	sadd.s32 $0xE598, s5;
	s26 =	sadd.s32 $0x30, s8  }
0x9c: {  	[hbm4b:s26+s3] =	stream.linear.scatter [tilespmem:s24], [sflag:$0x5], $0x80, $0x38;
	[tilespmem:$0x16C00] =	vst v63  }
0x9d: {  	s14 =	sadd.s32 $0xE620, s5;
	s15 =	sadd.s32 $0x40, s8  }
0x9e: {  	[hbm4b:s15+s3] =	stream.linear.scatter [tilespmem:s14], [sflag:$0x5], $0x80, $0x38;
	[tilespmem:$0x16C00] =	vst v63  }
0x9f: {  	s16 =	sadd.s32 $0xE6A8, s5;
	s17 =	sadd.s32 $0x50, s8  }
0xa0: {  	[hbm4b:s17+s3] =	stream.linear.scatter [tilespmem:s16], [sflag:$0x5], $0x80, $0x38;
	[tilespmem:$0x16C00] =	vst v63  }
0xa1: {  	s21 =	sadd.s32 $0xE730, s5;
	s22 =	sadd.s32 $0x60, s8  }
0xa2: {  	[hbm4b:s22+s3] =	stream.linear.scatter [tilespmem:s21], [sflag:$0x5], $0x80, $0x38;
	[tilespmem:$0x16C00] =	vst v63  }
0xa3: {  	s24 =	sadd.s32 $0xE7B8, s5;
	s26 =	sadd.s32 $0x70, s8  }
0xa4: {  	[hbm4b:s26+s3] =	stream.linear.scatter [tilespmem:s24], [sflag:$0x5], $0x80, $0x38;
	[tilespmem:$0x16C00] =	vst v63  }
0xa5: {  	_ =	swait.ge [sflag:s31], $0x2000  }
0xa6: {  	[sflag:s31] =	ssyncset.done $0x0  }
0xa7: {  	s9 =	simm.s32 $0x1;
	s5 =	simm.s32 $0x8440;
	[sflag:s31] =	ssyncadd.s32 $0xFFFFE000  }
0xa8: {  	v4 =	vmov s9;
	v5 =	vld [tilespmem:s5+$0x0]  }
0xa9: {  	v9 =	vand.u32 $0x7F, v4  }
0xaa: {  	v4 =	vadd.s32 v0, v9  }
0xab: {  	s14 =	simm.s32 $0x0  }
0xac: {  	v6 =	vmov s14;
	v7 =	vld [tilespmem:s5+$0xFFFFFFC0]  }
0xad: {  	v14 =	vand.u32 $0x7E, v6;
	v5 =	vadd.f32 $1.000000000e+00, v5  }
0xae: {  	s8 =	simm.s32 $0x84C0;
	s15 =	simm.s32 $0x3;
	v6 =	vadd.s32 v0, v14  }
0xaf: {  	v8 =	vld [tilespmem:s8+$0x0];
	[tilespmem:v4+s1+$0x0] =	vst.idx.msk $0xffff, v5;
	v4 =	vmov s15  }
0xb0: {  	v4 =	vand.u32 $0x7F, v4;
	v10 =	vld [tilespmem:s5+$0x10]  }
0xb1: {  	v5 =	vadd.f32 $1.000000000e+00, v7;
	v7 =	vadd.s32 v0, v4  }
0xb2: {  	v11 =	vadd.s32 v1, v9;
	s16 =	simm.s32 $0x2  }
0xb3: {  	v12 =	vld [tilespmem:s8+$0xFFFFFFC0];
	[tilespmem:v6+s1+$0x0] =	vst.idx.msk $0xffff, v5;
	v5 =	vmov s16  }
0xb4: {  	v6 =	vadd.f32 $1.000000000e+00, v8;
	v5 =	vand.u32 $0x7E, v5;
	v8 =	vld [tilespmem:s5+$0xFFFFFFD0]  }
0xb5: {  	s9 =	simm.s32 $0x8540;
	s17 =	simm.s32 $0x5;
	v13 =	vadd.s32 v0, v5;
	v10 =	vadd.f32 $1.000000000e+00, v10  }
0xb6: {  	v15 =	vld [tilespmem:s9+$0x0];
	[tilespmem:v7+s1+$0x0] =	vst.idx.msk $0xffff, v6;
	v7 =	vadd.s32 v1, v14;
	v6 =	vmov s17  }
0xb7: {  	[tilespmem:v11+s1+$0x0] =	vst.idx.msk $0xffff, v10;
	v6 =	vand.u32 $0x7F, v6;
	v10 =	vld [tilespmem:s8+$0x10]  }
0xb8: {  	v11 =	vadd.f32 $1.000000000e+00, v12;
	v12 =	vadd.s32 v0, v6;
	v16 =	vld [tilespmem:s5+$0x20]  }
0xb9: {  	s21 =	simm.s32 $0x4;
	v17 =	vadd.s32 v1, v4;
	v8 =	vadd.f32 $1.000000000e+00, v8  }
0xba: {  	v18 =	vadd.s32 v2, v9;
	[tilespmem:v13+s1+$0x0] =	vst.idx.msk $0xffff, v11;
	v11 =	vmov s21;
	v13 =	vld [tilespmem:s9+$0xFFFFFFC0]  }
0xbb: {  	[tilespmem:v7+s1+$0x0] =	vst.idx.msk $0xffff, v8;
	v7 =	vand.u32 $0x7E, v11;
	v8 =	vadd.f32 $1.000000000e+00, v15;
	v11 =	vld [tilespmem:s8+$0xFFFFFFD0]  }
0xbc: {  	s14 =	simm.s32 $0x85C0;
	s22 =	simm.s32 $0x7;
	v15 =	vadd.s32 v0, v7;
	v10 =	vadd.f32 $1.000000000e+00, v10;
	v19 =	vld [tilespmem:s5+$0xFFFFFFE0]  }
0xbd: {  	v20 =	vld [tilespmem:s14+$0x0];
	[tilespmem:v12+s1+$0x0] =	vst.idx.msk $0xffff, v8;
	v12 =	vadd.s32 v1, v5;
	v16 =	vadd.f32 $1.000000000e+00, v16;
	v8 =	vmov s22  }
0xbe: {  	[tilespmem:v17+s1+$0x0] =	vst.idx.msk $0xffff, v10;
	v10 =	vadd.s32 v2, v14;
	v8 =	vand.u32 $0x7F, v8;
	v17 =	vld [tilespmem:s9+$0x10]  }
0xbf: {  	v13 =	vadd.f32 $1.000000000e+00, v13;
	[tilespmem:v18+s1+$0x0] =	vst.idx.msk $0xffff, v16;
	v16 =	vadd.s32 v0, v8;
	v18 =	vld [tilespmem:s8+$0x20]  }
0xc0: {  	s24 =	simm.s32 $0x6;
	v21 =	vadd.s32 v1, v6;
	v11 =	vadd.f32 $1.000000000e+00, v11;
	v22 =	vld [tilespmem:s5+$0x30]  }
0xc1: {  	v23 =	vadd.s32 v2, v4;
	[tilespmem:v15+s1+$0x0] =	vst.idx.msk $0xffff, v13;
	v13 =	vadd.f32 $1.000000000e+00, v19;
	v15 =	vld [tilespmem:s14+$0xFFFFFFC0];
	v19 =	vmov s24  }
0xc2: {  	v25 =	vadd.s32 v3, v9;
	[tilespmem:v12+s1+$0x0] =	vst.idx.msk $0xffff, v11;
	v12 =	vadd.f32 $1.000000000e+00, v20;
	v24 =	vld [tilespmem:s9+$0xFFFFFFD0];
	v9 =	vand.u32 $0x7E, v19  }
0xc3: {  	[tilespmem:v10+s1+$0x0] =	vst.idx.msk $0xffff, v13;
	v10 =	vadd.f32 $1.000000000e+00, v17;
	v11 =	vld [tilespmem:s8+$0xFFFFFFE0];
	v17 =	vadd.s32 v0, v9  }
0xc4: {  	s26 =	simm.s32 $0x9;
	s16 =	simm.s32 $0x8640;
	[tilespmem:v16+s1+$0x0] =	vst.idx.msk $0xffff, v12;
	v20 =	vadd.f32 $1.000000000e+00, v18;
	v12 =	vld [tilespmem:s5+$0xFFFFFFF0];
	v16 =	vadd.s32 v1, v7  }
0xc5: {  	v19 =	vld [tilespmem:s16+$0x0];
	v13 =	vadd.s32 v2, v5;
	v18 =	vmov s26;
	[tilespmem:v21+s1+$0x0] =	vst.idx.msk $0xffff, v10;
	v26 =	vadd.f32 $1.000000000e+00, v22  }
0xc6: {  	v14 =	vadd.s32 v3, v14;
	v10 =	vand.u32 $0x7F, v18;
	v18 =	vld [tilespmem:s14+$0x10];
	v22 =	vadd.f32 $1.000000000e+00, v15;
	[tilespmem:v23+s1+$0x0] =	vst.idx.msk $0xffff, v20  }
0xc7: {  	s15 =	simm.s32 $0x8640;
	s17 =	simm.s32 $0x8;
	s5 =	simm.s32 $0xA;
	v20 =	vadd.s32 v0, v10;
	v15 =	vld [tilespmem:s9+$0x20];
	v21 =	vadd.f32 $1.000000000e+00, v24;
	[tilespmem:v25+s1+$0x0] =	vst.idx.msk $0xffff, v26  }
.LBB2_6:
0xc8: {  	p0 =	slt.u32 s5, $0x7E;
	[tilespmem:v17+s1+$0x0] =	vst.idx.msk $0xffff, v22;
	v22 =	vadd.s32 v1, v8;
	v11 =	vadd.f32 $1.000000000e+00, v11;
	v23 =	vld [tilespmem:s8+$0x30]  }
0xc9: {  	v17 =	vmov s17;
	s17 =	smov.u32 s5;
	v24 =	vld [tilespmem:s16+$0xFFFFFFC0];
	[tilespmem:v16+s1+$0x0] =	vst.idx.msk $0xffff, v21;
	v21 =	vadd.s32 v2, v6;
	v12 =	vadd.f32 $1.000000000e+00, v12  }
0xca: {  	v27 =	vadd.s32 v3, v4;
	v4 =	vmovc v6;
	v25 =	vand.u32 $0x7E, v17;
	v16 =	vadd.f32 $1.000000000e+00, v19;
	v26 =	vld [tilespmem:s14+$0xFFFFFFD0];
	[tilespmem:v13+s1+$0x0] =	vst.idx.msk $0xffff, v11  }
.Ltmp2:
0xcb: {  	v6 =	vmovc v8;
	v8 =	vmov v10;
	v17 =	vadd.s32 v0, v25;
	v13 =	vadd.f32 $1.000000000e+00, v18;
	v11 =	vld [tilespmem:s9+$0xFFFFFFE0];
	[tilespmem:v14+s1+$0x0] =	vst.idx.msk $0xffff, v12;
	(pc) =	sbr.rel @p0 .LBB2_6-.Ltmp2, $4  }
0xcc: {  	s21 =	sadd.s32 $0x1, s5;
	s16 =	sadd.s32 $0x80, s16;
	[tilespmem:v20+s1+$0x0] =	vst.idx.msk $0xffff, v16;
	v16 =	vadd.s32 v1, v9;
	v14 =	vadd.f32 $1.000000000e+00, v15;
	v12 =	vld [tilespmem:s8+$0xFFFFFFF0];
	s8 =	smov.u32 s9  }
0xcd: {  	v10 =	vmov s21;
	s9 =	smov.u32 s14;
	s14 =	smov.u32 s15;
	s15 =	smov.u32 s16;
	v19 =	vld [tilespmem:s16+$0x0];
	[tilespmem:v22+s1+$0x0] =	vst.idx.msk $0xffff, v13;
	v13 =	vadd.s32 v2, v7;
	v23 =	vadd.f32 $1.000000000e+00, v23  }
0xce: {  	v10 =	vand.u32 $0x7F, v10;
	v22 =	vadd.f32 $1.000000000e+00, v24;
	v18 =	vld [tilespmem:s14+$0x10];
	[tilespmem:v21+s1+$0x0] =	vst.idx.msk $0xffff, v14;
	v14 =	vadd.s32 v3, v5;
	v5 =	vmovc v7  }
0xcf: {  	s5 =	sadd.s32 $0x2, s5;
	v20 =	vadd.s32 v0, v10;
	v7 =	vmovc v9;
	v9 =	vmov v25;
	v21 =	vadd.f32 $1.000000000e+00, v26;
	v15 =	vld [tilespmem:s9+$0x20];
	[tilespmem:v27+s1+$0x0] =	vst.idx.msk $0xffff, v23  }
0xd0: {  	v23 =	vmov s17;
	v24 =	vld [tilespmem:s16+$0xFFFFFFC0]  }
0xd1: {  	v23 =	vand.u32 $0x7E, v23  }
0xd2: {  	v25 =	vadd.s32 v0, v23;
	_ =	sdelay $0x1  }
0xd3: {  	v19 =	vadd.f32 $1.000000000e+00, v19  }
0xd4: {  	[tilespmem:v17+s1+$0x0] =	vst.idx.msk $0xffff, v22;
	v62 =	vadd.f32 $1.000000000e+00, v24  }
0xd5: {  	v22 =	vld [tilespmem:s14+$0xFFFFFFD0];
	[tilespmem:v20+s1+$0x0] =	vst.idx.msk $0xffff, v19  }
0xd6: {  	v63 =	vadd.s32 v1, v8;
	v20 =	vld [tilespmem:s15+$0x10];
	[tilespmem:v25+s1+$0x0] =	vst.idx.msk $0xffff, v62  }
0xd7: {  	v28 =	vadd.s32 v1, v9;
	v29 =	vld [tilespmem:s15+$0xFFFFFFD0]  }
0xd8: {  	v30 =	vadd.s32 v1, v10  }
0xd9: {  	v26 =	vadd.s32 v1, v23;
	v18 =	vadd.f32 $1.000000000e+00, v18  }
0xda: {  	[tilespmem:v16+s1+$0x0] =	vst.idx.msk $0xffff, v21;
	v31 =	vadd.f32 $1.000000000e+00, v22  }
0xdb: {  	v32 =	vld [tilespmem:s9+$0xFFFFFFE0];
	[tilespmem:v63+s1+$0x0] =	vst.idx.msk $0xffff, v18;
	v33 =	vadd.f32 $1.000000000e+00, v20  }
0xdc: {  	v34 =	vadd.s32 v2, v6;
	v35 =	vld [tilespmem:s14+$0x20];
	[tilespmem:v28+s1+$0x0] =	vst.idx.msk $0xffff, v31;
	v36 =	vadd.f32 $1.000000000e+00, v29  }
0xdd: {  	v11 =	vadd.f32 $1.000000000e+00, v11;
	v37 =	vadd.s32 v2, v7;
	v38 =	vld [tilespmem:s14+$0xFFFFFFE0];
	[tilespmem:v30+s1+$0x0] =	vst.idx.msk $0xffff, v33  }
0xde: {  	v39 =	vadd.s32 v2, v8;
	v12 =	vadd.f32 $1.000000000e+00, v12;
	v40 =	vld [tilespmem:s15+$0x20];
	[tilespmem:v26+s1+$0x0] =	vst.idx.msk $0xffff, v36  }
0xdf: {  	v42 =	vadd.s32 v2, v9;
	[tilespmem:v13+s1+$0x0] =	vst.idx.msk $0xffff, v11;
	v41 =	vadd.f32 $1.000000000e+00, v15;
	v43 =	vld [tilespmem:s15+$0xFFFFFFE0]  }
0xe0: {  	v44 =	vld [tilespmem:s8+$0x30];
	v46 =	vadd.s32 v2, v10;
	[tilespmem:v14+s1+$0x0] =	vst.idx.msk $0xffff, v12;
	v45 =	vadd.f32 $1.000000000e+00, v32  }
0xe1: {  	v49 =	vadd.s32 v2, v23;
	v47 =	vld [tilespmem:s8+$0xFFFFFFF0];
	[tilespmem:v34+s1+$0x0] =	vst.idx.msk $0xffff, v41;
	v48 =	vadd.f32 $1.000000000e+00, v35  }
0xe2: {  	v4 =	vadd.s32 v3, v4;
	[tilespmem:v37+s1+$0x0] =	vst.idx.msk $0xffff, v45;
	v20 =	vld [tilespmem:s9+$0x30];
	v50 =	vadd.f32 $1.000000000e+00, v38  }
0xe3: {  	v5 =	vadd.s32 v3, v5;
	v51 =	vld [tilespmem:s9+$0xFFFFFFF0];
	[tilespmem:v39+s1+$0x0] =	vst.idx.msk $0xffff, v48;
	v52 =	vadd.f32 $1.000000000e+00, v40  }
0xe4: {  	v53 =	vadd.s32 v3, v6;
	v54 =	vld [tilespmem:s14+$0x30];
	[tilespmem:v42+s1+$0x0] =	vst.idx.msk $0xffff, v50;
	v55 =	vadd.f32 $1.000000000e+00, v43  }
0xe5: {  	v57 =	vadd.s32 v3, v7;
	v56 =	vadd.f32 $1.000000000e+00, v44;
	v58 =	vld [tilespmem:s14+$0xFFFFFFF0];
	[tilespmem:v46+s1+$0x0] =	vst.idx.msk $0xffff, v52  }
0xe6: {  	v60 =	vadd.s32 v3, v8;
	v59 =	vadd.f32 $1.000000000e+00, v47;
	v14 =	vld [tilespmem:s15+$0x30];
	[tilespmem:v49+s1+$0x0] =	vst.idx.msk $0xffff, v55  }
0xe7: {  	v61 =	vadd.s32 v3, v9;
	[tilespmem:v4+s1+$0x0] =	vst.idx.msk $0xffff, v56;
	v4 =	vadd.f32 $1.000000000e+00, v20;
	v12 =	vld [tilespmem:s15+$0xFFFFFFF0]  }
0xe8: {  	v62 =	vadd.s32 v3, v10;
	[tilespmem:v5+s1+$0x0] =	vst.idx.msk $0xffff, v59;
	v5 =	vadd.f32 $1.000000000e+00, v51  }
0xe9: {  	v63 =	vadd.s32 v3, v23;
	[tilespmem:v53+s1+$0x0] =	vst.idx.msk $0xffff, v4;
	v4 =	vadd.f32 $1.000000000e+00, v54  }
0xea: {  	[tilespmem:v57+s1+$0x0] =	vst.idx.msk $0xffff, v5;
	v5 =	vadd.f32 $1.000000000e+00, v58  }
0xeb: {  	[tilespmem:v60+s1+$0x0] =	vst.idx.msk $0xffff, v4;
	v4 =	vadd.f32 $1.000000000e+00, v14  }
0xec: {  	[tilespmem:v61+s1+$0x0] =	vst.idx.msk $0xffff, v5;
	v5 =	vadd.f32 $1.000000000e+00, v12  }
0xed: {  	[tilespmem:v62+s1+$0x0] =	vst.idx.msk $0xffff, v4  }
0xee: {  	s5 =	simm.s32 $0x8400;
	s16 =	simm.s32 $0x280;
	[tilespmem:v63+s1+$0x0] =	vst.idx.msk $0xffff, v5  }
0xef: {  	[tilespmem:s5], [sflag:$0x2] =	stream.indirect.gather [hbm4b:s4+s20], $0x40, s16, s20, $0xb8;
	[tilespmem:$0x16C00] =	vst v63  }
0xf0: {  	s17 =	simm.s32 $0x10600;
	s16 =	rddreg [dreg:$0x5]  }
0xf1: {  	[hbm4b:s16+s3] =	stream.linear.scatter [tilespmem:s17], [sflag:$0x6], $0x80, $0x38;
	[tilespmem:$0x16C00] =	vst v63  }
0xf2: {  	s21 =	simm.s32 $0x10688;
	s22 =	sadd.s32 $0x10, s16  }
0xf3: {  	[hbm4b:s22+s3] =	stream.linear.scatter [tilespmem:s21], [sflag:$0x6], $0x80, $0x38;
	[tilespmem:$0x16C00] =	vst v63  }
0xf4: {  	s24 =	simm.s32 $0x10710;
	s9 =	simm.s32 $0x10798;
	s26 =	sadd.s32 $0x20, s16  }
0xf5: {  	[hbm4b:s26+s3] =	stream.linear.scatter [tilespmem:s24], [sflag:$0x6], $0x80, $0x38;
	[tilespmem:$0x16C00] =	vst v63  }
0xf6: {  	s15 =	simm.s32 $0x10820;
	s5 =	simm.s32 $0x440;
	s14 =	sadd.s32 $0x30, s16  }
0xf7: {  	[hbm4b:s14+s3] =	stream.linear.scatter [tilespmem:s9], [sflag:$0x6], $0x80, $0x38;
	[tilespmem:$0x16C00] =	vst v63  }
0xf8: {  	s8 =	sadd.s32 $0x1000, s16;
	s17 =	sadd.s32 $0x40, s16;
	s21 =	simm.s32 $0x108A8  }
0xf9: {  	[hbm4b:s17+s3] =	stream.linear.scatter [tilespmem:s15], [sflag:$0x6], $0x80, $0x38;
	[tilespmem:$0x16C00] =	vst v63  }
0xfa: {  	s22 =	sadd.s32 $0x50, s16;
	s24 =	simm.s32 $0x10930;
	s26 =	sadd.s32 $0x60, s16  }
0xfb: {  	[hbm4b:s22+s3] =	stream.linear.scatter [tilespmem:s21], [sflag:$0x6], $0x80, $0x38;
	[tilespmem:$0x16C00] =	vst v63  }
0xfc: {  	s9 =	simm.s32 $0x2200;
	s14 =	simm.s32 $0x109B8;
	s15 =	sadd.s32 $0x70, s16  }
0xfd: {  	[hbm4b:s26+s3] =	stream.linear.scatter [tilespmem:s24], [sflag:$0x6], $0x80, $0x38;
	[tilespmem:$0x16C00] =	vst v63  }
.LBB2_8:
0xfe: {  	[hbm4b:s15+s3] =	stream.linear.scatter [tilespmem:s14], [sflag:$0x6], $0x80, $0x38;
	[tilespmem:$0x16C00] =	vst v63  }
0xff: {  	s14 =	smov.u32 s5;
	s5 =	smov.u32 s9  }
0x100: {  	s16 =	sadd.s32 $0x1100, s9;
	s5 =	sshra.s32 s5, $0x2;
	s15 =	sadd.s32 $0x10600, s14  }
0x101: {  	[hbm4b:s8+s3] =	stream.linear.scatter [tilespmem:s15], [sflag:$0x6], $0x80, $0x38;
	[tilespmem:$0x16C00] =	vst v63  }
0x102: {  	p0 =	sne.s32 s9, $0x7700;
	s9 =	sadd.s32 $0x10688, s14;
	s15 =	sadd.s32 $0x10, s8  }
0x103: {  	[hbm4b:s15+s3] =	stream.linear.scatter [tilespmem:s9], [sflag:$0x6], $0x80, $0x38;
	[tilespmem:$0x16C00] =	vst v63  }
0x104: {  	s9 =	sadd.s32 $0x10710, s14;
	s15 =	sadd.s32 $0x20, s8  }
0x105: {  	[hbm4b:s15+s3] =	stream.linear.scatter [tilespmem:s9], [sflag:$0x6], $0x80, $0x38;
	[tilespmem:$0x16C00] =	vst v63  }
0x106: {  	s9 =	sadd.s32 $0x10798, s14;
	s15 =	sadd.s32 $0x30, s8  }
0x107: {  	[hbm4b:s15+s3] =	stream.linear.scatter [tilespmem:s9], [sflag:$0x6], $0x80, $0x38;
	[tilespmem:$0x16C00] =	vst v63  }
0x108: {  	s9 =	sadd.s32 $0x10820, s14;
	s15 =	sadd.s32 $0x40, s8  }
0x109: {  	[hbm4b:s15+s3] =	stream.linear.scatter [tilespmem:s9], [sflag:$0x6], $0x80, $0x38;
	[tilespmem:$0x16C00] =	vst v63  }
.Ltmp3:
0x10a: {  	s9 =	sadd.s32 $0x108A8, s14;
	s15 =	sadd.s32 $0x50, s8;
	(pc) =	sbr.rel @p0 .LBB2_8-.Ltmp3, $4  }
0x10b: {  	[hbm4b:s15+s3] =	stream.linear.scatter [tilespmem:s9], [sflag:$0x6], $0x80, $0x38;
	[tilespmem:$0x16C00] =	vst v63  }
0x10c: {  	s9 =	sadd.s32 $0x10930, s14;
	s15 =	sadd.s32 $0x60, s8;
	s14 =	sadd.s32 $0x109B8, s14  }
0x10d: {  	[hbm4b:s15+s3] =	stream.linear.scatter [tilespmem:s9], [sflag:$0x6], $0x80, $0x38;
	[tilespmem:$0x16C00] =	vst v63  }
0x10e: {  	s15 =	sadd.s32 $0x70, s8;
	s8 =	sadd.s32 $0x1000, s8;
	s9 =	smov.u32 s16  }
0x10f: {  	[hbm4b:s15+s3] =	stream.linear.scatter [tilespmem:s14], [sflag:$0x6], $0x80, $0x38;
	[tilespmem:$0x16C00] =	vst v63  }
0x110: {  	s9 =	sadd.s32 $0x10600, s5  }
0x111: {  	[hbm4b:s8+s3] =	stream.linear.scatter [tilespmem:s9], [sflag:$0x6], $0x80, $0x38;
	[tilespmem:$0x16C00] =	vst v63  }
0x112: {  	s16 =	sadd.s32 $0x10688, s5;
	s17 =	sadd.s32 $0x10, s8  }
0x113: {  	[hbm4b:s17+s3] =	stream.linear.scatter [tilespmem:s16], [sflag:$0x6], $0x80, $0x38;
	[tilespmem:$0x16C00] =	vst v63  }
0x114: {  	s21 =	sadd.s32 $0x10710, s5;
	s22 =	sadd.s32 $0x20, s8  }
0x115: {  	[hbm4b:s22+s3] =	stream.linear.scatter [tilespmem:s21], [sflag:$0x6], $0x80, $0x38;
	[tilespmem:$0x16C00] =	vst v63  }
0x116: {  	s24 =	sadd.s32 $0x10798, s5;
	s26 =	sadd.s32 $0x30, s8  }
0x117: {  	[hbm4b:s26+s3] =	stream.linear.scatter [tilespmem:s24], [sflag:$0x6], $0x80, $0x38;
	[tilespmem:$0x16C00] =	vst v63  }
0x118: {  	s14 =	sadd.s32 $0x10820, s5;
	s15 =	sadd.s32 $0x40, s8  }
0x119: {  	[hbm4b:s15+s3] =	stream.linear.scatter [tilespmem:s14], [sflag:$0x6], $0x80, $0x38;
	[tilespmem:$0x16C00] =	vst v63  }
0x11a: {  	s16 =	sadd.s32 $0x108A8, s5;
	s17 =	sadd.s32 $0x50, s8  }
0x11b: {  	[hbm4b:s17+s3] =	stream.linear.scatter [tilespmem:s16], [sflag:$0x6], $0x80, $0x38;
	[tilespmem:$0x16C00] =	vst v63  }
0x11c: {  	s21 =	sadd.s32 $0x10930, s5;
	s22 =	sadd.s32 $0x60, s8  }
0x11d: {  	[hbm4b:s22+s3] =	stream.linear.scatter [tilespmem:s21], [sflag:$0x6], $0x80, $0x38;
	[tilespmem:$0x16C00] =	vst v63  }
0x11e: {  	s24 =	sadd.s32 $0x109B8, s5;
	s26 =	sadd.s32 $0x70, s8  }
0x11f: {  	[hbm4b:s26+s3] =	stream.linear.scatter [tilespmem:s24], [sflag:$0x6], $0x80, $0x38;
	[tilespmem:$0x16C00] =	vst v63  }
0x120: {  	_ =	swait.ge [sflag:s23], $0x2000  }
0x121: {  	[sflag:s23] =	ssyncset.done $0x0  }
0x122: {  	s9 =	simm.s32 $0x1;
	s5 =	simm.s32 $0xA440;
	[sflag:s23] =	ssyncadd.s32 $0xFFFFE000  }
0x123: {  	v4 =	vmov s9;
	v5 =	vld [tilespmem:s5+$0x0]  }
0x124: {  	v9 =	vand.u32 $0x7F, v4  }
0x125: {  	v4 =	vadd.s32 v0, v9  }
0x126: {  	s14 =	simm.s32 $0x0  }
0x127: {  	v6 =	vmov s14;
	v7 =	vld [tilespmem:s5+$0xFFFFFFC0]  }
0x128: {  	v14 =	vand.u32 $0x7E, v6;
	v5 =	vadd.f32 $1.000000000e+00, v5  }
0x129: {  	s8 =	simm.s32 $0xA4C0;
	s15 =	simm.s32 $0x3;
	v6 =	vadd.s32 v0, v14  }
0x12a: {  	v8 =	vld [tilespmem:s8+$0x0];
	[tilespmem:v4+s25+$0x0] =	vst.idx.msk $0xffff, v5;
	v4 =	vmov s15  }
0x12b: {  	v4 =	vand.u32 $0x7F, v4;
	v10 =	vld [tilespmem:s5+$0x10]  }
0x12c: {  	v5 =	vadd.f32 $1.000000000e+00, v7;
	v7 =	vadd.s32 v0, v4  }
0x12d: {  	v11 =	vadd.s32 v1, v9;
	s16 =	simm.s32 $0x2  }
0x12e: {  	v12 =	vld [tilespmem:s8+$0xFFFFFFC0];
	[tilespmem:v6+s25+$0x0] =	vst.idx.msk $0xffff, v5;
	v5 =	vmov s16  }
0x12f: {  	v6 =	vadd.f32 $1.000000000e+00, v8;
	v5 =	vand.u32 $0x7E, v5;
	v8 =	vld [tilespmem:s5+$0xFFFFFFD0]  }
0x130: {  	s9 =	simm.s32 $0xA540;
	s17 =	simm.s32 $0x5;
	v13 =	vadd.s32 v0, v5;
	v10 =	vadd.f32 $1.000000000e+00, v10  }
0x131: {  	v15 =	vld [tilespmem:s9+$0x0];
	[tilespmem:v7+s25+$0x0] =	vst.idx.msk $0xffff, v6;
	v7 =	vadd.s32 v1, v14;
	v6 =	vmov s17  }
0x132: {  	[tilespmem:v11+s25+$0x0] =	vst.idx.msk $0xffff, v10;
	v6 =	vand.u32 $0x7F, v6;
	v10 =	vld [tilespmem:s8+$0x10]  }
0x133: {  	v11 =	vadd.f32 $1.000000000e+00, v12;
	v12 =	vadd.s32 v0, v6;
	v16 =	vld [tilespmem:s5+$0x20]  }
0x134: {  	s21 =	simm.s32 $0x4;
	v17 =	vadd.s32 v1, v4;
	v8 =	vadd.f32 $1.000000000e+00, v8  }
0x135: {  	v18 =	vadd.s32 v2, v9;
	[tilespmem:v13+s25+$0x0] =	vst.idx.msk $0xffff, v11;
	v11 =	vmov s21;
	v13 =	vld [tilespmem:s9+$0xFFFFFFC0]  }
0x136: {  	[tilespmem:v7+s25+$0x0] =	vst.idx.msk $0xffff, v8;
	v7 =	vand.u32 $0x7E, v11;
	v8 =	vadd.f32 $1.000000000e+00, v15;
	v11 =	vld [tilespmem:s8+$0xFFFFFFD0]  }
0x137: {  	s14 =	simm.s32 $0xA5C0;
	s22 =	simm.s32 $0x7;
	v15 =	vadd.s32 v0, v7;
	v10 =	vadd.f32 $1.000000000e+00, v10;
	v19 =	vld [tilespmem:s5+$0xFFFFFFE0]  }
0x138: {  	v20 =	vld [tilespmem:s14+$0x0];
	[tilespmem:v12+s25+$0x0] =	vst.idx.msk $0xffff, v8;
	v12 =	vadd.s32 v1, v5;
	v16 =	vadd.f32 $1.000000000e+00, v16;
	v8 =	vmov s22  }
0x139: {  	[tilespmem:v17+s25+$0x0] =	vst.idx.msk $0xffff, v10;
	v10 =	vadd.s32 v2, v14;
	v8 =	vand.u32 $0x7F, v8;
	v17 =	vld [tilespmem:s9+$0x10]  }
0x13a: {  	v13 =	vadd.f32 $1.000000000e+00, v13;
	[tilespmem:v18+s25+$0x0] =	vst.idx.msk $0xffff, v16;
	v16 =	vadd.s32 v0, v8;
	v18 =	vld [tilespmem:s8+$0x20]  }
0x13b: {  	s24 =	simm.s32 $0x6;
	v21 =	vadd.s32 v1, v6;
	v11 =	vadd.f32 $1.000000000e+00, v11;
	v22 =	vld [tilespmem:s5+$0x30]  }
0x13c: {  	v23 =	vadd.s32 v2, v4;
	[tilespmem:v15+s25+$0x0] =	vst.idx.msk $0xffff, v13;
	v13 =	vadd.f32 $1.000000000e+00, v19;
	v15 =	vld [tilespmem:s14+$0xFFFFFFC0];
	v19 =	vmov s24  }
0x13d: {  	v25 =	vadd.s32 v3, v9;
	[tilespmem:v12+s25+$0x0] =	vst.idx.msk $0xffff, v11;
	v12 =	vadd.f32 $1.000000000e+00, v20;
	v24 =	vld [tilespmem:s9+$0xFFFFFFD0];
	v9 =	vand.u32 $0x7E, v19  }
0x13e: {  	[tilespmem:v10+s25+$0x0] =	vst.idx.msk $0xffff, v13;
	v10 =	vadd.f32 $1.000000000e+00, v17;
	v11 =	vld [tilespmem:s8+$0xFFFFFFE0];
	v17 =	vadd.s32 v0, v9  }
0x13f: {  	s26 =	simm.s32 $0x9;
	s16 =	simm.s32 $0xA640;
	[tilespmem:v16+s25+$0x0] =	vst.idx.msk $0xffff, v12;
	v20 =	vadd.f32 $1.000000000e+00, v18;
	v12 =	vld [tilespmem:s5+$0xFFFFFFF0];
	v16 =	vadd.s32 v1, v7  }
0x140: {  	v19 =	vld [tilespmem:s16+$0x0];
	v13 =	vadd.s32 v2, v5;
	v18 =	vmov s26;
	[tilespmem:v21+s25+$0x0] =	vst.idx.msk $0xffff, v10;
	v26 =	vadd.f32 $1.000000000e+00, v22  }
0x141: {  	v14 =	vadd.s32 v3, v14;
	v10 =	vand.u32 $0x7F, v18;
	v18 =	vld [tilespmem:s14+$0x10];
	v22 =	vadd.f32 $1.000000000e+00, v15;
	[tilespmem:v23+s25+$0x0] =	vst.idx.msk $0xffff, v20  }
0x142: {  	s15 =	simm.s32 $0xA640;
	s17 =	simm.s32 $0x8;
	s5 =	simm.s32 $0xA;
	v20 =	vadd.s32 v0, v10;
	v15 =	vld [tilespmem:s9+$0x20];
	v21 =	vadd.f32 $1.000000000e+00, v24;
	[tilespmem:v25+s25+$0x0] =	vst.idx.msk $0xffff, v26  }
.LBB2_10:
0x143: {  	p0 =	slt.u32 s5, $0x7E;
	[tilespmem:v17+s25+$0x0] =	vst.idx.msk $0xffff, v22;
	v22 =	vadd.s32 v1, v8;
	v11 =	vadd.f32 $1.000000000e+00, v11;
	v23 =	vld [tilespmem:s8+$0x30]  }
0x144: {  	v17 =	vmov s17;
	s17 =	smov.u32 s5;
	v24 =	vld [tilespmem:s16+$0xFFFFFFC0];
	[tilespmem:v16+s25+$0x0] =	vst.idx.msk $0xffff, v21;
	v21 =	vadd.s32 v2, v6;
	v12 =	vadd.f32 $1.000000000e+00, v12  }
0x145: {  	v27 =	vadd.s32 v3, v4;
	v4 =	vmovc v6;
	v25 =	vand.u32 $0x7E, v17;
	v16 =	vadd.f32 $1.000000000e+00, v19;
	v26 =	vld [tilespmem:s14+$0xFFFFFFD0];
	[tilespmem:v13+s25+$0x0] =	vst.idx.msk $0xffff, v11  }
.Ltmp4:
0x146: {  	v6 =	vmovc v8;
	v8 =	vmov v10;
	v17 =	vadd.s32 v0, v25;
	v13 =	vadd.f32 $1.000000000e+00, v18;
	v11 =	vld [tilespmem:s9+$0xFFFFFFE0];
	[tilespmem:v14+s25+$0x0] =	vst.idx.msk $0xffff, v12;
	(pc) =	sbr.rel @p0 .LBB2_10-.Ltmp4, $4  }
0x147: {  	s21 =	sadd.s32 $0x1, s5;
	s16 =	sadd.s32 $0x80, s16;
	[tilespmem:v20+s25+$0x0] =	vst.idx.msk $0xffff, v16;
	v16 =	vadd.s32 v1, v9;
	v14 =	vadd.f32 $1.000000000e+00, v15;
	v12 =	vld [tilespmem:s8+$0xFFFFFFF0];
	s8 =	smov.u32 s9  }
0x148: {  	v10 =	vmov s21;
	s9 =	smov.u32 s14;
	s14 =	smov.u32 s15;
	s15 =	smov.u32 s16;
	v19 =	vld [tilespmem:s16+$0x0];
	[tilespmem:v22+s25+$0x0] =	vst.idx.msk $0xffff, v13;
	v13 =	vadd.s32 v2, v7;
	v23 =	vadd.f32 $1.000000000e+00, v23  }
0x149: {  	v10 =	vand.u32 $0x7F, v10;
	v22 =	vadd.f32 $1.000000000e+00, v24;
	v18 =	vld [tilespmem:s14+$0x10];
	[tilespmem:v21+s25+$0x0] =	vst.idx.msk $0xffff, v14;
	v14 =	vadd.s32 v3, v5;
	v5 =	vmovc v7  }
0x14a: {  	s5 =	sadd.s32 $0x2, s5;
	v20 =	vadd.s32 v0, v10;
	v7 =	vmovc v9;
	v9 =	vmov v25;
	v21 =	vadd.f32 $1.000000000e+00, v26;
	v15 =	vld [tilespmem:s9+$0x20];
	[tilespmem:v27+s25+$0x0] =	vst.idx.msk $0xffff, v23  }
0x14b: {  	v23 =	vmov s17;
	v24 =	vld [tilespmem:s16+$0xFFFFFFC0]  }
0x14c: {  	v23 =	vand.u32 $0x7E, v23  }
0x14d: {  	v25 =	vadd.s32 v0, v23;
	_ =	sdelay $0x1  }
0x14e: {  	v19 =	vadd.f32 $1.000000000e+00, v19  }
0x14f: {  	[tilespmem:v17+s25+$0x0] =	vst.idx.msk $0xffff, v22;
	v62 =	vadd.f32 $1.000000000e+00, v24  }
0x150: {  	v22 =	vld [tilespmem:s14+$0xFFFFFFD0];
	[tilespmem:v20+s25+$0x0] =	vst.idx.msk $0xffff, v19  }
0x151: {  	v63 =	vadd.s32 v1, v8;
	v20 =	vld [tilespmem:s15+$0x10];
	[tilespmem:v25+s25+$0x0] =	vst.idx.msk $0xffff, v62  }
0x152: {  	v28 =	vadd.s32 v1, v9;
	v29 =	vld [tilespmem:s15+$0xFFFFFFD0]  }
0x153: {  	v30 =	vadd.s32 v1, v10  }
0x154: {  	v26 =	vadd.s32 v1, v23;
	v18 =	vadd.f32 $1.000000000e+00, v18  }
0x155: {  	[tilespmem:v16+s25+$0x0] =	vst.idx.msk $0xffff, v21;
	v31 =	vadd.f32 $1.000000000e+00, v22  }
0x156: {  	v32 =	vld [tilespmem:s9+$0xFFFFFFE0];
	[tilespmem:v63+s25+$0x0] =	vst.idx.msk $0xffff, v18;
	v33 =	vadd.f32 $1.000000000e+00, v20  }
0x157: {  	v34 =	vadd.s32 v2, v6;
	v35 =	vld [tilespmem:s14+$0x20];
	[tilespmem:v28+s25+$0x0] =	vst.idx.msk $0xffff, v31;
	v36 =	vadd.f32 $1.000000000e+00, v29  }
0x158: {  	v11 =	vadd.f32 $1.000000000e+00, v11;
	v37 =	vadd.s32 v2, v7;
	v38 =	vld [tilespmem:s14+$0xFFFFFFE0];
	[tilespmem:v30+s25+$0x0] =	vst.idx.msk $0xffff, v33  }
0x159: {  	v39 =	vadd.s32 v2, v8;
	v12 =	vadd.f32 $1.000000000e+00, v12;
	v40 =	vld [tilespmem:s15+$0x20];
	[tilespmem:v26+s25+$0x0] =	vst.idx.msk $0xffff, v36  }
0x15a: {  	v42 =	vadd.s32 v2, v9;
	[tilespmem:v13+s25+$0x0] =	vst.idx.msk $0xffff, v11;
	v41 =	vadd.f32 $1.000000000e+00, v15;
	v43 =	vld [tilespmem:s15+$0xFFFFFFE0]  }
0x15b: {  	v44 =	vld [tilespmem:s8+$0x30];
	v46 =	vadd.s32 v2, v10;
	[tilespmem:v14+s25+$0x0] =	vst.idx.msk $0xffff, v12;
	v45 =	vadd.f32 $1.000000000e+00, v32  }
0x15c: {  	v49 =	vadd.s32 v2, v23;
	v47 =	vld [tilespmem:s8+$0xFFFFFFF0];
	[tilespmem:v34+s25+$0x0] =	vst.idx.msk $0xffff, v41;
	v48 =	vadd.f32 $1.000000000e+00, v35  }
0x15d: {  	v4 =	vadd.s32 v3, v4;
	[tilespmem:v37+s25+$0x0] =	vst.idx.msk $0xffff, v45;
	v20 =	vld [tilespmem:s9+$0x30];
	v50 =	vadd.f32 $1.000000000e+00, v38  }
0x15e: {  	v5 =	vadd.s32 v3, v5;
	v51 =	vld [tilespmem:s9+$0xFFFFFFF0];
	[tilespmem:v39+s25+$0x0] =	vst.idx.msk $0xffff, v48;
	v52 =	vadd.f32 $1.000000000e+00, v40  }
0x15f: {  	v53 =	vadd.s32 v3, v6;
	v54 =	vld [tilespmem:s14+$0x30];
	[tilespmem:v42+s25+$0x0] =	vst.idx.msk $0xffff, v50;
	v55 =	vadd.f32 $1.000000000e+00, v43  }
0x160: {  	v57 =	vadd.s32 v3, v7;
	v56 =	vadd.f32 $1.000000000e+00, v44;
	v58 =	vld [tilespmem:s14+$0xFFFFFFF0];
	[tilespmem:v46+s25+$0x0] =	vst.idx.msk $0xffff, v52  }
0x161: {  	v60 =	vadd.s32 v3, v8;
	v59 =	vadd.f32 $1.000000000e+00, v47;
	v14 =	vld [tilespmem:s15+$0x30];
	[tilespmem:v49+s25+$0x0] =	vst.idx.msk $0xffff, v55  }
0x162: {  	v61 =	vadd.s32 v3, v9;
	[tilespmem:v4+s25+$0x0] =	vst.idx.msk $0xffff, v56;
	v4 =	vadd.f32 $1.000000000e+00, v20;
	v12 =	vld [tilespmem:s15+$0xFFFFFFF0]  }
0x163: {  	v62 =	vadd.s32 v3, v10;
	[tilespmem:v5+s25+$0x0] =	vst.idx.msk $0xffff, v59;
	v5 =	vadd.f32 $1.000000000e+00, v51  }
0x164: {  	v63 =	vadd.s32 v3, v23;
	[tilespmem:v53+s25+$0x0] =	vst.idx.msk $0xffff, v4;
	v4 =	vadd.f32 $1.000000000e+00, v54  }
0x165: {  	[tilespmem:v57+s25+$0x0] =	vst.idx.msk $0xffff, v5;
	v5 =	vadd.f32 $1.000000000e+00, v58  }
0x166: {  	[tilespmem:v60+s25+$0x0] =	vst.idx.msk $0xffff, v4;
	v4 =	vadd.f32 $1.000000000e+00, v14  }
0x167: {  	[tilespmem:v61+s25+$0x0] =	vst.idx.msk $0xffff, v5;
	v5 =	vadd.f32 $1.000000000e+00, v12  }
0x168: {  	[tilespmem:v62+s25+$0x0] =	vst.idx.msk $0xffff, v4  }
0x169: {  	s5 =	simm.s32 $0xA400;
	s16 =	simm.s32 $0x300;
	[tilespmem:v63+s25+$0x0] =	vst.idx.msk $0xffff, v5  }
0x16a: {  	[tilespmem:s5], [sflag:$0x3] =	stream.indirect.gather [hbm4b:s4+s20], $0x40, s16, s20, $0xb8;
	[tilespmem:$0x16C00] =	vst v63  }
0x16b: {  	s17 =	simm.s32 $0x12800;
	s16 =	rddreg [dreg:$0x6]  }
0x16c: {  	[hbm4b:s16+s3] =	stream.linear.scatter [tilespmem:s17], [sflag:$0x7], $0x80, $0x38;
	[tilespmem:$0x16C00] =	vst v63  }
0x16d: {  	s21 =	simm.s32 $0x12888;
	s22 =	sadd.s32 $0x10, s16  }
0x16e: {  	[hbm4b:s22+s3] =	stream.linear.scatter [tilespmem:s21], [sflag:$0x7], $0x80, $0x38;
	[tilespmem:$0x16C00] =	vst v63  }
0x16f: {  	s24 =	simm.s32 $0x12910;
	s9 =	simm.s32 $0x12998;
	s26 =	sadd.s32 $0x20, s16  }
0x170: {  	[hbm4b:s26+s3] =	stream.linear.scatter [tilespmem:s24], [sflag:$0x7], $0x80, $0x38;
	[tilespmem:$0x16C00] =	vst v63  }
0x171: {  	s15 =	simm.s32 $0x12A20;
	s5 =	simm.s32 $0x440;
	s14 =	sadd.s32 $0x30, s16  }
0x172: {  	[hbm4b:s14+s3] =	stream.linear.scatter [tilespmem:s9], [sflag:$0x7], $0x80, $0x38;
	[tilespmem:$0x16C00] =	vst v63  }
0x173: {  	s8 =	sadd.s32 $0x1000, s16;
	s17 =	sadd.s32 $0x40, s16;
	s21 =	simm.s32 $0x12AA8  }
0x174: {  	[hbm4b:s17+s3] =	stream.linear.scatter [tilespmem:s15], [sflag:$0x7], $0x80, $0x38;
	[tilespmem:$0x16C00] =	vst v63  }
0x175: {  	s22 =	sadd.s32 $0x50, s16;
	s24 =	simm.s32 $0x12B30;
	s26 =	sadd.s32 $0x60, s16  }
0x176: {  	[hbm4b:s22+s3] =	stream.linear.scatter [tilespmem:s21], [sflag:$0x7], $0x80, $0x38;
	[tilespmem:$0x16C00] =	vst v63  }
0x177: {  	s9 =	simm.s32 $0x2200;
	s14 =	simm.s32 $0x12BB8;
	s15 =	sadd.s32 $0x70, s16  }
0x178: {  	[hbm4b:s26+s3] =	stream.linear.scatter [tilespmem:s24], [sflag:$0x7], $0x80, $0x38;
	[tilespmem:$0x16C00] =	vst v63  }
.LBB2_12:
0x179: {  	[hbm4b:s15+s3] =	stream.linear.scatter [tilespmem:s14], [sflag:$0x7], $0x80, $0x38;
	[tilespmem:$0x16C00] =	vst v63  }
0x17a: {  	s14 =	smov.u32 s5;
	s5 =	smov.u32 s9  }
0x17b: {  	s16 =	sadd.s32 $0x1100, s9;
	s5 =	sshra.s32 s5, $0x2;
	s15 =	sadd.s32 $0x12800, s14  }
0x17c: {  	[hbm4b:s8+s3] =	stream.linear.scatter [tilespmem:s15], [sflag:$0x7], $0x80, $0x38;
	[tilespmem:$0x16C00] =	vst v63  }
0x17d: {  	p0 =	sne.s32 s9, $0x7700;
	s9 =	sadd.s32 $0x12888, s14;
	s15 =	sadd.s32 $0x10, s8  }
0x17e: {  	[hbm4b:s15+s3] =	stream.linear.scatter [tilespmem:s9], [sflag:$0x7], $0x80, $0x38;
	[tilespmem:$0x16C00] =	vst v63  }
0x17f: {  	s9 =	sadd.s32 $0x12910, s14;
	s15 =	sadd.s32 $0x20, s8  }
0x180: {  	[hbm4b:s15+s3] =	stream.linear.scatter [tilespmem:s9], [sflag:$0x7], $0x80, $0x38;
	[tilespmem:$0x16C00] =	vst v63  }
0x181: {  	s9 =	sadd.s32 $0x12998, s14;
	s15 =	sadd.s32 $0x30, s8  }
0x182: {  	[hbm4b:s15+s3] =	stream.linear.scatter [tilespmem:s9], [sflag:$0x7], $0x80, $0x38;
	[tilespmem:$0x16C00] =	vst v63  }
0x183: {  	s9 =	sadd.s32 $0x12A20, s14;
	s15 =	sadd.s32 $0x40, s8  }
0x184: {  	[hbm4b:s15+s3] =	stream.linear.scatter [tilespmem:s9], [sflag:$0x7], $0x80, $0x38;
	[tilespmem:$0x16C00] =	vst v63  }
.Ltmp5:
0x185: {  	s9 =	sadd.s32 $0x12AA8, s14;
	s15 =	sadd.s32 $0x50, s8;
	(pc) =	sbr.rel @p0 .LBB2_12-.Ltmp5, $4  }
0x186: {  	[hbm4b:s15+s3] =	stream.linear.scatter [tilespmem:s9], [sflag:$0x7], $0x80, $0x38;
	[tilespmem:$0x16C00] =	vst v63  }
0x187: {  	s9 =	sadd.s32 $0x12B30, s14;
	s15 =	sadd.s32 $0x60, s8;
	s14 =	sadd.s32 $0x12BB8, s14  }
0x188: {  	[hbm4b:s15+s3] =	stream.linear.scatter [tilespmem:s9], [sflag:$0x7], $0x80, $0x38;
	[tilespmem:$0x16C00] =	vst v63  }
0x189: {  	s15 =	sadd.s32 $0x70, s8;
	s8 =	sadd.s32 $0x1000, s8;
	s9 =	smov.u32 s16  }
0x18a: {  	[hbm4b:s15+s3] =	stream.linear.scatter [tilespmem:s14], [sflag:$0x7], $0x80, $0x38;
	[tilespmem:$0x16C00] =	vst v63  }
0x18b: {  	s9 =	sadd.s32 $0x12800, s5  }
0x18c: {  	[hbm4b:s8+s3] =	stream.linear.scatter [tilespmem:s9], [sflag:$0x7], $0x80, $0x38;
	[tilespmem:$0x16C00] =	vst v63  }
0x18d: {  	s16 =	sadd.s32 $0x12888, s5;
	s17 =	sadd.s32 $0x10, s8  }
0x18e: {  	[hbm4b:s17+s3] =	stream.linear.scatter [tilespmem:s16], [sflag:$0x7], $0x80, $0x38;
	[tilespmem:$0x16C00] =	vst v63  }
0x18f: {  	s21 =	sadd.s32 $0x12910, s5;
	s22 =	sadd.s32 $0x20, s8  }
0x190: {  	[hbm4b:s22+s3] =	stream.linear.scatter [tilespmem:s21], [sflag:$0x7], $0x80, $0x38;
	[tilespmem:$0x16C00] =	vst v63  }
0x191: {  	s24 =	sadd.s32 $0x12998, s5;
	s26 =	sadd.s32 $0x30, s8  }
0x192: {  	[hbm4b:s26+s3] =	stream.linear.scatter [tilespmem:s24], [sflag:$0x7], $0x80, $0x38;
	[tilespmem:$0x16C00] =	vst v63  }
0x193: {  	s14 =	sadd.s32 $0x12A20, s5;
	s15 =	sadd.s32 $0x40, s8  }
0x194: {  	[hbm4b:s15+s3] =	stream.linear.scatter [tilespmem:s14], [sflag:$0x7], $0x80, $0x38;
	[tilespmem:$0x16C00] =	vst v63  }
0x195: {  	s16 =	sadd.s32 $0x12AA8, s5;
	s17 =	sadd.s32 $0x50, s8  }
0x196: {  	[hbm4b:s17+s3] =	stream.linear.scatter [tilespmem:s16], [sflag:$0x7], $0x80, $0x38;
	[tilespmem:$0x16C00] =	vst v63  }
0x197: {  	s21 =	sadd.s32 $0x12B30, s5;
	s22 =	sadd.s32 $0x60, s8  }
0x198: {  	[hbm4b:s22+s3] =	stream.linear.scatter [tilespmem:s21], [sflag:$0x7], $0x80, $0x38;
	[tilespmem:$0x16C00] =	vst v63  }
0x199: {  	s24 =	sadd.s32 $0x12BB8, s5;
	s26 =	sadd.s32 $0x70, s8  }
0x19a: {  	[hbm4b:s26+s3] =	stream.linear.scatter [tilespmem:s24], [sflag:$0x7], $0x80, $0x38;
	[tilespmem:$0x16C00] =	vst v63  }
0x19b: {  	_ =	swait.ge [sflag:s0], $0x2000  }
0x19c: {  	[sflag:s0] =	ssyncset.done $0x0  }
0x19d: {  	s9 =	simm.s32 $0x1;
	s5 =	simm.s32 $0xC440;
	[sflag:s0] =	ssyncadd.s32 $0xFFFFE000  }
0x19e: {  	v4 =	vmov s9;
	v5 =	vld [tilespmem:s5+$0x0]  }
0x19f: {  	v9 =	vand.u32 $0x7F, v4  }
0x1a0: {  	v4 =	vadd.s32 v0, v9  }
0x1a1: {  	s14 =	simm.s32 $0x0  }
0x1a2: {  	v6 =	vmov s14;
	v7 =	vld [tilespmem:s5+$0xFFFFFFC0]  }
0x1a3: {  	v14 =	vand.u32 $0x7E, v6;
	v5 =	vadd.f32 $1.000000000e+00, v5  }
0x1a4: {  	s8 =	simm.s32 $0xC4C0;
	s15 =	simm.s32 $0x3;
	v6 =	vadd.s32 v0, v14  }
0x1a5: {  	v8 =	vld [tilespmem:s8+$0x0];
	[tilespmem:v4+s30+$0x0] =	vst.idx.msk $0xffff, v5;
	v4 =	vmov s15  }
0x1a6: {  	v4 =	vand.u32 $0x7F, v4;
	v10 =	vld [tilespmem:s5+$0x10]  }
0x1a7: {  	v5 =	vadd.f32 $1.000000000e+00, v7;
	v7 =	vadd.s32 v0, v4  }
0x1a8: {  	v11 =	vadd.s32 v1, v9;
	s16 =	simm.s32 $0x2  }
0x1a9: {  	v12 =	vld [tilespmem:s8+$0xFFFFFFC0];
	[tilespmem:v6+s30+$0x0] =	vst.idx.msk $0xffff, v5;
	v5 =	vmov s16  }
0x1aa: {  	v6 =	vadd.f32 $1.000000000e+00, v8;
	v5 =	vand.u32 $0x7E, v5;
	v8 =	vld [tilespmem:s5+$0xFFFFFFD0]  }
0x1ab: {  	s9 =	simm.s32 $0xC540;
	s17 =	simm.s32 $0x5;
	v13 =	vadd.s32 v0, v5;
	v10 =	vadd.f32 $1.000000000e+00, v10  }
0x1ac: {  	v15 =	vld [tilespmem:s9+$0x0];
	[tilespmem:v7+s30+$0x0] =	vst.idx.msk $0xffff, v6;
	v7 =	vadd.s32 v1, v14;
	v6 =	vmov s17  }
0x1ad: {  	[tilespmem:v11+s30+$0x0] =	vst.idx.msk $0xffff, v10;
	v6 =	vand.u32 $0x7F, v6;
	v10 =	vld [tilespmem:s8+$0x10]  }
0x1ae: {  	v11 =	vadd.f32 $1.000000000e+00, v12;
	v12 =	vadd.s32 v0, v6;
	v16 =	vld [tilespmem:s5+$0x20]  }
0x1af: {  	s21 =	simm.s32 $0x4;
	v17 =	vadd.s32 v1, v4;
	v8 =	vadd.f32 $1.000000000e+00, v8  }
0x1b0: {  	v18 =	vadd.s32 v2, v9;
	[tilespmem:v13+s30+$0x0] =	vst.idx.msk $0xffff, v11;
	v11 =	vmov s21;
	v13 =	vld [tilespmem:s9+$0xFFFFFFC0]  }
0x1b1: {  	[tilespmem:v7+s30+$0x0] =	vst.idx.msk $0xffff, v8;
	v7 =	vand.u32 $0x7E, v11;
	v8 =	vadd.f32 $1.000000000e+00, v15;
	v11 =	vld [tilespmem:s8+$0xFFFFFFD0]  }
0x1b2: {  	s14 =	simm.s32 $0xC5C0;
	s22 =	simm.s32 $0x7;
	v15 =	vadd.s32 v0, v7;
	v10 =	vadd.f32 $1.000000000e+00, v10;
	v19 =	vld [tilespmem:s5+$0xFFFFFFE0]  }
0x1b3: {  	v20 =	vld [tilespmem:s14+$0x0];
	[tilespmem:v12+s30+$0x0] =	vst.idx.msk $0xffff, v8;
	v12 =	vadd.s32 v1, v5;
	v16 =	vadd.f32 $1.000000000e+00, v16;
	v8 =	vmov s22  }
0x1b4: {  	[tilespmem:v17+s30+$0x0] =	vst.idx.msk $0xffff, v10;
	v10 =	vadd.s32 v2, v14;
	v8 =	vand.u32 $0x7F, v8;
	v17 =	vld [tilespmem:s9+$0x10]  }
0x1b5: {  	v13 =	vadd.f32 $1.000000000e+00, v13;
	[tilespmem:v18+s30+$0x0] =	vst.idx.msk $0xffff, v16;
	v16 =	vadd.s32 v0, v8;
	v18 =	vld [tilespmem:s8+$0x20]  }
0x1b6: {  	s24 =	simm.s32 $0x6;
	v21 =	vadd.s32 v1, v6;
	v11 =	vadd.f32 $1.000000000e+00, v11;
	v22 =	vld [tilespmem:s5+$0x30]  }
0x1b7: {  	v23 =	vadd.s32 v2, v4;
	[tilespmem:v15+s30+$0x0] =	vst.idx.msk $0xffff, v13;
	v13 =	vadd.f32 $1.000000000e+00, v19;
	v15 =	vld [tilespmem:s14+$0xFFFFFFC0];
	v19 =	vmov s24  }
0x1b8: {  	v25 =	vadd.s32 v3, v9;
	[tilespmem:v12+s30+$0x0] =	vst.idx.msk $0xffff, v11;
	v12 =	vadd.f32 $1.000000000e+00, v20;
	v24 =	vld [tilespmem:s9+$0xFFFFFFD0];
	v9 =	vand.u32 $0x7E, v19  }
0x1b9: {  	[tilespmem:v10+s30+$0x0] =	vst.idx.msk $0xffff, v13;
	v10 =	vadd.f32 $1.000000000e+00, v17;
	v11 =	vld [tilespmem:s8+$0xFFFFFFE0];
	v17 =	vadd.s32 v0, v9  }
0x1ba: {  	s26 =	simm.s32 $0x9;
	s16 =	simm.s32 $0xC640;
	[tilespmem:v16+s30+$0x0] =	vst.idx.msk $0xffff, v12;
	v20 =	vadd.f32 $1.000000000e+00, v18;
	v12 =	vld [tilespmem:s5+$0xFFFFFFF0];
	v16 =	vadd.s32 v1, v7  }
0x1bb: {  	v19 =	vld [tilespmem:s16+$0x0];
	v13 =	vadd.s32 v2, v5;
	v18 =	vmov s26;
	[tilespmem:v21+s30+$0x0] =	vst.idx.msk $0xffff, v10;
	v26 =	vadd.f32 $1.000000000e+00, v22  }
0x1bc: {  	v14 =	vadd.s32 v3, v14;
	v10 =	vand.u32 $0x7F, v18;
	v18 =	vld [tilespmem:s14+$0x10];
	v22 =	vadd.f32 $1.000000000e+00, v15;
	[tilespmem:v23+s30+$0x0] =	vst.idx.msk $0xffff, v20  }
0x1bd: {  	s15 =	simm.s32 $0xC640;
	s17 =	simm.s32 $0x8;
	s5 =	simm.s32 $0xA;
	v20 =	vadd.s32 v0, v10;
	v15 =	vld [tilespmem:s9+$0x20];
	v21 =	vadd.f32 $1.000000000e+00, v24;
	[tilespmem:v25+s30+$0x0] =	vst.idx.msk $0xffff, v26  }
.LBB2_14:
0x1be: {  	p0 =	slt.u32 s5, $0x7E;
	[tilespmem:v17+s30+$0x0] =	vst.idx.msk $0xffff, v22;
	v22 =	vadd.s32 v1, v8;
	v11 =	vadd.f32 $1.000000000e+00, v11;
	v23 =	vld [tilespmem:s8+$0x30]  }
0x1bf: {  	v17 =	vmov s17;
	s17 =	smov.u32 s5;
	v24 =	vld [tilespmem:s16+$0xFFFFFFC0];
	[tilespmem:v16+s30+$0x0] =	vst.idx.msk $0xffff, v21;
	v21 =	vadd.s32 v2, v6;
	v12 =	vadd.f32 $1.000000000e+00, v12  }
0x1c0: {  	v27 =	vadd.s32 v3, v4;
	v4 =	vmovc v6;
	v25 =	vand.u32 $0x7E, v17;
	v16 =	vadd.f32 $1.000000000e+00, v19;
	v26 =	vld [tilespmem:s14+$0xFFFFFFD0];
	[tilespmem:v13+s30+$0x0] =	vst.idx.msk $0xffff, v11  }
.Ltmp6:
0x1c1: {  	v6 =	vmovc v8;
	v8 =	vmov v10;
	v17 =	vadd.s32 v0, v25;
	v13 =	vadd.f32 $1.000000000e+00, v18;
	v11 =	vld [tilespmem:s9+$0xFFFFFFE0];
	[tilespmem:v14+s30+$0x0] =	vst.idx.msk $0xffff, v12;
	(pc) =	sbr.rel @p0 .LBB2_14-.Ltmp6, $4  }
0x1c2: {  	s21 =	sadd.s32 $0x1, s5;
	s16 =	sadd.s32 $0x80, s16;
	[tilespmem:v20+s30+$0x0] =	vst.idx.msk $0xffff, v16;
	v16 =	vadd.s32 v1, v9;
	v14 =	vadd.f32 $1.000000000e+00, v15;
	v12 =	vld [tilespmem:s8+$0xFFFFFFF0];
	s8 =	smov.u32 s9  }
0x1c3: {  	v10 =	vmov s21;
	s9 =	smov.u32 s14;
	s14 =	smov.u32 s15;
	s15 =	smov.u32 s16;
	v19 =	vld [tilespmem:s16+$0x0];
	[tilespmem:v22+s30+$0x0] =	vst.idx.msk $0xffff, v13;
	v13 =	vadd.s32 v2, v7;
	v23 =	vadd.f32 $1.000000000e+00, v23  }
0x1c4: {  	v10 =	vand.u32 $0x7F, v10;
	v22 =	vadd.f32 $1.000000000e+00, v24;
	v18 =	vld [tilespmem:s14+$0x10];
	[tilespmem:v21+s30+$0x0] =	vst.idx.msk $0xffff, v14;
	v14 =	vadd.s32 v3, v5;
	v5 =	vmovc v7  }
0x1c5: {  	s5 =	sadd.s32 $0x2, s5;
	v20 =	vadd.s32 v0, v10;
	v7 =	vmovc v9;
	v9 =	vmov v25;
	v21 =	vadd.f32 $1.000000000e+00, v26;
	v15 =	vld [tilespmem:s9+$0x20];
	[tilespmem:v27+s30+$0x0] =	vst.idx.msk $0xffff, v23  }
0x1c6: {  	v23 =	vmov s17;
	v24 =	vld [tilespmem:s16+$0xFFFFFFC0]  }
0x1c7: {  	v23 =	vand.u32 $0x7E, v23  }
0x1c8: {  	v25 =	vadd.s32 v0, v23;
	_ =	sdelay $0x1  }
0x1c9: {  	v19 =	vadd.f32 $1.000000000e+00, v19  }
0x1ca: {  	[tilespmem:v17+s30+$0x0] =	vst.idx.msk $0xffff, v22;
	v62 =	vadd.f32 $1.000000000e+00, v24  }
0x1cb: {  	v22 =	vld [tilespmem:s14+$0xFFFFFFD0];
	[tilespmem:v20+s30+$0x0] =	vst.idx.msk $0xffff, v19  }
0x1cc: {  	v63 =	vadd.s32 v1, v8;
	v20 =	vld [tilespmem:s15+$0x10];
	[tilespmem:v25+s30+$0x0] =	vst.idx.msk $0xffff, v62  }
0x1cd: {  	v28 =	vadd.s32 v1, v9;
	v29 =	vld [tilespmem:s15+$0xFFFFFFD0]  }
0x1ce: {  	v30 =	vadd.s32 v1, v10  }
0x1cf: {  	v26 =	vadd.s32 v1, v23;
	v18 =	vadd.f32 $1.000000000e+00, v18  }
0x1d0: {  	[tilespmem:v16+s30+$0x0] =	vst.idx.msk $0xffff, v21;
	v31 =	vadd.f32 $1.000000000e+00, v22  }
0x1d1: {  	v32 =	vld [tilespmem:s9+$0xFFFFFFE0];
	[tilespmem:v63+s30+$0x0] =	vst.idx.msk $0xffff, v18;
	v33 =	vadd.f32 $1.000000000e+00, v20  }
0x1d2: {  	v34 =	vadd.s32 v2, v6;
	v35 =	vld [tilespmem:s14+$0x20];
	[tilespmem:v28+s30+$0x0] =	vst.idx.msk $0xffff, v31;
	v36 =	vadd.f32 $1.000000000e+00, v29  }
0x1d3: {  	v11 =	vadd.f32 $1.000000000e+00, v11;
	v37 =	vadd.s32 v2, v7;
	v38 =	vld [tilespmem:s14+$0xFFFFFFE0];
	[tilespmem:v30+s30+$0x0] =	vst.idx.msk $0xffff, v33  }
0x1d4: {  	v39 =	vadd.s32 v2, v8;
	v12 =	vadd.f32 $1.000000000e+00, v12;
	v40 =	vld [tilespmem:s15+$0x20];
	[tilespmem:v26+s30+$0x0] =	vst.idx.msk $0xffff, v36  }
0x1d5: {  	v42 =	vadd.s32 v2, v9;
	[tilespmem:v13+s30+$0x0] =	vst.idx.msk $0xffff, v11;
	v41 =	vadd.f32 $1.000000000e+00, v15;
	v43 =	vld [tilespmem:s15+$0xFFFFFFE0]  }
0x1d6: {  	v44 =	vld [tilespmem:s8+$0x30];
	v46 =	vadd.s32 v2, v10;
	[tilespmem:v14+s30+$0x0] =	vst.idx.msk $0xffff, v12;
	v45 =	vadd.f32 $1.000000000e+00, v32  }
0x1d7: {  	v49 =	vadd.s32 v2, v23;
	v47 =	vld [tilespmem:s8+$0xFFFFFFF0];
	[tilespmem:v34+s30+$0x0] =	vst.idx.msk $0xffff, v41;
	v48 =	vadd.f32 $1.000000000e+00, v35  }
0x1d8: {  	v4 =	vadd.s32 v3, v4;
	[tilespmem:v37+s30+$0x0] =	vst.idx.msk $0xffff, v45;
	v20 =	vld [tilespmem:s9+$0x30];
	v50 =	vadd.f32 $1.000000000e+00, v38  }
0x1d9: {  	v5 =	vadd.s32 v3, v5;
	v51 =	vld [tilespmem:s9+$0xFFFFFFF0];
	[tilespmem:v39+s30+$0x0] =	vst.idx.msk $0xffff, v48;
	v52 =	vadd.f32 $1.000000000e+00, v40  }
0x1da: {  	v53 =	vadd.s32 v3, v6;
	v54 =	vld [tilespmem:s14+$0x30];
	[tilespmem:v42+s30+$0x0] =	vst.idx.msk $0xffff, v50;
	v55 =	vadd.f32 $1.000000000e+00, v43  }
0x1db: {  	v57 =	vadd.s32 v3, v7;
	v56 =	vadd.f32 $1.000000000e+00, v44;
	v58 =	vld [tilespmem:s14+$0xFFFFFFF0];
	[tilespmem:v46+s30+$0x0] =	vst.idx.msk $0xffff, v52  }
0x1dc: {  	v60 =	vadd.s32 v3, v8;
	v59 =	vadd.f32 $1.000000000e+00, v47;
	v14 =	vld [tilespmem:s15+$0x30];
	[tilespmem:v49+s30+$0x0] =	vst.idx.msk $0xffff, v55  }
0x1dd: {  	v61 =	vadd.s32 v3, v9;
	[tilespmem:v4+s30+$0x0] =	vst.idx.msk $0xffff, v56;
	v4 =	vadd.f32 $1.000000000e+00, v20;
	v12 =	vld [tilespmem:s15+$0xFFFFFFF0]  }
0x1de: {  	v62 =	vadd.s32 v3, v10;
	[tilespmem:v5+s30+$0x0] =	vst.idx.msk $0xffff, v59;
	v5 =	vadd.f32 $1.000000000e+00, v51  }
0x1df: {  	v63 =	vadd.s32 v3, v23;
	[tilespmem:v53+s30+$0x0] =	vst.idx.msk $0xffff, v4;
	v4 =	vadd.f32 $1.000000000e+00, v54  }
0x1e0: {  	[tilespmem:v57+s30+$0x0] =	vst.idx.msk $0xffff, v5;
	v5 =	vadd.f32 $1.000000000e+00, v58  }
0x1e1: {  	[tilespmem:v60+s30+$0x0] =	vst.idx.msk $0xffff, v4;
	v4 =	vadd.f32 $1.000000000e+00, v14  }
0x1e2: {  	[tilespmem:v61+s30+$0x0] =	vst.idx.msk $0xffff, v5;
	v5 =	vadd.f32 $1.000000000e+00, v12  }
0x1e3: {  	[tilespmem:v62+s30+$0x0] =	vst.idx.msk $0xffff, v4  }
0x1e4: {  	s5 =	simm.s32 $0xC400;
	s15 =	simm.s32 $0x380;
	[tilespmem:v63+s30+$0x0] =	vst.idx.msk $0xffff, v5  }
0x1e5: {  	[tilespmem:s5], [sflag:$0x4] =	stream.indirect.gather [hbm4b:s4+s20], $0x40, s15, s20, $0xb8;
	[tilespmem:$0x16C00] =	vst v63  }
0x1e6: {  	s16 =	simm.s32 $0x14A00;
	s8 =	simm.s32 $0x0;
	s17 =	rddreg [dreg:$0x7]  }
0x1e7: {  	[hbm4b:s17+s8] =	stream.linear.scatter [tilespmem:s16], [sflag:$0x8], $0x80, $0x38;
	[tilespmem:$0x16C00] =	vst v63  }
0x1e8: {  	s21 =	simm.s32 $0x14A88;
	s22 =	sadd.s32 $0x10, s17  }
0x1e9: {  	[hbm4b:s22+s8] =	stream.linear.scatter [tilespmem:s21], [sflag:$0x8], $0x80, $0x38;
	[tilespmem:$0x16C00] =	vst v63  }
0x1ea: {  	s24 =	simm.s32 $0x14B10;
	s9 =	simm.s32 $0x14B98;
	s26 =	sadd.s32 $0x20, s17  }
0x1eb: {  	[hbm4b:s26+s8] =	stream.linear.scatter [tilespmem:s24], [sflag:$0x8], $0x80, $0x38;
	[tilespmem:$0x16C00] =	vst v63  }
0x1ec: {  	s15 =	simm.s32 $0x14C20;
	s5 =	simm.s32 $0x440;
	s14 =	sadd.s32 $0x30, s17  }
0x1ed: {  	[hbm4b:s14+s8] =	stream.linear.scatter [tilespmem:s9], [sflag:$0x8], $0x80, $0x38;
	[tilespmem:$0x16C00] =	vst v63  }
0x1ee: {  	s16 =	sadd.s32 $0x40, s17;
	s21 =	simm.s32 $0x14CA8;
	s22 =	sadd.s32 $0x50, s17  }
0x1ef: {  	[hbm4b:s16+s8] =	stream.linear.scatter [tilespmem:s15], [sflag:$0x8], $0x80, $0x38;
	[tilespmem:$0x16C00] =	vst v63  }
0x1f0: {  	s24 =	simm.s32 $0x14D30;
	s26 =	sadd.s32 $0x60, s17;
	s14 =	simm.s32 $0x2200  }
0x1f1: {  	[hbm4b:s22+s8] =	stream.linear.scatter [tilespmem:s21], [sflag:$0x8], $0x80, $0x38;
	[tilespmem:$0x16C00] =	vst v63  }
0x1f2: {  	s9 =	sadd.s32 $0x1000, s17;
	s15 =	simm.s32 $0x14DB8;
	s16 =	sadd.s32 $0x70, s17  }
0x1f3: {  	[hbm4b:s26+s8] =	stream.linear.scatter [tilespmem:s24], [sflag:$0x8], $0x80, $0x38;
	[tilespmem:$0x16C00] =	vst v63  }
.LBB2_16:
0x1f4: {  	[hbm4b:s16+s8] =	stream.linear.scatter [tilespmem:s15], [sflag:$0x8], $0x80, $0x38;
	[tilespmem:$0x16C00] =	vst v63  }
0x1f5: {  	s15 =	smov.u32 s5;
	s5 =	smov.u32 s14  }
0x1f6: {  	s17 =	sadd.s32 $0x1100, s14;
	s5 =	sshra.s32 s5, $0x2;
	s16 =	sadd.s32 $0x14A00, s15  }
0x1f7: {  	[hbm4b:s9+s8] =	stream.linear.scatter [tilespmem:s16], [sflag:$0x8], $0x80, $0x38;
	[tilespmem:$0x16C00] =	vst v63  }
0x1f8: {  	p0 =	sne.s32 s14, $0x7700;
	s14 =	sadd.s32 $0x14A88, s15;
	s16 =	sadd.s32 $0x10, s9  }
0x1f9: {  	[hbm4b:s16+s8] =	stream.linear.scatter [tilespmem:s14], [sflag:$0x8], $0x80, $0x38;
	[tilespmem:$0x16C00] =	vst v63  }
0x1fa: {  	s14 =	sadd.s32 $0x14B10, s15;
	s16 =	sadd.s32 $0x20, s9  }
0x1fb: {  	[hbm4b:s16+s8] =	stream.linear.scatter [tilespmem:s14], [sflag:$0x8], $0x80, $0x38;
	[tilespmem:$0x16C00] =	vst v63  }
0x1fc: {  	s14 =	sadd.s32 $0x14B98, s15;
	s16 =	sadd.s32 $0x30, s9  }
0x1fd: {  	[hbm4b:s16+s8] =	stream.linear.scatter [tilespmem:s14], [sflag:$0x8], $0x80, $0x38;
	[tilespmem:$0x16C00] =	vst v63  }
0x1fe: {  	s14 =	sadd.s32 $0x14C20, s15;
	s16 =	sadd.s32 $0x40, s9  }
0x1ff: {  	[hbm4b:s16+s8] =	stream.linear.scatter [tilespmem:s14], [sflag:$0x8], $0x80, $0x38;
	[tilespmem:$0x16C00] =	vst v63  }
.Ltmp7:
0x200: {  	s14 =	sadd.s32 $0x14CA8, s15;
	s16 =	sadd.s32 $0x50, s9;
	(pc) =	sbr.rel @p0 .LBB2_16-.Ltmp7, $4  }
0x201: {  	[hbm4b:s16+s8] =	stream.linear.scatter [tilespmem:s14], [sflag:$0x8], $0x80, $0x38;
	[tilespmem:$0x16C00] =	vst v63  }
0x202: {  	s14 =	sadd.s32 $0x14D30, s15;
	s16 =	sadd.s32 $0x60, s9;
	s15 =	sadd.s32 $0x14DB8, s15  }
0x203: {  	[hbm4b:s16+s8] =	stream.linear.scatter [tilespmem:s14], [sflag:$0x8], $0x80, $0x38;
	[tilespmem:$0x16C00] =	vst v63  }
0x204: {  	s16 =	sadd.s32 $0x70, s9;
	s9 =	sadd.s32 $0x1000, s9;
	s14 =	smov.u32 s17  }
0x205: {  	[hbm4b:s16+s8] =	stream.linear.scatter [tilespmem:s15], [sflag:$0x8], $0x80, $0x38;
	[tilespmem:$0x16C00] =	vst v63  }
0x206: {  	s14 =	sadd.s32 $0x14A00, s5  }
0x207: {  	[hbm4b:s9+s8] =	stream.linear.scatter [tilespmem:s14], [sflag:$0x8], $0x80, $0x38;
	[tilespmem:$0x16C00] =	vst v63  }
0x208: {  	s24 =	sadd.s32 $0x14A88, s5;
	s26 =	sadd.s32 $0x10, s9  }
0x209: {  	[hbm4b:s26+s8] =	stream.linear.scatter [tilespmem:s24], [sflag:$0x8], $0x80, $0x38;
	[tilespmem:$0x16C00] =	vst v63  }
0x20a: {  	s16 =	sadd.s32 $0x14B10, s5;
	s17 =	sadd.s32 $0x20, s9  }
0x20b: {  	[hbm4b:s17+s8] =	stream.linear.scatter [tilespmem:s16], [sflag:$0x8], $0x80, $0x38;
	[tilespmem:$0x16C00] =	vst v63  }
0x20c: {  	s21 =	sadd.s32 $0x14B98, s5;
	s22 =	sadd.s32 $0x30, s9  }
0x20d: {  	[hbm4b:s22+s8] =	stream.linear.scatter [tilespmem:s21], [sflag:$0x8], $0x80, $0x38;
	[tilespmem:$0x16C00] =	vst v63  }
0x20e: {  	s24 =	sadd.s32 $0x14C20, s5;
	s26 =	sadd.s32 $0x40, s9  }
0x20f: {  	[hbm4b:s26+s8] =	stream.linear.scatter [tilespmem:s24], [sflag:$0x8], $0x80, $0x38;
	[tilespmem:$0x16C00] =	vst v63  }
0x210: {  	s16 =	sadd.s32 $0x14CA8, s5;
	s17 =	sadd.s32 $0x50, s9  }
0x211: {  	[hbm4b:s17+s8] =	stream.linear.scatter [tilespmem:s16], [sflag:$0x8], $0x80, $0x38;
	[tilespmem:$0x16C00] =	vst v63  }
0x212: {  	s21 =	sadd.s32 $0x14D30, s5;
	s22 =	sadd.s32 $0x60, s9  }
0x213: {  	[hbm4b:s22+s8] =	stream.linear.scatter [tilespmem:s21], [sflag:$0x8], $0x80, $0x38;
	[tilespmem:$0x16C00] =	vst v63  }
0x214: {  	s24 =	sadd.s32 $0x14DB8, s5;
	s26 =	sadd.s32 $0x70, s9  }
0x215: {  	[hbm4b:s26+s8] =	stream.linear.scatter [tilespmem:s24], [sflag:$0x8], $0x80, $0x38;
	[tilespmem:$0x16C00] =	vst v63  }
.LBB2_18:
0x216: {  	_ =	swait.ge [sflag:s28], $0x2000  }
0x217: {  	[sflag:s28] =	ssyncset.done $0x0  }
0x218: {  	[sflag:s28] =	ssyncadd.s32 $0xFFFFE000  }
0x219: {  	_ =	swait.ge [sflag:s6], $0x2000  }
0x21a: {  	[sflag:s6] =	ssyncset.done $0x0  }
0x21b: {  	s5 =	simm.s32 $0x6440;
	s9 =	simm.s32 $0x1;
	[sflag:s6] =	ssyncadd.s32 $0xFFFFE000  }
0x21c: {  	v4 =	vmov s9;
	v5 =	vld [tilespmem:s5+$0x0]  }
0x21d: {  	v9 =	vand.u32 $0x7F, v4  }
0x21e: {  	v4 =	vadd.s32 v0, v9  }
0x21f: {  	s17 =	simm.s32 $0x0  }
0x220: {  	v6 =	vmov s17;
	v7 =	vld [tilespmem:s5+$0xFFFFFFC0]  }
0x221: {  	v14 =	vand.u32 $0x7E, v6;
	v5 =	vadd.f32 $1.000000000e+00, v5  }
0x222: {  	s14 =	simm.s32 $0x3;
	s9 =	simm.s32 $0x64C0;
	v6 =	vadd.s32 v0, v14  }
0x223: {  	v8 =	vld [tilespmem:s9+$0x0];
	[tilespmem:v4+s29+$0x0] =	vst.idx.msk $0xffff, v5;
	v4 =	vmov s14  }
0x224: {  	v4 =	vand.u32 $0x7F, v4;
	v10 =	vld [tilespmem:s5+$0x10]  }
0x225: {  	v5 =	vadd.f32 $1.000000000e+00, v7;
	v7 =	vadd.s32 v0, v4  }
0x226: {  	s21 =	simm.s32 $0x2;
	v11 =	vadd.s32 v1, v9  }
0x227: {  	v12 =	vld [tilespmem:s9+$0xFFFFFFC0];
	[tilespmem:v6+s29+$0x0] =	vst.idx.msk $0xffff, v5;
	v5 =	vmov s21  }
0x228: {  	v6 =	vadd.f32 $1.000000000e+00, v8;
	v5 =	vand.u32 $0x7E, v5;
	v8 =	vld [tilespmem:s5+$0xFFFFFFD0]  }
0x229: {  	s15 =	simm.s32 $0x5;
	s14 =	simm.s32 $0x6540;
	v13 =	vadd.s32 v0, v5;
	v10 =	vadd.f32 $1.000000000e+00, v10  }
0x22a: {  	v15 =	vld [tilespmem:s14+$0x0];
	[tilespmem:v7+s29+$0x0] =	vst.idx.msk $0xffff, v6;
	v7 =	vadd.s32 v1, v14;
	v6 =	vmov s15  }
0x22b: {  	[tilespmem:v11+s29+$0x0] =	vst.idx.msk $0xffff, v10;
	v6 =	vand.u32 $0x7F, v6;
	v10 =	vld [tilespmem:s9+$0x10]  }
0x22c: {  	v11 =	vadd.f32 $1.000000000e+00, v12;
	v12 =	vadd.s32 v0, v6;
	v16 =	vld [tilespmem:s5+$0x20]  }
0x22d: {  	s22 =	simm.s32 $0x4;
	v17 =	vadd.s32 v1, v4;
	v8 =	vadd.f32 $1.000000000e+00, v8  }
0x22e: {  	v18 =	vadd.s32 v2, v9;
	[tilespmem:v13+s29+$0x0] =	vst.idx.msk $0xffff, v11;
	v11 =	vmov s22;
	v13 =	vld [tilespmem:s14+$0xFFFFFFC0]  }
0x22f: {  	[tilespmem:v7+s29+$0x0] =	vst.idx.msk $0xffff, v8;
	v7 =	vand.u32 $0x7E, v11;
	v8 =	vadd.f32 $1.000000000e+00, v15;
	v11 =	vld [tilespmem:s9+$0xFFFFFFD0]  }
0x230: {  	s16 =	simm.s32 $0x7;
	s15 =	simm.s32 $0x65C0;
	v15 =	vadd.s32 v0, v7;
	v10 =	vadd.f32 $1.000000000e+00, v10;
	v19 =	vld [tilespmem:s5+$0xFFFFFFE0]  }
0x231: {  	v20 =	vld [tilespmem:s15+$0x0];
	[tilespmem:v12+s29+$0x0] =	vst.idx.msk $0xffff, v8;
	v12 =	vadd.s32 v1, v5;
	v16 =	vadd.f32 $1.000000000e+00, v16;
	v8 =	vmov s16  }
0x232: {  	[tilespmem:v17+s29+$0x0] =	vst.idx.msk $0xffff, v10;
	v10 =	vadd.s32 v2, v14;
	v8 =	vand.u32 $0x7F, v8;
	v17 =	vld [tilespmem:s14+$0x10]  }
0x233: {  	v13 =	vadd.f32 $1.000000000e+00, v13;
	[tilespmem:v18+s29+$0x0] =	vst.idx.msk $0xffff, v16;
	v16 =	vadd.s32 v0, v8;
	v18 =	vld [tilespmem:s9+$0x20]  }
0x234: {  	s24 =	simm.s32 $0x6;
	v21 =	vadd.s32 v1, v6;
	v11 =	vadd.f32 $1.000000000e+00, v11;
	v22 =	vld [tilespmem:s5+$0x30]  }
0x235: {  	v23 =	vadd.s32 v2, v4;
	[tilespmem:v15+s29+$0x0] =	vst.idx.msk $0xffff, v13;
	v13 =	vadd.f32 $1.000000000e+00, v19;
	v15 =	vld [tilespmem:s15+$0xFFFFFFC0];
	v19 =	vmov s24  }
0x236: {  	v25 =	vadd.s32 v3, v9;
	[tilespmem:v12+s29+$0x0] =	vst.idx.msk $0xffff, v11;
	v12 =	vadd.f32 $1.000000000e+00, v20;
	v24 =	vld [tilespmem:s14+$0xFFFFFFD0];
	v9 =	vand.u32 $0x7E, v19  }
0x237: {  	[tilespmem:v10+s29+$0x0] =	vst.idx.msk $0xffff, v13;
	v10 =	vadd.f32 $1.000000000e+00, v17;
	v11 =	vld [tilespmem:s9+$0xFFFFFFE0];
	v17 =	vadd.s32 v0, v9  }
0x238: {  	s26 =	simm.s32 $0x9;
	s17 =	simm.s32 $0x6640;
	[tilespmem:v16+s29+$0x0] =	vst.idx.msk $0xffff, v12;
	v20 =	vadd.f32 $1.000000000e+00, v18;
	v12 =	vld [tilespmem:s5+$0xFFFFFFF0];
	v16 =	vadd.s32 v1, v7  }
0x239: {  	v19 =	vld [tilespmem:s17+$0x0];
	v13 =	vadd.s32 v2, v5;
	v18 =	vmov s26;
	[tilespmem:v21+s29+$0x0] =	vst.idx.msk $0xffff, v10;
	v26 =	vadd.f32 $1.000000000e+00, v22  }
0x23a: {  	v14 =	vadd.s32 v3, v14;
	v10 =	vand.u32 $0x7F, v18;
	v18 =	vld [tilespmem:s15+$0x10];
	v22 =	vadd.f32 $1.000000000e+00, v15;
	[tilespmem:v23+s29+$0x0] =	vst.idx.msk $0xffff, v20  }
0x23b: {  	s21 =	simm.s32 $0x8;
	s16 =	simm.s32 $0x6640;
	s5 =	simm.s32 $0xA;
	v20 =	vadd.s32 v0, v10;
	v15 =	vld [tilespmem:s14+$0x20];
	v21 =	vadd.f32 $1.000000000e+00, v24;
	[tilespmem:v25+s29+$0x0] =	vst.idx.msk $0xffff, v26  }
.LBB2_19:
0x23c: {  	p0 =	slt.u32 s5, $0x7E;
	[tilespmem:v17+s29+$0x0] =	vst.idx.msk $0xffff, v22;
	v22 =	vadd.s32 v1, v8;
	v11 =	vadd.f32 $1.000000000e+00, v11;
	v23 =	vld [tilespmem:s9+$0x30]  }
0x23d: {  	v17 =	vmov s21;
	s21 =	smov.u32 s5;
	v24 =	vld [tilespmem:s17+$0xFFFFFFC0];
	[tilespmem:v16+s29+$0x0] =	vst.idx.msk $0xffff, v21;
	v21 =	vadd.s32 v2, v6;
	v12 =	vadd.f32 $1.000000000e+00, v12  }
0x23e: {  	v27 =	vadd.s32 v3, v4;
	v4 =	vmovc v6;
	v25 =	vand.u32 $0x7E, v17;
	v16 =	vadd.f32 $1.000000000e+00, v19;
	v26 =	vld [tilespmem:s15+$0xFFFFFFD0];
	[tilespmem:v13+s29+$0x0] =	vst.idx.msk $0xffff, v11  }
.Ltmp8:
0x23f: {  	v6 =	vmovc v8;
	v8 =	vmov v10;
	v17 =	vadd.s32 v0, v25;
	v13 =	vadd.f32 $1.000000000e+00, v18;
	v11 =	vld [tilespmem:s14+$0xFFFFFFE0];
	[tilespmem:v14+s29+$0x0] =	vst.idx.msk $0xffff, v12;
	(pc) =	sbr.rel @p0 .LBB2_19-.Ltmp8, $4  }
0x240: {  	s22 =	sadd.s32 $0x1, s5;
	s17 =	sadd.s32 $0x80, s17;
	[tilespmem:v20+s29+$0x0] =	vst.idx.msk $0xffff, v16;
	v16 =	vadd.s32 v1, v9;
	v14 =	vadd.f32 $1.000000000e+00, v15;
	v12 =	vld [tilespmem:s9+$0xFFFFFFF0];
	s9 =	smov.u32 s14  }
0x241: {  	v10 =	vmov s22;
	s14 =	smov.u32 s15;
	s15 =	smov.u32 s16;
	s16 =	smov.u32 s17;
	v19 =	vld [tilespmem:s17+$0x0];
	[tilespmem:v22+s29+$0x0] =	vst.idx.msk $0xffff, v13;
	v13 =	vadd.s32 v2, v7;
	v23 =	vadd.f32 $1.000000000e+00, v23  }
0x242: {  	v10 =	vand.u32 $0x7F, v10;
	v22 =	vadd.f32 $1.000000000e+00, v24;
	v18 =	vld [tilespmem:s15+$0x10];
	[tilespmem:v21+s29+$0x0] =	vst.idx.msk $0xffff, v14;
	v14 =	vadd.s32 v3, v5;
	v5 =	vmovc v7  }
0x243: {  	s5 =	sadd.s32 $0x2, s5;
	v20 =	vadd.s32 v0, v10;
	v7 =	vmovc v9;
	v9 =	vmov v25;
	v21 =	vadd.f32 $1.000000000e+00, v26;
	v15 =	vld [tilespmem:s14+$0x20];
	[tilespmem:v27+s29+$0x0] =	vst.idx.msk $0xffff, v23  }
0x244: {  	v23 =	vmov s21;
	v24 =	vld [tilespmem:s17+$0xFFFFFFC0]  }
0x245: {  	v23 =	vand.u32 $0x7E, v23  }
0x246: {  	v25 =	vadd.s32 v0, v23;
	_ =	sdelay $0x1  }
0x247: {  	v19 =	vadd.f32 $1.000000000e+00, v19  }
0x248: {  	[tilespmem:v17+s29+$0x0] =	vst.idx.msk $0xffff, v22;
	v62 =	vadd.f32 $1.000000000e+00, v24  }
0x249: {  	v22 =	vld [tilespmem:s15+$0xFFFFFFD0];
	[tilespmem:v20+s29+$0x0] =	vst.idx.msk $0xffff, v19  }
0x24a: {  	v63 =	vadd.s32 v1, v8;
	v20 =	vld [tilespmem:s16+$0x10];
	[tilespmem:v25+s29+$0x0] =	vst.idx.msk $0xffff, v62  }
0x24b: {  	v28 =	vadd.s32 v1, v9;
	v29 =	vld [tilespmem:s16+$0xFFFFFFD0]  }
0x24c: {  	v30 =	vadd.s32 v1, v10  }
0x24d: {  	v26 =	vadd.s32 v1, v23;
	v18 =	vadd.f32 $1.000000000e+00, v18  }
0x24e: {  	[tilespmem:v16+s29+$0x0] =	vst.idx.msk $0xffff, v21;
	v31 =	vadd.f32 $1.000000000e+00, v22  }
0x24f: {  	v32 =	vld [tilespmem:s14+$0xFFFFFFE0];
	[tilespmem:v63+s29+$0x0] =	vst.idx.msk $0xffff, v18;
	v33 =	vadd.f32 $1.000000000e+00, v20  }
0x250: {  	v34 =	vadd.s32 v2, v6;
	v35 =	vld [tilespmem:s15+$0x20];
	[tilespmem:v28+s29+$0x0] =	vst.idx.msk $0xffff, v31;
	v36 =	vadd.f32 $1.000000000e+00, v29  }
0x251: {  	v11 =	vadd.f32 $1.000000000e+00, v11;
	v37 =	vadd.s32 v2, v7;
	v38 =	vld [tilespmem:s15+$0xFFFFFFE0];
	[tilespmem:v30+s29+$0x0] =	vst.idx.msk $0xffff, v33  }
0x252: {  	v39 =	vadd.s32 v2, v8;
	v12 =	vadd.f32 $1.000000000e+00, v12;
	v40 =	vld [tilespmem:s16+$0x20];
	[tilespmem:v26+s29+$0x0] =	vst.idx.msk $0xffff, v36  }
0x253: {  	v42 =	vadd.s32 v2, v9;
	[tilespmem:v13+s29+$0x0] =	vst.idx.msk $0xffff, v11;
	v41 =	vadd.f32 $1.000000000e+00, v15;
	v43 =	vld [tilespmem:s16+$0xFFFFFFE0]  }
0x254: {  	v44 =	vld [tilespmem:s9+$0x30];
	v46 =	vadd.s32 v2, v10;
	[tilespmem:v14+s29+$0x0] =	vst.idx.msk $0xffff, v12;
	v45 =	vadd.f32 $1.000000000e+00, v32  }
0x255: {  	v49 =	vadd.s32 v2, v23;
	v47 =	vld [tilespmem:s9+$0xFFFFFFF0];
	[tilespmem:v34+s29+$0x0] =	vst.idx.msk $0xffff, v41;
	v48 =	vadd.f32 $1.000000000e+00, v35  }
0x256: {  	v4 =	vadd.s32 v3, v4;
	[tilespmem:v37+s29+$0x0] =	vst.idx.msk $0xffff, v45;
	v20 =	vld [tilespmem:s14+$0x30];
	v50 =	vadd.f32 $1.000000000e+00, v38  }
0x257: {  	v5 =	vadd.s32 v3, v5;
	v51 =	vld [tilespmem:s14+$0xFFFFFFF0];
	[tilespmem:v39+s29+$0x0] =	vst.idx.msk $0xffff, v48;
	v52 =	vadd.f32 $1.000000000e+00, v40  }
0x258: {  	v53 =	vadd.s32 v3, v6;
	v54 =	vld [tilespmem:s15+$0x30];
	[tilespmem:v42+s29+$0x0] =	vst.idx.msk $0xffff, v50;
	v55 =	vadd.f32 $1.000000000e+00, v43  }
0x259: {  	v57 =	vadd.s32 v3, v7;
	v56 =	vadd.f32 $1.000000000e+00, v44;
	v58 =	vld [tilespmem:s15+$0xFFFFFFF0];
	[tilespmem:v46+s29+$0x0] =	vst.idx.msk $0xffff, v52  }
0x25a: {  	v60 =	vadd.s32 v3, v8;
	v59 =	vadd.f32 $1.000000000e+00, v47;
	v14 =	vld [tilespmem:s16+$0x30];
	[tilespmem:v49+s29+$0x0] =	vst.idx.msk $0xffff, v55  }
0x25b: {  	v61 =	vadd.s32 v3, v9;
	[tilespmem:v4+s29+$0x0] =	vst.idx.msk $0xffff, v56;
	v4 =	vadd.f32 $1.000000000e+00, v20;
	v12 =	vld [tilespmem:s16+$0xFFFFFFF0]  }
0x25c: {  	v62 =	vadd.s32 v3, v10;
	[tilespmem:v5+s29+$0x0] =	vst.idx.msk $0xffff, v59;
	v5 =	vadd.f32 $1.000000000e+00, v51  }
0x25d: {  	v63 =	vadd.s32 v3, v23;
	[tilespmem:v53+s29+$0x0] =	vst.idx.msk $0xffff, v4;
	v4 =	vadd.f32 $1.000000000e+00, v54  }
0x25e: {  	[tilespmem:v57+s29+$0x0] =	vst.idx.msk $0xffff, v5;
	v5 =	vadd.f32 $1.000000000e+00, v58  }
0x25f: {  	[tilespmem:v60+s29+$0x0] =	vst.idx.msk $0xffff, v4;
	v4 =	vadd.f32 $1.000000000e+00, v14  }
0x260: {  	s5 =	sshll.u32 s8, $0x9;
	s9 =	sshll.u32 s8, $0x2;
	[tilespmem:v61+s29+$0x0] =	vst.idx.msk $0xffff, v5;
	v5 =	vadd.f32 $1.000000000e+00, v12  }
0x261: {  	s22 =	sadd.s32 s9, s10;
	s14 =	sand.u32 $0x3FFFFE00, s5;
	[tilespmem:v62+s29+$0x0] =	vst.idx.msk $0xffff, v4  }
0x262: {  	s21 =	simm.s32 $0x6400;
	s24 =	sshll.u32 s22, $0x7;
	s5 =	sadd.s32 $0x400, s14;
	[tilespmem:v63+s29+$0x0] =	vst.idx.msk $0xffff, v5  }
0x263: {  	[tilespmem:s21], [sflag:$0x1] =	stream.indirect.gather [hbm4b:s4+s20], $0x40, s5, s20, $0xb8;
	[tilespmem:$0x16C00] =	vst v63  }
0x264: {  	s15 =	sand.u32 $0xE00, s24;
	s5 =	sshll.u32 s22, $0xA  }
0x265: {  	s15 =	sadd.s32 s2, s15;
	s5 =	sand.u32 $0xFFF8000, s5  }
0x266: {  	s26 =	simm.s32 $0xE400;
	s15 =	sadd.s32 s5, s15  }
0x267: {  	[hbm4b:s15+s3] =	stream.linear.scatter [tilespmem:s26], [sflag:$0x5], $0x80, $0x38;
	[tilespmem:$0x16C00] =	vst v63  }
0x268: {  	s16 =	simm.s32 $0xE488;
	s17 =	sadd.s32 $0x10, s15  }
0x269: {  	[hbm4b:s17+s3] =	stream.linear.scatter [tilespmem:s16], [sflag:$0x5], $0x80, $0x38;
	[tilespmem:$0x16C00] =	vst v63  }
0x26a: {  	s24 =	simm.s32 $0xE598;
	s21 =	simm.s32 $0xE510;
	s22 =	sadd.s32 $0x20, s15  }
0x26b: {  	[hbm4b:s22+s3] =	stream.linear.scatter [tilespmem:s21], [sflag:$0x5], $0x80, $0x38;
	[tilespmem:$0x16C00] =	vst v63  }
0x26c: {  	s5 =	simm.s32 $0x440;
	s26 =	sadd.s32 $0x30, s15;
	s16 =	simm.s32 $0xE620  }
0x26d: {  	[hbm4b:s26+s3] =	stream.linear.scatter [tilespmem:s24], [sflag:$0x5], $0x80, $0x38;
	[tilespmem:$0x16C00] =	vst v63  }
0x26e: {  	s17 =	sadd.s32 $0x40, s15;
	s21 =	simm.s32 $0xE6A8;
	s22 =	sadd.s32 $0x50, s15  }
0x26f: {  	[hbm4b:s17+s3] =	stream.linear.scatter [tilespmem:s16], [sflag:$0x5], $0x80, $0x38;
	[tilespmem:$0x16C00] =	vst v63  }
0x270: {  	s24 =	simm.s32 $0xE730;
	s26 =	sadd.s32 $0x60, s15;
	s16 =	simm.s32 $0x2200  }
0x271: {  	[hbm4b:s22+s3] =	stream.linear.scatter [tilespmem:s21], [sflag:$0x5], $0x80, $0x38;
	[tilespmem:$0x16C00] =	vst v63  }
0x272: {  	s17 =	simm.s32 $0xE7B8;
	s21 =	sadd.s32 $0x70, s15;
	s15 =	sadd.s32 $0x1000, s15  }
0x273: {  	[hbm4b:s26+s3] =	stream.linear.scatter [tilespmem:s24], [sflag:$0x5], $0x80, $0x38;
	[tilespmem:$0x16C00] =	vst v63  }
.LBB2_21:
0x274: {  	[hbm4b:s21+s3] =	stream.linear.scatter [tilespmem:s17], [sflag:$0x5], $0x80, $0x38;
	[tilespmem:$0x16C00] =	vst v63  }
0x275: {  	s17 =	smov.u32 s5;
	s5 =	smov.u32 s16  }
0x276: {  	s22 =	sadd.s32 $0x1100, s16;
	s5 =	sshra.s32 s5, $0x2;
	s21 =	sadd.s32 $0xE400, s17  }
0x277: {  	[hbm4b:s15+s3] =	stream.linear.scatter [tilespmem:s21], [sflag:$0x5], $0x80, $0x38;
	[tilespmem:$0x16C00] =	vst v63  }
0x278: {  	p0 =	sne.s32 s16, $0x7700;
	s16 =	sadd.s32 $0xE488, s17;
	s21 =	sadd.s32 $0x10, s15  }
0x279: {  	[hbm4b:s21+s3] =	stream.linear.scatter [tilespmem:s16], [sflag:$0x5], $0x80, $0x38;
	[tilespmem:$0x16C00] =	vst v63  }
0x27a: {  	s16 =	sadd.s32 $0xE510, s17;
	s21 =	sadd.s32 $0x20, s15  }
0x27b: {  	[hbm4b:s21+s3] =	stream.linear.scatter [tilespmem:s16], [sflag:$0x5], $0x80, $0x38;
	[tilespmem:$0x16C00] =	vst v63  }
0x27c: {  	s16 =	sadd.s32 $0xE598, s17;
	s21 =	sadd.s32 $0x30, s15  }
0x27d: {  	[hbm4b:s21+s3] =	stream.linear.scatter [tilespmem:s16], [sflag:$0x5], $0x80, $0x38;
	[tilespmem:$0x16C00] =	vst v63  }
0x27e: {  	s16 =	sadd.s32 $0xE620, s17;
	s21 =	sadd.s32 $0x40, s15  }
0x27f: {  	[hbm4b:s21+s3] =	stream.linear.scatter [tilespmem:s16], [sflag:$0x5], $0x80, $0x38;
	[tilespmem:$0x16C00] =	vst v63  }
.Ltmp9:
0x280: {  	s16 =	sadd.s32 $0xE6A8, s17;
	s21 =	sadd.s32 $0x50, s15;
	(pc) =	sbr.rel @p0 .LBB2_21-.Ltmp9, $4  }
0x281: {  	[hbm4b:s21+s3] =	stream.linear.scatter [tilespmem:s16], [sflag:$0x5], $0x80, $0x38;
	[tilespmem:$0x16C00] =	vst v63  }
0x282: {  	s16 =	sadd.s32 $0xE730, s17;
	s21 =	sadd.s32 $0x60, s15;
	s17 =	sadd.s32 $0xE7B8, s17  }
0x283: {  	[hbm4b:s21+s3] =	stream.linear.scatter [tilespmem:s16], [sflag:$0x5], $0x80, $0x38;
	[tilespmem:$0x16C00] =	vst v63  }
0x284: {  	s21 =	sadd.s32 $0x70, s15;
	s15 =	sadd.s32 $0x1000, s15;
	s16 =	smov.u32 s22  }
0x285: {  	[hbm4b:s21+s3] =	stream.linear.scatter [tilespmem:s17], [sflag:$0x5], $0x80, $0x38;
	[tilespmem:$0x16C00] =	vst v63  }
0x286: {  	s16 =	sadd.s32 $0xE400, s5  }
0x287: {  	[hbm4b:s15+s3] =	stream.linear.scatter [tilespmem:s16], [sflag:$0x5], $0x80, $0x38;
	[tilespmem:$0x16C00] =	vst v63  }
0x288: {  	s21 =	sadd.s32 $0xE488, s5;
	s22 =	sadd.s32 $0x10, s15  }
0x289: {  	[hbm4b:s22+s3] =	stream.linear.scatter [tilespmem:s21], [sflag:$0x5], $0x80, $0x38;
	[tilespmem:$0x16C00] =	vst v63  }
0x28a: {  	s24 =	sadd.s32 $0xE510, s5;
	s26 =	sadd.s32 $0x20, s15  }
0x28b: {  	[hbm4b:s26+s3] =	stream.linear.scatter [tilespmem:s24], [sflag:$0x5], $0x80, $0x38;
	[tilespmem:$0x16C00] =	vst v63  }
0x28c: {  	s21 =	sadd.s32 $0xE598, s5;
	s22 =	sadd.s32 $0x30, s15  }
0x28d: {  	[hbm4b:s22+s3] =	stream.linear.scatter [tilespmem:s21], [sflag:$0x5], $0x80, $0x38;
	[tilespmem:$0x16C00] =	vst v63  }
0x28e: {  	s24 =	sadd.s32 $0xE620, s5;
	s26 =	sadd.s32 $0x40, s15  }
0x28f: {  	[hbm4b:s26+s3] =	stream.linear.scatter [tilespmem:s24], [sflag:$0x5], $0x80, $0x38;
	[tilespmem:$0x16C00] =	vst v63  }
0x290: {  	s21 =	sadd.s32 $0xE6A8, s5;
	s22 =	sadd.s32 $0x50, s15  }
0x291: {  	[hbm4b:s22+s3] =	stream.linear.scatter [tilespmem:s21], [sflag:$0x5], $0x80, $0x38;
	[tilespmem:$0x16C00] =	vst v63  }
0x292: {  	s24 =	sadd.s32 $0xE730, s5;
	s26 =	sadd.s32 $0x60, s15  }
0x293: {  	[hbm4b:s26+s3] =	stream.linear.scatter [tilespmem:s24], [sflag:$0x5], $0x80, $0x38;
	[tilespmem:$0x16C00] =	vst v63  }
0x294: {  	s17 =	sadd.s32 $0xE7B8, s5;
	s21 =	sadd.s32 $0x70, s15  }
0x295: {  	[hbm4b:s21+s3] =	stream.linear.scatter [tilespmem:s17], [sflag:$0x5], $0x80, $0x38;
	[tilespmem:$0x16C00] =	vst v63  }
0x296: {  	_ =	swait.ge [sflag:s31], $0x2000  }
0x297: {  	[sflag:s31] =	ssyncset.done $0x0  }
0x298: {  	[sflag:s31] =	ssyncadd.s32 $0xFFFFE000  }
0x299: {  	_ =	swait.ge [sflag:s18], $0x2000  }
0x29a: {  	[sflag:s18] =	ssyncset.done $0x0  }
0x29b: {  	s5 =	simm.s32 $0x8440;
	s22 =	simm.s32 $0x1;
	[sflag:s18] =	ssyncadd.s32 $0xFFFFE000  }
0x29c: {  	v4 =	vmov s22;
	v5 =	vld [tilespmem:s5+$0x0]  }
0x29d: {  	v9 =	vand.u32 $0x7F, v4  }
0x29e: {  	v4 =	vadd.s32 v0, v9  }
0x29f: {  	s24 =	simm.s32 $0x0  }
0x2a0: {  	v6 =	vmov s24;
	v7 =	vld [tilespmem:s5+$0xFFFFFFC0]  }
0x2a1: {  	v14 =	vand.u32 $0x7E, v6;
	v5 =	vadd.f32 $1.000000000e+00, v5  }
0x2a2: {  	s15 =	simm.s32 $0x84C0;
	s26 =	simm.s32 $0x3;
	v6 =	vadd.s32 v0, v14  }
0x2a3: {  	v8 =	vld [tilespmem:s15+$0x0];
	[tilespmem:v4+s1+$0x0] =	vst.idx.msk $0xffff, v5;
	v4 =	vmov s26  }
0x2a4: {  	v4 =	vand.u32 $0x7F, v4;
	v10 =	vld [tilespmem:s5+$0x10]  }
0x2a5: {  	v5 =	vadd.f32 $1.000000000e+00, v7;
	v7 =	vadd.s32 v0, v4  }
0x2a6: {  	v11 =	vadd.s32 v1, v9;
	s17 =	simm.s32 $0x2  }
0x2a7: {  	v12 =	vld [tilespmem:s15+$0xFFFFFFC0];
	[tilespmem:v6+s1+$0x0] =	vst.idx.msk $0xffff, v5;
	v5 =	vmov s17  }
0x2a8: {  	v6 =	vadd.f32 $1.000000000e+00, v8;
	v5 =	vand.u32 $0x7E, v5;
	v8 =	vld [tilespmem:s5+$0xFFFFFFD0]  }
0x2a9: {  	s16 =	simm.s32 $0x8540;
	s21 =	simm.s32 $0x5;
	v13 =	vadd.s32 v0, v5;
	v10 =	vadd.f32 $1.000000000e+00, v10  }
0x2aa: {  	v15 =	vld [tilespmem:s16+$0x0];
	[tilespmem:v7+s1+$0x0] =	vst.idx.msk $0xffff, v6;
	v7 =	vadd.s32 v1, v14;
	v6 =	vmov s21  }
0x2ab: {  	[tilespmem:v11+s1+$0x0] =	vst.idx.msk $0xffff, v10;
	v6 =	vand.u32 $0x7F, v6;
	v10 =	vld [tilespmem:s15+$0x10]  }
0x2ac: {  	v11 =	vadd.f32 $1.000000000e+00, v12;
	v12 =	vadd.s32 v0, v6;
	v16 =	vld [tilespmem:s5+$0x20]  }
0x2ad: {  	s22 =	simm.s32 $0x4;
	v17 =	vadd.s32 v1, v4;
	v8 =	vadd.f32 $1.000000000e+00, v8  }
0x2ae: {  	v18 =	vadd.s32 v2, v9;
	[tilespmem:v13+s1+$0x0] =	vst.idx.msk $0xffff, v11;
	v11 =	vmov s22;
	v13 =	vld [tilespmem:s16+$0xFFFFFFC0]  }
0x2af: {  	[tilespmem:v7+s1+$0x0] =	vst.idx.msk $0xffff, v8;
	v7 =	vand.u32 $0x7E, v11;
	v8 =	vadd.f32 $1.000000000e+00, v15;
	v11 =	vld [tilespmem:s15+$0xFFFFFFD0]  }
0x2b0: {  	s24 =	simm.s32 $0x7;
	s17 =	simm.s32 $0x85C0;
	v15 =	vadd.s32 v0, v7;
	v10 =	vadd.f32 $1.000000000e+00, v10;
	v19 =	vld [tilespmem:s5+$0xFFFFFFE0]  }
0x2b1: {  	v20 =	vld [tilespmem:s17+$0x0];
	[tilespmem:v12+s1+$0x0] =	vst.idx.msk $0xffff, v8;
	v12 =	vadd.s32 v1, v5;
	v16 =	vadd.f32 $1.000000000e+00, v16;
	v8 =	vmov s24  }
0x2b2: {  	[tilespmem:v17+s1+$0x0] =	vst.idx.msk $0xffff, v10;
	v10 =	vadd.s32 v2, v14;
	v8 =	vand.u32 $0x7F, v8;
	v17 =	vld [tilespmem:s16+$0x10]  }
0x2b3: {  	v13 =	vadd.f32 $1.000000000e+00, v13;
	[tilespmem:v18+s1+$0x0] =	vst.idx.msk $0xffff, v16;
	v16 =	vadd.s32 v0, v8;
	v18 =	vld [tilespmem:s15+$0x20]  }
0x2b4: {  	s26 =	simm.s32 $0x6;
	v21 =	vadd.s32 v1, v6;
	v11 =	vadd.f32 $1.000000000e+00, v11;
	v22 =	vld [tilespmem:s5+$0x30]  }
0x2b5: {  	v23 =	vadd.s32 v2, v4;
	[tilespmem:v15+s1+$0x0] =	vst.idx.msk $0xffff, v13;
	v13 =	vadd.f32 $1.000000000e+00, v19;
	v15 =	vld [tilespmem:s17+$0xFFFFFFC0];
	v19 =	vmov s26  }
0x2b6: {  	v25 =	vadd.s32 v3, v9;
	[tilespmem:v12+s1+$0x0] =	vst.idx.msk $0xffff, v11;
	v12 =	vadd.f32 $1.000000000e+00, v20;
	v24 =	vld [tilespmem:s16+$0xFFFFFFD0];
	v9 =	vand.u32 $0x7E, v19  }
0x2b7: {  	[tilespmem:v10+s1+$0x0] =	vst.idx.msk $0xffff, v13;
	v10 =	vadd.f32 $1.000000000e+00, v17;
	v11 =	vld [tilespmem:s15+$0xFFFFFFE0];
	v17 =	vadd.s32 v0, v9  }
0x2b8: {  	s21 =	simm.s32 $0x8640;
	s22 =	simm.s32 $0x9;
	[tilespmem:v16+s1+$0x0] =	vst.idx.msk $0xffff, v12;
	v20 =	vadd.f32 $1.000000000e+00, v18;
	v12 =	vld [tilespmem:s5+$0xFFFFFFF0];
	v16 =	vadd.s32 v1, v7  }
0x2b9: {  	v19 =	vld [tilespmem:s21+$0x0];
	v13 =	vadd.s32 v2, v5;
	v18 =	vmov s22;
	[tilespmem:v21+s1+$0x0] =	vst.idx.msk $0xffff, v10;
	v26 =	vadd.f32 $1.000000000e+00, v22  }
0x2ba: {  	v14 =	vadd.s32 v3, v14;
	v10 =	vand.u32 $0x7F, v18;
	v18 =	vld [tilespmem:s17+$0x10];
	v22 =	vadd.f32 $1.000000000e+00, v15;
	[tilespmem:v23+s1+$0x0] =	vst.idx.msk $0xffff, v20  }
0x2bb: {  	s24 =	simm.s32 $0x8;
	s22 =	simm.s32 $0xA;
	s5 =	simm.s32 $0x8640;
	v20 =	vadd.s32 v0, v10;
	v15 =	vld [tilespmem:s16+$0x20];
	v21 =	vadd.f32 $1.000000000e+00, v24;
	[tilespmem:v25+s1+$0x0] =	vst.idx.msk $0xffff, v26  }
.LBB2_23:
0x2bc: {  	p0 =	slt.u32 s22, $0x7E;
	[tilespmem:v17+s1+$0x0] =	vst.idx.msk $0xffff, v22;
	v22 =	vadd.s32 v1, v8;
	v11 =	vadd.f32 $1.000000000e+00, v11;
	v23 =	vld [tilespmem:s15+$0x30]  }
0x2bd: {  	v17 =	vmov s24;
	s24 =	smov.u32 s22;
	v24 =	vld [tilespmem:s21+$0xFFFFFFC0];
	[tilespmem:v16+s1+$0x0] =	vst.idx.msk $0xffff, v21;
	v21 =	vadd.s32 v2, v6;
	v12 =	vadd.f32 $1.000000000e+00, v12  }
0x2be: {  	v27 =	vadd.s32 v3, v4;
	v4 =	vmovc v6;
	v25 =	vand.u32 $0x7E, v17;
	v16 =	vadd.f32 $1.000000000e+00, v19;
	v26 =	vld [tilespmem:s17+$0xFFFFFFD0];
	[tilespmem:v13+s1+$0x0] =	vst.idx.msk $0xffff, v11  }
.Ltmp10:
0x2bf: {  	v6 =	vmovc v8;
	v8 =	vmov v10;
	v17 =	vadd.s32 v0, v25;
	v13 =	vadd.f32 $1.000000000e+00, v18;
	v11 =	vld [tilespmem:s16+$0xFFFFFFE0];
	[tilespmem:v14+s1+$0x0] =	vst.idx.msk $0xffff, v12;
	(pc) =	sbr.rel @p0 .LBB2_23-.Ltmp10, $4  }
0x2c0: {  	s26 =	sadd.s32 $0x1, s22;
	s21 =	sadd.s32 $0x80, s21;
	[tilespmem:v20+s1+$0x0] =	vst.idx.msk $0xffff, v16;
	v16 =	vadd.s32 v1, v9;
	v14 =	vadd.f32 $1.000000000e+00, v15;
	v12 =	vld [tilespmem:s15+$0xFFFFFFF0];
	s15 =	smov.u32 s16  }
0x2c1: {  	v10 =	vmov s26;
	s16 =	smov.u32 s17;
	s17 =	smov.u32 s5;
	s5 =	smov.u32 s21;
	v19 =	vld [tilespmem:s21+$0x0];
	[tilespmem:v22+s1+$0x0] =	vst.idx.msk $0xffff, v13;
	v13 =	vadd.s32 v2, v7;
	v23 =	vadd.f32 $1.000000000e+00, v23  }
0x2c2: {  	v10 =	vand.u32 $0x7F, v10;
	v22 =	vadd.f32 $1.000000000e+00, v24;
	v18 =	vld [tilespmem:s17+$0x10];
	[tilespmem:v21+s1+$0x0] =	vst.idx.msk $0xffff, v14;
	v14 =	vadd.s32 v3, v5;
	v5 =	vmovc v7  }
0x2c3: {  	s22 =	sadd.s32 $0x2, s22;
	v20 =	vadd.s32 v0, v10;
	v7 =	vmovc v9;
	v9 =	vmov v25;
	v21 =	vadd.f32 $1.000000000e+00, v26;
	v15 =	vld [tilespmem:s16+$0x20];
	[tilespmem:v27+s1+$0x0] =	vst.idx.msk $0xffff, v23  }
0x2c4: {  	v23 =	vmov s24;
	v24 =	vld [tilespmem:s21+$0xFFFFFFC0]  }
0x2c5: {  	v23 =	vand.u32 $0x7E, v23  }
0x2c6: {  	v25 =	vadd.s32 v0, v23;
	_ =	sdelay $0x1  }
0x2c7: {  	v19 =	vadd.f32 $1.000000000e+00, v19  }
0x2c8: {  	[tilespmem:v17+s1+$0x0] =	vst.idx.msk $0xffff, v22;
	v62 =	vadd.f32 $1.000000000e+00, v24  }
0x2c9: {  	v22 =	vld [tilespmem:s17+$0xFFFFFFD0];
	[tilespmem:v20+s1+$0x0] =	vst.idx.msk $0xffff, v19  }
0x2ca: {  	v63 =	vadd.s32 v1, v8;
	v20 =	vld [tilespmem:s5+$0x10];
	[tilespmem:v25+s1+$0x0] =	vst.idx.msk $0xffff, v62  }
0x2cb: {  	v28 =	vadd.s32 v1, v9;
	v29 =	vld [tilespmem:s5+$0xFFFFFFD0]  }
0x2cc: {  	v30 =	vadd.s32 v1, v10  }
0x2cd: {  	v26 =	vadd.s32 v1, v23;
	v18 =	vadd.f32 $1.000000000e+00, v18  }
0x2ce: {  	[tilespmem:v16+s1+$0x0] =	vst.idx.msk $0xffff, v21;
	v31 =	vadd.f32 $1.000000000e+00, v22  }
0x2cf: {  	v32 =	vld [tilespmem:s16+$0xFFFFFFE0];
	[tilespmem:v63+s1+$0x0] =	vst.idx.msk $0xffff, v18;
	v33 =	vadd.f32 $1.000000000e+00, v20  }
0x2d0: {  	v34 =	vadd.s32 v2, v6;
	v35 =	vld [tilespmem:s17+$0x20];
	[tilespmem:v28+s1+$0x0] =	vst.idx.msk $0xffff, v31;
	v36 =	vadd.f32 $1.000000000e+00, v29  }
0x2d1: {  	v11 =	vadd.f32 $1.000000000e+00, v11;
	v37 =	vadd.s32 v2, v7;
	v38 =	vld [tilespmem:s17+$0xFFFFFFE0];
	[tilespmem:v30+s1+$0x0] =	vst.idx.msk $0xffff, v33  }
0x2d2: {  	v39 =	vadd.s32 v2, v8;
	v12 =	vadd.f32 $1.000000000e+00, v12;
	v40 =	vld [tilespmem:s5+$0x20];
	[tilespmem:v26+s1+$0x0] =	vst.idx.msk $0xffff, v36  }
0x2d3: {  	v42 =	vadd.s32 v2, v9;
	[tilespmem:v13+s1+$0x0] =	vst.idx.msk $0xffff, v11;
	v41 =	vadd.f32 $1.000000000e+00, v15;
	v43 =	vld [tilespmem:s5+$0xFFFFFFE0]  }
0x2d4: {  	v44 =	vld [tilespmem:s15+$0x30];
	v46 =	vadd.s32 v2, v10;
	[tilespmem:v14+s1+$0x0] =	vst.idx.msk $0xffff, v12;
	v45 =	vadd.f32 $1.000000000e+00, v32  }
0x2d5: {  	v49 =	vadd.s32 v2, v23;
	v47 =	vld [tilespmem:s15+$0xFFFFFFF0];
	[tilespmem:v34+s1+$0x0] =	vst.idx.msk $0xffff, v41;
	v48 =	vadd.f32 $1.000000000e+00, v35  }
0x2d6: {  	v4 =	vadd.s32 v3, v4;
	[tilespmem:v37+s1+$0x0] =	vst.idx.msk $0xffff, v45;
	v20 =	vld [tilespmem:s16+$0x30];
	v50 =	vadd.f32 $1.000000000e+00, v38  }
0x2d7: {  	v5 =	vadd.s32 v3, v5;
	v51 =	vld [tilespmem:s16+$0xFFFFFFF0];
	[tilespmem:v39+s1+$0x0] =	vst.idx.msk $0xffff, v48;
	v52 =	vadd.f32 $1.000000000e+00, v40  }
0x2d8: {  	v53 =	vadd.s32 v3, v6;
	v54 =	vld [tilespmem:s17+$0x30];
	[tilespmem:v42+s1+$0x0] =	vst.idx.msk $0xffff, v50;
	v55 =	vadd.f32 $1.000000000e+00, v43  }
0x2d9: {  	v57 =	vadd.s32 v3, v7;
	v56 =	vadd.f32 $1.000000000e+00, v44;
	v58 =	vld [tilespmem:s17+$0xFFFFFFF0];
	[tilespmem:v46+s1+$0x0] =	vst.idx.msk $0xffff, v52  }
0x2da: {  	v60 =	vadd.s32 v3, v8;
	v59 =	vadd.f32 $1.000000000e+00, v47;
	v14 =	vld [tilespmem:s5+$0x30];
	[tilespmem:v49+s1+$0x0] =	vst.idx.msk $0xffff, v55  }
0x2db: {  	v61 =	vadd.s32 v3, v9;
	[tilespmem:v4+s1+$0x0] =	vst.idx.msk $0xffff, v56;
	v4 =	vadd.f32 $1.000000000e+00, v20;
	v12 =	vld [tilespmem:s5+$0xFFFFFFF0]  }
0x2dc: {  	v62 =	vadd.s32 v3, v10;
	[tilespmem:v5+s1+$0x0] =	vst.idx.msk $0xffff, v59;
	v5 =	vadd.f32 $1.000000000e+00, v51  }
0x2dd: {  	v63 =	vadd.s32 v3, v23;
	[tilespmem:v53+s1+$0x0] =	vst.idx.msk $0xffff, v4;
	v4 =	vadd.f32 $1.000000000e+00, v54  }
0x2de: {  	[tilespmem:v57+s1+$0x0] =	vst.idx.msk $0xffff, v5;
	v5 =	vadd.f32 $1.000000000e+00, v58  }
0x2df: {  	s22 =	sadd.s32 s9, s11;
	[tilespmem:v60+s1+$0x0] =	vst.idx.msk $0xffff, v4;
	v4 =	vadd.f32 $1.000000000e+00, v14  }
0x2e0: {  	s24 =	sshll.u32 s22, $0x7;
	[tilespmem:v61+s1+$0x0] =	vst.idx.msk $0xffff, v5;
	v5 =	vadd.f32 $1.000000000e+00, v12  }
0x2e1: {  	s21 =	simm.s32 $0x8400;
	s15 =	sand.u32 $0xE80, s24;
	s5 =	sshll.u32 s22, $0xA;
	[tilespmem:v62+s1+$0x0] =	vst.idx.msk $0xffff, v4  }
0x2e2: {  	s15 =	sadd.s32 s2, s15;
	s17 =	sadd.s32 $0x480, s14;
	s5 =	sand.u32 $0xFFF8000, s5;
	[tilespmem:v63+s1+$0x0] =	vst.idx.msk $0xffff, v5  }
0x2e3: {  	[tilespmem:s21], [sflag:$0x2] =	stream.indirect.gather [hbm4b:s4+s20], $0x40, s17, s20, $0xb8;
	[tilespmem:$0x16C00] =	vst v63  }
0x2e4: {  	s26 =	simm.s32 $0x10600;
	s15 =	sadd.s32 s5, s15  }
0x2e5: {  	[hbm4b:s15+s3] =	stream.linear.scatter [tilespmem:s26], [sflag:$0x6], $0x80, $0x38;
	[tilespmem:$0x16C00] =	vst v63  }
0x2e6: {  	s16 =	simm.s32 $0x10688;
	s17 =	sadd.s32 $0x10, s15  }
0x2e7: {  	[hbm4b:s17+s3] =	stream.linear.scatter [tilespmem:s16], [sflag:$0x6], $0x80, $0x38;
	[tilespmem:$0x16C00] =	vst v63  }
0x2e8: {  	s24 =	simm.s32 $0x10798;
	s22 =	sadd.s32 $0x20, s15;
	s21 =	simm.s32 $0x10710  }
0x2e9: {  	[hbm4b:s22+s3] =	stream.linear.scatter [tilespmem:s21], [sflag:$0x6], $0x80, $0x38;
	[tilespmem:$0x16C00] =	vst v63  }
0x2ea: {  	s5 =	simm.s32 $0x440;
	s26 =	sadd.s32 $0x30, s15;
	s16 =	simm.s32 $0x10820  }
0x2eb: {  	[hbm4b:s26+s3] =	stream.linear.scatter [tilespmem:s24], [sflag:$0x6], $0x80, $0x38;
	[tilespmem:$0x16C00] =	vst v63  }
0x2ec: {  	s17 =	sadd.s32 $0x40, s15;
	s21 =	simm.s32 $0x108A8;
	s22 =	sadd.s32 $0x50, s15  }
0x2ed: {  	[hbm4b:s17+s3] =	stream.linear.scatter [tilespmem:s16], [sflag:$0x6], $0x80, $0x38;
	[tilespmem:$0x16C00] =	vst v63  }
0x2ee: {  	s24 =	simm.s32 $0x10930;
	s26 =	sadd.s32 $0x60, s15;
	s16 =	simm.s32 $0x2200  }
0x2ef: {  	[hbm4b:s22+s3] =	stream.linear.scatter [tilespmem:s21], [sflag:$0x6], $0x80, $0x38;
	[tilespmem:$0x16C00] =	vst v63  }
0x2f0: {  	s17 =	simm.s32 $0x109B8;
	s21 =	sadd.s32 $0x70, s15;
	s15 =	sadd.s32 $0x1000, s15  }
0x2f1: {  	[hbm4b:s26+s3] =	stream.linear.scatter [tilespmem:s24], [sflag:$0x6], $0x80, $0x38;
	[tilespmem:$0x16C00] =	vst v63  }
.LBB2_25:
0x2f2: {  	[hbm4b:s21+s3] =	stream.linear.scatter [tilespmem:s17], [sflag:$0x6], $0x80, $0x38;
	[tilespmem:$0x16C00] =	vst v63  }
0x2f3: {  	s17 =	smov.u32 s5;
	s5 =	smov.u32 s16  }
0x2f4: {  	s22 =	sadd.s32 $0x1100, s16;
	s5 =	sshra.s32 s5, $0x2;
	s21 =	sadd.s32 $0x10600, s17  }
0x2f5: {  	[hbm4b:s15+s3] =	stream.linear.scatter [tilespmem:s21], [sflag:$0x6], $0x80, $0x38;
	[tilespmem:$0x16C00] =	vst v63  }
0x2f6: {  	p0 =	sne.s32 s16, $0x7700;
	s16 =	sadd.s32 $0x10688, s17;
	s21 =	sadd.s32 $0x10, s15  }
0x2f7: {  	[hbm4b:s21+s3] =	stream.linear.scatter [tilespmem:s16], [sflag:$0x6], $0x80, $0x38;
	[tilespmem:$0x16C00] =	vst v63  }
0x2f8: {  	s16 =	sadd.s32 $0x10710, s17;
	s21 =	sadd.s32 $0x20, s15  }
0x2f9: {  	[hbm4b:s21+s3] =	stream.linear.scatter [tilespmem:s16], [sflag:$0x6], $0x80, $0x38;
	[tilespmem:$0x16C00] =	vst v63  }
0x2fa: {  	s16 =	sadd.s32 $0x10798, s17;
	s21 =	sadd.s32 $0x30, s15  }
0x2fb: {  	[hbm4b:s21+s3] =	stream.linear.scatter [tilespmem:s16], [sflag:$0x6], $0x80, $0x38;
	[tilespmem:$0x16C00] =	vst v63  }
0x2fc: {  	s16 =	sadd.s32 $0x10820, s17;
	s21 =	sadd.s32 $0x40, s15  }
0x2fd: {  	[hbm4b:s21+s3] =	stream.linear.scatter [tilespmem:s16], [sflag:$0x6], $0x80, $0x38;
	[tilespmem:$0x16C00] =	vst v63  }
.Ltmp11:
0x2fe: {  	s16 =	sadd.s32 $0x108A8, s17;
	s21 =	sadd.s32 $0x50, s15;
	(pc) =	sbr.rel @p0 .LBB2_25-.Ltmp11, $4  }
0x2ff: {  	[hbm4b:s21+s3] =	stream.linear.scatter [tilespmem:s16], [sflag:$0x6], $0x80, $0x38;
	[tilespmem:$0x16C00] =	vst v63  }
0x300: {  	s16 =	sadd.s32 $0x10930, s17;
	s21 =	sadd.s32 $0x60, s15;
	s17 =	sadd.s32 $0x109B8, s17  }
0x301: {  	[hbm4b:s21+s3] =	stream.linear.scatter [tilespmem:s16], [sflag:$0x6], $0x80, $0x38;
	[tilespmem:$0x16C00] =	vst v63  }
0x302: {  	s21 =	sadd.s32 $0x70, s15;
	s15 =	sadd.s32 $0x1000, s15;
	s16 =	smov.u32 s22  }
0x303: {  	[hbm4b:s21+s3] =	stream.linear.scatter [tilespmem:s17], [sflag:$0x6], $0x80, $0x38;
	[tilespmem:$0x16C00] =	vst v63  }
0x304: {  	s16 =	sadd.s32 $0x10600, s5  }
0x305: {  	[hbm4b:s15+s3] =	stream.linear.scatter [tilespmem:s16], [sflag:$0x6], $0x80, $0x38;
	[tilespmem:$0x16C00] =	vst v63  }
0x306: {  	s21 =	sadd.s32 $0x10688, s5;
	s22 =	sadd.s32 $0x10, s15  }
0x307: {  	[hbm4b:s22+s3] =	stream.linear.scatter [tilespmem:s21], [sflag:$0x6], $0x80, $0x38;
	[tilespmem:$0x16C00] =	vst v63  }
0x308: {  	s24 =	sadd.s32 $0x10710, s5;
	s26 =	sadd.s32 $0x20, s15  }
0x309: {  	[hbm4b:s26+s3] =	stream.linear.scatter [tilespmem:s24], [sflag:$0x6], $0x80, $0x38;
	[tilespmem:$0x16C00] =	vst v63  }
0x30a: {  	s21 =	sadd.s32 $0x10798, s5;
	s22 =	sadd.s32 $0x30, s15  }
0x30b: {  	[hbm4b:s22+s3] =	stream.linear.scatter [tilespmem:s21], [sflag:$0x6], $0x80, $0x38;
	[tilespmem:$0x16C00] =	vst v63  }
0x30c: {  	s24 =	sadd.s32 $0x10820, s5;
	s26 =	sadd.s32 $0x40, s15  }
0x30d: {  	[hbm4b:s26+s3] =	stream.linear.scatter [tilespmem:s24], [sflag:$0x6], $0x80, $0x38;
	[tilespmem:$0x16C00] =	vst v63  }
0x30e: {  	s21 =	sadd.s32 $0x108A8, s5;
	s22 =	sadd.s32 $0x50, s15  }
0x30f: {  	[hbm4b:s22+s3] =	stream.linear.scatter [tilespmem:s21], [sflag:$0x6], $0x80, $0x38;
	[tilespmem:$0x16C00] =	vst v63  }
0x310: {  	s24 =	sadd.s32 $0x10930, s5;
	s26 =	sadd.s32 $0x60, s15  }
0x311: {  	[hbm4b:s26+s3] =	stream.linear.scatter [tilespmem:s24], [sflag:$0x6], $0x80, $0x38;
	[tilespmem:$0x16C00] =	vst v63  }
0x312: {  	s17 =	sadd.s32 $0x109B8, s5;
	s21 =	sadd.s32 $0x70, s15  }
0x313: {  	[hbm4b:s21+s3] =	stream.linear.scatter [tilespmem:s17], [sflag:$0x6], $0x80, $0x38;
	[tilespmem:$0x16C00] =	vst v63  }
0x314: {  	_ =	swait.ge [sflag:s23], $0x2000  }
0x315: {  	[sflag:s23] =	ssyncset.done $0x0  }
0x316: {  	[sflag:s23] =	ssyncadd.s32 $0xFFFFE000  }
0x317: {  	_ =	swait.ge [sflag:s19], $0x2000  }
0x318: {  	[sflag:s19] =	ssyncset.done $0x0  }
0x319: {  	s5 =	simm.s32 $0xA440;
	s22 =	simm.s32 $0x1;
	[sflag:s19] =	ssyncadd.s32 $0xFFFFE000  }
0x31a: {  	v4 =	vmov s22;
	v5 =	vld [tilespmem:s5+$0x0]  }
0x31b: {  	v9 =	vand.u32 $0x7F, v4  }
0x31c: {  	v4 =	vadd.s32 v0, v9  }
0x31d: {  	s24 =	simm.s32 $0x0  }
0x31e: {  	v6 =	vmov s24;
	v7 =	vld [tilespmem:s5+$0xFFFFFFC0]  }
0x31f: {  	v14 =	vand.u32 $0x7E, v6;
	v5 =	vadd.f32 $1.000000000e+00, v5  }
0x320: {  	s15 =	simm.s32 $0xA4C0;
	s26 =	simm.s32 $0x3;
	v6 =	vadd.s32 v0, v14  }
0x321: {  	v8 =	vld [tilespmem:s15+$0x0];
	[tilespmem:v4+s25+$0x0] =	vst.idx.msk $0xffff, v5;
	v4 =	vmov s26  }
0x322: {  	v4 =	vand.u32 $0x7F, v4;
	v10 =	vld [tilespmem:s5+$0x10]  }
0x323: {  	v5 =	vadd.f32 $1.000000000e+00, v7;
	v7 =	vadd.s32 v0, v4  }
0x324: {  	v11 =	vadd.s32 v1, v9;
	s17 =	simm.s32 $0x2  }
0x325: {  	v12 =	vld [tilespmem:s15+$0xFFFFFFC0];
	[tilespmem:v6+s25+$0x0] =	vst.idx.msk $0xffff, v5;
	v5 =	vmov s17  }
0x326: {  	v6 =	vadd.f32 $1.000000000e+00, v8;
	v5 =	vand.u32 $0x7E, v5;
	v8 =	vld [tilespmem:s5+$0xFFFFFFD0]  }
0x327: {  	s16 =	simm.s32 $0xA540;
	s21 =	simm.s32 $0x5;
	v13 =	vadd.s32 v0, v5;
	v10 =	vadd.f32 $1.000000000e+00, v10  }
0x328: {  	v15 =	vld [tilespmem:s16+$0x0];
	[tilespmem:v7+s25+$0x0] =	vst.idx.msk $0xffff, v6;
	v7 =	vadd.s32 v1, v14;
	v6 =	vmov s21  }
0x329: {  	[tilespmem:v11+s25+$0x0] =	vst.idx.msk $0xffff, v10;
	v6 =	vand.u32 $0x7F, v6;
	v10 =	vld [tilespmem:s15+$0x10]  }
0x32a: {  	v11 =	vadd.f32 $1.000000000e+00, v12;
	v12 =	vadd.s32 v0, v6;
	v16 =	vld [tilespmem:s5+$0x20]  }
0x32b: {  	s22 =	simm.s32 $0x4;
	v17 =	vadd.s32 v1, v4;
	v8 =	vadd.f32 $1.000000000e+00, v8  }
0x32c: {  	v18 =	vadd.s32 v2, v9;
	[tilespmem:v13+s25+$0x0] =	vst.idx.msk $0xffff, v11;
	v11 =	vmov s22;
	v13 =	vld [tilespmem:s16+$0xFFFFFFC0]  }
0x32d: {  	[tilespmem:v7+s25+$0x0] =	vst.idx.msk $0xffff, v8;
	v7 =	vand.u32 $0x7E, v11;
	v8 =	vadd.f32 $1.000000000e+00, v15;
	v11 =	vld [tilespmem:s15+$0xFFFFFFD0]  }
0x32e: {  	s24 =	simm.s32 $0x7;
	s17 =	simm.s32 $0xA5C0;
	v15 =	vadd.s32 v0, v7;
	v10 =	vadd.f32 $1.000000000e+00, v10;
	v19 =	vld [tilespmem:s5+$0xFFFFFFE0]  }
0x32f: {  	v20 =	vld [tilespmem:s17+$0x0];
	[tilespmem:v12+s25+$0x0] =	vst.idx.msk $0xffff, v8;
	v12 =	vadd.s32 v1, v5;
	v16 =	vadd.f32 $1.000000000e+00, v16;
	v8 =	vmov s24  }
0x330: {  	[tilespmem:v17+s25+$0x0] =	vst.idx.msk $0xffff, v10;
	v10 =	vadd.s32 v2, v14;
	v8 =	vand.u32 $0x7F, v8;
	v17 =	vld [tilespmem:s16+$0x10]  }
0x331: {  	v13 =	vadd.f32 $1.000000000e+00, v13;
	[tilespmem:v18+s25+$0x0] =	vst.idx.msk $0xffff, v16;
	v16 =	vadd.s32 v0, v8;
	v18 =	vld [tilespmem:s15+$0x20]  }
0x332: {  	s26 =	simm.s32 $0x6;
	v21 =	vadd.s32 v1, v6;
	v11 =	vadd.f32 $1.000000000e+00, v11;
	v22 =	vld [tilespmem:s5+$0x30]  }
0x333: {  	v23 =	vadd.s32 v2, v4;
	[tilespmem:v15+s25+$0x0] =	vst.idx.msk $0xffff, v13;
	v13 =	vadd.f32 $1.000000000e+00, v19;
	v15 =	vld [tilespmem:s17+$0xFFFFFFC0];
	v19 =	vmov s26  }
0x334: {  	v25 =	vadd.s32 v3, v9;
	[tilespmem:v12+s25+$0x0] =	vst.idx.msk $0xffff, v11;
	v12 =	vadd.f32 $1.000000000e+00, v20;
	v24 =	vld [tilespmem:s16+$0xFFFFFFD0];
	v9 =	vand.u32 $0x7E, v19  }
0x335: {  	[tilespmem:v10+s25+$0x0] =	vst.idx.msk $0xffff, v13;
	v10 =	vadd.f32 $1.000000000e+00, v17;
	v11 =	vld [tilespmem:s15+$0xFFFFFFE0];
	v17 =	vadd.s32 v0, v9  }
0x336: {  	s21 =	simm.s32 $0xA640;
	s22 =	simm.s32 $0x9;
	[tilespmem:v16+s25+$0x0] =	vst.idx.msk $0xffff, v12;
	v20 =	vadd.f32 $1.000000000e+00, v18;
	v12 =	vld [tilespmem:s5+$0xFFFFFFF0];
	v16 =	vadd.s32 v1, v7  }
0x337: {  	v19 =	vld [tilespmem:s21+$0x0];
	v13 =	vadd.s32 v2, v5;
	v18 =	vmov s22;
	[tilespmem:v21+s25+$0x0] =	vst.idx.msk $0xffff, v10;
	v26 =	vadd.f32 $1.000000000e+00, v22  }
0x338: {  	v14 =	vadd.s32 v3, v14;
	v10 =	vand.u32 $0x7F, v18;
	v18 =	vld [tilespmem:s17+$0x10];
	v22 =	vadd.f32 $1.000000000e+00, v15;
	[tilespmem:v23+s25+$0x0] =	vst.idx.msk $0xffff, v20  }
0x339: {  	s24 =	simm.s32 $0x8;
	s22 =	simm.s32 $0xA;
	s5 =	simm.s32 $0xA640;
	v20 =	vadd.s32 v0, v10;
	v15 =	vld [tilespmem:s16+$0x20];
	v21 =	vadd.f32 $1.000000000e+00, v24;
	[tilespmem:v25+s25+$0x0] =	vst.idx.msk $0xffff, v26  }
.LBB2_27:
0x33a: {  	p0 =	slt.u32 s22, $0x7E;
	[tilespmem:v17+s25+$0x0] =	vst.idx.msk $0xffff, v22;
	v22 =	vadd.s32 v1, v8;
	v11 =	vadd.f32 $1.000000000e+00, v11;
	v23 =	vld [tilespmem:s15+$0x30]  }
0x33b: {  	v17 =	vmov s24;
	s24 =	smov.u32 s22;
	v24 =	vld [tilespmem:s21+$0xFFFFFFC0];
	[tilespmem:v16+s25+$0x0] =	vst.idx.msk $0xffff, v21;
	v21 =	vadd.s32 v2, v6;
	v12 =	vadd.f32 $1.000000000e+00, v12  }
0x33c: {  	v27 =	vadd.s32 v3, v4;
	v4 =	vmovc v6;
	v25 =	vand.u32 $0x7E, v17;
	v16 =	vadd.f32 $1.000000000e+00, v19;
	v26 =	vld [tilespmem:s17+$0xFFFFFFD0];
	[tilespmem:v13+s25+$0x0] =	vst.idx.msk $0xffff, v11  }
.Ltmp12:
0x33d: {  	v6 =	vmovc v8;
	v8 =	vmov v10;
	v17 =	vadd.s32 v0, v25;
	v13 =	vadd.f32 $1.000000000e+00, v18;
	v11 =	vld [tilespmem:s16+$0xFFFFFFE0];
	[tilespmem:v14+s25+$0x0] =	vst.idx.msk $0xffff, v12;
	(pc) =	sbr.rel @p0 .LBB2_27-.Ltmp12, $4  }
0x33e: {  	s26 =	sadd.s32 $0x1, s22;
	s21 =	sadd.s32 $0x80, s21;
	[tilespmem:v20+s25+$0x0] =	vst.idx.msk $0xffff, v16;
	v16 =	vadd.s32 v1, v9;
	v14 =	vadd.f32 $1.000000000e+00, v15;
	v12 =	vld [tilespmem:s15+$0xFFFFFFF0];
	s15 =	smov.u32 s16  }
0x33f: {  	v10 =	vmov s26;
	s16 =	smov.u32 s17;
	s17 =	smov.u32 s5;
	s5 =	smov.u32 s21;
	v19 =	vld [tilespmem:s21+$0x0];
	[tilespmem:v22+s25+$0x0] =	vst.idx.msk $0xffff, v13;
	v13 =	vadd.s32 v2, v7;
	v23 =	vadd.f32 $1.000000000e+00, v23  }
0x340: {  	v10 =	vand.u32 $0x7F, v10;
	v22 =	vadd.f32 $1.000000000e+00, v24;
	v18 =	vld [tilespmem:s17+$0x10];
	[tilespmem:v21+s25+$0x0] =	vst.idx.msk $0xffff, v14;
	v14 =	vadd.s32 v3, v5;
	v5 =	vmovc v7  }
0x341: {  	s22 =	sadd.s32 $0x2, s22;
	v20 =	vadd.s32 v0, v10;
	v7 =	vmovc v9;
	v9 =	vmov v25;
	v21 =	vadd.f32 $1.000000000e+00, v26;
	v15 =	vld [tilespmem:s16+$0x20];
	[tilespmem:v27+s25+$0x0] =	vst.idx.msk $0xffff, v23  }
0x342: {  	v23 =	vmov s24;
	v24 =	vld [tilespmem:s21+$0xFFFFFFC0]  }
0x343: {  	v23 =	vand.u32 $0x7E, v23  }
0x344: {  	v25 =	vadd.s32 v0, v23;
	_ =	sdelay $0x1  }
0x345: {  	v19 =	vadd.f32 $1.000000000e+00, v19  }
0x346: {  	[tilespmem:v17+s25+$0x0] =	vst.idx.msk $0xffff, v22;
	v62 =	vadd.f32 $1.000000000e+00, v24  }
0x347: {  	v22 =	vld [tilespmem:s17+$0xFFFFFFD0];
	[tilespmem:v20+s25+$0x0] =	vst.idx.msk $0xffff, v19  }
0x348: {  	v63 =	vadd.s32 v1, v8;
	v20 =	vld [tilespmem:s5+$0x10];
	[tilespmem:v25+s25+$0x0] =	vst.idx.msk $0xffff, v62  }
0x349: {  	v28 =	vadd.s32 v1, v9;
	v29 =	vld [tilespmem:s5+$0xFFFFFFD0]  }
0x34a: {  	v30 =	vadd.s32 v1, v10  }
0x34b: {  	v26 =	vadd.s32 v1, v23;
	v18 =	vadd.f32 $1.000000000e+00, v18  }
0x34c: {  	[tilespmem:v16+s25+$0x0] =	vst.idx.msk $0xffff, v21;
	v31 =	vadd.f32 $1.000000000e+00, v22  }
0x34d: {  	v32 =	vld [tilespmem:s16+$0xFFFFFFE0];
	[tilespmem:v63+s25+$0x0] =	vst.idx.msk $0xffff, v18;
	v33 =	vadd.f32 $1.000000000e+00, v20  }
0x34e: {  	v34 =	vadd.s32 v2, v6;
	v35 =	vld [tilespmem:s17+$0x20];
	[tilespmem:v28+s25+$0x0] =	vst.idx.msk $0xffff, v31;
	v36 =	vadd.f32 $1.000000000e+00, v29  }
0x34f: {  	v11 =	vadd.f32 $1.000000000e+00, v11;
	v37 =	vadd.s32 v2, v7;
	v38 =	vld [tilespmem:s17+$0xFFFFFFE0];
	[tilespmem:v30+s25+$0x0] =	vst.idx.msk $0xffff, v33  }
0x350: {  	v39 =	vadd.s32 v2, v8;
	v12 =	vadd.f32 $1.000000000e+00, v12;
	v40 =	vld [tilespmem:s5+$0x20];
	[tilespmem:v26+s25+$0x0] =	vst.idx.msk $0xffff, v36  }
0x351: {  	v42 =	vadd.s32 v2, v9;
	[tilespmem:v13+s25+$0x0] =	vst.idx.msk $0xffff, v11;
	v41 =	vadd.f32 $1.000000000e+00, v15;
	v43 =	vld [tilespmem:s5+$0xFFFFFFE0]  }
0x352: {  	v44 =	vld [tilespmem:s15+$0x30];
	v46 =	vadd.s32 v2, v10;
	[tilespmem:v14+s25+$0x0] =	vst.idx.msk $0xffff, v12;
	v45 =	vadd.f32 $1.000000000e+00, v32  }
0x353: {  	v49 =	vadd.s32 v2, v23;
	v47 =	vld [tilespmem:s15+$0xFFFFFFF0];
	[tilespmem:v34+s25+$0x0] =	vst.idx.msk $0xffff, v41;
	v48 =	vadd.f32 $1.000000000e+00, v35  }
0x354: {  	v4 =	vadd.s32 v3, v4;
	[tilespmem:v37+s25+$0x0] =	vst.idx.msk $0xffff, v45;
	v20 =	vld [tilespmem:s16+$0x30];
	v50 =	vadd.f32 $1.000000000e+00, v38  }
0x355: {  	v5 =	vadd.s32 v3, v5;
	v51 =	vld [tilespmem:s16+$0xFFFFFFF0];
	[tilespmem:v39+s25+$0x0] =	vst.idx.msk $0xffff, v48;
	v52 =	vadd.f32 $1.000000000e+00, v40  }
0x356: {  	v53 =	vadd.s32 v3, v6;
	v54 =	vld [tilespmem:s17+$0x30];
	[tilespmem:v42+s25+$0x0] =	vst.idx.msk $0xffff, v50;
	v55 =	vadd.f32 $1.000000000e+00, v43  }
0x357: {  	v57 =	vadd.s32 v3, v7;
	v56 =	vadd.f32 $1.000000000e+00, v44;
	v58 =	vld [tilespmem:s17+$0xFFFFFFF0];
	[tilespmem:v46+s25+$0x0] =	vst.idx.msk $0xffff, v52  }
0x358: {  	v60 =	vadd.s32 v3, v8;
	v59 =	vadd.f32 $1.000000000e+00, v47;
	v14 =	vld [tilespmem:s5+$0x30];
	[tilespmem:v49+s25+$0x0] =	vst.idx.msk $0xffff, v55  }
0x359: {  	v61 =	vadd.s32 v3, v9;
	[tilespmem:v4+s25+$0x0] =	vst.idx.msk $0xffff, v56;
	v4 =	vadd.f32 $1.000000000e+00, v20;
	v12 =	vld [tilespmem:s5+$0xFFFFFFF0]  }
0x35a: {  	v62 =	vadd.s32 v3, v10;
	[tilespmem:v5+s25+$0x0] =	vst.idx.msk $0xffff, v59;
	v5 =	vadd.f32 $1.000000000e+00, v51  }
0x35b: {  	v63 =	vadd.s32 v3, v23;
	[tilespmem:v53+s25+$0x0] =	vst.idx.msk $0xffff, v4;
	v4 =	vadd.f32 $1.000000000e+00, v54  }
0x35c: {  	[tilespmem:v57+s25+$0x0] =	vst.idx.msk $0xffff, v5;
	v5 =	vadd.f32 $1.000000000e+00, v58  }
0x35d: {  	s22 =	sadd.s32 s9, s12;
	[tilespmem:v60+s25+$0x0] =	vst.idx.msk $0xffff, v4;
	v4 =	vadd.f32 $1.000000000e+00, v14  }
0x35e: {  	s24 =	sshll.u32 s22, $0x7;
	[tilespmem:v61+s25+$0x0] =	vst.idx.msk $0xffff, v5;
	v5 =	vadd.f32 $1.000000000e+00, v12  }
0x35f: {  	s21 =	simm.s32 $0xA400;
	s15 =	sand.u32 $0xF00, s24;
	s5 =	sshll.u32 s22, $0xA;
	[tilespmem:v62+s25+$0x0] =	vst.idx.msk $0xffff, v4  }
0x360: {  	s15 =	sadd.s32 s2, s15;
	s17 =	sadd.s32 $0x500, s14;
	s5 =	sand.u32 $0xFFF8000, s5;
	[tilespmem:v63+s25+$0x0] =	vst.idx.msk $0xffff, v5  }
0x361: {  	[tilespmem:s21], [sflag:$0x3] =	stream.indirect.gather [hbm4b:s4+s20], $0x40, s17, s20, $0xb8;
	[tilespmem:$0x16C00] =	vst v63  }
0x362: {  	s26 =	simm.s32 $0x12800;
	s15 =	sadd.s32 s5, s15  }
0x363: {  	[hbm4b:s15+s3] =	stream.linear.scatter [tilespmem:s26], [sflag:$0x7], $0x80, $0x38;
	[tilespmem:$0x16C00] =	vst v63  }
0x364: {  	s16 =	simm.s32 $0x12888;
	s17 =	sadd.s32 $0x10, s15  }
0x365: {  	[hbm4b:s17+s3] =	stream.linear.scatter [tilespmem:s16], [sflag:$0x7], $0x80, $0x38;
	[tilespmem:$0x16C00] =	vst v63  }
0x366: {  	s24 =	simm.s32 $0x12998;
	s22 =	sadd.s32 $0x20, s15;
	s21 =	simm.s32 $0x12910  }
0x367: {  	[hbm4b:s22+s3] =	stream.linear.scatter [tilespmem:s21], [sflag:$0x7], $0x80, $0x38;
	[tilespmem:$0x16C00] =	vst v63  }
0x368: {  	s5 =	simm.s32 $0x440;
	s26 =	sadd.s32 $0x30, s15;
	s16 =	simm.s32 $0x12A20  }
0x369: {  	[hbm4b:s26+s3] =	stream.linear.scatter [tilespmem:s24], [sflag:$0x7], $0x80, $0x38;
	[tilespmem:$0x16C00] =	vst v63  }
0x36a: {  	s17 =	sadd.s32 $0x40, s15;
	s21 =	simm.s32 $0x12AA8;
	s22 =	sadd.s32 $0x50, s15  }
0x36b: {  	[hbm4b:s17+s3] =	stream.linear.scatter [tilespmem:s16], [sflag:$0x7], $0x80, $0x38;
	[tilespmem:$0x16C00] =	vst v63  }
0x36c: {  	s24 =	simm.s32 $0x12B30;
	s26 =	sadd.s32 $0x60, s15;
	s16 =	simm.s32 $0x2200  }
0x36d: {  	[hbm4b:s22+s3] =	stream.linear.scatter [tilespmem:s21], [sflag:$0x7], $0x80, $0x38;
	[tilespmem:$0x16C00] =	vst v63  }
0x36e: {  	s17 =	simm.s32 $0x12BB8;
	s21 =	sadd.s32 $0x70, s15;
	s15 =	sadd.s32 $0x1000, s15  }
0x36f: {  	[hbm4b:s26+s3] =	stream.linear.scatter [tilespmem:s24], [sflag:$0x7], $0x80, $0x38;
	[tilespmem:$0x16C00] =	vst v63  }
.LBB2_29:
0x370: {  	[hbm4b:s21+s3] =	stream.linear.scatter [tilespmem:s17], [sflag:$0x7], $0x80, $0x38;
	[tilespmem:$0x16C00] =	vst v63  }
0x371: {  	s17 =	smov.u32 s5;
	s5 =	smov.u32 s16  }
0x372: {  	s22 =	sadd.s32 $0x1100, s16;
	s5 =	sshra.s32 s5, $0x2;
	s21 =	sadd.s32 $0x12800, s17  }
0x373: {  	[hbm4b:s15+s3] =	stream.linear.scatter [tilespmem:s21], [sflag:$0x7], $0x80, $0x38;
	[tilespmem:$0x16C00] =	vst v63  }
0x374: {  	p0 =	sne.s32 s16, $0x7700;
	s16 =	sadd.s32 $0x12888, s17;
	s21 =	sadd.s32 $0x10, s15  }
0x375: {  	[hbm4b:s21+s3] =	stream.linear.scatter [tilespmem:s16], [sflag:$0x7], $0x80, $0x38;
	[tilespmem:$0x16C00] =	vst v63  }
0x376: {  	s16 =	sadd.s32 $0x12910, s17;
	s21 =	sadd.s32 $0x20, s15  }
0x377: {  	[hbm4b:s21+s3] =	stream.linear.scatter [tilespmem:s16], [sflag:$0x7], $0x80, $0x38;
	[tilespmem:$0x16C00] =	vst v63  }
0x378: {  	s16 =	sadd.s32 $0x12998, s17;
	s21 =	sadd.s32 $0x30, s15  }
0x379: {  	[hbm4b:s21+s3] =	stream.linear.scatter [tilespmem:s16], [sflag:$0x7], $0x80, $0x38;
	[tilespmem:$0x16C00] =	vst v63  }
0x37a: {  	s16 =	sadd.s32 $0x12A20, s17;
	s21 =	sadd.s32 $0x40, s15  }
0x37b: {  	[hbm4b:s21+s3] =	stream.linear.scatter [tilespmem:s16], [sflag:$0x7], $0x80, $0x38;
	[tilespmem:$0x16C00] =	vst v63  }
.Ltmp13:
0x37c: {  	s16 =	sadd.s32 $0x12AA8, s17;
	s21 =	sadd.s32 $0x50, s15;
	(pc) =	sbr.rel @p0 .LBB2_29-.Ltmp13, $4  }
0x37d: {  	[hbm4b:s21+s3] =	stream.linear.scatter [tilespmem:s16], [sflag:$0x7], $0x80, $0x38;
	[tilespmem:$0x16C00] =	vst v63  }
0x37e: {  	s16 =	sadd.s32 $0x12B30, s17;
	s21 =	sadd.s32 $0x60, s15;
	s17 =	sadd.s32 $0x12BB8, s17  }
0x37f: {  	[hbm4b:s21+s3] =	stream.linear.scatter [tilespmem:s16], [sflag:$0x7], $0x80, $0x38;
	[tilespmem:$0x16C00] =	vst v63  }
0x380: {  	s21 =	sadd.s32 $0x70, s15;
	s15 =	sadd.s32 $0x1000, s15;
	s16 =	smov.u32 s22  }
0x381: {  	[hbm4b:s21+s3] =	stream.linear.scatter [tilespmem:s17], [sflag:$0x7], $0x80, $0x38;
	[tilespmem:$0x16C00] =	vst v63  }
0x382: {  	s16 =	sadd.s32 $0x12800, s5  }
0x383: {  	[hbm4b:s15+s3] =	stream.linear.scatter [tilespmem:s16], [sflag:$0x7], $0x80, $0x38;
	[tilespmem:$0x16C00] =	vst v63  }
0x384: {  	s21 =	sadd.s32 $0x12888, s5;
	s22 =	sadd.s32 $0x10, s15  }
0x385: {  	[hbm4b:s22+s3] =	stream.linear.scatter [tilespmem:s21], [sflag:$0x7], $0x80, $0x38;
	[tilespmem:$0x16C00] =	vst v63  }
0x386: {  	s24 =	sadd.s32 $0x12910, s5;
	s26 =	sadd.s32 $0x20, s15  }
0x387: {  	[hbm4b:s26+s3] =	stream.linear.scatter [tilespmem:s24], [sflag:$0x7], $0x80, $0x38;
	[tilespmem:$0x16C00] =	vst v63  }
0x388: {  	s21 =	sadd.s32 $0x12998, s5;
	s22 =	sadd.s32 $0x30, s15  }
0x389: {  	[hbm4b:s22+s3] =	stream.linear.scatter [tilespmem:s21], [sflag:$0x7], $0x80, $0x38;
	[tilespmem:$0x16C00] =	vst v63  }
0x38a: {  	s24 =	sadd.s32 $0x12A20, s5;
	s26 =	sadd.s32 $0x40, s15  }
0x38b: {  	[hbm4b:s26+s3] =	stream.linear.scatter [tilespmem:s24], [sflag:$0x7], $0x80, $0x38;
	[tilespmem:$0x16C00] =	vst v63  }
0x38c: {  	s21 =	sadd.s32 $0x12AA8, s5;
	s22 =	sadd.s32 $0x50, s15  }
0x38d: {  	[hbm4b:s22+s3] =	stream.linear.scatter [tilespmem:s21], [sflag:$0x7], $0x80, $0x38;
	[tilespmem:$0x16C00] =	vst v63  }
0x38e: {  	s24 =	sadd.s32 $0x12B30, s5;
	s26 =	sadd.s32 $0x60, s15  }
0x38f: {  	[hbm4b:s26+s3] =	stream.linear.scatter [tilespmem:s24], [sflag:$0x7], $0x80, $0x38;
	[tilespmem:$0x16C00] =	vst v63  }
0x390: {  	s17 =	sadd.s32 $0x12BB8, s5;
	s21 =	sadd.s32 $0x70, s15  }
0x391: {  	[hbm4b:s21+s3] =	stream.linear.scatter [tilespmem:s17], [sflag:$0x7], $0x80, $0x38;
	[tilespmem:$0x16C00] =	vst v63  }
0x392: {  	_ =	swait.ge [sflag:s0], $0x2000  }
0x393: {  	[sflag:s0] =	ssyncset.done $0x0  }
0x394: {  	[sflag:s0] =	ssyncadd.s32 $0xFFFFE000  }
0x395: {  	_ =	swait.ge [sflag:s7], $0x2000  }
0x396: {  	[sflag:s7] =	ssyncset.done $0x0  }
0x397: {  	s5 =	simm.s32 $0xC440;
	s22 =	simm.s32 $0x1;
	[sflag:s7] =	ssyncadd.s32 $0xFFFFE000  }
0x398: {  	v4 =	vmov s22;
	v5 =	vld [tilespmem:s5+$0x0]  }
0x399: {  	v9 =	vand.u32 $0x7F, v4  }
0x39a: {  	v4 =	vadd.s32 v0, v9  }
0x39b: {  	s24 =	simm.s32 $0x0  }
0x39c: {  	v6 =	vmov s24;
	v7 =	vld [tilespmem:s5+$0xFFFFFFC0]  }
0x39d: {  	v14 =	vand.u32 $0x7E, v6;
	v5 =	vadd.f32 $1.000000000e+00, v5  }
0x39e: {  	s15 =	simm.s32 $0xC4C0;
	s26 =	simm.s32 $0x3;
	v6 =	vadd.s32 v0, v14  }
0x39f: {  	v8 =	vld [tilespmem:s15+$0x0];
	[tilespmem:v4+s30+$0x0] =	vst.idx.msk $0xffff, v5;
	v4 =	vmov s26  }
0x3a0: {  	v4 =	vand.u32 $0x7F, v4;
	v10 =	vld [tilespmem:s5+$0x10]  }
0x3a1: {  	v5 =	vadd.f32 $1.000000000e+00, v7;
	v7 =	vadd.s32 v0, v4  }
0x3a2: {  	v11 =	vadd.s32 v1, v9;
	s17 =	simm.s32 $0x2  }
0x3a3: {  	v12 =	vld [tilespmem:s15+$0xFFFFFFC0];
	[tilespmem:v6+s30+$0x0] =	vst.idx.msk $0xffff, v5;
	v5 =	vmov s17  }
0x3a4: {  	v6 =	vadd.f32 $1.000000000e+00, v8;
	v5 =	vand.u32 $0x7E, v5;
	v8 =	vld [tilespmem:s5+$0xFFFFFFD0]  }
0x3a5: {  	s16 =	simm.s32 $0xC540;
	s21 =	simm.s32 $0x5;
	v13 =	vadd.s32 v0, v5;
	v10 =	vadd.f32 $1.000000000e+00, v10  }
0x3a6: {  	v15 =	vld [tilespmem:s16+$0x0];
	[tilespmem:v7+s30+$0x0] =	vst.idx.msk $0xffff, v6;
	v7 =	vadd.s32 v1, v14;
	v6 =	vmov s21  }
0x3a7: {  	[tilespmem:v11+s30+$0x0] =	vst.idx.msk $0xffff, v10;
	v6 =	vand.u32 $0x7F, v6;
	v10 =	vld [tilespmem:s15+$0x10]  }
0x3a8: {  	v11 =	vadd.f32 $1.000000000e+00, v12;
	v12 =	vadd.s32 v0, v6;
	v16 =	vld [tilespmem:s5+$0x20]  }
0x3a9: {  	s22 =	simm.s32 $0x4;
	v17 =	vadd.s32 v1, v4;
	v8 =	vadd.f32 $1.000000000e+00, v8  }
0x3aa: {  	v18 =	vadd.s32 v2, v9;
	[tilespmem:v13+s30+$0x0] =	vst.idx.msk $0xffff, v11;
	v11 =	vmov s22;
	v13 =	vld [tilespmem:s16+$0xFFFFFFC0]  }
0x3ab: {  	[tilespmem:v7+s30+$0x0] =	vst.idx.msk $0xffff, v8;
	v7 =	vand.u32 $0x7E, v11;
	v8 =	vadd.f32 $1.000000000e+00, v15;
	v11 =	vld [tilespmem:s15+$0xFFFFFFD0]  }
0x3ac: {  	s24 =	simm.s32 $0x7;
	s17 =	simm.s32 $0xC5C0;
	v15 =	vadd.s32 v0, v7;
	v10 =	vadd.f32 $1.000000000e+00, v10;
	v19 =	vld [tilespmem:s5+$0xFFFFFFE0]  }
0x3ad: {  	v20 =	vld [tilespmem:s17+$0x0];
	[tilespmem:v12+s30+$0x0] =	vst.idx.msk $0xffff, v8;
	v12 =	vadd.s32 v1, v5;
	v16 =	vadd.f32 $1.000000000e+00, v16;
	v8 =	vmov s24  }
0x3ae: {  	[tilespmem:v17+s30+$0x0] =	vst.idx.msk $0xffff, v10;
	v10 =	vadd.s32 v2, v14;
	v8 =	vand.u32 $0x7F, v8;
	v17 =	vld [tilespmem:s16+$0x10]  }
0x3af: {  	v13 =	vadd.f32 $1.000000000e+00, v13;
	[tilespmem:v18+s30+$0x0] =	vst.idx.msk $0xffff, v16;
	v16 =	vadd.s32 v0, v8;
	v18 =	vld [tilespmem:s15+$0x20]  }
0x3b0: {  	s26 =	simm.s32 $0x6;
	v21 =	vadd.s32 v1, v6;
	v11 =	vadd.f32 $1.000000000e+00, v11;
	v22 =	vld [tilespmem:s5+$0x30]  }
0x3b1: {  	v23 =	vadd.s32 v2, v4;
	[tilespmem:v15+s30+$0x0] =	vst.idx.msk $0xffff, v13;
	v13 =	vadd.f32 $1.000000000e+00, v19;
	v15 =	vld [tilespmem:s17+$0xFFFFFFC0];
	v19 =	vmov s26  }
0x3b2: {  	v25 =	vadd.s32 v3, v9;
	[tilespmem:v12+s30+$0x0] =	vst.idx.msk $0xffff, v11;
	v12 =	vadd.f32 $1.000000000e+00, v20;
	v24 =	vld [tilespmem:s16+$0xFFFFFFD0];
	v9 =	vand.u32 $0x7E, v19  }
0x3b3: {  	[tilespmem:v10+s30+$0x0] =	vst.idx.msk $0xffff, v13;
	v10 =	vadd.f32 $1.000000000e+00, v17;
	v11 =	vld [tilespmem:s15+$0xFFFFFFE0];
	v17 =	vadd.s32 v0, v9  }
0x3b4: {  	s21 =	simm.s32 $0xC640;
	s22 =	simm.s32 $0x9;
	[tilespmem:v16+s30+$0x0] =	vst.idx.msk $0xffff, v12;
	v20 =	vadd.f32 $1.000000000e+00, v18;
	v12 =	vld [tilespmem:s5+$0xFFFFFFF0];
	v16 =	vadd.s32 v1, v7  }
0x3b5: {  	v19 =	vld [tilespmem:s21+$0x0];
	v13 =	vadd.s32 v2, v5;
	v18 =	vmov s22;
	[tilespmem:v21+s30+$0x0] =	vst.idx.msk $0xffff, v10;
	v26 =	vadd.f32 $1.000000000e+00, v22  }
0x3b6: {  	v14 =	vadd.s32 v3, v14;
	v10 =	vand.u32 $0x7F, v18;
	v18 =	vld [tilespmem:s17+$0x10];
	v22 =	vadd.f32 $1.000000000e+00, v15;
	[tilespmem:v23+s30+$0x0] =	vst.idx.msk $0xffff, v20  }
0x3b7: {  	s24 =	simm.s32 $0x8;
	s22 =	simm.s32 $0xA;
	s5 =	simm.s32 $0xC640;
	v20 =	vadd.s32 v0, v10;
	v15 =	vld [tilespmem:s16+$0x20];
	v21 =	vadd.f32 $1.000000000e+00, v24;
	[tilespmem:v25+s30+$0x0] =	vst.idx.msk $0xffff, v26  }
.LBB2_31:
0x3b8: {  	p0 =	slt.u32 s22, $0x7E;
	[tilespmem:v17+s30+$0x0] =	vst.idx.msk $0xffff, v22;
	v22 =	vadd.s32 v1, v8;
	v11 =	vadd.f32 $1.000000000e+00, v11;
	v23 =	vld [tilespmem:s15+$0x30]  }
0x3b9: {  	v17 =	vmov s24;
	s24 =	smov.u32 s22;
	v24 =	vld [tilespmem:s21+$0xFFFFFFC0];
	[tilespmem:v16+s30+$0x0] =	vst.idx.msk $0xffff, v21;
	v21 =	vadd.s32 v2, v6;
	v12 =	vadd.f32 $1.000000000e+00, v12  }
0x3ba: {  	v27 =	vadd.s32 v3, v4;
	v4 =	vmovc v6;
	v25 =	vand.u32 $0x7E, v17;
	v16 =	vadd.f32 $1.000000000e+00, v19;
	v26 =	vld [tilespmem:s17+$0xFFFFFFD0];
	[tilespmem:v13+s30+$0x0] =	vst.idx.msk $0xffff, v11  }
.Ltmp14:
0x3bb: {  	v6 =	vmovc v8;
	v8 =	vmov v10;
	v17 =	vadd.s32 v0, v25;
	v13 =	vadd.f32 $1.000000000e+00, v18;
	v11 =	vld [tilespmem:s16+$0xFFFFFFE0];
	[tilespmem:v14+s30+$0x0] =	vst.idx.msk $0xffff, v12;
	(pc) =	sbr.rel @p0 .LBB2_31-.Ltmp14, $4  }
0x3bc: {  	s26 =	sadd.s32 $0x1, s22;
	s21 =	sadd.s32 $0x80, s21;
	[tilespmem:v20+s30+$0x0] =	vst.idx.msk $0xffff, v16;
	v16 =	vadd.s32 v1, v9;
	v14 =	vadd.f32 $1.000000000e+00, v15;
	v12 =	vld [tilespmem:s15+$0xFFFFFFF0];
	s15 =	smov.u32 s16  }
0x3bd: {  	v10 =	vmov s26;
	s16 =	smov.u32 s17;
	s17 =	smov.u32 s5;
	s5 =	smov.u32 s21;
	v19 =	vld [tilespmem:s21+$0x0];
	[tilespmem:v22+s30+$0x0] =	vst.idx.msk $0xffff, v13;
	v13 =	vadd.s32 v2, v7;
	v23 =	vadd.f32 $1.000000000e+00, v23  }
0x3be: {  	v10 =	vand.u32 $0x7F, v10;
	v22 =	vadd.f32 $1.000000000e+00, v24;
	v18 =	vld [tilespmem:s17+$0x10];
	[tilespmem:v21+s30+$0x0] =	vst.idx.msk $0xffff, v14;
	v14 =	vadd.s32 v3, v5;
	v5 =	vmovc v7  }
0x3bf: {  	s22 =	sadd.s32 $0x2, s22;
	v20 =	vadd.s32 v0, v10;
	v7 =	vmovc v9;
	v9 =	vmov v25;
	v21 =	vadd.f32 $1.000000000e+00, v26;
	v15 =	vld [tilespmem:s16+$0x20];
	[tilespmem:v27+s30+$0x0] =	vst.idx.msk $0xffff, v23  }
0x3c0: {  	v23 =	vmov s24;
	v24 =	vld [tilespmem:s21+$0xFFFFFFC0]  }
0x3c1: {  	v23 =	vand.u32 $0x7E, v23  }
0x3c2: {  	v25 =	vadd.s32 v0, v23;
	_ =	sdelay $0x1  }
0x3c3: {  	v19 =	vadd.f32 $1.000000000e+00, v19  }
0x3c4: {  	[tilespmem:v17+s30+$0x0] =	vst.idx.msk $0xffff, v22;
	v62 =	vadd.f32 $1.000000000e+00, v24  }
0x3c5: {  	v22 =	vld [tilespmem:s17+$0xFFFFFFD0];
	[tilespmem:v20+s30+$0x0] =	vst.idx.msk $0xffff, v19  }
0x3c6: {  	v63 =	vadd.s32 v1, v8;
	v20 =	vld [tilespmem:s5+$0x10];
	[tilespmem:v25+s30+$0x0] =	vst.idx.msk $0xffff, v62  }
0x3c7: {  	v28 =	vadd.s32 v1, v9;
	v29 =	vld [tilespmem:s5+$0xFFFFFFD0]  }
0x3c8: {  	v30 =	vadd.s32 v1, v10  }
0x3c9: {  	v26 =	vadd.s32 v1, v23;
	v18 =	vadd.f32 $1.000000000e+00, v18  }
0x3ca: {  	[tilespmem:v16+s30+$0x0] =	vst.idx.msk $0xffff, v21;
	v31 =	vadd.f32 $1.000000000e+00, v22  }
0x3cb: {  	v32 =	vld [tilespmem:s16+$0xFFFFFFE0];
	[tilespmem:v63+s30+$0x0] =	vst.idx.msk $0xffff, v18;
	v33 =	vadd.f32 $1.000000000e+00, v20  }
0x3cc: {  	v34 =	vadd.s32 v2, v6;
	v35 =	vld [tilespmem:s17+$0x20];
	[tilespmem:v28+s30+$0x0] =	vst.idx.msk $0xffff, v31;
	v36 =	vadd.f32 $1.000000000e+00, v29  }
0x3cd: {  	v11 =	vadd.f32 $1.000000000e+00, v11;
	v37 =	vadd.s32 v2, v7;
	v38 =	vld [tilespmem:s17+$0xFFFFFFE0];
	[tilespmem:v30+s30+$0x0] =	vst.idx.msk $0xffff, v33  }
0x3ce: {  	v39 =	vadd.s32 v2, v8;
	v12 =	vadd.f32 $1.000000000e+00, v12;
	v40 =	vld [tilespmem:s5+$0x20];
	[tilespmem:v26+s30+$0x0] =	vst.idx.msk $0xffff, v36  }
0x3cf: {  	v42 =	vadd.s32 v2, v9;
	[tilespmem:v13+s30+$0x0] =	vst.idx.msk $0xffff, v11;
	v41 =	vadd.f32 $1.000000000e+00, v15;
	v43 =	vld [tilespmem:s5+$0xFFFFFFE0]  }
0x3d0: {  	v44 =	vld [tilespmem:s15+$0x30];
	v46 =	vadd.s32 v2, v10;
	[tilespmem:v14+s30+$0x0] =	vst.idx.msk $0xffff, v12;
	v45 =	vadd.f32 $1.000000000e+00, v32  }
0x3d1: {  	v49 =	vadd.s32 v2, v23;
	v47 =	vld [tilespmem:s15+$0xFFFFFFF0];
	[tilespmem:v34+s30+$0x0] =	vst.idx.msk $0xffff, v41;
	v48 =	vadd.f32 $1.000000000e+00, v35  }
0x3d2: {  	v4 =	vadd.s32 v3, v4;
	[tilespmem:v37+s30+$0x0] =	vst.idx.msk $0xffff, v45;
	v20 =	vld [tilespmem:s16+$0x30];
	v50 =	vadd.f32 $1.000000000e+00, v38  }
0x3d3: {  	v5 =	vadd.s32 v3, v5;
	v51 =	vld [tilespmem:s16+$0xFFFFFFF0];
	[tilespmem:v39+s30+$0x0] =	vst.idx.msk $0xffff, v48;
	v52 =	vadd.f32 $1.000000000e+00, v40  }
0x3d4: {  	v53 =	vadd.s32 v3, v6;
	v54 =	vld [tilespmem:s17+$0x30];
	[tilespmem:v42+s30+$0x0] =	vst.idx.msk $0xffff, v50;
	v55 =	vadd.f32 $1.000000000e+00, v43  }
0x3d5: {  	v57 =	vadd.s32 v3, v7;
	v56 =	vadd.f32 $1.000000000e+00, v44;
	v58 =	vld [tilespmem:s17+$0xFFFFFFF0];
	[tilespmem:v46+s30+$0x0] =	vst.idx.msk $0xffff, v52  }
0x3d6: {  	v60 =	vadd.s32 v3, v8;
	v59 =	vadd.f32 $1.000000000e+00, v47;
	v14 =	vld [tilespmem:s5+$0x30];
	[tilespmem:v49+s30+$0x0] =	vst.idx.msk $0xffff, v55  }
0x3d7: {  	v61 =	vadd.s32 v3, v9;
	[tilespmem:v4+s30+$0x0] =	vst.idx.msk $0xffff, v56;
	v4 =	vadd.f32 $1.000000000e+00, v20;
	v12 =	vld [tilespmem:s5+$0xFFFFFFF0]  }
0x3d8: {  	v62 =	vadd.s32 v3, v10;
	[tilespmem:v5+s30+$0x0] =	vst.idx.msk $0xffff, v59;
	v5 =	vadd.f32 $1.000000000e+00, v51  }
0x3d9: {  	v63 =	vadd.s32 v3, v23;
	[tilespmem:v53+s30+$0x0] =	vst.idx.msk $0xffff, v4;
	v4 =	vadd.f32 $1.000000000e+00, v54  }
0x3da: {  	[tilespmem:v57+s30+$0x0] =	vst.idx.msk $0xffff, v5;
	v5 =	vadd.f32 $1.000000000e+00, v58  }
0x3db: {  	s16 =	sadd.s32 s9, s13;
	[tilespmem:v60+s30+$0x0] =	vst.idx.msk $0xffff, v4;
	v4 =	vadd.f32 $1.000000000e+00, v14  }
0x3dc: {  	s9 =	sshll.u32 s16, $0x7;
	[tilespmem:v61+s30+$0x0] =	vst.idx.msk $0xffff, v5;
	v5 =	vadd.f32 $1.000000000e+00, v12  }
0x3dd: {  	s14 =	sadd.s32 $0x580, s14;
	s9 =	sand.u32 $0xF80, s9;
	s5 =	sshll.u32 s16, $0xA;
	[tilespmem:v62+s30+$0x0] =	vst.idx.msk $0xffff, v4  }
0x3de: {  	s15 =	simm.s32 $0xC400;
	s9 =	sadd.s32 s2, s9;
	s5 =	sand.u32 $0xFFF8000, s5;
	[tilespmem:v63+s30+$0x0] =	vst.idx.msk $0xffff, v5  }
0x3df: {  	[tilespmem:s15], [sflag:$0x4] =	stream.indirect.gather [hbm4b:s4+s20], $0x40, s14, s20, $0xb8;
	[tilespmem:$0x16C00] =	vst v63  }
0x3e0: {  	s17 =	simm.s32 $0x14A00;
	s9 =	sadd.s32 s5, s9  }
0x3e1: {  	[hbm4b:s9+s3] =	stream.linear.scatter [tilespmem:s17], [sflag:$0x8], $0x80, $0x38;
	[tilespmem:$0x16C00] =	vst v63  }
0x3e2: {  	s21 =	simm.s32 $0x14A88;
	s22 =	sadd.s32 $0x10, s9  }
0x3e3: {  	[hbm4b:s22+s3] =	stream.linear.scatter [tilespmem:s21], [sflag:$0x8], $0x80, $0x38;
	[tilespmem:$0x16C00] =	vst v63  }
0x3e4: {  	s24 =	simm.s32 $0x14B10;
	s16 =	simm.s32 $0x14C20;
	s26 =	sadd.s32 $0x20, s9  }
0x3e5: {  	[hbm4b:s26+s3] =	stream.linear.scatter [tilespmem:s24], [sflag:$0x8], $0x80, $0x38;
	[tilespmem:$0x16C00] =	vst v63  }
0x3e6: {  	s5 =	simm.s32 $0x440;
	s14 =	simm.s32 $0x14B98;
	s15 =	sadd.s32 $0x30, s9  }
0x3e7: {  	[hbm4b:s15+s3] =	stream.linear.scatter [tilespmem:s14], [sflag:$0x8], $0x80, $0x38;
	[tilespmem:$0x16C00] =	vst v63  }
0x3e8: {  	s17 =	sadd.s32 $0x40, s9;
	s21 =	simm.s32 $0x14CA8;
	s22 =	sadd.s32 $0x50, s9  }
0x3e9: {  	[hbm4b:s17+s3] =	stream.linear.scatter [tilespmem:s16], [sflag:$0x8], $0x80, $0x38;
	[tilespmem:$0x16C00] =	vst v63  }
0x3ea: {  	s24 =	simm.s32 $0x14D30;
	s26 =	sadd.s32 $0x60, s9;
	s14 =	simm.s32 $0x2200  }
0x3eb: {  	[hbm4b:s22+s3] =	stream.linear.scatter [tilespmem:s21], [sflag:$0x8], $0x80, $0x38;
	[tilespmem:$0x16C00] =	vst v63  }
0x3ec: {  	s15 =	simm.s32 $0x14DB8;
	s16 =	sadd.s32 $0x70, s9;
	s9 =	sadd.s32 $0x1000, s9  }
0x3ed: {  	[hbm4b:s26+s3] =	stream.linear.scatter [tilespmem:s24], [sflag:$0x8], $0x80, $0x38;
	[tilespmem:$0x16C00] =	vst v63  }
.LBB2_33:
0x3ee: {  	[hbm4b:s16+s3] =	stream.linear.scatter [tilespmem:s15], [sflag:$0x8], $0x80, $0x38;
	[tilespmem:$0x16C00] =	vst v63  }
0x3ef: {  	s15 =	smov.u32 s5;
	s5 =	smov.u32 s14  }
0x3f0: {  	s17 =	sadd.s32 $0x1100, s14;
	s5 =	sshra.s32 s5, $0x2;
	s16 =	sadd.s32 $0x14A00, s15  }
0x3f1: {  	[hbm4b:s9+s3] =	stream.linear.scatter [tilespmem:s16], [sflag:$0x8], $0x80, $0x38;
	[tilespmem:$0x16C00] =	vst v63  }
0x3f2: {  	p0 =	sne.s32 s14, $0x7700;
	s14 =	sadd.s32 $0x14A88, s15;
	s16 =	sadd.s32 $0x10, s9  }
0x3f3: {  	[hbm4b:s16+s3] =	stream.linear.scatter [tilespmem:s14], [sflag:$0x8], $0x80, $0x38;
	[tilespmem:$0x16C00] =	vst v63  }
0x3f4: {  	s14 =	sadd.s32 $0x14B10, s15;
	s16 =	sadd.s32 $0x20, s9  }
0x3f5: {  	[hbm4b:s16+s3] =	stream.linear.scatter [tilespmem:s14], [sflag:$0x8], $0x80, $0x38;
	[tilespmem:$0x16C00] =	vst v63  }
0x3f6: {  	s14 =	sadd.s32 $0x14B98, s15;
	s16 =	sadd.s32 $0x30, s9  }
0x3f7: {  	[hbm4b:s16+s3] =	stream.linear.scatter [tilespmem:s14], [sflag:$0x8], $0x80, $0x38;
	[tilespmem:$0x16C00] =	vst v63  }
0x3f8: {  	s14 =	sadd.s32 $0x14C20, s15;
	s16 =	sadd.s32 $0x40, s9  }
0x3f9: {  	[hbm4b:s16+s3] =	stream.linear.scatter [tilespmem:s14], [sflag:$0x8], $0x80, $0x38;
	[tilespmem:$0x16C00] =	vst v63  }
.Ltmp15:
0x3fa: {  	s14 =	sadd.s32 $0x14CA8, s15;
	s16 =	sadd.s32 $0x50, s9;
	(pc) =	sbr.rel @p0 .LBB2_33-.Ltmp15, $4  }
0x3fb: {  	[hbm4b:s16+s3] =	stream.linear.scatter [tilespmem:s14], [sflag:$0x8], $0x80, $0x38;
	[tilespmem:$0x16C00] =	vst v63  }
0x3fc: {  	s14 =	sadd.s32 $0x14D30, s15;
	s16 =	sadd.s32 $0x60, s9;
	s15 =	sadd.s32 $0x14DB8, s15  }
0x3fd: {  	[hbm4b:s16+s3] =	stream.linear.scatter [tilespmem:s14], [sflag:$0x8], $0x80, $0x38;
	[tilespmem:$0x16C00] =	vst v63  }
0x3fe: {  	s16 =	sadd.s32 $0x70, s9;
	s9 =	sadd.s32 $0x1000, s9;
	s14 =	smov.u32 s17  }
0x3ff: {  	[hbm4b:s16+s3] =	stream.linear.scatter [tilespmem:s15], [sflag:$0x8], $0x80, $0x38;
	[tilespmem:$0x16C00] =	vst v63  }
0x400: {  	s14 =	sadd.s32 $0x14A00, s5  }
0x401: {  	[hbm4b:s9+s3] =	stream.linear.scatter [tilespmem:s14], [sflag:$0x8], $0x80, $0x38;
	[tilespmem:$0x16C00] =	vst v63  }
0x402: {  	s24 =	sadd.s32 $0x14A88, s5;
	s26 =	sadd.s32 $0x10, s9  }
0x403: {  	[hbm4b:s26+s3] =	stream.linear.scatter [tilespmem:s24], [sflag:$0x8], $0x80, $0x38;
	[tilespmem:$0x16C00] =	vst v63  }
0x404: {  	s16 =	sadd.s32 $0x14B10, s5;
	s17 =	sadd.s32 $0x20, s9  }
0x405: {  	[hbm4b:s17+s3] =	stream.linear.scatter [tilespmem:s16], [sflag:$0x8], $0x80, $0x38;
	[tilespmem:$0x16C00] =	vst v63  }
0x406: {  	s21 =	sadd.s32 $0x14B98, s5;
	s22 =	sadd.s32 $0x30, s9  }
0x407: {  	[hbm4b:s22+s3] =	stream.linear.scatter [tilespmem:s21], [sflag:$0x8], $0x80, $0x38;
	[tilespmem:$0x16C00] =	vst v63  }
0x408: {  	s8 =	sadd.s32 $0x1, s8;
	s24 =	sadd.s32 $0x14C20, s5;
	s26 =	sadd.s32 $0x40, s9  }
0x409: {  	[hbm4b:s26+s3] =	stream.linear.scatter [tilespmem:s24], [sflag:$0x8], $0x80, $0x38;
	[tilespmem:$0x16C00] =	vst v63  }
0x40a: {  	p0 =	sne.s32 s8, $0x30;
	s16 =	sadd.s32 $0x14CA8, s5;
	s17 =	sadd.s32 $0x50, s9  }
0x40b: {  	[hbm4b:s17+s3] =	stream.linear.scatter [tilespmem:s16], [sflag:$0x8], $0x80, $0x38;
	[tilespmem:$0x16C00] =	vst v63  }
.Ltmp16:
0x40c: {  	_ = 	snop;
	(pc) =	sbr.rel @p0 .LBB2_18-.Ltmp16, $4  }
0x40d: {  	s21 =	sadd.s32 $0x14D30, s5;
	s22 =	sadd.s32 $0x60, s9  }
0x40e: {  	[hbm4b:s22+s3] =	stream.linear.scatter [tilespmem:s21], [sflag:$0x8], $0x80, $0x38;
	[tilespmem:$0x16C00] =	vst v63  }
0x40f: {  	s24 =	sadd.s32 $0x14DB8, s5;
	s26 =	sadd.s32 $0x70, s9  }
0x410: {  	[hbm4b:s26+s3] =	stream.linear.scatter [tilespmem:s24], [sflag:$0x8], $0x80, $0x38;
	[tilespmem:$0x16C00] =	vst v63  }
0x411: {  	_ =	swait.ge [sflag:s28], $0x2000  }
0x412: {  	[sflag:s28] =	ssyncset.done $0x0  }
0x413: {  	[sflag:s28] =	ssyncadd.s32 $0xFFFFE000  }
0x414: {  	_ =	swait.ge [sflag:s6], $0x2000  }
0x415: {  	[sflag:s6] =	ssyncset.done $0x0  }
0x416: {  	s5 =	simm.s32 $0x6440;
	s8 =	simm.s32 $0x1;
	[sflag:s6] =	ssyncadd.s32 $0xFFFFE000  }
0x417: {  	v4 =	vmov s8;
	v5 =	vld [tilespmem:s5+$0x0]  }
0x418: {  	v9 =	vand.u32 $0x7F, v4  }
0x419: {  	v4 =	vadd.s32 v0, v9  }
0x41a: {  	s21 =	simm.s32 $0x0  }
0x41b: {  	v6 =	vmov s21;
	v7 =	vld [tilespmem:s5+$0xFFFFFFC0]  }
0x41c: {  	v14 =	vand.u32 $0x7E, v6;
	v5 =	vadd.f32 $1.000000000e+00, v5  }
0x41d: {  	s9 =	simm.s32 $0x3;
	s8 =	simm.s32 $0x64C0;
	v6 =	vadd.s32 v0, v14  }
0x41e: {  	v8 =	vld [tilespmem:s8+$0x0];
	[tilespmem:v4+s29+$0x0] =	vst.idx.msk $0xffff, v5;
	v4 =	vmov s9  }
0x41f: {  	v4 =	vand.u32 $0x7F, v4;
	v10 =	vld [tilespmem:s5+$0x10]  }
0x420: {  	v5 =	vadd.f32 $1.000000000e+00, v7;
	v7 =	vadd.s32 v0, v4  }
0x421: {  	s22 =	simm.s32 $0x2;
	v11 =	vadd.s32 v1, v9  }
0x422: {  	v12 =	vld [tilespmem:s8+$0xFFFFFFC0];
	[tilespmem:v6+s29+$0x0] =	vst.idx.msk $0xffff, v5;
	v5 =	vmov s22  }
0x423: {  	v6 =	vadd.f32 $1.000000000e+00, v8;
	v5 =	vand.u32 $0x7E, v5;
	v8 =	vld [tilespmem:s5+$0xFFFFFFD0]  }
0x424: {  	s14 =	simm.s32 $0x5;
	s9 =	simm.s32 $0x6540;
	v13 =	vadd.s32 v0, v5;
	v10 =	vadd.f32 $1.000000000e+00, v10  }
0x425: {  	v15 =	vld [tilespmem:s9+$0x0];
	[tilespmem:v7+s29+$0x0] =	vst.idx.msk $0xffff, v6;
	v7 =	vadd.s32 v1, v14;
	v6 =	vmov s14  }
0x426: {  	[tilespmem:v11+s29+$0x0] =	vst.idx.msk $0xffff, v10;
	v6 =	vand.u32 $0x7F, v6;
	v10 =	vld [tilespmem:s8+$0x10]  }
0x427: {  	v11 =	vadd.f32 $1.000000000e+00, v12;
	v12 =	vadd.s32 v0, v6;
	v16 =	vld [tilespmem:s5+$0x20]  }
0x428: {  	s24 =	simm.s32 $0x4;
	v17 =	vadd.s32 v1, v4;
	v8 =	vadd.f32 $1.000000000e+00, v8  }
0x429: {  	v18 =	vadd.s32 v2, v9;
	[tilespmem:v13+s29+$0x0] =	vst.idx.msk $0xffff, v11;
	v11 =	vmov s24;
	v13 =	vld [tilespmem:s9+$0xFFFFFFC0]  }
0x42a: {  	[tilespmem:v7+s29+$0x0] =	vst.idx.msk $0xffff, v8;
	v7 =	vand.u32 $0x7E, v11;
	v8 =	vadd.f32 $1.000000000e+00, v15;
	v11 =	vld [tilespmem:s8+$0xFFFFFFD0]  }
0x42b: {  	s15 =	simm.s32 $0x7;
	s14 =	simm.s32 $0x65C0;
	v15 =	vadd.s32 v0, v7;
	v10 =	vadd.f32 $1.000000000e+00, v10;
	v19 =	vld [tilespmem:s5+$0xFFFFFFE0]  }
0x42c: {  	v20 =	vld [tilespmem:s14+$0x0];
	[tilespmem:v12+s29+$0x0] =	vst.idx.msk $0xffff, v8;
	v12 =	vadd.s32 v1, v5;
	v16 =	vadd.f32 $1.000000000e+00, v16;
	v8 =	vmov s15  }
0x42d: {  	[tilespmem:v17+s29+$0x0] =	vst.idx.msk $0xffff, v10;
	v10 =	vadd.s32 v2, v14;
	v8 =	vand.u32 $0x7F, v8;
	v17 =	vld [tilespmem:s9+$0x10]  }
0x42e: {  	v13 =	vadd.f32 $1.000000000e+00, v13;
	[tilespmem:v18+s29+$0x0] =	vst.idx.msk $0xffff, v16;
	v16 =	vadd.s32 v0, v8;
	v18 =	vld [tilespmem:s8+$0x20]  }
0x42f: {  	s26 =	simm.s32 $0x6;
	v21 =	vadd.s32 v1, v6;
	v11 =	vadd.f32 $1.000000000e+00, v11;
	v22 =	vld [tilespmem:s5+$0x30]  }
0x430: {  	v23 =	vadd.s32 v2, v4;
	[tilespmem:v15+s29+$0x0] =	vst.idx.msk $0xffff, v13;
	v13 =	vadd.f32 $1.000000000e+00, v19;
	v15 =	vld [tilespmem:s14+$0xFFFFFFC0];
	v19 =	vmov s26  }
0x431: {  	v25 =	vadd.s32 v3, v9;
	[tilespmem:v12+s29+$0x0] =	vst.idx.msk $0xffff, v11;
	v12 =	vadd.f32 $1.000000000e+00, v20;
	v24 =	vld [tilespmem:s9+$0xFFFFFFD0];
	v9 =	vand.u32 $0x7E, v19  }
0x432: {  	[tilespmem:v10+s29+$0x0] =	vst.idx.msk $0xffff, v13;
	v10 =	vadd.f32 $1.000000000e+00, v17;
	v11 =	vld [tilespmem:s8+$0xFFFFFFE0];
	v17 =	vadd.s32 v0, v9  }
0x433: {  	s16 =	simm.s32 $0x9;
	s15 =	simm.s32 $0x6640;
	[tilespmem:v16+s29+$0x0] =	vst.idx.msk $0xffff, v12;
	v20 =	vadd.f32 $1.000000000e+00, v18;
	v12 =	vld [tilespmem:s5+$0xFFFFFFF0];
	v16 =	vadd.s32 v1, v7  }
0x434: {  	v19 =	vld [tilespmem:s15+$0x0];
	v13 =	vadd.s32 v2, v5;
	v18 =	vmov s16;
	[tilespmem:v21+s29+$0x0] =	vst.idx.msk $0xffff, v10;
	v26 =	vadd.f32 $1.000000000e+00, v22  }
0x435: {  	v14 =	vadd.s32 v3, v14;
	v10 =	vand.u32 $0x7F, v18;
	v18 =	vld [tilespmem:s14+$0x10];
	v22 =	vadd.f32 $1.000000000e+00, v15;
	[tilespmem:v23+s29+$0x0] =	vst.idx.msk $0xffff, v20  }
0x436: {  	s17 =	simm.s32 $0x8;
	s16 =	simm.s32 $0xA;
	s5 =	simm.s32 $0x6640;
	v20 =	vadd.s32 v0, v10;
	v15 =	vld [tilespmem:s9+$0x20];
	v21 =	vadd.f32 $1.000000000e+00, v24;
	[tilespmem:v25+s29+$0x0] =	vst.idx.msk $0xffff, v26  }
.LBB2_36:
0x437: {  	p0 =	slt.u32 s16, $0x7E;
	[tilespmem:v17+s29+$0x0] =	vst.idx.msk $0xffff, v22;
	v22 =	vadd.s32 v1, v8;
	v11 =	vadd.f32 $1.000000000e+00, v11;
	v23 =	vld [tilespmem:s8+$0x30]  }
0x438: {  	v17 =	vmov s17;
	s17 =	smov.u32 s16;
	v24 =	vld [tilespmem:s15+$0xFFFFFFC0];
	[tilespmem:v16+s29+$0x0] =	vst.idx.msk $0xffff, v21;
	v21 =	vadd.s32 v2, v6;
	v12 =	vadd.f32 $1.000000000e+00, v12  }
0x439: {  	v27 =	vadd.s32 v3, v4;
	v4 =	vmovc v6;
	v25 =	vand.u32 $0x7E, v17;
	v16 =	vadd.f32 $1.000000000e+00, v19;
	v26 =	vld [tilespmem:s14+$0xFFFFFFD0];
	[tilespmem:v13+s29+$0x0] =	vst.idx.msk $0xffff, v11  }
.Ltmp17:
0x43a: {  	v6 =	vmovc v8;
	v8 =	vmov v10;
	v17 =	vadd.s32 v0, v25;
	v13 =	vadd.f32 $1.000000000e+00, v18;
	v11 =	vld [tilespmem:s9+$0xFFFFFFE0];
	[tilespmem:v14+s29+$0x0] =	vst.idx.msk $0xffff, v12;
	(pc) =	sbr.rel @p0 .LBB2_36-.Ltmp17, $4  }
0x43b: {  	s21 =	sadd.s32 $0x1, s16;
	s15 =	sadd.s32 $0x80, s15;
	[tilespmem:v20+s29+$0x0] =	vst.idx.msk $0xffff, v16;
	v16 =	vadd.s32 v1, v9;
	v14 =	vadd.f32 $1.000000000e+00, v15;
	v12 =	vld [tilespmem:s8+$0xFFFFFFF0];
	s8 =	smov.u32 s9  }
0x43c: {  	v10 =	vmov s21;
	s9 =	smov.u32 s14;
	s14 =	smov.u32 s5;
	s5 =	smov.u32 s15;
	v19 =	vld [tilespmem:s15+$0x0];
	[tilespmem:v22+s29+$0x0] =	vst.idx.msk $0xffff, v13;
	v13 =	vadd.s32 v2, v7;
	v23 =	vadd.f32 $1.000000000e+00, v23  }
0x43d: {  	v10 =	vand.u32 $0x7F, v10;
	v22 =	vadd.f32 $1.000000000e+00, v24;
	v18 =	vld [tilespmem:s14+$0x10];
	[tilespmem:v21+s29+$0x0] =	vst.idx.msk $0xffff, v14;
	v14 =	vadd.s32 v3, v5;
	v5 =	vmovc v7  }
0x43e: {  	s16 =	sadd.s32 $0x2, s16;
	v20 =	vadd.s32 v0, v10;
	v7 =	vmovc v9;
	v9 =	vmov v25;
	v21 =	vadd.f32 $1.000000000e+00, v26;
	v15 =	vld [tilespmem:s9+$0x20];
	[tilespmem:v27+s29+$0x0] =	vst.idx.msk $0xffff, v23  }
0x43f: {  	v23 =	vmov s17;
	v24 =	vld [tilespmem:s15+$0xFFFFFFC0]  }
0x440: {  	v23 =	vand.u32 $0x7E, v23  }
0x441: {  	v25 =	vadd.s32 v0, v23;
	_ =	sdelay $0x1  }
0x442: {  	v19 =	vadd.f32 $1.000000000e+00, v19  }
0x443: {  	[tilespmem:v17+s29+$0x0] =	vst.idx.msk $0xffff, v22;
	v62 =	vadd.f32 $1.000000000e+00, v24  }
0x444: {  	v22 =	vld [tilespmem:s14+$0xFFFFFFD0];
	[tilespmem:v20+s29+$0x0] =	vst.idx.msk $0xffff, v19  }
0x445: {  	v63 =	vadd.s32 v1, v8;
	v20 =	vld [tilespmem:s5+$0x10];
	[tilespmem:v25+s29+$0x0] =	vst.idx.msk $0xffff, v62  }
0x446: {  	v28 =	vadd.s32 v1, v9;
	v29 =	vld [tilespmem:s5+$0xFFFFFFD0]  }
0x447: {  	v30 =	vadd.s32 v1, v10  }
0x448: {  	v26 =	vadd.s32 v1, v23;
	v18 =	vadd.f32 $1.000000000e+00, v18  }
0x449: {  	[tilespmem:v16+s29+$0x0] =	vst.idx.msk $0xffff, v21;
	v31 =	vadd.f32 $1.000000000e+00, v22  }
0x44a: {  	v32 =	vld [tilespmem:s9+$0xFFFFFFE0];
	[tilespmem:v63+s29+$0x0] =	vst.idx.msk $0xffff, v18;
	v33 =	vadd.f32 $1.000000000e+00, v20  }
0x44b: {  	v34 =	vadd.s32 v2, v6;
	v35 =	vld [tilespmem:s14+$0x20];
	[tilespmem:v28+s29+$0x0] =	vst.idx.msk $0xffff, v31;
	v36 =	vadd.f32 $1.000000000e+00, v29  }
0x44c: {  	v11 =	vadd.f32 $1.000000000e+00, v11;
	v37 =	vadd.s32 v2, v7;
	v38 =	vld [tilespmem:s14+$0xFFFFFFE0];
	[tilespmem:v30+s29+$0x0] =	vst.idx.msk $0xffff, v33  }
0x44d: {  	v39 =	vadd.s32 v2, v8;
	v12 =	vadd.f32 $1.000000000e+00, v12;
	v40 =	vld [tilespmem:s5+$0x20];
	[tilespmem:v26+s29+$0x0] =	vst.idx.msk $0xffff, v36  }
0x44e: {  	v42 =	vadd.s32 v2, v9;
	[tilespmem:v13+s29+$0x0] =	vst.idx.msk $0xffff, v11;
	v41 =	vadd.f32 $1.000000000e+00, v15;
	v43 =	vld [tilespmem:s5+$0xFFFFFFE0]  }
0x44f: {  	v44 =	vld [tilespmem:s8+$0x30];
	v46 =	vadd.s32 v2, v10;
	[tilespmem:v14+s29+$0x0] =	vst.idx.msk $0xffff, v12;
	v45 =	vadd.f32 $1.000000000e+00, v32  }
0x450: {  	v49 =	vadd.s32 v2, v23;
	v47 =	vld [tilespmem:s8+$0xFFFFFFF0];
	[tilespmem:v34+s29+$0x0] =	vst.idx.msk $0xffff, v41;
	v48 =	vadd.f32 $1.000000000e+00, v35  }
0x451: {  	v4 =	vadd.s32 v3, v4;
	[tilespmem:v37+s29+$0x0] =	vst.idx.msk $0xffff, v45;
	v20 =	vld [tilespmem:s9+$0x30];
	v50 =	vadd.f32 $1.000000000e+00, v38  }
0x452: {  	v5 =	vadd.s32 v3, v5;
	v51 =	vld [tilespmem:s9+$0xFFFFFFF0];
	[tilespmem:v39+s29+$0x0] =	vst.idx.msk $0xffff, v48;
	v52 =	vadd.f32 $1.000000000e+00, v40  }
0x453: {  	v53 =	vadd.s32 v3, v6;
	v54 =	vld [tilespmem:s14+$0x30];
	[tilespmem:v42+s29+$0x0] =	vst.idx.msk $0xffff, v50;
	v55 =	vadd.f32 $1.000000000e+00, v43  }
0x454: {  	v57 =	vadd.s32 v3, v7;
	v56 =	vadd.f32 $1.000000000e+00, v44;
	v58 =	vld [tilespmem:s14+$0xFFFFFFF0];
	[tilespmem:v46+s29+$0x0] =	vst.idx.msk $0xffff, v52  }
0x455: {  	v60 =	vadd.s32 v3, v8;
	v59 =	vadd.f32 $1.000000000e+00, v47;
	v14 =	vld [tilespmem:s5+$0x30];
	[tilespmem:v49+s29+$0x0] =	vst.idx.msk $0xffff, v55  }
0x456: {  	v61 =	vadd.s32 v3, v9;
	[tilespmem:v4+s29+$0x0] =	vst.idx.msk $0xffff, v56;
	v4 =	vadd.f32 $1.000000000e+00, v20;
	v12 =	vld [tilespmem:s5+$0xFFFFFFF0]  }
0x457: {  	v62 =	vadd.s32 v3, v10;
	[tilespmem:v5+s29+$0x0] =	vst.idx.msk $0xffff, v59;
	v5 =	vadd.f32 $1.000000000e+00, v51  }
0x458: {  	v63 =	vadd.s32 v3, v23;
	[tilespmem:v53+s29+$0x0] =	vst.idx.msk $0xffff, v4;
	v4 =	vadd.f32 $1.000000000e+00, v54  }
0x459: {  	[tilespmem:v57+s29+$0x0] =	vst.idx.msk $0xffff, v5;
	v5 =	vadd.f32 $1.000000000e+00, v58  }
0x45a: {  	[tilespmem:v60+s29+$0x0] =	vst.idx.msk $0xffff, v4;
	v4 =	vadd.f32 $1.000000000e+00, v14  }
0x45b: {  	[tilespmem:v61+s29+$0x0] =	vst.idx.msk $0xffff, v5;
	v5 =	vadd.f32 $1.000000000e+00, v12  }
0x45c: {  	[tilespmem:v62+s29+$0x0] =	vst.idx.msk $0xffff, v4  }
0x45d: {  	[tilespmem:v63+s29+$0x0] =	vst.idx.msk $0xffff, v5  }
0x45e: {  	s17 =	simm.s32 $0xE400;
	s16 =	rddreg [dreg:$0x8]  }
0x45f: {  	[hbm4b:s16+s3] =	stream.linear.scatter [tilespmem:s17], [sflag:$0x5], $0x80, $0x38;
	[tilespmem:$0x16C00] =	vst v63  }
0x460: {  	s21 =	simm.s32 $0xE488;
	s22 =	sadd.s32 $0x10, s16  }
0x461: {  	[hbm4b:s22+s3] =	stream.linear.scatter [tilespmem:s21], [sflag:$0x5], $0x80, $0x38;
	[tilespmem:$0x16C00] =	vst v63  }
0x462: {  	s24 =	simm.s32 $0xE510;
	s15 =	simm.s32 $0xE620;
	s26 =	sadd.s32 $0x20, s16  }
0x463: {  	[hbm4b:s26+s3] =	stream.linear.scatter [tilespmem:s24], [sflag:$0x5], $0x80, $0x38;
	[tilespmem:$0x16C00] =	vst v63  }
0x464: {  	s9 =	simm.s32 $0xE598;
	s5 =	simm.s32 $0x440;
	s14 =	sadd.s32 $0x30, s16  }
0x465: {  	[hbm4b:s14+s3] =	stream.linear.scatter [tilespmem:s9], [sflag:$0x5], $0x80, $0x38;
	[tilespmem:$0x16C00] =	vst v63  }
0x466: {  	s17 =	sadd.s32 $0x40, s16;
	s8 =	sadd.s32 $0x1000, s16;
	s21 =	simm.s32 $0xE6A8  }
0x467: {  	[hbm4b:s17+s3] =	stream.linear.scatter [tilespmem:s15], [sflag:$0x5], $0x80, $0x38;
	[tilespmem:$0x16C00] =	vst v63  }
0x468: {  	s22 =	sadd.s32 $0x50, s16;
	s24 =	simm.s32 $0xE730;
	s26 =	sadd.s32 $0x60, s16  }
0x469: {  	[hbm4b:s22+s3] =	stream.linear.scatter [tilespmem:s21], [sflag:$0x5], $0x80, $0x38;
	[tilespmem:$0x16C00] =	vst v63  }
0x46a: {  	s9 =	simm.s32 $0x2200;
	s14 =	simm.s32 $0xE7B8;
	s15 =	sadd.s32 $0x70, s16  }
0x46b: {  	[hbm4b:s26+s3] =	stream.linear.scatter [tilespmem:s24], [sflag:$0x5], $0x80, $0x38;
	[tilespmem:$0x16C00] =	vst v63  }
.LBB2_38:
0x46c: {  	[hbm4b:s15+s3] =	stream.linear.scatter [tilespmem:s14], [sflag:$0x5], $0x80, $0x38;
	[tilespmem:$0x16C00] =	vst v63  }
0x46d: {  	s14 =	smov.u32 s5;
	s5 =	smov.u32 s9  }
0x46e: {  	s16 =	sadd.s32 $0x1100, s9;
	s5 =	sshra.s32 s5, $0x2;
	s15 =	sadd.s32 $0xE400, s14  }
0x46f: {  	[hbm4b:s8+s3] =	stream.linear.scatter [tilespmem:s15], [sflag:$0x5], $0x80, $0x38;
	[tilespmem:$0x16C00] =	vst v63  }
0x470: {  	p0 =	sne.s32 s9, $0x7700;
	s9 =	sadd.s32 $0xE488, s14;
	s15 =	sadd.s32 $0x10, s8  }
0x471: {  	[hbm4b:s15+s3] =	stream.linear.scatter [tilespmem:s9], [sflag:$0x5], $0x80, $0x38;
	[tilespmem:$0x16C00] =	vst v63  }
0x472: {  	s9 =	sadd.s32 $0xE510, s14;
	s15 =	sadd.s32 $0x20, s8  }
0x473: {  	[hbm4b:s15+s3] =	stream.linear.scatter [tilespmem:s9], [sflag:$0x5], $0x80, $0x38;
	[tilespmem:$0x16C00] =	vst v63  }
0x474: {  	s9 =	sadd.s32 $0xE598, s14;
	s15 =	sadd.s32 $0x30, s8  }
0x475: {  	[hbm4b:s15+s3] =	stream.linear.scatter [tilespmem:s9], [sflag:$0x5], $0x80, $0x38;
	[tilespmem:$0x16C00] =	vst v63  }
0x476: {  	s9 =	sadd.s32 $0xE620, s14;
	s15 =	sadd.s32 $0x40, s8  }
0x477: {  	[hbm4b:s15+s3] =	stream.linear.scatter [tilespmem:s9], [sflag:$0x5], $0x80, $0x38;
	[tilespmem:$0x16C00] =	vst v63  }
.Ltmp18:
0x478: {  	s9 =	sadd.s32 $0xE6A8, s14;
	s15 =	sadd.s32 $0x50, s8;
	(pc) =	sbr.rel @p0 .LBB2_38-.Ltmp18, $4  }
0x479: {  	[hbm4b:s15+s3] =	stream.linear.scatter [tilespmem:s9], [sflag:$0x5], $0x80, $0x38;
	[tilespmem:$0x16C00] =	vst v63  }
0x47a: {  	s9 =	sadd.s32 $0xE730, s14;
	s15 =	sadd.s32 $0x60, s8;
	s14 =	sadd.s32 $0xE7B8, s14  }
0x47b: {  	[hbm4b:s15+s3] =	stream.linear.scatter [tilespmem:s9], [sflag:$0x5], $0x80, $0x38;
	[tilespmem:$0x16C00] =	vst v63  }
0x47c: {  	s15 =	sadd.s32 $0x70, s8;
	s8 =	sadd.s32 $0x1000, s8;
	s9 =	smov.u32 s16  }
0x47d: {  	[hbm4b:s15+s3] =	stream.linear.scatter [tilespmem:s14], [sflag:$0x5], $0x80, $0x38;
	[tilespmem:$0x16C00] =	vst v63  }
0x47e: {  	s9 =	sadd.s32 $0xE400, s5  }
0x47f: {  	[hbm4b:s8+s3] =	stream.linear.scatter [tilespmem:s9], [sflag:$0x5], $0x80, $0x38;
	[tilespmem:$0x16C00] =	vst v63  }
0x480: {  	s16 =	sadd.s32 $0xE488, s5;
	s17 =	sadd.s32 $0x10, s8  }
0x481: {  	[hbm4b:s17+s3] =	stream.linear.scatter [tilespmem:s16], [sflag:$0x5], $0x80, $0x38;
	[tilespmem:$0x16C00] =	vst v63  }
0x482: {  	s21 =	sadd.s32 $0xE510, s5;
	s22 =	sadd.s32 $0x20, s8  }
0x483: {  	[hbm4b:s22+s3] =	stream.linear.scatter [tilespmem:s21], [sflag:$0x5], $0x80, $0x38;
	[tilespmem:$0x16C00] =	vst v63  }
0x484: {  	s24 =	sadd.s32 $0xE598, s5;
	s26 =	sadd.s32 $0x30, s8  }
0x485: {  	[hbm4b:s26+s3] =	stream.linear.scatter [tilespmem:s24], [sflag:$0x5], $0x80, $0x38;
	[tilespmem:$0x16C00] =	vst v63  }
0x486: {  	s15 =	sadd.s32 $0xE620, s5;
	s16 =	sadd.s32 $0x40, s8  }
0x487: {  	[hbm4b:s16+s3] =	stream.linear.scatter [tilespmem:s15], [sflag:$0x5], $0x80, $0x38;
	[tilespmem:$0x16C00] =	vst v63  }
0x488: {  	s17 =	sadd.s32 $0xE6A8, s5;
	s21 =	sadd.s32 $0x50, s8  }
0x489: {  	[hbm4b:s21+s3] =	stream.linear.scatter [tilespmem:s17], [sflag:$0x5], $0x80, $0x38;
	[tilespmem:$0x16C00] =	vst v63  }
0x48a: {  	s22 =	sadd.s32 $0xE730, s5;
	s24 =	sadd.s32 $0x60, s8  }
0x48b: {  	[hbm4b:s24+s3] =	stream.linear.scatter [tilespmem:s22], [sflag:$0x5], $0x80, $0x38;
	[tilespmem:$0x16C00] =	vst v63  }
0x48c: {  	s9 =	sadd.s32 $0x70, s8;
	s26 =	sadd.s32 $0xE7B8, s5  }
0x48d: {  	[hbm4b:s9+s3] =	stream.linear.scatter [tilespmem:s26], [sflag:$0x5], $0x80, $0x38;
	[tilespmem:$0x16C00] =	vst v63  }
0x48e: {  	_ =	swait.ge [sflag:s31], $0x2000  }
0x48f: {  	[sflag:s31] =	ssyncset.done $0x0  }
0x490: {  	[sflag:s31] =	ssyncadd.s32 $0xFFFFE000  }
0x491: {  	_ =	swait.ge [sflag:s18], $0x2000  }
0x492: {  	[sflag:s18] =	ssyncset.done $0x0  }
0x493: {  	s14 =	simm.s32 $0x1;
	s5 =	simm.s32 $0x8440;
	[sflag:s18] =	ssyncadd.s32 $0xFFFFE000  }
0x494: {  	v4 =	vmov s14;
	v5 =	vld [tilespmem:s5+$0x0]  }
0x495: {  	v9 =	vand.u32 $0x7F, v4  }
0x496: {  	v4 =	vadd.s32 v0, v9  }
0x497: {  	s15 =	simm.s32 $0x0  }
0x498: {  	v6 =	vmov s15;
	v7 =	vld [tilespmem:s5+$0xFFFFFFC0]  }
0x499: {  	v14 =	vand.u32 $0x7E, v6;
	v5 =	vadd.f32 $1.000000000e+00, v5  }
0x49a: {  	s8 =	simm.s32 $0x84C0;
	s16 =	simm.s32 $0x3;
	v6 =	vadd.s32 v0, v14  }
0x49b: {  	v8 =	vld [tilespmem:s8+$0x0];
	[tilespmem:v4+s1+$0x0] =	vst.idx.msk $0xffff, v5;
	v4 =	vmov s16  }
0x49c: {  	v4 =	vand.u32 $0x7F, v4;
	v10 =	vld [tilespmem:s5+$0x10]  }
0x49d: {  	v5 =	vadd.f32 $1.000000000e+00, v7;
	v7 =	vadd.s32 v0, v4  }
0x49e: {  	v11 =	vadd.s32 v1, v9;
	s17 =	simm.s32 $0x2  }
0x49f: {  	v12 =	vld [tilespmem:s8+$0xFFFFFFC0];
	[tilespmem:v6+s1+$0x0] =	vst.idx.msk $0xffff, v5;
	v5 =	vmov s17  }
0x4a0: {  	v6 =	vadd.f32 $1.000000000e+00, v8;
	v5 =	vand.u32 $0x7E, v5;
	v8 =	vld [tilespmem:s5+$0xFFFFFFD0]  }
0x4a1: {  	s21 =	simm.s32 $0x5;
	s9 =	simm.s32 $0x8540;
	v13 =	vadd.s32 v0, v5;
	v10 =	vadd.f32 $1.000000000e+00, v10  }
0x4a2: {  	v15 =	vld [tilespmem:s9+$0x0];
	[tilespmem:v7+s1+$0x0] =	vst.idx.msk $0xffff, v6;
	v7 =	vadd.s32 v1, v14;
	v6 =	vmov s21  }
0x4a3: {  	[tilespmem:v11+s1+$0x0] =	vst.idx.msk $0xffff, v10;
	v6 =	vand.u32 $0x7F, v6;
	v10 =	vld [tilespmem:s8+$0x10]  }
0x4a4: {  	v11 =	vadd.f32 $1.000000000e+00, v12;
	v12 =	vadd.s32 v0, v6;
	v16 =	vld [tilespmem:s5+$0x20]  }
0x4a5: {  	s22 =	simm.s32 $0x4;
	v17 =	vadd.s32 v1, v4;
	v8 =	vadd.f32 $1.000000000e+00, v8  }
0x4a6: {  	v18 =	vadd.s32 v2, v9;
	[tilespmem:v13+s1+$0x0] =	vst.idx.msk $0xffff, v11;
	v11 =	vmov s22;
	v13 =	vld [tilespmem:s9+$0xFFFFFFC0]  }
0x4a7: {  	[tilespmem:v7+s1+$0x0] =	vst.idx.msk $0xffff, v8;
	v7 =	vand.u32 $0x7E, v11;
	v8 =	vadd.f32 $1.000000000e+00, v15;
	v11 =	vld [tilespmem:s8+$0xFFFFFFD0]  }
0x4a8: {  	s14 =	simm.s32 $0x85C0;
	s24 =	simm.s32 $0x7;
	v15 =	vadd.s32 v0, v7;
	v10 =	vadd.f32 $1.000000000e+00, v10;
	v19 =	vld [tilespmem:s5+$0xFFFFFFE0]  }
0x4a9: {  	v20 =	vld [tilespmem:s14+$0x0];
	[tilespmem:v12+s1+$0x0] =	vst.idx.msk $0xffff, v8;
	v12 =	vadd.s32 v1, v5;
	v16 =	vadd.f32 $1.000000000e+00, v16;
	v8 =	vmov s24  }
0x4aa: {  	[tilespmem:v17+s1+$0x0] =	vst.idx.msk $0xffff, v10;
	v10 =	vadd.s32 v2, v14;
	v8 =	vand.u32 $0x7F, v8;
	v17 =	vld [tilespmem:s9+$0x10]  }
0x4ab: {  	v13 =	vadd.f32 $1.000000000e+00, v13;
	[tilespmem:v18+s1+$0x0] =	vst.idx.msk $0xffff, v16;
	v16 =	vadd.s32 v0, v8;
	v18 =	vld [tilespmem:s8+$0x20]  }
0x4ac: {  	s26 =	simm.s32 $0x6;
	v21 =	vadd.s32 v1, v6;
	v11 =	vadd.f32 $1.000000000e+00, v11;
	v22 =	vld [tilespmem:s5+$0x30]  }
0x4ad: {  	v23 =	vadd.s32 v2, v4;
	[tilespmem:v15+s1+$0x0] =	vst.idx.msk $0xffff, v13;
	v13 =	vadd.f32 $1.000000000e+00, v19;
	v15 =	vld [tilespmem:s14+$0xFFFFFFC0];
	v19 =	vmov s26  }
0x4ae: {  	v25 =	vadd.s32 v3, v9;
	[tilespmem:v12+s1+$0x0] =	vst.idx.msk $0xffff, v11;
	v12 =	vadd.f32 $1.000000000e+00, v20;
	v24 =	vld [tilespmem:s9+$0xFFFFFFD0];
	v9 =	vand.u32 $0x7E, v19  }
0x4af: {  	[tilespmem:v10+s1+$0x0] =	vst.idx.msk $0xffff, v13;
	v10 =	vadd.f32 $1.000000000e+00, v17;
	v11 =	vld [tilespmem:s8+$0xFFFFFFE0];
	v17 =	vadd.s32 v0, v9  }
0x4b0: {  	s15 =	simm.s32 $0x8640;
	s16 =	simm.s32 $0x9;
	[tilespmem:v16+s1+$0x0] =	vst.idx.msk $0xffff, v12;
	v20 =	vadd.f32 $1.000000000e+00, v18;
	v12 =	vld [tilespmem:s5+$0xFFFFFFF0];
	v16 =	vadd.s32 v1, v7  }
0x4b1: {  	v19 =	vld [tilespmem:s15+$0x0];
	v13 =	vadd.s32 v2, v5;
	v18 =	vmov s16;
	[tilespmem:v21+s1+$0x0] =	vst.idx.msk $0xffff, v10;
	v26 =	vadd.f32 $1.000000000e+00, v22  }
0x4b2: {  	v14 =	vadd.s32 v3, v14;
	v10 =	vand.u32 $0x7F, v18;
	v18 =	vld [tilespmem:s14+$0x10];
	v22 =	vadd.f32 $1.000000000e+00, v15;
	[tilespmem:v23+s1+$0x0] =	vst.idx.msk $0xffff, v20  }
0x4b3: {  	s17 =	simm.s32 $0x8;
	s16 =	simm.s32 $0xA;
	s5 =	simm.s32 $0x8640;
	v20 =	vadd.s32 v0, v10;
	v15 =	vld [tilespmem:s9+$0x20];
	v21 =	vadd.f32 $1.000000000e+00, v24;
	[tilespmem:v25+s1+$0x0] =	vst.idx.msk $0xffff, v26  }
.LBB2_40:
0x4b4: {  	p0 =	slt.u32 s16, $0x7E;
	[tilespmem:v17+s1+$0x0] =	vst.idx.msk $0xffff, v22;
	v22 =	vadd.s32 v1, v8;
	v11 =	vadd.f32 $1.000000000e+00, v11;
	v23 =	vld [tilespmem:s8+$0x30]  }
0x4b5: {  	v17 =	vmov s17;
	s17 =	smov.u32 s16;
	v24 =	vld [tilespmem:s15+$0xFFFFFFC0];
	[tilespmem:v16+s1+$0x0] =	vst.idx.msk $0xffff, v21;
	v21 =	vadd.s32 v2, v6;
	v12 =	vadd.f32 $1.000000000e+00, v12  }
0x4b6: {  	v27 =	vadd.s32 v3, v4;
	v4 =	vmovc v6;
	v25 =	vand.u32 $0x7E, v17;
	v16 =	vadd.f32 $1.000000000e+00, v19;
	v26 =	vld [tilespmem:s14+$0xFFFFFFD0];
	[tilespmem:v13+s1+$0x0] =	vst.idx.msk $0xffff, v11  }
.Ltmp19:
0x4b7: {  	v6 =	vmovc v8;
	v8 =	vmov v10;
	v17 =	vadd.s32 v0, v25;
	v13 =	vadd.f32 $1.000000000e+00, v18;
	v11 =	vld [tilespmem:s9+$0xFFFFFFE0];
	[tilespmem:v14+s1+$0x0] =	vst.idx.msk $0xffff, v12;
	(pc) =	sbr.rel @p0 .LBB2_40-.Ltmp19, $4  }
0x4b8: {  	s21 =	sadd.s32 $0x1, s16;
	s15 =	sadd.s32 $0x80, s15;
	[tilespmem:v20+s1+$0x0] =	vst.idx.msk $0xffff, v16;
	v16 =	vadd.s32 v1, v9;
	v14 =	vadd.f32 $1.000000000e+00, v15;
	v12 =	vld [tilespmem:s8+$0xFFFFFFF0];
	s8 =	smov.u32 s9  }
0x4b9: {  	v10 =	vmov s21;
	s9 =	smov.u32 s14;
	s14 =	smov.u32 s5;
	s5 =	smov.u32 s15;
	v19 =	vld [tilespmem:s15+$0x0];
	[tilespmem:v22+s1+$0x0] =	vst.idx.msk $0xffff, v13;
	v13 =	vadd.s32 v2, v7;
	v23 =	vadd.f32 $1.000000000e+00, v23  }
0x4ba: {  	v10 =	vand.u32 $0x7F, v10;
	v22 =	vadd.f32 $1.000000000e+00, v24;
	v18 =	vld [tilespmem:s14+$0x10];
	[tilespmem:v21+s1+$0x0] =	vst.idx.msk $0xffff, v14;
	v14 =	vadd.s32 v3, v5;
	v5 =	vmovc v7  }
0x4bb: {  	s16 =	sadd.s32 $0x2, s16;
	v20 =	vadd.s32 v0, v10;
	v7 =	vmovc v9;
	v9 =	vmov v25;
	v21 =	vadd.f32 $1.000000000e+00, v26;
	v15 =	vld [tilespmem:s9+$0x20];
	[tilespmem:v27+s1+$0x0] =	vst.idx.msk $0xffff, v23  }
0x4bc: {  	v23 =	vmov s17;
	v24 =	vld [tilespmem:s15+$0xFFFFFFC0]  }
0x4bd: {  	v23 =	vand.u32 $0x7E, v23  }
0x4be: {  	v25 =	vadd.s32 v0, v23;
	_ =	sdelay $0x1  }
0x4bf: {  	v19 =	vadd.f32 $1.000000000e+00, v19  }
0x4c0: {  	[tilespmem:v17+s1+$0x0] =	vst.idx.msk $0xffff, v22;
	v62 =	vadd.f32 $1.000000000e+00, v24  }
0x4c1: {  	v22 =	vld [tilespmem:s14+$0xFFFFFFD0];
	[tilespmem:v20+s1+$0x0] =	vst.idx.msk $0xffff, v19  }
0x4c2: {  	v63 =	vadd.s32 v1, v8;
	v20 =	vld [tilespmem:s5+$0x10];
	[tilespmem:v25+s1+$0x0] =	vst.idx.msk $0xffff, v62  }
0x4c3: {  	v28 =	vadd.s32 v1, v9;
	v29 =	vld [tilespmem:s5+$0xFFFFFFD0]  }
0x4c4: {  	v30 =	vadd.s32 v1, v10  }
0x4c5: {  	v26 =	vadd.s32 v1, v23;
	v18 =	vadd.f32 $1.000000000e+00, v18  }
0x4c6: {  	[tilespmem:v16+s1+$0x0] =	vst.idx.msk $0xffff, v21;
	v31 =	vadd.f32 $1.000000000e+00, v22  }
0x4c7: {  	v32 =	vld [tilespmem:s9+$0xFFFFFFE0];
	[tilespmem:v63+s1+$0x0] =	vst.idx.msk $0xffff, v18;
	v33 =	vadd.f32 $1.000000000e+00, v20  }
0x4c8: {  	v34 =	vadd.s32 v2, v6;
	v35 =	vld [tilespmem:s14+$0x20];
	[tilespmem:v28+s1+$0x0] =	vst.idx.msk $0xffff, v31;
	v36 =	vadd.f32 $1.000000000e+00, v29  }
0x4c9: {  	v11 =	vadd.f32 $1.000000000e+00, v11;
	v37 =	vadd.s32 v2, v7;
	v38 =	vld [tilespmem:s14+$0xFFFFFFE0];
	[tilespmem:v30+s1+$0x0] =	vst.idx.msk $0xffff, v33  }
0x4ca: {  	v39 =	vadd.s32 v2, v8;
	v12 =	vadd.f32 $1.000000000e+00, v12;
	v40 =	vld [tilespmem:s5+$0x20];
	[tilespmem:v26+s1+$0x0] =	vst.idx.msk $0xffff, v36  }
0x4cb: {  	v42 =	vadd.s32 v2, v9;
	[tilespmem:v13+s1+$0x0] =	vst.idx.msk $0xffff, v11;
	v41 =	vadd.f32 $1.000000000e+00, v15;
	v43 =	vld [tilespmem:s5+$0xFFFFFFE0]  }
0x4cc: {  	v44 =	vld [tilespmem:s8+$0x30];
	v46 =	vadd.s32 v2, v10;
	[tilespmem:v14+s1+$0x0] =	vst.idx.msk $0xffff, v12;
	v45 =	vadd.f32 $1.000000000e+00, v32  }
0x4cd: {  	v49 =	vadd.s32 v2, v23;
	v47 =	vld [tilespmem:s8+$0xFFFFFFF0];
	[tilespmem:v34+s1+$0x0] =	vst.idx.msk $0xffff, v41;
	v48 =	vadd.f32 $1.000000000e+00, v35  }
0x4ce: {  	v4 =	vadd.s32 v3, v4;
	[tilespmem:v37+s1+$0x0] =	vst.idx.msk $0xffff, v45;
	v20 =	vld [tilespmem:s9+$0x30];
	v50 =	vadd.f32 $1.000000000e+00, v38  }
0x4cf: {  	v5 =	vadd.s32 v3, v5;
	v51 =	vld [tilespmem:s9+$0xFFFFFFF0];
	[tilespmem:v39+s1+$0x0] =	vst.idx.msk $0xffff, v48;
	v52 =	vadd.f32 $1.000000000e+00, v40  }
0x4d0: {  	v53 =	vadd.s32 v3, v6;
	v54 =	vld [tilespmem:s14+$0x30];
	[tilespmem:v42+s1+$0x0] =	vst.idx.msk $0xffff, v50;
	v55 =	vadd.f32 $1.000000000e+00, v43  }
0x4d1: {  	v57 =	vadd.s32 v3, v7;
	v56 =	vadd.f32 $1.000000000e+00, v44;
	v58 =	vld [tilespmem:s14+$0xFFFFFFF0];
	[tilespmem:v46+s1+$0x0] =	vst.idx.msk $0xffff, v52  }
0x4d2: {  	v60 =	vadd.s32 v3, v8;
	v59 =	vadd.f32 $1.000000000e+00, v47;
	v14 =	vld [tilespmem:s5+$0x30];
	[tilespmem:v49+s1+$0x0] =	vst.idx.msk $0xffff, v55  }
0x4d3: {  	v61 =	vadd.s32 v3, v9;
	[tilespmem:v4+s1+$0x0] =	vst.idx.msk $0xffff, v56;
	v4 =	vadd.f32 $1.000000000e+00, v20;
	v12 =	vld [tilespmem:s5+$0xFFFFFFF0]  }
0x4d4: {  	v62 =	vadd.s32 v3, v10;
	[tilespmem:v5+s1+$0x0] =	vst.idx.msk $0xffff, v59;
	v5 =	vadd.f32 $1.000000000e+00, v51  }
0x4d5: {  	v63 =	vadd.s32 v3, v23;
	[tilespmem:v53+s1+$0x0] =	vst.idx.msk $0xffff, v4;
	v4 =	vadd.f32 $1.000000000e+00, v54  }
0x4d6: {  	[tilespmem:v57+s1+$0x0] =	vst.idx.msk $0xffff, v5;
	v5 =	vadd.f32 $1.000000000e+00, v58  }
0x4d7: {  	[tilespmem:v60+s1+$0x0] =	vst.idx.msk $0xffff, v4;
	v4 =	vadd.f32 $1.000000000e+00, v14  }
0x4d8: {  	[tilespmem:v61+s1+$0x0] =	vst.idx.msk $0xffff, v5;
	v5 =	vadd.f32 $1.000000000e+00, v12  }
0x4d9: {  	[tilespmem:v62+s1+$0x0] =	vst.idx.msk $0xffff, v4  }
0x4da: {  	[tilespmem:v63+s1+$0x0] =	vst.idx.msk $0xffff, v5  }
0x4db: {  	s17 =	simm.s32 $0x10600;
	s16 =	rddreg [dreg:$0x9]  }
0x4dc: {  	[hbm4b:s16+s3] =	stream.linear.scatter [tilespmem:s17], [sflag:$0x6], $0x80, $0x38;
	[tilespmem:$0x16C00] =	vst v63  }
0x4dd: {  	s21 =	simm.s32 $0x10688;
	s22 =	sadd.s32 $0x10, s16  }
0x4de: {  	[hbm4b:s22+s3] =	stream.linear.scatter [tilespmem:s21], [sflag:$0x6], $0x80, $0x38;
	[tilespmem:$0x16C00] =	vst v63  }
0x4df: {  	s24 =	simm.s32 $0x10710;
	s15 =	simm.s32 $0x10820;
	s26 =	sadd.s32 $0x20, s16  }
0x4e0: {  	[hbm4b:s26+s3] =	stream.linear.scatter [tilespmem:s24], [sflag:$0x6], $0x80, $0x38;
	[tilespmem:$0x16C00] =	vst v63  }
0x4e1: {  	s9 =	simm.s32 $0x10798;
	s5 =	simm.s32 $0x440;
	s14 =	sadd.s32 $0x30, s16  }
0x4e2: {  	[hbm4b:s14+s3] =	stream.linear.scatter [tilespmem:s9], [sflag:$0x6], $0x80, $0x38;
	[tilespmem:$0x16C00] =	vst v63  }
0x4e3: {  	s17 =	sadd.s32 $0x40, s16;
	s8 =	sadd.s32 $0x1000, s16;
	s21 =	simm.s32 $0x108A8  }
0x4e4: {  	[hbm4b:s17+s3] =	stream.linear.scatter [tilespmem:s15], [sflag:$0x6], $0x80, $0x38;
	[tilespmem:$0x16C00] =	vst v63  }
0x4e5: {  	s22 =	sadd.s32 $0x50, s16;
	s24 =	simm.s32 $0x10930;
	s26 =	sadd.s32 $0x60, s16  }
0x4e6: {  	[hbm4b:s22+s3] =	stream.linear.scatter [tilespmem:s21], [sflag:$0x6], $0x80, $0x38;
	[tilespmem:$0x16C00] =	vst v63  }
0x4e7: {  	s9 =	simm.s32 $0x2200;
	s14 =	simm.s32 $0x109B8;
	s15 =	sadd.s32 $0x70, s16  }
0x4e8: {  	[hbm4b:s26+s3] =	stream.linear.scatter [tilespmem:s24], [sflag:$0x6], $0x80, $0x38;
	[tilespmem:$0x16C00] =	vst v63  }
.LBB2_42:
0x4e9: {  	[hbm4b:s15+s3] =	stream.linear.scatter [tilespmem:s14], [sflag:$0x6], $0x80, $0x38;
	[tilespmem:$0x16C00] =	vst v63  }
0x4ea: {  	s14 =	smov.u32 s5;
	s5 =	smov.u32 s9  }
0x4eb: {  	s16 =	sadd.s32 $0x1100, s9;
	s5 =	sshra.s32 s5, $0x2;
	s15 =	sadd.s32 $0x10600, s14  }
0x4ec: {  	[hbm4b:s8+s3] =	stream.linear.scatter [tilespmem:s15], [sflag:$0x6], $0x80, $0x38;
	[tilespmem:$0x16C00] =	vst v63  }
0x4ed: {  	p0 =	sne.s32 s9, $0x7700;
	s9 =	sadd.s32 $0x10688, s14;
	s15 =	sadd.s32 $0x10, s8  }
0x4ee: {  	[hbm4b:s15+s3] =	stream.linear.scatter [tilespmem:s9], [sflag:$0x6], $0x80, $0x38;
	[tilespmem:$0x16C00] =	vst v63  }
0x4ef: {  	s9 =	sadd.s32 $0x10710, s14;
	s15 =	sadd.s32 $0x20, s8  }
0x4f0: {  	[hbm4b:s15+s3] =	stream.linear.scatter [tilespmem:s9], [sflag:$0x6], $0x80, $0x38;
	[tilespmem:$0x16C00] =	vst v63  }
0x4f1: {  	s9 =	sadd.s32 $0x10798, s14;
	s15 =	sadd.s32 $0x30, s8  }
0x4f2: {  	[hbm4b:s15+s3] =	stream.linear.scatter [tilespmem:s9], [sflag:$0x6], $0x80, $0x38;
	[tilespmem:$0x16C00] =	vst v63  }
0x4f3: {  	s9 =	sadd.s32 $0x10820, s14;
	s15 =	sadd.s32 $0x40, s8  }
0x4f4: {  	[hbm4b:s15+s3] =	stream.linear.scatter [tilespmem:s9], [sflag:$0x6], $0x80, $0x38;
	[tilespmem:$0x16C00] =	vst v63  }
.Ltmp20:
0x4f5: {  	s9 =	sadd.s32 $0x108A8, s14;
	s15 =	sadd.s32 $0x50, s8;
	(pc) =	sbr.rel @p0 .LBB2_42-.Ltmp20, $4  }
0x4f6: {  	[hbm4b:s15+s3] =	stream.linear.scatter [tilespmem:s9], [sflag:$0x6], $0x80, $0x38;
	[tilespmem:$0x16C00] =	vst v63  }
0x4f7: {  	s9 =	sadd.s32 $0x10930, s14;
	s15 =	sadd.s32 $0x60, s8;
	s14 =	sadd.s32 $0x109B8, s14  }
0x4f8: {  	[hbm4b:s15+s3] =	stream.linear.scatter [tilespmem:s9], [sflag:$0x6], $0x80, $0x38;
	[tilespmem:$0x16C00] =	vst v63  }
0x4f9: {  	s15 =	sadd.s32 $0x70, s8;
	s8 =	sadd.s32 $0x1000, s8;
	s9 =	smov.u32 s16  }
0x4fa: {  	[hbm4b:s15+s3] =	stream.linear.scatter [tilespmem:s14], [sflag:$0x6], $0x80, $0x38;
	[tilespmem:$0x16C00] =	vst v63  }
0x4fb: {  	s9 =	sadd.s32 $0x10600, s5  }
0x4fc: {  	[hbm4b:s8+s3] =	stream.linear.scatter [tilespmem:s9], [sflag:$0x6], $0x80, $0x38;
	[tilespmem:$0x16C00] =	vst v63  }
0x4fd: {  	s16 =	sadd.s32 $0x10688, s5;
	s17 =	sadd.s32 $0x10, s8  }
0x4fe: {  	[hbm4b:s17+s3] =	stream.linear.scatter [tilespmem:s16], [sflag:$0x6], $0x80, $0x38;
	[tilespmem:$0x16C00] =	vst v63  }
0x4ff: {  	s21 =	sadd.s32 $0x10710, s5;
	s22 =	sadd.s32 $0x20, s8  }
0x500: {  	[hbm4b:s22+s3] =	stream.linear.scatter [tilespmem:s21], [sflag:$0x6], $0x80, $0x38;
	[tilespmem:$0x16C00] =	vst v63  }
0x501: {  	s24 =	sadd.s32 $0x10798, s5;
	s26 =	sadd.s32 $0x30, s8  }
0x502: {  	[hbm4b:s26+s3] =	stream.linear.scatter [tilespmem:s24], [sflag:$0x6], $0x80, $0x38;
	[tilespmem:$0x16C00] =	vst v63  }
0x503: {  	s15 =	sadd.s32 $0x10820, s5;
	s16 =	sadd.s32 $0x40, s8  }
0x504: {  	[hbm4b:s16+s3] =	stream.linear.scatter [tilespmem:s15], [sflag:$0x6], $0x80, $0x38;
	[tilespmem:$0x16C00] =	vst v63  }
0x505: {  	s17 =	sadd.s32 $0x108A8, s5;
	s21 =	sadd.s32 $0x50, s8  }
0x506: {  	[hbm4b:s21+s3] =	stream.linear.scatter [tilespmem:s17], [sflag:$0x6], $0x80, $0x38;
	[tilespmem:$0x16C00] =	vst v63  }
0x507: {  	s22 =	sadd.s32 $0x10930, s5;
	s24 =	sadd.s32 $0x60, s8  }
0x508: {  	[hbm4b:s24+s3] =	stream.linear.scatter [tilespmem:s22], [sflag:$0x6], $0x80, $0x38;
	[tilespmem:$0x16C00] =	vst v63  }
0x509: {  	s9 =	sadd.s32 $0x70, s8;
	s26 =	sadd.s32 $0x109B8, s5  }
0x50a: {  	[hbm4b:s9+s3] =	stream.linear.scatter [tilespmem:s26], [sflag:$0x6], $0x80, $0x38;
	[tilespmem:$0x16C00] =	vst v63  }
0x50b: {  	_ =	swait.ge [sflag:s23], $0x2000  }
0x50c: {  	[sflag:s23] =	ssyncset.done $0x0  }
0x50d: {  	[sflag:s23] =	ssyncadd.s32 $0xFFFFE000  }
0x50e: {  	_ =	swait.ge [sflag:s19], $0x2000  }
0x50f: {  	[sflag:s19] =	ssyncset.done $0x0  }
0x510: {  	s14 =	simm.s32 $0x1;
	s5 =	simm.s32 $0xA440;
	[sflag:s19] =	ssyncadd.s32 $0xFFFFE000  }
0x511: {  	v4 =	vmov s14;
	v5 =	vld [tilespmem:s5+$0x0]  }
0x512: {  	v9 =	vand.u32 $0x7F, v4  }
0x513: {  	v4 =	vadd.s32 v0, v9  }
0x514: {  	s15 =	simm.s32 $0x0  }
0x515: {  	v6 =	vmov s15;
	v7 =	vld [tilespmem:s5+$0xFFFFFFC0]  }
0x516: {  	v14 =	vand.u32 $0x7E, v6;
	v5 =	vadd.f32 $1.000000000e+00, v5  }
0x517: {  	s8 =	simm.s32 $0xA4C0;
	s16 =	simm.s32 $0x3;
	v6 =	vadd.s32 v0, v14  }
0x518: {  	v8 =	vld [tilespmem:s8+$0x0];
	[tilespmem:v4+s25+$0x0] =	vst.idx.msk $0xffff, v5;
	v4 =	vmov s16  }
0x519: {  	v4 =	vand.u32 $0x7F, v4;
	v10 =	vld [tilespmem:s5+$0x10]  }
0x51a: {  	v5 =	vadd.f32 $1.000000000e+00, v7;
	v7 =	vadd.s32 v0, v4  }
0x51b: {  	v11 =	vadd.s32 v1, v9;
	s17 =	simm.s32 $0x2  }
0x51c: {  	v12 =	vld [tilespmem:s8+$0xFFFFFFC0];
	[tilespmem:v6+s25+$0x0] =	vst.idx.msk $0xffff, v5;
	v5 =	vmov s17  }
0x51d: {  	v6 =	vadd.f32 $1.000000000e+00, v8;
	v5 =	vand.u32 $0x7E, v5;
	v8 =	vld [tilespmem:s5+$0xFFFFFFD0]  }
0x51e: {  	s21 =	simm.s32 $0x5;
	s9 =	simm.s32 $0xA540;
	v13 =	vadd.s32 v0, v5;
	v10 =	vadd.f32 $1.000000000e+00, v10  }
0x51f: {  	v15 =	vld [tilespmem:s9+$0x0];
	[tilespmem:v7+s25+$0x0] =	vst.idx.msk $0xffff, v6;
	v7 =	vadd.s32 v1, v14;
	v6 =	vmov s21  }
0x520: {  	[tilespmem:v11+s25+$0x0] =	vst.idx.msk $0xffff, v10;
	v6 =	vand.u32 $0x7F, v6;
	v10 =	vld [tilespmem:s8+$0x10]  }
0x521: {  	v11 =	vadd.f32 $1.000000000e+00, v12;
	v12 =	vadd.s32 v0, v6;
	v16 =	vld [tilespmem:s5+$0x20]  }
0x522: {  	s22 =	simm.s32 $0x4;
	v17 =	vadd.s32 v1, v4;
	v8 =	vadd.f32 $1.000000000e+00, v8  }
0x523: {  	v18 =	vadd.s32 v2, v9;
	[tilespmem:v13+s25+$0x0] =	vst.idx.msk $0xffff, v11;
	v11 =	vmov s22;
	v13 =	vld [tilespmem:s9+$0xFFFFFFC0]  }
0x524: {  	[tilespmem:v7+s25+$0x0] =	vst.idx.msk $0xffff, v8;
	v7 =	vand.u32 $0x7E, v11;
	v8 =	vadd.f32 $1.000000000e+00, v15;
	v11 =	vld [tilespmem:s8+$0xFFFFFFD0]  }
0x525: {  	s14 =	simm.s32 $0xA5C0;
	s24 =	simm.s32 $0x7;
	v15 =	vadd.s32 v0, v7;
	v10 =	vadd.f32 $1.000000000e+00, v10;
	v19 =	vld [tilespmem:s5+$0xFFFFFFE0]  }
0x526: {  	v20 =	vld [tilespmem:s14+$0x0];
	[tilespmem:v12+s25+$0x0] =	vst.idx.msk $0xffff, v8;
	v12 =	vadd.s32 v1, v5;
	v16 =	vadd.f32 $1.000000000e+00, v16;
	v8 =	vmov s24  }
0x527: {  	[tilespmem:v17+s25+$0x0] =	vst.idx.msk $0xffff, v10;
	v10 =	vadd.s32 v2, v14;
	v8 =	vand.u32 $0x7F, v8;
	v17 =	vld [tilespmem:s9+$0x10]  }
0x528: {  	v13 =	vadd.f32 $1.000000000e+00, v13;
	[tilespmem:v18+s25+$0x0] =	vst.idx.msk $0xffff, v16;
	v16 =	vadd.s32 v0, v8;
	v18 =	vld [tilespmem:s8+$0x20]  }
0x529: {  	s26 =	simm.s32 $0x6;
	v21 =	vadd.s32 v1, v6;
	v11 =	vadd.f32 $1.000000000e+00, v11;
	v22 =	vld [tilespmem:s5+$0x30]  }
0x52a: {  	v23 =	vadd.s32 v2, v4;
	[tilespmem:v15+s25+$0x0] =	vst.idx.msk $0xffff, v13;
	v13 =	vadd.f32 $1.000000000e+00, v19;
	v15 =	vld [tilespmem:s14+$0xFFFFFFC0];
	v19 =	vmov s26  }
0x52b: {  	v25 =	vadd.s32 v3, v9;
	[tilespmem:v12+s25+$0x0] =	vst.idx.msk $0xffff, v11;
	v12 =	vadd.f32 $1.000000000e+00, v20;
	v24 =	vld [tilespmem:s9+$0xFFFFFFD0];
	v9 =	vand.u32 $0x7E, v19  }
0x52c: {  	[tilespmem:v10+s25+$0x0] =	vst.idx.msk $0xffff, v13;
	v10 =	vadd.f32 $1.000000000e+00, v17;
	v11 =	vld [tilespmem:s8+$0xFFFFFFE0];
	v17 =	vadd.s32 v0, v9  }
0x52d: {  	s15 =	simm.s32 $0xA640;
	s16 =	simm.s32 $0x9;
	[tilespmem:v16+s25+$0x0] =	vst.idx.msk $0xffff, v12;
	v20 =	vadd.f32 $1.000000000e+00, v18;
	v12 =	vld [tilespmem:s5+$0xFFFFFFF0];
	v16 =	vadd.s32 v1, v7  }
0x52e: {  	v19 =	vld [tilespmem:s15+$0x0];
	v13 =	vadd.s32 v2, v5;
	v18 =	vmov s16;
	[tilespmem:v21+s25+$0x0] =	vst.idx.msk $0xffff, v10;
	v26 =	vadd.f32 $1.000000000e+00, v22  }
0x52f: {  	v14 =	vadd.s32 v3, v14;
	v10 =	vand.u32 $0x7F, v18;
	v18 =	vld [tilespmem:s14+$0x10];
	v22 =	vadd.f32 $1.000000000e+00, v15;
	[tilespmem:v23+s25+$0x0] =	vst.idx.msk $0xffff, v20  }
0x530: {  	s17 =	simm.s32 $0x8;
	s16 =	simm.s32 $0xA;
	s5 =	simm.s32 $0xA640;
	v20 =	vadd.s32 v0, v10;
	v15 =	vld [tilespmem:s9+$0x20];
	v21 =	vadd.f32 $1.000000000e+00, v24;
	[tilespmem:v25+s25+$0x0] =	vst.idx.msk $0xffff, v26  }
.LBB2_44:
0x531: {  	p0 =	slt.u32 s16, $0x7E;
	[tilespmem:v17+s25+$0x0] =	vst.idx.msk $0xffff, v22;
	v22 =	vadd.s32 v1, v8;
	v11 =	vadd.f32 $1.000000000e+00, v11;
	v23 =	vld [tilespmem:s8+$0x30]  }
0x532: {  	v17 =	vmov s17;
	s17 =	smov.u32 s16;
	v24 =	vld [tilespmem:s15+$0xFFFFFFC0];
	[tilespmem:v16+s25+$0x0] =	vst.idx.msk $0xffff, v21;
	v21 =	vadd.s32 v2, v6;
	v12 =	vadd.f32 $1.000000000e+00, v12  }
0x533: {  	v27 =	vadd.s32 v3, v4;
	v4 =	vmovc v6;
	v25 =	vand.u32 $0x7E, v17;
	v16 =	vadd.f32 $1.000000000e+00, v19;
	v26 =	vld [tilespmem:s14+$0xFFFFFFD0];
	[tilespmem:v13+s25+$0x0] =	vst.idx.msk $0xffff, v11  }
.Ltmp21:
0x534: {  	v6 =	vmovc v8;
	v8 =	vmov v10;
	v17 =	vadd.s32 v0, v25;
	v13 =	vadd.f32 $1.000000000e+00, v18;
	v11 =	vld [tilespmem:s9+$0xFFFFFFE0];
	[tilespmem:v14+s25+$0x0] =	vst.idx.msk $0xffff, v12;
	(pc) =	sbr.rel @p0 .LBB2_44-.Ltmp21, $4  }
0x535: {  	s21 =	sadd.s32 $0x1, s16;
	s15 =	sadd.s32 $0x80, s15;
	[tilespmem:v20+s25+$0x0] =	vst.idx.msk $0xffff, v16;
	v16 =	vadd.s32 v1, v9;
	v14 =	vadd.f32 $1.000000000e+00, v15;
	v12 =	vld [tilespmem:s8+$0xFFFFFFF0];
	s8 =	smov.u32 s9  }
0x536: {  	v10 =	vmov s21;
	s9 =	smov.u32 s14;
	s14 =	smov.u32 s5;
	s5 =	smov.u32 s15;
	v19 =	vld [tilespmem:s15+$0x0];
	[tilespmem:v22+s25+$0x0] =	vst.idx.msk $0xffff, v13;
	v13 =	vadd.s32 v2, v7;
	v23 =	vadd.f32 $1.000000000e+00, v23  }
0x537: {  	v10 =	vand.u32 $0x7F, v10;
	v22 =	vadd.f32 $1.000000000e+00, v24;
	v18 =	vld [tilespmem:s14+$0x10];
	[tilespmem:v21+s25+$0x0] =	vst.idx.msk $0xffff, v14;
	v14 =	vadd.s32 v3, v5;
	v5 =	vmovc v7  }
0x538: {  	s16 =	sadd.s32 $0x2, s16;
	v20 =	vadd.s32 v0, v10;
	v7 =	vmovc v9;
	v9 =	vmov v25;
	v21 =	vadd.f32 $1.000000000e+00, v26;
	v15 =	vld [tilespmem:s9+$0x20];
	[tilespmem:v27+s25+$0x0] =	vst.idx.msk $0xffff, v23  }
0x539: {  	v23 =	vmov s17;
	v24 =	vld [tilespmem:s15+$0xFFFFFFC0]  }
0x53a: {  	v23 =	vand.u32 $0x7E, v23  }
0x53b: {  	v25 =	vadd.s32 v0, v23;
	_ =	sdelay $0x1  }
0x53c: {  	v19 =	vadd.f32 $1.000000000e+00, v19  }
0x53d: {  	[tilespmem:v17+s25+$0x0] =	vst.idx.msk $0xffff, v22;
	v62 =	vadd.f32 $1.000000000e+00, v24  }
0x53e: {  	v22 =	vld [tilespmem:s14+$0xFFFFFFD0];
	[tilespmem:v20+s25+$0x0] =	vst.idx.msk $0xffff, v19  }
0x53f: {  	v63 =	vadd.s32 v1, v8;
	v20 =	vld [tilespmem:s5+$0x10];
	[tilespmem:v25+s25+$0x0] =	vst.idx.msk $0xffff, v62  }
0x540: {  	v28 =	vadd.s32 v1, v9;
	v29 =	vld [tilespmem:s5+$0xFFFFFFD0]  }
0x541: {  	v30 =	vadd.s32 v1, v10  }
0x542: {  	v26 =	vadd.s32 v1, v23;
	v18 =	vadd.f32 $1.000000000e+00, v18  }
0x543: {  	[tilespmem:v16+s25+$0x0] =	vst.idx.msk $0xffff, v21;
	v31 =	vadd.f32 $1.000000000e+00, v22  }
0x544: {  	v32 =	vld [tilespmem:s9+$0xFFFFFFE0];
	[tilespmem:v63+s25+$0x0] =	vst.idx.msk $0xffff, v18;
	v33 =	vadd.f32 $1.000000000e+00, v20  }
0x545: {  	v34 =	vadd.s32 v2, v6;
	v35 =	vld [tilespmem:s14+$0x20];
	[tilespmem:v28+s25+$0x0] =	vst.idx.msk $0xffff, v31;
	v36 =	vadd.f32 $1.000000000e+00, v29  }
0x546: {  	v11 =	vadd.f32 $1.000000000e+00, v11;
	v37 =	vadd.s32 v2, v7;
	v38 =	vld [tilespmem:s14+$0xFFFFFFE0];
	[tilespmem:v30+s25+$0x0] =	vst.idx.msk $0xffff, v33  }
0x547: {  	v39 =	vadd.s32 v2, v8;
	v12 =	vadd.f32 $1.000000000e+00, v12;
	v40 =	vld [tilespmem:s5+$0x20];
	[tilespmem:v26+s25+$0x0] =	vst.idx.msk $0xffff, v36  }
0x548: {  	v42 =	vadd.s32 v2, v9;
	[tilespmem:v13+s25+$0x0] =	vst.idx.msk $0xffff, v11;
	v41 =	vadd.f32 $1.000000000e+00, v15;
	v43 =	vld [tilespmem:s5+$0xFFFFFFE0]  }
0x549: {  	v44 =	vld [tilespmem:s8+$0x30];
	v46 =	vadd.s32 v2, v10;
	[tilespmem:v14+s25+$0x0] =	vst.idx.msk $0xffff, v12;
	v45 =	vadd.f32 $1.000000000e+00, v32  }
0x54a: {  	v49 =	vadd.s32 v2, v23;
	v47 =	vld [tilespmem:s8+$0xFFFFFFF0];
	[tilespmem:v34+s25+$0x0] =	vst.idx.msk $0xffff, v41;
	v48 =	vadd.f32 $1.000000000e+00, v35  }
0x54b: {  	v4 =	vadd.s32 v3, v4;
	[tilespmem:v37+s25+$0x0] =	vst.idx.msk $0xffff, v45;
	v20 =	vld [tilespmem:s9+$0x30];
	v50 =	vadd.f32 $1.000000000e+00, v38  }
0x54c: {  	v5 =	vadd.s32 v3, v5;
	v51 =	vld [tilespmem:s9+$0xFFFFFFF0];
	[tilespmem:v39+s25+$0x0] =	vst.idx.msk $0xffff, v48;
	v52 =	vadd.f32 $1.000000000e+00, v40  }
0x54d: {  	v53 =	vadd.s32 v3, v6;
	v54 =	vld [tilespmem:s14+$0x30];
	[tilespmem:v42+s25+$0x0] =	vst.idx.msk $0xffff, v50;
	v55 =	vadd.f32 $1.000000000e+00, v43  }
0x54e: {  	v57 =	vadd.s32 v3, v7;
	v56 =	vadd.f32 $1.000000000e+00, v44;
	v58 =	vld [tilespmem:s14+$0xFFFFFFF0];
	[tilespmem:v46+s25+$0x0] =	vst.idx.msk $0xffff, v52  }
0x54f: {  	v60 =	vadd.s32 v3, v8;
	v59 =	vadd.f32 $1.000000000e+00, v47;
	v14 =	vld [tilespmem:s5+$0x30];
	[tilespmem:v49+s25+$0x0] =	vst.idx.msk $0xffff, v55  }
0x550: {  	v61 =	vadd.s32 v3, v9;
	[tilespmem:v4+s25+$0x0] =	vst.idx.msk $0xffff, v56;
	v4 =	vadd.f32 $1.000000000e+00, v20;
	v12 =	vld [tilespmem:s5+$0xFFFFFFF0]  }
0x551: {  	v62 =	vadd.s32 v3, v10;
	[tilespmem:v5+s25+$0x0] =	vst.idx.msk $0xffff, v59;
	v5 =	vadd.f32 $1.000000000e+00, v51  }
0x552: {  	v63 =	vadd.s32 v3, v23;
	[tilespmem:v53+s25+$0x0] =	vst.idx.msk $0xffff, v4;
	v4 =	vadd.f32 $1.000000000e+00, v54  }
0x553: {  	[tilespmem:v57+s25+$0x0] =	vst.idx.msk $0xffff, v5;
	v5 =	vadd.f32 $1.000000000e+00, v58  }
0x554: {  	[tilespmem:v60+s25+$0x0] =	vst.idx.msk $0xffff, v4;
	v4 =	vadd.f32 $1.000000000e+00, v14  }
0x555: {  	[tilespmem:v61+s25+$0x0] =	vst.idx.msk $0xffff, v5;
	v5 =	vadd.f32 $1.000000000e+00, v12  }
0x556: {  	[tilespmem:v62+s25+$0x0] =	vst.idx.msk $0xffff, v4  }
0x557: {  	[tilespmem:v63+s25+$0x0] =	vst.idx.msk $0xffff, v5  }
0x558: {  	s17 =	simm.s32 $0x12800;
	s16 =	rddreg [dreg:$0xa]  }
0x559: {  	[hbm4b:s16+s3] =	stream.linear.scatter [tilespmem:s17], [sflag:$0x7], $0x80, $0x38;
	[tilespmem:$0x16C00] =	vst v63  }
0x55a: {  	s21 =	simm.s32 $0x12888;
	s22 =	sadd.s32 $0x10, s16  }
0x55b: {  	[hbm4b:s22+s3] =	stream.linear.scatter [tilespmem:s21], [sflag:$0x7], $0x80, $0x38;
	[tilespmem:$0x16C00] =	vst v63  }
0x55c: {  	s24 =	simm.s32 $0x12910;
	s15 =	simm.s32 $0x12A20;
	s26 =	sadd.s32 $0x20, s16  }
0x55d: {  	[hbm4b:s26+s3] =	stream.linear.scatter [tilespmem:s24], [sflag:$0x7], $0x80, $0x38;
	[tilespmem:$0x16C00] =	vst v63  }
0x55e: {  	s9 =	simm.s32 $0x12998;
	s5 =	simm.s32 $0x440;
	s14 =	sadd.s32 $0x30, s16  }
0x55f: {  	[hbm4b:s14+s3] =	stream.linear.scatter [tilespmem:s9], [sflag:$0x7], $0x80, $0x38;
	[tilespmem:$0x16C00] =	vst v63  }
0x560: {  	s17 =	sadd.s32 $0x40, s16;
	s8 =	sadd.s32 $0x1000, s16;
	s21 =	simm.s32 $0x12AA8  }
0x561: {  	[hbm4b:s17+s3] =	stream.linear.scatter [tilespmem:s15], [sflag:$0x7], $0x80, $0x38;
	[tilespmem:$0x16C00] =	vst v63  }
0x562: {  	s22 =	sadd.s32 $0x50, s16;
	s24 =	simm.s32 $0x12B30;
	s26 =	sadd.s32 $0x60, s16  }
0x563: {  	[hbm4b:s22+s3] =	stream.linear.scatter [tilespmem:s21], [sflag:$0x7], $0x80, $0x38;
	[tilespmem:$0x16C00] =	vst v63  }
0x564: {  	s9 =	simm.s32 $0x2200;
	s14 =	simm.s32 $0x12BB8;
	s15 =	sadd.s32 $0x70, s16  }
0x565: {  	[hbm4b:s26+s3] =	stream.linear.scatter [tilespmem:s24], [sflag:$0x7], $0x80, $0x38;
	[tilespmem:$0x16C00] =	vst v63  }
.LBB2_46:
0x566: {  	[hbm4b:s15+s3] =	stream.linear.scatter [tilespmem:s14], [sflag:$0x7], $0x80, $0x38;
	[tilespmem:$0x16C00] =	vst v63  }
0x567: {  	s14 =	smov.u32 s5;
	s5 =	smov.u32 s9  }
0x568: {  	s16 =	sadd.s32 $0x1100, s9;
	s5 =	sshra.s32 s5, $0x2;
	s15 =	sadd.s32 $0x12800, s14  }
0x569: {  	[hbm4b:s8+s3] =	stream.linear.scatter [tilespmem:s15], [sflag:$0x7], $0x80, $0x38;
	[tilespmem:$0x16C00] =	vst v63  }
0x56a: {  	p0 =	sne.s32 s9, $0x7700;
	s9 =	sadd.s32 $0x12888, s14;
	s15 =	sadd.s32 $0x10, s8  }
0x56b: {  	[hbm4b:s15+s3] =	stream.linear.scatter [tilespmem:s9], [sflag:$0x7], $0x80, $0x38;
	[tilespmem:$0x16C00] =	vst v63  }
0x56c: {  	s9 =	sadd.s32 $0x12910, s14;
	s15 =	sadd.s32 $0x20, s8  }
0x56d: {  	[hbm4b:s15+s3] =	stream.linear.scatter [tilespmem:s9], [sflag:$0x7], $0x80, $0x38;
	[tilespmem:$0x16C00] =	vst v63  }
0x56e: {  	s9 =	sadd.s32 $0x12998, s14;
	s15 =	sadd.s32 $0x30, s8  }
0x56f: {  	[hbm4b:s15+s3] =	stream.linear.scatter [tilespmem:s9], [sflag:$0x7], $0x80, $0x38;
	[tilespmem:$0x16C00] =	vst v63  }
0x570: {  	s9 =	sadd.s32 $0x12A20, s14;
	s15 =	sadd.s32 $0x40, s8  }
0x571: {  	[hbm4b:s15+s3] =	stream.linear.scatter [tilespmem:s9], [sflag:$0x7], $0x80, $0x38;
	[tilespmem:$0x16C00] =	vst v63  }
.Ltmp22:
0x572: {  	s9 =	sadd.s32 $0x12AA8, s14;
	s15 =	sadd.s32 $0x50, s8;
	(pc) =	sbr.rel @p0 .LBB2_46-.Ltmp22, $4  }
0x573: {  	[hbm4b:s15+s3] =	stream.linear.scatter [tilespmem:s9], [sflag:$0x7], $0x80, $0x38;
	[tilespmem:$0x16C00] =	vst v63  }
0x574: {  	s9 =	sadd.s32 $0x12B30, s14;
	s15 =	sadd.s32 $0x60, s8;
	s14 =	sadd.s32 $0x12BB8, s14  }
0x575: {  	[hbm4b:s15+s3] =	stream.linear.scatter [tilespmem:s9], [sflag:$0x7], $0x80, $0x38;
	[tilespmem:$0x16C00] =	vst v63  }
0x576: {  	s15 =	sadd.s32 $0x70, s8;
	s8 =	sadd.s32 $0x1000, s8;
	s9 =	smov.u32 s16  }
0x577: {  	[hbm4b:s15+s3] =	stream.linear.scatter [tilespmem:s14], [sflag:$0x7], $0x80, $0x38;
	[tilespmem:$0x16C00] =	vst v63  }
0x578: {  	s9 =	sadd.s32 $0x12800, s5  }
0x579: {  	[hbm4b:s8+s3] =	stream.linear.scatter [tilespmem:s9], [sflag:$0x7], $0x80, $0x38;
	[tilespmem:$0x16C00] =	vst v63  }
0x57a: {  	s16 =	sadd.s32 $0x12888, s5;
	s17 =	sadd.s32 $0x10, s8  }
0x57b: {  	[hbm4b:s17+s3] =	stream.linear.scatter [tilespmem:s16], [sflag:$0x7], $0x80, $0x38;
	[tilespmem:$0x16C00] =	vst v63  }
0x57c: {  	s21 =	sadd.s32 $0x12910, s5;
	s22 =	sadd.s32 $0x20, s8  }
0x57d: {  	[hbm4b:s22+s3] =	stream.linear.scatter [tilespmem:s21], [sflag:$0x7], $0x80, $0x38;
	[tilespmem:$0x16C00] =	vst v63  }
0x57e: {  	s24 =	sadd.s32 $0x12998, s5;
	s26 =	sadd.s32 $0x30, s8  }
0x57f: {  	[hbm4b:s26+s3] =	stream.linear.scatter [tilespmem:s24], [sflag:$0x7], $0x80, $0x38;
	[tilespmem:$0x16C00] =	vst v63  }
0x580: {  	s15 =	sadd.s32 $0x12A20, s5;
	s16 =	sadd.s32 $0x40, s8  }
0x581: {  	[hbm4b:s16+s3] =	stream.linear.scatter [tilespmem:s15], [sflag:$0x7], $0x80, $0x38;
	[tilespmem:$0x16C00] =	vst v63  }
0x582: {  	s17 =	sadd.s32 $0x12AA8, s5;
	s21 =	sadd.s32 $0x50, s8  }
0x583: {  	[hbm4b:s21+s3] =	stream.linear.scatter [tilespmem:s17], [sflag:$0x7], $0x80, $0x38;
	[tilespmem:$0x16C00] =	vst v63  }
0x584: {  	s22 =	sadd.s32 $0x12B30, s5;
	s24 =	sadd.s32 $0x60, s8  }
0x585: {  	[hbm4b:s24+s3] =	stream.linear.scatter [tilespmem:s22], [sflag:$0x7], $0x80, $0x38;
	[tilespmem:$0x16C00] =	vst v63  }
0x586: {  	s9 =	sadd.s32 $0x70, s8;
	s26 =	sadd.s32 $0x12BB8, s5  }
0x587: {  	[hbm4b:s9+s3] =	stream.linear.scatter [tilespmem:s26], [sflag:$0x7], $0x80, $0x38;
	[tilespmem:$0x16C00] =	vst v63  }
0x588: {  	_ =	swait.ge [sflag:s0], $0x2000  }
0x589: {  	[sflag:s0] =	ssyncset.done $0x0  }
0x58a: {  	[sflag:s0] =	ssyncadd.s32 $0xFFFFE000  }
0x58b: {  	_ =	swait.ge [sflag:s7], $0x2000  }
0x58c: {  	[sflag:s7] =	ssyncset.done $0x0  }
0x58d: {  	s14 =	simm.s32 $0x1;
	s5 =	simm.s32 $0xC440;
	[sflag:s7] =	ssyncadd.s32 $0xFFFFE000  }
0x58e: {  	v4 =	vmov s14;
	v5 =	vld [tilespmem:s5+$0x0]  }
0x58f: {  	v9 =	vand.u32 $0x7F, v4  }
0x590: {  	v4 =	vadd.s32 v0, v9  }
0x591: {  	s15 =	simm.s32 $0x0  }
0x592: {  	v6 =	vmov s15;
	v7 =	vld [tilespmem:s5+$0xFFFFFFC0]  }
0x593: {  	v14 =	vand.u32 $0x7E, v6;
	v5 =	vadd.f32 $1.000000000e+00, v5  }
0x594: {  	s8 =	simm.s32 $0xC4C0;
	s16 =	simm.s32 $0x3;
	v6 =	vadd.s32 v0, v14  }
0x595: {  	v8 =	vld [tilespmem:s8+$0x0];
	[tilespmem:v4+s30+$0x0] =	vst.idx.msk $0xffff, v5;
	v4 =	vmov s16  }
0x596: {  	v4 =	vand.u32 $0x7F, v4;
	v10 =	vld [tilespmem:s5+$0x10]  }
0x597: {  	v5 =	vadd.f32 $1.000000000e+00, v7;
	v7 =	vadd.s32 v0, v4  }
0x598: {  	v11 =	vadd.s32 v1, v9;
	s17 =	simm.s32 $0x2  }
0x599: {  	v12 =	vld [tilespmem:s8+$0xFFFFFFC0];
	[tilespmem:v6+s30+$0x0] =	vst.idx.msk $0xffff, v5;
	v5 =	vmov s17  }
0x59a: {  	v6 =	vadd.f32 $1.000000000e+00, v8;
	v5 =	vand.u32 $0x7E, v5;
	v8 =	vld [tilespmem:s5+$0xFFFFFFD0]  }
0x59b: {  	s21 =	simm.s32 $0x5;
	s9 =	simm.s32 $0xC540;
	v13 =	vadd.s32 v0, v5;
	v10 =	vadd.f32 $1.000000000e+00, v10  }
0x59c: {  	v15 =	vld [tilespmem:s9+$0x0];
	[tilespmem:v7+s30+$0x0] =	vst.idx.msk $0xffff, v6;
	v7 =	vadd.s32 v1, v14;
	v6 =	vmov s21  }
0x59d: {  	[tilespmem:v11+s30+$0x0] =	vst.idx.msk $0xffff, v10;
	v6 =	vand.u32 $0x7F, v6;
	v10 =	vld [tilespmem:s8+$0x10]  }
0x59e: {  	v11 =	vadd.f32 $1.000000000e+00, v12;
	v12 =	vadd.s32 v0, v6;
	v16 =	vld [tilespmem:s5+$0x20]  }
0x59f: {  	s22 =	simm.s32 $0x4;
	v17 =	vadd.s32 v1, v4;
	v8 =	vadd.f32 $1.000000000e+00, v8  }
0x5a0: {  	v18 =	vadd.s32 v2, v9;
	[tilespmem:v13+s30+$0x0] =	vst.idx.msk $0xffff, v11;
	v11 =	vmov s22;
	v13 =	vld [tilespmem:s9+$0xFFFFFFC0]  }
0x5a1: {  	[tilespmem:v7+s30+$0x0] =	vst.idx.msk $0xffff, v8;
	v7 =	vand.u32 $0x7E, v11;
	v8 =	vadd.f32 $1.000000000e+00, v15;
	v11 =	vld [tilespmem:s8+$0xFFFFFFD0]  }
0x5a2: {  	s14 =	simm.s32 $0xC5C0;
	s24 =	simm.s32 $0x7;
	v15 =	vadd.s32 v0, v7;
	v10 =	vadd.f32 $1.000000000e+00, v10;
	v19 =	vld [tilespmem:s5+$0xFFFFFFE0]  }
0x5a3: {  	v20 =	vld [tilespmem:s14+$0x0];
	[tilespmem:v12+s30+$0x0] =	vst.idx.msk $0xffff, v8;
	v12 =	vadd.s32 v1, v5;
	v16 =	vadd.f32 $1.000000000e+00, v16;
	v8 =	vmov s24  }
0x5a4: {  	[tilespmem:v17+s30+$0x0] =	vst.idx.msk $0xffff, v10;
	v10 =	vadd.s32 v2, v14;
	v8 =	vand.u32 $0x7F, v8;
	v17 =	vld [tilespmem:s9+$0x10]  }
0x5a5: {  	v13 =	vadd.f32 $1.000000000e+00, v13;
	[tilespmem:v18+s30+$0x0] =	vst.idx.msk $0xffff, v16;
	v16 =	vadd.s32 v0, v8;
	v18 =	vld [tilespmem:s8+$0x20]  }
0x5a6: {  	s26 =	simm.s32 $0x6;
	v21 =	vadd.s32 v1, v6;
	v11 =	vadd.f32 $1.000000000e+00, v11;
	v22 =	vld [tilespmem:s5+$0x30]  }
0x5a7: {  	v23 =	vadd.s32 v2, v4;
	[tilespmem:v15+s30+$0x0] =	vst.idx.msk $0xffff, v13;
	v13 =	vadd.f32 $1.000000000e+00, v19;
	v15 =	vld [tilespmem:s14+$0xFFFFFFC0];
	v19 =	vmov s26  }
0x5a8: {  	v25 =	vadd.s32 v3, v9;
	[tilespmem:v12+s30+$0x0] =	vst.idx.msk $0xffff, v11;
	v12 =	vadd.f32 $1.000000000e+00, v20;
	v24 =	vld [tilespmem:s9+$0xFFFFFFD0];
	v9 =	vand.u32 $0x7E, v19  }
0x5a9: {  	[tilespmem:v10+s30+$0x0] =	vst.idx.msk $0xffff, v13;
	v10 =	vadd.f32 $1.000000000e+00, v17;
	v11 =	vld [tilespmem:s8+$0xFFFFFFE0];
	v17 =	vadd.s32 v0, v9  }
0x5aa: {  	s15 =	simm.s32 $0xC640;
	s16 =	simm.s32 $0x9;
	[tilespmem:v16+s30+$0x0] =	vst.idx.msk $0xffff, v12;
	v20 =	vadd.f32 $1.000000000e+00, v18;
	v12 =	vld [tilespmem:s5+$0xFFFFFFF0];
	v16 =	vadd.s32 v1, v7  }
0x5ab: {  	v19 =	vld [tilespmem:s15+$0x0];
	v13 =	vadd.s32 v2, v5;
	v18 =	vmov s16;
	[tilespmem:v21+s30+$0x0] =	vst.idx.msk $0xffff, v10;
	v26 =	vadd.f32 $1.000000000e+00, v22  }
0x5ac: {  	v14 =	vadd.s32 v3, v14;
	v10 =	vand.u32 $0x7F, v18;
	v18 =	vld [tilespmem:s14+$0x10];
	v22 =	vadd.f32 $1.000000000e+00, v15;
	[tilespmem:v23+s30+$0x0] =	vst.idx.msk $0xffff, v20  }
0x5ad: {  	s17 =	simm.s32 $0x8;
	s16 =	simm.s32 $0xA;
	s5 =	simm.s32 $0xC640;
	v20 =	vadd.s32 v0, v10;
	v15 =	vld [tilespmem:s9+$0x20];
	v21 =	vadd.f32 $1.000000000e+00, v24;
	[tilespmem:v25+s30+$0x0] =	vst.idx.msk $0xffff, v26  }
.LBB2_48:
0x5ae: {  	p0 =	slt.u32 s16, $0x7E;
	[tilespmem:v17+s30+$0x0] =	vst.idx.msk $0xffff, v22;
	v22 =	vadd.s32 v1, v8;
	v11 =	vadd.f32 $1.000000000e+00, v11;
	v23 =	vld [tilespmem:s8+$0x30]  }
0x5af: {  	v17 =	vmov s17;
	s17 =	smov.u32 s16;
	v24 =	vld [tilespmem:s15+$0xFFFFFFC0];
	[tilespmem:v16+s30+$0x0] =	vst.idx.msk $0xffff, v21;
	v21 =	vadd.s32 v2, v6;
	v12 =	vadd.f32 $1.000000000e+00, v12  }
0x5b0: {  	v27 =	vadd.s32 v3, v4;
	v4 =	vmovc v6;
	v25 =	vand.u32 $0x7E, v17;
	v16 =	vadd.f32 $1.000000000e+00, v19;
	v26 =	vld [tilespmem:s14+$0xFFFFFFD0];
	[tilespmem:v13+s30+$0x0] =	vst.idx.msk $0xffff, v11  }
.Ltmp23:
0x5b1: {  	v6 =	vmovc v8;
	v8 =	vmov v10;
	v17 =	vadd.s32 v0, v25;
	v13 =	vadd.f32 $1.000000000e+00, v18;
	v11 =	vld [tilespmem:s9+$0xFFFFFFE0];
	[tilespmem:v14+s30+$0x0] =	vst.idx.msk $0xffff, v12;
	(pc) =	sbr.rel @p0 .LBB2_48-.Ltmp23, $4  }
0x5b2: {  	s21 =	sadd.s32 $0x1, s16;
	s15 =	sadd.s32 $0x80, s15;
	[tilespmem:v20+s30+$0x0] =	vst.idx.msk $0xffff, v16;
	v16 =	vadd.s32 v1, v9;
	v14 =	vadd.f32 $1.000000000e+00, v15;
	v12 =	vld [tilespmem:s8+$0xFFFFFFF0];
	s8 =	smov.u32 s9  }
0x5b3: {  	v10 =	vmov s21;
	s9 =	smov.u32 s14;
	s14 =	smov.u32 s5;
	s5 =	smov.u32 s15;
	v19 =	vld [tilespmem:s15+$0x0];
	[tilespmem:v22+s30+$0x0] =	vst.idx.msk $0xffff, v13;
	v13 =	vadd.s32 v2, v7;
	v23 =	vadd.f32 $1.000000000e+00, v23  }
0x5b4: {  	v10 =	vand.u32 $0x7F, v10;
	v22 =	vadd.f32 $1.000000000e+00, v24;
	v18 =	vld [tilespmem:s14+$0x10];
	[tilespmem:v21+s30+$0x0] =	vst.idx.msk $0xffff, v14;
	v14 =	vadd.s32 v3, v5;
	v5 =	vmovc v7  }
0x5b5: {  	s16 =	sadd.s32 $0x2, s16;
	v20 =	vadd.s32 v0, v10;
	v7 =	vmovc v9;
	v9 =	vmov v25;
	v21 =	vadd.f32 $1.000000000e+00, v26;
	v15 =	vld [tilespmem:s9+$0x20];
	[tilespmem:v27+s30+$0x0] =	vst.idx.msk $0xffff, v23  }
0x5b6: {  	v23 =	vmov s17;
	v24 =	vld [tilespmem:s15+$0xFFFFFFC0]  }
0x5b7: {  	v23 =	vand.u32 $0x7E, v23  }
0x5b8: {  	v25 =	vadd.s32 v0, v23;
	_ =	sdelay $0x1  }
0x5b9: {  	v19 =	vadd.f32 $1.000000000e+00, v19  }
0x5ba: {  	[tilespmem:v17+s30+$0x0] =	vst.idx.msk $0xffff, v22;
	v62 =	vadd.f32 $1.000000000e+00, v24  }
0x5bb: {  	v22 =	vld [tilespmem:s14+$0xFFFFFFD0];
	[tilespmem:v20+s30+$0x0] =	vst.idx.msk $0xffff, v19  }
0x5bc: {  	v63 =	vadd.s32 v1, v8;
	v20 =	vld [tilespmem:s5+$0x10];
	[tilespmem:v25+s30+$0x0] =	vst.idx.msk $0xffff, v62  }
0x5bd: {  	v28 =	vadd.s32 v1, v9;
	v29 =	vld [tilespmem:s5+$0xFFFFFFD0]  }
0x5be: {  	v30 =	vadd.s32 v1, v10  }
0x5bf: {  	v26 =	vadd.s32 v1, v23;
	v18 =	vadd.f32 $1.000000000e+00, v18  }
0x5c0: {  	[tilespmem:v16+s30+$0x0] =	vst.idx.msk $0xffff, v21;
	v31 =	vadd.f32 $1.000000000e+00, v22  }
0x5c1: {  	v32 =	vld [tilespmem:s9+$0xFFFFFFE0];
	[tilespmem:v63+s30+$0x0] =	vst.idx.msk $0xffff, v18;
	v33 =	vadd.f32 $1.000000000e+00, v20  }
0x5c2: {  	v34 =	vadd.s32 v2, v6;
	v35 =	vld [tilespmem:s14+$0x20];
	[tilespmem:v28+s30+$0x0] =	vst.idx.msk $0xffff, v31;
	v36 =	vadd.f32 $1.000000000e+00, v29  }
0x5c3: {  	v11 =	vadd.f32 $1.000000000e+00, v11;
	v37 =	vadd.s32 v2, v7;
	v38 =	vld [tilespmem:s14+$0xFFFFFFE0];
	[tilespmem:v30+s30+$0x0] =	vst.idx.msk $0xffff, v33  }
0x5c4: {  	v39 =	vadd.s32 v2, v8;
	v12 =	vadd.f32 $1.000000000e+00, v12;
	v40 =	vld [tilespmem:s5+$0x20];
	[tilespmem:v26+s30+$0x0] =	vst.idx.msk $0xffff, v36  }
0x5c5: {  	v42 =	vadd.s32 v2, v9;
	[tilespmem:v13+s30+$0x0] =	vst.idx.msk $0xffff, v11;
	v41 =	vadd.f32 $1.000000000e+00, v15;
	v43 =	vld [tilespmem:s5+$0xFFFFFFE0]  }
0x5c6: {  	v44 =	vld [tilespmem:s8+$0x30];
	v46 =	vadd.s32 v2, v10;
	[tilespmem:v14+s30+$0x0] =	vst.idx.msk $0xffff, v12;
	v45 =	vadd.f32 $1.000000000e+00, v32  }
0x5c7: {  	v49 =	vadd.s32 v2, v23;
	v47 =	vld [tilespmem:s8+$0xFFFFFFF0];
	[tilespmem:v34+s30+$0x0] =	vst.idx.msk $0xffff, v41;
	v48 =	vadd.f32 $1.000000000e+00, v35  }
0x5c8: {  	v4 =	vadd.s32 v3, v4;
	[tilespmem:v37+s30+$0x0] =	vst.idx.msk $0xffff, v45;
	v20 =	vld [tilespmem:s9+$0x30];
	v50 =	vadd.f32 $1.000000000e+00, v38  }
0x5c9: {  	v5 =	vadd.s32 v3, v5;
	v51 =	vld [tilespmem:s9+$0xFFFFFFF0];
	[tilespmem:v39+s30+$0x0] =	vst.idx.msk $0xffff, v48;
	v52 =	vadd.f32 $1.000000000e+00, v40  }
0x5ca: {  	v53 =	vadd.s32 v3, v6;
	v54 =	vld [tilespmem:s14+$0x30];
	[tilespmem:v42+s30+$0x0] =	vst.idx.msk $0xffff, v50;
	v55 =	vadd.f32 $1.000000000e+00, v43  }
0x5cb: {  	v57 =	vadd.s32 v3, v7;
	v56 =	vadd.f32 $1.000000000e+00, v44;
	v58 =	vld [tilespmem:s14+$0xFFFFFFF0];
	[tilespmem:v46+s30+$0x0] =	vst.idx.msk $0xffff, v52  }
0x5cc: {  	v60 =	vadd.s32 v3, v8;
	v59 =	vadd.f32 $1.000000000e+00, v47;
	v14 =	vld [tilespmem:s5+$0x30];
	[tilespmem:v49+s30+$0x0] =	vst.idx.msk $0xffff, v55  }
0x5cd: {  	v61 =	vadd.s32 v3, v9;
	[tilespmem:v4+s30+$0x0] =	vst.idx.msk $0xffff, v56;
	v4 =	vadd.f32 $1.000000000e+00, v20;
	v12 =	vld [tilespmem:s5+$0xFFFFFFF0]  }
0x5ce: {  	v62 =	vadd.s32 v3, v10;
	[tilespmem:v5+s30+$0x0] =	vst.idx.msk $0xffff, v59;
	v5 =	vadd.f32 $1.000000000e+00, v51  }
0x5cf: {  	v63 =	vadd.s32 v3, v23;
	[tilespmem:v53+s30+$0x0] =	vst.idx.msk $0xffff, v4;
	v4 =	vadd.f32 $1.000000000e+00, v54  }
0x5d0: {  	[tilespmem:v57+s30+$0x0] =	vst.idx.msk $0xffff, v5;
	v5 =	vadd.f32 $1.000000000e+00, v58  }
0x5d1: {  	[tilespmem:v60+s30+$0x0] =	vst.idx.msk $0xffff, v4;
	v4 =	vadd.f32 $1.000000000e+00, v14  }
0x5d2: {  	[tilespmem:v61+s30+$0x0] =	vst.idx.msk $0xffff, v5;
	v5 =	vadd.f32 $1.000000000e+00, v12  }
0x5d3: {  	[tilespmem:v62+s30+$0x0] =	vst.idx.msk $0xffff, v4  }
0x5d4: {  	[tilespmem:v63+s30+$0x0] =	vst.idx.msk $0xffff, v5  }
0x5d5: {  	s17 =	simm.s32 $0x14A00;
	s16 =	rddreg [dreg:$0xb]  }
0x5d6: {  	[hbm4b:s16+s3] =	stream.linear.scatter [tilespmem:s17], [sflag:$0x8], $0x80, $0x38;
	[tilespmem:$0x16C00] =	vst v63  }
0x5d7: {  	s21 =	simm.s32 $0x14A88;
	s22 =	sadd.s32 $0x10, s16  }
0x5d8: {  	[hbm4b:s22+s3] =	stream.linear.scatter [tilespmem:s21], [sflag:$0x8], $0x80, $0x38;
	[tilespmem:$0x16C00] =	vst v63  }
0x5d9: {  	s24 =	simm.s32 $0x14B10;
	s15 =	simm.s32 $0x14C20;
	s26 =	sadd.s32 $0x20, s16  }
0x5da: {  	[hbm4b:s26+s3] =	stream.linear.scatter [tilespmem:s24], [sflag:$0x8], $0x80, $0x38;
	[tilespmem:$0x16C00] =	vst v63  }
0x5db: {  	s9 =	simm.s32 $0x14B98;
	s5 =	simm.s32 $0x440;
	s14 =	sadd.s32 $0x30, s16  }
0x5dc: {  	[hbm4b:s14+s3] =	stream.linear.scatter [tilespmem:s9], [sflag:$0x8], $0x80, $0x38;
	[tilespmem:$0x16C00] =	vst v63  }
0x5dd: {  	s17 =	sadd.s32 $0x40, s16;
	s8 =	sadd.s32 $0x1000, s16;
	s21 =	simm.s32 $0x14CA8  }
0x5de: {  	[hbm4b:s17+s3] =	stream.linear.scatter [tilespmem:s15], [sflag:$0x8], $0x80, $0x38;
	[tilespmem:$0x16C00] =	vst v63  }
0x5df: {  	s22 =	sadd.s32 $0x50, s16;
	s24 =	simm.s32 $0x14D30;
	s26 =	sadd.s32 $0x60, s16  }
0x5e0: {  	[hbm4b:s22+s3] =	stream.linear.scatter [tilespmem:s21], [sflag:$0x8], $0x80, $0x38;
	[tilespmem:$0x16C00] =	vst v63  }
0x5e1: {  	s9 =	simm.s32 $0x2200;
	s14 =	simm.s32 $0x14DB8;
	s15 =	sadd.s32 $0x70, s16  }
0x5e2: {  	[hbm4b:s26+s3] =	stream.linear.scatter [tilespmem:s24], [sflag:$0x8], $0x80, $0x38;
	[tilespmem:$0x16C00] =	vst v63  }
.LBB2_50:
0x5e3: {  	[hbm4b:s15+s3] =	stream.linear.scatter [tilespmem:s14], [sflag:$0x8], $0x80, $0x38;
	[tilespmem:$0x16C00] =	vst v63  }
0x5e4: {  	s14 =	smov.u32 s5;
	s5 =	smov.u32 s9  }
0x5e5: {  	s16 =	sadd.s32 $0x1100, s9;
	s5 =	sshra.s32 s5, $0x2;
	s15 =	sadd.s32 $0x14A00, s14  }
0x5e6: {  	[hbm4b:s8+s3] =	stream.linear.scatter [tilespmem:s15], [sflag:$0x8], $0x80, $0x38;
	[tilespmem:$0x16C00] =	vst v63  }
0x5e7: {  	p0 =	sne.s32 s9, $0x7700;
	s9 =	sadd.s32 $0x14A88, s14;
	s15 =	sadd.s32 $0x10, s8  }
0x5e8: {  	[hbm4b:s15+s3] =	stream.linear.scatter [tilespmem:s9], [sflag:$0x8], $0x80, $0x38;
	[tilespmem:$0x16C00] =	vst v63  }
0x5e9: {  	s9 =	sadd.s32 $0x14B10, s14;
	s15 =	sadd.s32 $0x20, s8  }
0x5ea: {  	[hbm4b:s15+s3] =	stream.linear.scatter [tilespmem:s9], [sflag:$0x8], $0x80, $0x38;
	[tilespmem:$0x16C00] =	vst v63  }
0x5eb: {  	s9 =	sadd.s32 $0x14B98, s14;
	s15 =	sadd.s32 $0x30, s8  }
0x5ec: {  	[hbm4b:s15+s3] =	stream.linear.scatter [tilespmem:s9], [sflag:$0x8], $0x80, $0x38;
	[tilespmem:$0x16C00] =	vst v63  }
0x5ed: {  	s9 =	sadd.s32 $0x14C20, s14;
	s15 =	sadd.s32 $0x40, s8  }
0x5ee: {  	[hbm4b:s15+s3] =	stream.linear.scatter [tilespmem:s9], [sflag:$0x8], $0x80, $0x38;
	[tilespmem:$0x16C00] =	vst v63  }
.Ltmp24:
0x5ef: {  	s9 =	sadd.s32 $0x14CA8, s14;
	s15 =	sadd.s32 $0x50, s8;
	(pc) =	sbr.rel @p0 .LBB2_50-.Ltmp24, $4  }
0x5f0: {  	[hbm4b:s15+s3] =	stream.linear.scatter [tilespmem:s9], [sflag:$0x8], $0x80, $0x38;
	[tilespmem:$0x16C00] =	vst v63  }
0x5f1: {  	s9 =	sadd.s32 $0x14D30, s14;
	s15 =	sadd.s32 $0x60, s8;
	s14 =	sadd.s32 $0x14DB8, s14  }
0x5f2: {  	[hbm4b:s15+s3] =	stream.linear.scatter [tilespmem:s9], [sflag:$0x8], $0x80, $0x38;
	[tilespmem:$0x16C00] =	vst v63  }
0x5f3: {  	s15 =	sadd.s32 $0x70, s8;
	s8 =	sadd.s32 $0x1000, s8;
	s9 =	smov.u32 s16  }
0x5f4: {  	[hbm4b:s15+s3] =	stream.linear.scatter [tilespmem:s14], [sflag:$0x8], $0x80, $0x38;
	[tilespmem:$0x16C00] =	vst v63  }
0x5f5: {  	s9 =	sadd.s32 $0x14A00, s5  }
0x5f6: {  	[hbm4b:s8+s3] =	stream.linear.scatter [tilespmem:s9], [sflag:$0x8], $0x80, $0x38;
	[tilespmem:$0x16C00] =	vst v63  }
0x5f7: {  	s14 =	sadd.s32 $0x14A88, s5;
	s15 =	sadd.s32 $0x10, s8  }
0x5f8: {  	[hbm4b:s15+s3] =	stream.linear.scatter [tilespmem:s14], [sflag:$0x8], $0x80, $0x38;
	[tilespmem:$0x16C00] =	vst v63  }
0x5f9: {  	s16 =	sadd.s32 $0x14B10, s5;
	s17 =	sadd.s32 $0x20, s8  }
0x5fa: {  	[hbm4b:s17+s3] =	stream.linear.scatter [tilespmem:s16], [sflag:$0x8], $0x80, $0x38;
	[tilespmem:$0x16C00] =	vst v63  }
0x5fb: {  	s21 =	sadd.s32 $0x14B98, s5;
	s22 =	sadd.s32 $0x30, s8  }
0x5fc: {  	[hbm4b:s22+s3] =	stream.linear.scatter [tilespmem:s21], [sflag:$0x8], $0x80, $0x38;
	[tilespmem:$0x16C00] =	vst v63  }
0x5fd: {  	s24 =	sadd.s32 $0x14C20, s5;
	s26 =	sadd.s32 $0x40, s8  }
0x5fe: {  	[hbm4b:s26+s3] =	stream.linear.scatter [tilespmem:s24], [sflag:$0x8], $0x80, $0x38;
	[tilespmem:$0x16C00] =	vst v63  }
0x5ff: {  	s14 =	sadd.s32 $0x14CA8, s5;
	s15 =	sadd.s32 $0x50, s8  }
0x600: {  	[hbm4b:s15+s3] =	stream.linear.scatter [tilespmem:s14], [sflag:$0x8], $0x80, $0x38;
	[tilespmem:$0x16C00] =	vst v63  }
0x601: {  	s16 =	sadd.s32 $0x14D30, s5;
	s17 =	sadd.s32 $0x60, s8  }
0x602: {  	[hbm4b:s17+s3] =	stream.linear.scatter [tilespmem:s16], [sflag:$0x8], $0x80, $0x38;
	[tilespmem:$0x16C00] =	vst v63  }
0x603: {  	s21 =	sadd.s32 $0x14DB8, s5;
	s22 =	sadd.s32 $0x70, s8  }
0x604: {  	[hbm4b:s22+s3] =	stream.linear.scatter [tilespmem:s21], [sflag:$0x8], $0x80, $0x38;
	[tilespmem:$0x16C00] =	vst v63  }
0x605: {  	_ =	swait.ge [sflag:s6], $0x2000  }
0x606: {  	[sflag:s6] =	ssyncset.done $0x0  }
0x607: {  	[sflag:s6] =	ssyncadd.s32 $0xFFFFE000  }
0x608: {  	_ =	swait.ge [sflag:s18], $0x2000  }
0x609: {  	[sflag:s18] =	ssyncset.done $0x0  }
0x60a: {  	[sflag:s18] =	ssyncadd.s32 $0xFFFFE000  }
0x60b: {  	_ =	swait.ge [sflag:s19], $0x2000  }
0x60c: {  	[sflag:s19] =	ssyncset.done $0x0  }
0x60d: {  	[sflag:s19] =	ssyncadd.s32 $0xFFFFE000  }
0x60e: {  	_ =	swait.ge [sflag:s7], $0x2000  }
0x60f: {  	s24 =	rddreg [dreg:$0xd]  }
0x610: {  	s26 =	rddreg [dreg:$0xc];
	s8 =	sadd.s32 $0x1, s24  }
0x611: {  	p0 =	sne.s32 s8, s26  }
.Ltmp25:
0x612: {  	_ = 	snop;
	(pc) =	sbr.rel @p0 .LBB2_1-.Ltmp25, $3  }
0x613: {  	_ =	sdelay $0x1  }
0x614: {  	[sflag:s7] =	ssyncset.done $0x0  }
0x615: {  	[sflag:s7] =	ssyncadd.s32 $0xFFFFE000  }
0x616: {  	_ =	sfence.sel $0x180000  }
0x617: {  	[bflag:$0x0] =	sbarrier.arrive $0xFFFF  }
0x618: {  	_ =	strace $0x90000047  }
0x619: {  	s0 =	stileid.u32;
	[bflag:$0x2] =	sbarrier.arrive $0xFFFF  }
0x61a: {  	p0 =	sne.s32 s0, $0x0;
	s0 =	rddreg [dreg:$0x2]  }
0x61b: {  	s0 =	sadd.s32 @!p0 $0x100000, s0  }
0x61c: {  	[sflag:s0] =	ssyncadd.tile.s32 @!p0 $0x1;
	_ =	shalt  }
.Lfunc_end2:
_tile_overlayer_lowered:
.L_overlay_start_2:
0x61d: {  	(tag) =	ssettag $0x2  }
0x61e: {  	s0 =	rddreg [dreg:$0x0];
	s2 =	stileid.u32  }
0x61f: {  	s1 =	rddreg [dreg:$0x1];
	p0 =	sne.s32 s2, $0x0  }
0x620: {  	s3 =	rddreg [dreg:$0x2];
	[bflag:$0x3] =	sbarrier.arrive $0xFFFF;
	s2 =	simm.s32 @!p0 $0x1C09  }
0x621: {  	[timem:s3], [sflag:s2] =	dma.local @!p0 [hbm:s0], s1  }
0x622: {  	s0 =	simm.s32 @!p0 $0x9  }
0x623: {  	_ =	swait.ge @!p0 [sflag:s0], s1  }
0x624: {  	s1 =	ssub.s32 @!p0 $0x0, s1;
	[sflag:s0] =	ssyncset.done @!p0 $0x0  }
0x625: {  	[sflag:s0] =	ssyncadd.s32 @!p0 s1  }
0x626: {  	[bflag:$0x3] =	sbarrier.arrive $0xFFFF  }
0x627: {  	_ =	shalt  }

</sc_bundles>
